<compile_context>
chip_gen: v7x
topology: tpu7x:2x2x1
jax: 0.10.2.dev20260603
libtpu: 0.0.44.dev20260713+nightly
codegen_flags: <defaults>
</compile_context>

<pallas_src>
import functools

import jax
import jax.numpy as jnp
from jax import lax
from jax.experimental import pallas as pl
from jax.experimental.pallas import tpu as pltpu
from jax.experimental.pallas import tpu_sc as plsc

N_NODES = 10000
N_EDGES = 320000
D = 128

NC = 2
NS = 16
NW = NC * NS

N_PAD = 10240
TRASH = 10200
ROWS_PER_TILE = N_PAD // NS
CHUNK = 32
KB = 16
NKB = 20
NPAIR = NKB // 2
NCHUNK = NKB * KB
E_PAD = NW * NCHUNK * CHUNK
NBUF = 3
CSTG = 64


def _sc_aggregate_body(x_hbm, src_hbm, dst_hbm, zrows_hbm, zc_hbm, ones_hbm,
                       agg_out, cnt_out,
                       src_a, dst_a, src_b, dst_b, rows_a, rows_b, rows_c,
                       ones_v, agg_sh, cnt_sh,
                       gsem_a, gsem_b, gsem_c, ssem_a, ssem_b, ssem_c, csem,
                       isem_a, isem_b):
    c = lax.axis_index("c")
    s = lax.axis_index("s")
    wid = c * NS + s

    base = s * ROWS_PER_TILE
    pltpu.sync_copy(zrows_hbm, rows_a)
    pltpu.sync_copy(zc_hbm, ones_v)
    nfull = ROWS_PER_TILE // CHUNK
    for j in range(nfull):
        pltpu.sync_copy(rows_a, agg_sh.at[pl.ds(base + j * CHUNK, CHUNK)])
    for j in range(ROWS_PER_TILE // CSTG):
        pltpu.sync_copy(ones_v, cnt_sh.at[pl.ds(base + j * CSTG, CSTG)])
    pltpu.sync_copy(ones_hbm, ones_v)
    plsc.subcore_barrier()

    rows = (rows_a, rows_b, rows_c)
    gsem = (gsem_a, gsem_b, gsem_c)
    ssem = (ssem_a, ssem_b, ssem_c)

    def _stage(kb, sv, dv, isem):
        k0 = pl.multiple_of(kb * KB, KB)
        ds_ = pltpu.async_copy(src_hbm.at[wid, pl.ds(k0, KB)], sv, isem)
        dd_ = pltpu.async_copy(dst_hbm.at[wid, pl.ds(k0, KB)], dv, isem)
        return ds_, dd_

    _stage(0, src_a, dst_a, isem_a)

    def pair_body(p, carry):
        pltpu.make_async_copy(src_hbm.at[wid, pl.ds(0, KB)], src_a,
                              isem_a).wait()
        pltpu.make_async_copy(dst_hbm.at[wid, pl.ds(0, KB)], dst_a,
                              isem_a).wait()
        _stage(2 * p + 1, src_b, dst_b, isem_b)

        g = [None] * NBUF
        sc = [None] * NBUF
        cprev = None
        g[0] = pltpu.async_copy(x_hbm.at[src_a.at[0]], rows[0], gsem[0])
        g[1] = pltpu.async_copy(x_hbm.at[src_a.at[1]], rows[1], gsem[1])
        for i in range(2 * KB):
            sv, dv = (src_a, dst_a) if i < KB else (src_b, dst_b)
            ii = i % KB
            b = i % NBUF
            g[b].wait()
            sc[b] = pltpu.async_copy(
                rows[b], agg_sh.at[dv.at[ii]], ssem[b], add=True)
            if i == KB - 1:
                pltpu.make_async_copy(src_hbm.at[wid, pl.ds(0, KB)], src_b,
                                      isem_b).wait()
                pltpu.make_async_copy(dst_hbm.at[wid, pl.ds(0, KB)], dst_b,
                                      isem_b).wait()
                _stage(jnp.minimum(2 * p + 2, NKB - 1), src_a, dst_a,
                       isem_a)
            if i + 2 < 2 * KB:
                i2 = i + 2
                sv2 = src_a if i2 < KB else src_b
                b2 = i2 % NBUF
                if sc[b2] is not None:
                    sc[b2].wait()
                g[b2] = pltpu.async_copy(
                    x_hbm.at[sv2.at[i2 % KB]], rows[b2], gsem[b2])
            cnew = pltpu.async_copy(
                ones_v.at[pl.ds(0, CHUNK)], cnt_sh.at[dv.at[ii]], csem,
                add=True)
            if cprev is not None:
                cprev.wait()
            cprev = cnew
        for b in range(NBUF):
            sc[b].wait()
        cprev.wait()
        return carry

    lax.fori_loop(0, NPAIR, pair_body, 0)
    pltpu.make_async_copy(src_hbm.at[wid, pl.ds(0, KB)], src_a, isem_a).wait()
    pltpu.make_async_copy(dst_hbm.at[wid, pl.ds(0, KB)], dst_a, isem_a).wait()
    plsc.subcore_barrier()

    out_base = c * N_PAD + base
    for j in range(nfull):
        pltpu.sync_copy(agg_sh.at[pl.ds(base + j * CHUNK, CHUNK)], rows_a)
        pltpu.sync_copy(rows_a, agg_out.at[pl.ds(out_base + j * CHUNK, CHUNK)])
    for j in range(ROWS_PER_TILE // CSTG):
        pltpu.sync_copy(cnt_sh.at[pl.ds(base + j * CSTG, CSTG)], ones_v)
        pltpu.sync_copy(ones_v, cnt_out.at[pl.ds(out_base + j * CSTG, CSTG)])


_sc_aggregate = functools.partial(
    pl.kernel,
    mesh=plsc.VectorSubcoreMesh(core_axis_name="c", subcore_axis_name="s"),
    out_type=[
        jax.ShapeDtypeStruct((NC * N_PAD, D), jnp.float32),
        jax.ShapeDtypeStruct((NC * N_PAD,), jnp.float32),
    ],
    scratch_types=[
        pltpu.VMEM((KB, CHUNK), jnp.int32),
        pltpu.VMEM((KB, CHUNK), jnp.int32),
        pltpu.VMEM((KB, CHUNK), jnp.int32),
        pltpu.VMEM((KB, CHUNK), jnp.int32),
        pltpu.VMEM((CHUNK, D), jnp.float32),
        pltpu.VMEM((CHUNK, D), jnp.float32),
        pltpu.VMEM((CHUNK, D), jnp.float32),
        pltpu.VMEM((CSTG,), jnp.float32),
        pltpu.VMEM_SHARED((N_PAD, D), jnp.float32),
        pltpu.VMEM_SHARED((N_PAD,), jnp.float32),
        pltpu.SemaphoreType.DMA,
        pltpu.SemaphoreType.DMA,
        pltpu.SemaphoreType.DMA,
        pltpu.SemaphoreType.DMA,
        pltpu.SemaphoreType.DMA,
        pltpu.SemaphoreType.DMA,
        pltpu.SemaphoreType.DMA,
        pltpu.SemaphoreType.DMA,
        pltpu.SemaphoreType.DMA,
    ],
)(_sc_aggregate_body)


def _tc_block_body(agg_ref, cnt_ref, x_ref, wl_ref, wr_ref, b_ref, g_ref,
                   be_ref, o_ref):
    a = agg_ref[0] + agg_ref[1]
    cn = cnt_ref[0] + cnt_ref[1]
    h = a * (1.0 / jnp.maximum(cn, 1.0))
    xb = x_ref[...]
    f = (jnp.dot(h, wl_ref[...], preferred_element_type=jnp.float32)
         + jnp.dot(xb, wr_ref[...], preferred_element_type=jnp.float32)
         + b_ref[...])
    f = 0.5 * f * (1.0 + lax.erf(f * 0.7071067811865476))
    mean = jnp.mean(f, axis=1, keepdims=True)
    d = f - mean
    var = jnp.mean(d * d, axis=1, keepdims=True)
    f = d * lax.rsqrt(var + 1e-5) * g_ref[...] + be_ref[...]
    o_ref[...] = f + xb


def _tc_tail(agg, cnt, x, wlT, wrT, b, g, be):
    R = 1000
    grid = (N_NODES // R,)
    return pl.pallas_call(
        _tc_block_body,
        grid=grid,
        in_specs=[
            pl.BlockSpec((NC, R, D), lambda i: (0, i, 0)),
            pl.BlockSpec((NC, R, 1), lambda i: (0, i, 0)),
            pl.BlockSpec((R, D), lambda i: (i, 0)),
            pl.BlockSpec((D, D), lambda i: (0, 0)),
            pl.BlockSpec((D, D), lambda i: (0, 0)),
            pl.BlockSpec((1, D), lambda i: (0, 0)),
            pl.BlockSpec((1, D), lambda i: (0, 0)),
            pl.BlockSpec((1, D), lambda i: (0, 0)),
        ],
        out_specs=pl.BlockSpec((R, D), lambda i: (i, 0)),
        out_shape=jax.ShapeDtypeStruct((N_NODES, D), jnp.float32),
    )(agg, cnt, x, wlT, wrT, b, g, be)


def kernel(x, edge_index, W_l, b_l, W_r, gamma, beta):
    npad = E_PAD - N_EDGES
    pad_src = (jnp.arange(npad, dtype=jnp.int32) * 13) % N_NODES
    src = jnp.concatenate([edge_index[0].astype(jnp.int32), pad_src]
                          ).reshape(NW, NCHUNK, CHUNK)
    dst = jnp.concatenate(
        [edge_index[1].astype(jnp.int32), jnp.full((npad,), TRASH, jnp.int32)]
    ).reshape(NW, NCHUNK, CHUNK)
    zrows = jnp.zeros((CHUNK, D), jnp.float32)
    zc = jnp.zeros((CSTG,), jnp.float32)
    ones = jnp.ones((CSTG,), jnp.float32)
    agg_flat, cnt_flat = _sc_aggregate(x, src, dst, zrows, zc, ones)
    agg = agg_flat.reshape(NC, N_PAD, D)
    cnt = cnt_flat.reshape(NC, N_PAD, 1)
    return _tc_tail(agg, cnt, x, W_l.T, W_r.T,
                    b_l.reshape(1, D), gamma.reshape(1, D), beta.reshape(1, D))

# --- scband reference (transcript-rebuilt; emitter-appended) ---
"""Pipeline reference for scband-sageblock-15281493639251 (READ-ONLY COPY).

The authoritative reference and input builder live on the scoring server;
editing this copy changes nothing except your own understanding.
"""

import jax, jax.numpy as jnp
import numpy as np

N_NODES = 10000
N_EDGES = 320000
D = 128

def setup_inputs(seed: int = 0) -> dict:
    key = jax.random.key(seed)
    k1, k2, k3, k4, k5 = jax.random.split(key, 5)
    x = jax.random.normal(k1, (N_NODES, D), dtype=jnp.float32)
    edge_index = jax.random.randint(k2, (2, N_EDGES), 0, N_NODES, dtype=jnp.int64)
    # SAGEConv params: lin_l (applied to aggregated neighbors, with bias), lin_r (root weight, no bias)
    scale = 1.0 / np.sqrt(D)
    W_l = jax.random.uniform(k3, (D, D), dtype=jnp.float32, minval=-scale, maxval=scale)
    b_l = jnp.zeros((D,), dtype=jnp.float32)
    W_r = jax.random.uniform(k4, (D, D), dtype=jnp.float32, minval=-scale, maxval=scale)
    # LayerNorm params
    gamma = jnp.ones((D,), dtype=jnp.float32)
    beta = jnp.zeros((D,), dtype=jnp.float32)
    return {"x": x, "edge_index": edge_index, "W_l": W_l, "b_l": b_l, "W_r": W_r, "gamma": gamma, "beta": beta}

def reference(x, edge_index, W_l, b_l, W_r, gamma, beta):
    src = edge_index[0]
    dst = edge_index[1]
    # SAGEConv with mean aggregation: gather source features, scatter-mean to dst
    msgs = jnp.take(x, src, axis=0)
    agg = jax.ops.segment_sum(msgs, dst, num_segments=x.shape[0])
    cnt = jax.ops.segment_sum(jnp.ones((src.shape[0],), dtype=x.dtype), dst, num_segments=x.shape[0])
    agg = agg / jnp.maximum(cnt, 1.0)[:, None]
    f = agg @ W_l.T + b_l + x @ W_r.T
    # GELU (exact, matching torch default)
    f = jax.nn.gelu(f, approximate=False)
    # LayerNorm over last dim
    mean = jnp.mean(f, axis=-1, keepdims=True)
    var = jnp.var(f, axis=-1, keepdims=True)
    f = (f - mean) / jnp.sqrt(var + 1e-5) * gamma + beta
    # Dropout: eval mode -> identity
    # residual
    f = f + x
    return f

if __name__ == "__main__":
    import jax
    _d = setup_inputs()
    print(jax.jit(kernel)(*tuple(_d.values())))

</pallas_src>

<mosaic_0001>
#map = affine_map<(d0, d1) -> (0, 0)>
#map1 = affine_map<(d0, d1) -> (0, 0, 0)>
#map2 = affine_map<(d0, d1) -> (0)>
module attributes {stable_mosaic.version = 14 : i64} {
  func.func @_sc_aggregate_body(%arg0: i32, %arg1: i32, %arg2: memref<10000x128xf32, #tpu.memory_space<hbm>>, %arg3: memref<32x320x32xi32, #tpu.memory_space<hbm>>, %arg4: memref<32x320x32xi32, #tpu.memory_space<hbm>>, %arg5: memref<32x128xf32, #tpu.memory_space<hbm>>, %arg6: memref<64xf32, #tpu.memory_space<hbm>>, %arg7: memref<64xf32, #tpu.memory_space<hbm>>, %arg8: memref<20480x128xf32, #tpu.memory_space<hbm>>, %arg9: memref<20480xf32, #tpu.memory_space<hbm>>, %arg10: memref<16x32xi32, #tpu.memory_space<vmem>>, %arg11: memref<16x32xi32, #tpu.memory_space<vmem>>, %arg12: memref<16x32xi32, #tpu.memory_space<vmem>>, %arg13: memref<16x32xi32, #tpu.memory_space<vmem>>, %arg14: memref<32x128xf32, #tpu.memory_space<vmem>>, %arg15: memref<32x128xf32, #tpu.memory_space<vmem>>, %arg16: memref<32x128xf32, #tpu.memory_space<vmem>>, %arg17: memref<64xf32, #tpu.memory_space<vmem>>, %arg18: memref<10240x128xf32, #tpu.memory_space<vmem_shared>>, %arg19: memref<10240xf32, #tpu.memory_space<vmem_shared>>, %arg20: memref<!tpu.dma_semaphore, #tpu.memory_space<semaphore_mem>>, %arg21: memref<!tpu.dma_semaphore, #tpu.memory_space<semaphore_mem>>, %arg22: memref<!tpu.dma_semaphore, #tpu.memory_space<semaphore_mem>>, %arg23: memref<!tpu.dma_semaphore, #tpu.memory_space<semaphore_mem>>, %arg24: memref<!tpu.dma_semaphore, #tpu.memory_space<semaphore_mem>>, %arg25: memref<!tpu.dma_semaphore, #tpu.memory_space<semaphore_mem>>, %arg26: memref<!tpu.dma_semaphore, #tpu.memory_space<semaphore_mem>>, %arg27: memref<!tpu.dma_semaphore, #tpu.memory_space<semaphore_mem>>, %arg28: memref<!tpu.dma_semaphore, #tpu.memory_space<semaphore_mem>>) attributes {dimension_semantics = [#tpu.dimension_semantics<core_parallel>, #tpu.dimension_semantics<subcore_parallel>], iteration_bounds = array<i64: 2, 16>, scalar_prefetch = 0 : i64, scratch_operands = 19 : i64, tpu.core_type = #tpu.core_type<sc_vector_subcore>, window_params = [{transform_indices = #map}, {transform_indices = #map1}, {transform_indices = #map1}, {transform_indices = #map}, {transform_indices = #map2}, {transform_indices = #map2}, {transform_indices = #map}, {transform_indices = #map2}]} {
    %mul3A = arith.constant 16 : i32
    %mul3A_0 = arith.muli %arg0, %mul3A : i32
    %add3A = arith.addi %mul3A_0, %arg1 : i32
    %mul3A_1 = arith.constant 640 : i32
    %mul3A_2 = arith.muli %arg1, %mul3A_1 : i32
    "tpu.region"() ({
      %run_scoped3A = tpu.sem_alloc : memref<!tpu.dma_semaphore, #tpu.memory_space<semaphore_mem>>
      tpu.enqueue_dma source(%arg5 : memref<32x128xf32, #tpu.memory_space<hbm>>) target(%arg14 : memref<32x128xf32, #tpu.memory_space<vmem>>) target_semaphore(%run_scoped3A : memref<!tpu.dma_semaphore, #tpu.memory_space<semaphore_mem>>)
      tpu.wait_dma2 semaphore(%run_scoped3A : memref<!tpu.dma_semaphore, #tpu.memory_space<semaphore_mem>>) src(%arg5 : memref<32x128xf32, #tpu.memory_space<hbm>>) dst(%arg14 : memref<32x128xf32, #tpu.memory_space<vmem>>)
      tpu.yield
    }) : () -> ()
    "tpu.region"() ({
      %run_scoped3A = tpu.sem_alloc : memref<!tpu.dma_semaphore, #tpu.memory_space<semaphore_mem>>
      tpu.enqueue_dma source(%arg6 : memref<64xf32, #tpu.memory_space<hbm>>) target(%arg17 : memref<64xf32, #tpu.memory_space<vmem>>) target_semaphore(%run_scoped3A : memref<!tpu.dma_semaphore, #tpu.memory_space<semaphore_mem>>)
      tpu.wait_dma2 semaphore(%run_scoped3A : memref<!tpu.dma_semaphore, #tpu.memory_space<semaphore_mem>>) src(%arg6 : memref<64xf32, #tpu.memory_space<hbm>>) dst(%arg17 : memref<64xf32, #tpu.memory_space<vmem>>)
      tpu.yield
    }) : () -> ()
    %add3A_3 = arith.constant 0 : i32
    %add3A_4 = arith.addi %mul3A_2, %add3A_3 : i32
    "tpu.region"() ({
      %run_scoped3A = tpu.sem_alloc : memref<!tpu.dma_semaphore, #tpu.memory_space<semaphore_mem>>
      %dma_start3A_219 = arith.constant 0 : i32
      %dma_start3A_220 = tpu.memref_slice %arg18[%add3A_4, %dma_start3A_219] : memref<10240x128xf32, #tpu.memory_space<vmem_shared>> -> memref<32x128xf32, #tpu.memory_space<vmem_shared>>
      %dma_start3A_221 = arith.constant 0 : i32
      %dma_start3A_222 = tpu.memref_slice %arg18[%add3A_4, %dma_start3A_221] : memref<10240x128xf32, #tpu.memory_space<vmem_shared>> -> memref<32x128xf32, #tpu.memory_space<vmem_shared>>
      tpu.enqueue_dma source(%arg14 : memref<32x128xf32, #tpu.memory_space<vmem>>) target(%dma_start3A_222 : memref<32x128xf32, #tpu.memory_space<vmem_shared>>) target_semaphore(%run_scoped3A : memref<!tpu.dma_semaphore, #tpu.memory_space<semaphore_mem>>)
      %dma_wait3A_223 = arith.constant 0 : i32
      %dma_wait3A_224 = tpu.memref_slice %arg18[%add3A_4, %dma_wait3A_223] : memref<10240x128xf32, #tpu.memory_space<vmem_shared>> -> memref<32x128xf32, #tpu.memory_space<vmem_shared>>
      %dma_wait3A_225 = arith.constant 0 : i32
      %dma_wait3A_226 = tpu.memref_slice %arg18[%add3A_4, %dma_wait3A_225] : memref<10240x128xf32, #tpu.memory_space<vmem_shared>> -> memref<32x128xf32, #tpu.memory_space<vmem_shared>>
      tpu.wait_dma2 semaphore(%run_scoped3A : memref<!tpu.dma_semaphore, #tpu.memory_space<semaphore_mem>>) src(%arg14 : memref<32x128xf32, #tpu.memory_space<vmem>>) dst(%dma_wait3A_226 : memref<32x128xf32, #tpu.memory_space<vmem_shared>>)
      tpu.yield
    }) : () -> ()
    %add3A_5 = arith.constant 32 : i32
    %add3A_6 = arith.addi %mul3A_2, %add3A_5 : i32
    "tpu.region"() ({
      %run_scoped3A = tpu.sem_alloc : memref<!tpu.dma_semaphore, #tpu.memory_space<semaphore_mem>>
      %dma_start3A_219 = arith.constant 0 : i32
      %dma_start3A_220 = tpu.memref_slice %arg18[%add3A_6, %dma_start3A_219] : memref<10240x128xf32, #tpu.memory_space<vmem_shared>> -> memref<32x128xf32, #tpu.memory_space<vmem_shared>>
      %dma_start3A_221 = arith.constant 0 : i32
      %dma_start3A_222 = tpu.memref_slice %arg18[%add3A_6, %dma_start3A_221] : memref<10240x128xf32, #tpu.memory_space<vmem_shared>> -> memref<32x128xf32, #tpu.memory_space<vmem_shared>>
      tpu.enqueue_dma source(%arg14 : memref<32x128xf32, #tpu.memory_space<vmem>>) target(%dma_start3A_222 : memref<32x128xf32, #tpu.memory_space<vmem_shared>>) target_semaphore(%run_scoped3A : memref<!tpu.dma_semaphore, #tpu.memory_space<semaphore_mem>>)
      %dma_wait3A_223 = arith.constant 0 : i32
      %dma_wait3A_224 = tpu.memref_slice %arg18[%add3A_6, %dma_wait3A_223] : memref<10240x128xf32, #tpu.memory_space<vmem_shared>> -> memref<32x128xf32, #tpu.memory_space<vmem_shared>>
      %dma_wait3A_225 = arith.constant 0 : i32
      %dma_wait3A_226 = tpu.memref_slice %arg18[%add3A_6, %dma_wait3A_225] : memref<10240x128xf32, #tpu.memory_space<vmem_shared>> -> memref<32x128xf32, #tpu.memory_space<vmem_shared>>
      tpu.wait_dma2 semaphore(%run_scoped3A : memref<!tpu.dma_semaphore, #tpu.memory_space<semaphore_mem>>) src(%arg14 : memref<32x128xf32, #tpu.memory_space<vmem>>) dst(%dma_wait3A_226 : memref<32x128xf32, #tpu.memory_space<vmem_shared>>)
      tpu.yield
    }) : () -> ()
    %add3A_7 = arith.constant 64 : i32
    %add3A_8 = arith.addi %mul3A_2, %add3A_7 : i32
    "tpu.region"() ({
      %run_scoped3A = tpu.sem_alloc : memref<!tpu.dma_semaphore, #tpu.memory_space<semaphore_mem>>
      %dma_start3A_219 = arith.constant 0 : i32
      %dma_start3A_220 = tpu.memref_slice %arg18[%add3A_8, %dma_start3A_219] : memref<10240x128xf32, #tpu.memory_space<vmem_shared>> -> memref<32x128xf32, #tpu.memory_space<vmem_shared>>
      %dma_start3A_221 = arith.constant 0 : i32
      %dma_start3A_222 = tpu.memref_slice %arg18[%add3A_8, %dma_start3A_221] : memref<10240x128xf32, #tpu.memory_space<vmem_shared>> -> memref<32x128xf32, #tpu.memory_space<vmem_shared>>
      tpu.enqueue_dma source(%arg14 : memref<32x128xf32, #tpu.memory_space<vmem>>) target(%dma_start3A_222 : memref<32x128xf32, #tpu.memory_space<vmem_shared>>) target_semaphore(%run_scoped3A : memref<!tpu.dma_semaphore, #tpu.memory_space<semaphore_mem>>)
      %dma_wait3A_223 = arith.constant 0 : i32
      %dma_wait3A_224 = tpu.memref_slice %arg18[%add3A_8, %dma_wait3A_223] : memref<10240x128xf32, #tpu.memory_space<vmem_shared>> -> memref<32x128xf32, #tpu.memory_space<vmem_shared>>
      %dma_wait3A_225 = arith.constant 0 : i32
      %dma_wait3A_226 = tpu.memref_slice %arg18[%add3A_8, %dma_wait3A_225] : memref<10240x128xf32, #tpu.memory_space<vmem_shared>> -> memref<32x128xf32, #tpu.memory_space<vmem_shared>>
      tpu.wait_dma2 semaphore(%run_scoped3A : memref<!tpu.dma_semaphore, #tpu.memory_space<semaphore_mem>>) src(%arg14 : memref<32x128xf32, #tpu.memory_space<vmem>>) dst(%dma_wait3A_226 : memref<32x128xf32, #tpu.memory_space<vmem_shared>>)
      tpu.yield
    }) : () -> ()
    %add3A_9 = arith.constant 96 : i32
    %add3A_10 = arith.addi %mul3A_2, %add3A_9 : i32
    "tpu.region"() ({
      %run_scoped3A = tpu.sem_alloc : memref<!tpu.dma_semaphore, #tpu.memory_space<semaphore_mem>>
      %dma_start3A_219 = arith.constant 0 : i32
      %dma_start3A_220 = tpu.memref_slice %arg18[%add3A_10, %dma_start3A_219] : memref<10240x128xf32, #tpu.memory_space<vmem_shared>> -> memref<32x128xf32, #tpu.memory_space<vmem_shared>>
      %dma_start3A_221 = arith.constant 0 : i32
      %dma_start3A_222 = tpu.memref_slice %arg18[%add3A_10, %dma_start3A_221] : memref<10240x128xf32, #tpu.memory_space<vmem_shared>> -> memref<32x128xf32, #tpu.memory_space<vmem_shared>>
      tpu.enqueue_dma source(%arg14 : memref<32x128xf32, #tpu.memory_space<vmem>>) target(%dma_start3A_222 : memref<32x128xf32, #tpu.memory_space<vmem_shared>>) target_semaphore(%run_scoped3A : memref<!tpu.dma_semaphore, #tpu.memory_space<semaphore_mem>>)
      %dma_wait3A_223 = arith.constant 0 : i32
      %dma_wait3A_224 = tpu.memref_slice %arg18[%add3A_10, %dma_wait3A_223] : memref<10240x128xf32, #tpu.memory_space<vmem_shared>> -> memref<32x128xf32, #tpu.memory_space<vmem_shared>>
      %dma_wait3A_225 = arith.constant 0 : i32
      %dma_wait3A_226 = tpu.memref_slice %arg18[%add3A_10, %dma_wait3A_225] : memref<10240x128xf32, #tpu.memory_space<vmem_shared>> -> memref<32x128xf32, #tpu.memory_space<vmem_shared>>
      tpu.wait_dma2 semaphore(%run_scoped3A : memref<!tpu.dma_semaphore, #tpu.memory_space<semaphore_mem>>) src(%arg14 : memref<32x128xf32, #tpu.memory_space<vmem>>) dst(%dma_wait3A_226 : memref<32x128xf32, #tpu.memory_space<vmem_shared>>)
      tpu.yield
    }) : () -> ()
    %add3A_11 = arith.constant 128 : i32
    %add3A_12 = arith.addi %mul3A_2, %add3A_11 : i32
    "tpu.region"() ({
      %run_scoped3A = tpu.sem_alloc : memref<!tpu.dma_semaphore, #tpu.memory_space<semaphore_mem>>
      %dma_start3A_219 = arith.constant 0 : i32
      %dma_start3A_220 = tpu.memref_slice %arg18[%add3A_12, %dma_start3A_219] : memref<10240x128xf32, #tpu.memory_space<vmem_shared>> -> memref<32x128xf32, #tpu.memory_space<vmem_shared>>
      %dma_start3A_221 = arith.constant 0 : i32
      %dma_start3A_222 = tpu.memref_slice %arg18[%add3A_12, %dma_start3A_221] : memref<10240x128xf32, #tpu.memory_space<vmem_shared>> -> memref<32x128xf32, #tpu.memory_space<vmem_shared>>
      tpu.enqueue_dma source(%arg14 : memref<32x128xf32, #tpu.memory_space<vmem>>) target(%dma_start3A_222 : memref<32x128xf32, #tpu.memory_space<vmem_shared>>) target_semaphore(%run_scoped3A : memref<!tpu.dma_semaphore, #tpu.memory_space<semaphore_mem>>)
      %dma_wait3A_223 = arith.constant 0 : i32
      %dma_wait3A_224 = tpu.memref_slice %arg18[%add3A_12, %dma_wait3A_223] : memref<10240x128xf32, #tpu.memory_space<vmem_shared>> -> memref<32x128xf32, #tpu.memory_space<vmem_shared>>
      %dma_wait3A_225 = arith.constant 0 : i32
      %dma_wait3A_226 = tpu.memref_slice %arg18[%add3A_12, %dma_wait3A_225] : memref<10240x128xf32, #tpu.memory_space<vmem_shared>> -> memref<32x128xf32, #tpu.memory_space<vmem_shared>>
      tpu.wait_dma2 semaphore(%run_scoped3A : memref<!tpu.dma_semaphore, #tpu.memory_space<semaphore_mem>>) src(%arg14 : memref<32x128xf32, #tpu.memory_space<vmem>>) dst(%dma_wait3A_226 : memref<32x128xf32, #tpu.memory_space<vmem_shared>>)
      tpu.yield
    }) : () -> ()
    %add3A_13 = arith.constant 160 : i32
    %add3A_14 = arith.addi %mul3A_2, %add3A_13 : i32
    "tpu.region"() ({
      %run_scoped3A = tpu.sem_alloc : memref<!tpu.dma_semaphore, #tpu.memory_space<semaphore_mem>>
      %dma_start3A_219 = arith.constant 0 : i32
      %dma_start3A_220 = tpu.memref_slice %arg18[%add3A_14, %dma_start3A_219] : memref<10240x128xf32, #tpu.memory_space<vmem_shared>> -> memref<32x128xf32, #tpu.memory_space<vmem_shared>>
      %dma_start3A_221 = arith.constant 0 : i32
      %dma_start3A_222 = tpu.memref_slice %arg18[%add3A_14, %dma_start3A_221] : memref<10240x128xf32, #tpu.memory_space<vmem_shared>> -> memref<32x128xf32, #tpu.memory_space<vmem_shared>>
      tpu.enqueue_dma source(%arg14 : memref<32x128xf32, #tpu.memory_space<vmem>>) target(%dma_start3A_222 : memref<32x128xf32, #tpu.memory_space<vmem_shared>>) target_semaphore(%run_scoped3A : memref<!tpu.dma_semaphore, #tpu.memory_space<semaphore_mem>>)
      %dma_wait3A_223 = arith.constant 0 : i32
      %dma_wait3A_224 = tpu.memref_slice %arg18[%add3A_14, %dma_wait3A_223] : memref<10240x128xf32, #tpu.memory_space<vmem_shared>> -> memref<32x128xf32, #tpu.memory_space<vmem_shared>>
      %dma_wait3A_225 = arith.constant 0 : i32
      %dma_wait3A_226 = tpu.memref_slice %arg18[%add3A_14, %dma_wait3A_225] : memref<10240x128xf32, #tpu.memory_space<vmem_shared>> -> memref<32x128xf32, #tpu.memory_space<vmem_shared>>
      tpu.wait_dma2 semaphore(%run_scoped3A : memref<!tpu.dma_semaphore, #tpu.memory_space<semaphore_mem>>) src(%arg14 : memref<32x128xf32, #tpu.memory_space<vmem>>) dst(%dma_wait3A_226 : memref<32x128xf32, #tpu.memory_space<vmem_shared>>)
      tpu.yield
    }) : () -> ()
    %add3A_15 = arith.constant 192 : i32
    %add3A_16 = arith.addi %mul3A_2, %add3A_15 : i32
    "tpu.region"() ({
      %run_scoped3A = tpu.sem_alloc : memref<!tpu.dma_semaphore, #tpu.memory_space<semaphore_mem>>
      %dma_start3A_219 = arith.constant 0 : i32
      %dma_start3A_220 = tpu.memref_slice %arg18[%add3A_16, %dma_start3A_219] : memref<10240x128xf32, #tpu.memory_space<vmem_shared>> -> memref<32x128xf32, #tpu.memory_space<vmem_shared>>
      %dma_start3A_221 = arith.constant 0 : i32
      %dma_start3A_222 = tpu.memref_slice %arg18[%add3A_16, %dma_start3A_221] : memref<10240x128xf32, #tpu.memory_space<vmem_shared>> -> memref<32x128xf32, #tpu.memory_space<vmem_shared>>
      tpu.enqueue_dma source(%arg14 : memref<32x128xf32, #tpu.memory_space<vmem>>) target(%dma_start3A_222 : memref<32x128xf32, #tpu.memory_space<vmem_shared>>) target_semaphore(%run_scoped3A : memref<!tpu.dma_semaphore, #tpu.memory_space<semaphore_mem>>)
      %dma_wait3A_223 = arith.constant 0 : i32
      %dma_wait3A_224 = tpu.memref_slice %arg18[%add3A_16, %dma_wait3A_223] : memref<10240x128xf32, #tpu.memory_space<vmem_shared>> -> memref<32x128xf32, #tpu.memory_space<vmem_shared>>
      %dma_wait3A_225 = arith.constant 0 : i32
      %dma_wait3A_226 = tpu.memref_slice %arg18[%add3A_16, %dma_wait3A_225] : memref<10240x128xf32, #tpu.memory_space<vmem_shared>> -> memref<32x128xf32, #tpu.memory_space<vmem_shared>>
      tpu.wait_dma2 semaphore(%run_scoped3A : memref<!tpu.dma_semaphore, #tpu.memory_space<semaphore_mem>>) src(%arg14 : memref<32x128xf32, #tpu.memory_space<vmem>>) dst(%dma_wait3A_226 : memref<32x128xf32, #tpu.memory_space<vmem_shared>>)
      tpu.yield
    }) : () -> ()
    %add3A_17 = arith.constant 224 : i32
    %add3A_18 = arith.addi %mul3A_2, %add3A_17 : i32
    "tpu.region"() ({
      %run_scoped3A = tpu.sem_alloc : memref<!tpu.dma_semaphore, #tpu.memory_space<semaphore_mem>>
      %dma_start3A_219 = arith.constant 0 : i32
      %dma_start3A_220 = tpu.memref_slice %arg18[%add3A_18, %dma_start3A_219] : memref<10240x128xf32, #tpu.memory_space<vmem_shared>> -> memref<32x128xf32, #tpu.memory_space<vmem_shared>>
      %dma_start3A_221 = arith.constant 0 : i32
      %dma_start3A_222 = tpu.memref_slice %arg18[%add3A_18, %dma_start3A_221] : memref<10240x128xf32, #tpu.memory_space<vmem_shared>> -> memref<32x128xf32, #tpu.memory_space<vmem_shared>>
      tpu.enqueue_dma source(%arg14 : memref<32x128xf32, #tpu.memory_space<vmem>>) target(%dma_start3A_222 : memref<32x128xf32, #tpu.memory_space<vmem_shared>>) target_semaphore(%run_scoped3A : memref<!tpu.dma_semaphore, #tpu.memory_space<semaphore_mem>>)
      %dma_wait3A_223 = arith.constant 0 : i32
      %dma_wait3A_224 = tpu.memref_slice %arg18[%add3A_18, %dma_wait3A_223] : memref<10240x128xf32, #tpu.memory_space<vmem_shared>> -> memref<32x128xf32, #tpu.memory_space<vmem_shared>>
      %dma_wait3A_225 = arith.constant 0 : i32
      %dma_wait3A_226 = tpu.memref_slice %arg18[%add3A_18, %dma_wait3A_225] : memref<10240x128xf32, #tpu.memory_space<vmem_shared>> -> memref<32x128xf32, #tpu.memory_space<vmem_shared>>
      tpu.wait_dma2 semaphore(%run_scoped3A : memref<!tpu.dma_semaphore, #tpu.memory_space<semaphore_mem>>) src(%arg14 : memref<32x128xf32, #tpu.memory_space<vmem>>) dst(%dma_wait3A_226 : memref<32x128xf32, #tpu.memory_space<vmem_shared>>)
      tpu.yield
    }) : () -> ()
    %add3A_19 = arith.constant 256 : i32
    %add3A_20 = arith.addi %mul3A_2, %add3A_19 : i32
    "tpu.region"() ({
      %run_scoped3A = tpu.sem_alloc : memref<!tpu.dma_semaphore, #tpu.memory_space<semaphore_mem>>
      %dma_start3A_219 = arith.constant 0 : i32
      %dma_start3A_220 = tpu.memref_slice %arg18[%add3A_20, %dma_start3A_219] : memref<10240x128xf32, #tpu.memory_space<vmem_shared>> -> memref<32x128xf32, #tpu.memory_space<vmem_shared>>
      %dma_start3A_221 = arith.constant 0 : i32
      %dma_start3A_222 = tpu.memref_slice %arg18[%add3A_20, %dma_start3A_221] : memref<10240x128xf32, #tpu.memory_space<vmem_shared>> -> memref<32x128xf32, #tpu.memory_space<vmem_shared>>
      tpu.enqueue_dma source(%arg14 : memref<32x128xf32, #tpu.memory_space<vmem>>) target(%dma_start3A_222 : memref<32x128xf32, #tpu.memory_space<vmem_shared>>) target_semaphore(%run_scoped3A : memref<!tpu.dma_semaphore, #tpu.memory_space<semaphore_mem>>)
      %dma_wait3A_223 = arith.constant 0 : i32
      %dma_wait3A_224 = tpu.memref_slice %arg18[%add3A_20, %dma_wait3A_223] : memref<10240x128xf32, #tpu.memory_space<vmem_shared>> -> memref<32x128xf32, #tpu.memory_space<vmem_shared>>
      %dma_wait3A_225 = arith.constant 0 : i32
      %dma_wait3A_226 = tpu.memref_slice %arg18[%add3A_20, %dma_wait3A_225] : memref<10240x128xf32, #tpu.memory_space<vmem_shared>> -> memref<32x128xf32, #tpu.memory_space<vmem_shared>>
      tpu.wait_dma2 semaphore(%run_scoped3A : memref<!tpu.dma_semaphore, #tpu.memory_space<semaphore_mem>>) src(%arg14 : memref<32x128xf32, #tpu.memory_space<vmem>>) dst(%dma_wait3A_226 : memref<32x128xf32, #tpu.memory_space<vmem_shared>>)
      tpu.yield
    }) : () -> ()
    %add3A_21 = arith.constant 288 : i32
    %add3A_22 = arith.addi %mul3A_2, %add3A_21 : i32
    "tpu.region"() ({
      %run_scoped3A = tpu.sem_alloc : memref<!tpu.dma_semaphore, #tpu.memory_space<semaphore_mem>>
      %dma_start3A_219 = arith.constant 0 : i32
      %dma_start3A_220 = tpu.memref_slice %arg18[%add3A_22, %dma_start3A_219] : memref<10240x128xf32, #tpu.memory_space<vmem_shared>> -> memref<32x128xf32, #tpu.memory_space<vmem_shared>>
      %dma_start3A_221 = arith.constant 0 : i32
      %dma_start3A_222 = tpu.memref_slice %arg18[%add3A_22, %dma_start3A_221] : memref<10240x128xf32, #tpu.memory_space<vmem_shared>> -> memref<32x128xf32, #tpu.memory_space<vmem_shared>>
      tpu.enqueue_dma source(%arg14 : memref<32x128xf32, #tpu.memory_space<vmem>>) target(%dma_start3A_222 : memref<32x128xf32, #tpu.memory_space<vmem_shared>>) target_semaphore(%run_scoped3A : memref<!tpu.dma_semaphore, #tpu.memory_space<semaphore_mem>>)
      %dma_wait3A_223 = arith.constant 0 : i32
      %dma_wait3A_224 = tpu.memref_slice %arg18[%add3A_22, %dma_wait3A_223] : memref<10240x128xf32, #tpu.memory_space<vmem_shared>> -> memref<32x128xf32, #tpu.memory_space<vmem_shared>>
      %dma_wait3A_225 = arith.constant 0 : i32
      %dma_wait3A_226 = tpu.memref_slice %arg18[%add3A_22, %dma_wait3A_225] : memref<10240x128xf32, #tpu.memory_space<vmem_shared>> -> memref<32x128xf32, #tpu.memory_space<vmem_shared>>
      tpu.wait_dma2 semaphore(%run_scoped3A : memref<!tpu.dma_semaphore, #tpu.memory_space<semaphore_mem>>) src(%arg14 : memref<32x128xf32, #tpu.memory_space<vmem>>) dst(%dma_wait3A_226 : memref<32x128xf32, #tpu.memory_space<vmem_shared>>)
      tpu.yield
    }) : () -> ()
    %add3A_23 = arith.constant 320 : i32
    %add3A_24 = arith.addi %mul3A_2, %add3A_23 : i32
    "tpu.region"() ({
      %run_scoped3A = tpu.sem_alloc : memref<!tpu.dma_semaphore, #tpu.memory_space<semaphore_mem>>
      %dma_start3A_219 = arith.constant 0 : i32
      %dma_start3A_220 = tpu.memref_slice %arg18[%add3A_24, %dma_start3A_219] : memref<10240x128xf32, #tpu.memory_space<vmem_shared>> -> memref<32x128xf32, #tpu.memory_space<vmem_shared>>
      %dma_start3A_221 = arith.constant 0 : i32
      %dma_start3A_222 = tpu.memref_slice %arg18[%add3A_24, %dma_start3A_221] : memref<10240x128xf32, #tpu.memory_space<vmem_shared>> -> memref<32x128xf32, #tpu.memory_space<vmem_shared>>
      tpu.enqueue_dma source(%arg14 : memref<32x128xf32, #tpu.memory_space<vmem>>) target(%dma_start3A_222 : memref<32x128xf32, #tpu.memory_space<vmem_shared>>) target_semaphore(%run_scoped3A : memref<!tpu.dma_semaphore, #tpu.memory_space<semaphore_mem>>)
      %dma_wait3A_223 = arith.constant 0 : i32
      %dma_wait3A_224 = tpu.memref_slice %arg18[%add3A_24, %dma_wait3A_223] : memref<10240x128xf32, #tpu.memory_space<vmem_shared>> -> memref<32x128xf32, #tpu.memory_space<vmem_shared>>
      %dma_wait3A_225 = arith.constant 0 : i32
      %dma_wait3A_226 = tpu.memref_slice %arg18[%add3A_24, %dma_wait3A_225] : memref<10240x128xf32, #tpu.memory_space<vmem_shared>> -> memref<32x128xf32, #tpu.memory_space<vmem_shared>>
      tpu.wait_dma2 semaphore(%run_scoped3A : memref<!tpu.dma_semaphore, #tpu.memory_space<semaphore_mem>>) src(%arg14 : memref<32x128xf32, #tpu.memory_space<vmem>>) dst(%dma_wait3A_226 : memref<32x128xf32, #tpu.memory_space<vmem_shared>>)
      tpu.yield
    }) : () -> ()
    %add3A_25 = arith.constant 352 : i32
    %add3A_26 = arith.addi %mul3A_2, %add3A_25 : i32
    "tpu.region"() ({
      %run_scoped3A = tpu.sem_alloc : memref<!tpu.dma_semaphore, #tpu.memory_space<semaphore_mem>>
      %dma_start3A_219 = arith.constant 0 : i32
      %dma_start3A_220 = tpu.memref_slice %arg18[%add3A_26, %dma_start3A_219] : memref<10240x128xf32, #tpu.memory_space<vmem_shared>> -> memref<32x128xf32, #tpu.memory_space<vmem_shared>>
      %dma_start3A_221 = arith.constant 0 : i32
      %dma_start3A_222 = tpu.memref_slice %arg18[%add3A_26, %dma_start3A_221] : memref<10240x128xf32, #tpu.memory_space<vmem_shared>> -> memref<32x128xf32, #tpu.memory_space<vmem_shared>>
      tpu.enqueue_dma source(%arg14 : memref<32x128xf32, #tpu.memory_space<vmem>>) target(%dma_start3A_222 : memref<32x128xf32, #tpu.memory_space<vmem_shared>>) target_semaphore(%run_scoped3A : memref<!tpu.dma_semaphore, #tpu.memory_space<semaphore_mem>>)
      %dma_wait3A_223 = arith.constant 0 : i32
      %dma_wait3A_224 = tpu.memref_slice %arg18[%add3A_26, %dma_wait3A_223] : memref<10240x128xf32, #tpu.memory_space<vmem_shared>> -> memref<32x128xf32, #tpu.memory_space<vmem_shared>>
      %dma_wait3A_225 = arith.constant 0 : i32
      %dma_wait3A_226 = tpu.memref_slice %arg18[%add3A_26, %dma_wait3A_225] : memref<10240x128xf32, #tpu.memory_space<vmem_shared>> -> memref<32x128xf32, #tpu.memory_space<vmem_shared>>
      tpu.wait_dma2 semaphore(%run_scoped3A : memref<!tpu.dma_semaphore, #tpu.memory_space<semaphore_mem>>) src(%arg14 : memref<32x128xf32, #tpu.memory_space<vmem>>) dst(%dma_wait3A_226 : memref<32x128xf32, #tpu.memory_space<vmem_shared>>)
      tpu.yield
    }) : () -> ()
    %add3A_27 = arith.constant 384 : i32
    %add3A_28 = arith.addi %mul3A_2, %add3A_27 : i32
    "tpu.region"() ({
      %run_scoped3A = tpu.sem_alloc : memref<!tpu.dma_semaphore, #tpu.memory_space<semaphore_mem>>
      %dma_start3A_219 = arith.constant 0 : i32
      %dma_start3A_220 = tpu.memref_slice %arg18[%add3A_28, %dma_start3A_219] : memref<10240x128xf32, #tpu.memory_space<vmem_shared>> -> memref<32x128xf32, #tpu.memory_space<vmem_shared>>
      %dma_start3A_221 = arith.constant 0 : i32
      %dma_start3A_222 = tpu.memref_slice %arg18[%add3A_28, %dma_start3A_221] : memref<10240x128xf32, #tpu.memory_space<vmem_shared>> -> memref<32x128xf32, #tpu.memory_space<vmem_shared>>
      tpu.enqueue_dma source(%arg14 : memref<32x128xf32, #tpu.memory_space<vmem>>) target(%dma_start3A_222 : memref<32x128xf32, #tpu.memory_space<vmem_shared>>) target_semaphore(%run_scoped3A : memref<!tpu.dma_semaphore, #tpu.memory_space<semaphore_mem>>)
      %dma_wait3A_223 = arith.constant 0 : i32
      %dma_wait3A_224 = tpu.memref_slice %arg18[%add3A_28, %dma_wait3A_223] : memref<10240x128xf32, #tpu.memory_space<vmem_shared>> -> memref<32x128xf32, #tpu.memory_space<vmem_shared>>
      %dma_wait3A_225 = arith.constant 0 : i32
      %dma_wait3A_226 = tpu.memref_slice %arg18[%add3A_28, %dma_wait3A_225] : memref<10240x128xf32, #tpu.memory_space<vmem_shared>> -> memref<32x128xf32, #tpu.memory_space<vmem_shared>>
      tpu.wait_dma2 semaphore(%run_scoped3A : memref<!tpu.dma_semaphore, #tpu.memory_space<semaphore_mem>>) src(%arg14 : memref<32x128xf32, #tpu.memory_space<vmem>>) dst(%dma_wait3A_226 : memref<32x128xf32, #tpu.memory_space<vmem_shared>>)
      tpu.yield
    }) : () -> ()
    %add3A_29 = arith.constant 416 : i32
    %add3A_30 = arith.addi %mul3A_2, %add3A_29 : i32
    "tpu.region"() ({
      %run_scoped3A = tpu.sem_alloc : memref<!tpu.dma_semaphore, #tpu.memory_space<semaphore_mem>>
      %dma_start3A_219 = arith.constant 0 : i32
      %dma_start3A_220 = tpu.memref_slice %arg18[%add3A_30, %dma_start3A_219] : memref<10240x128xf32, #tpu.memory_space<vmem_shared>> -> memref<32x128xf32, #tpu.memory_space<vmem_shared>>
      %dma_start3A_221 = arith.constant 0 : i32
      %dma_start3A_222 = tpu.memref_slice %arg18[%add3A_30, %dma_start3A_221] : memref<10240x128xf32, #tpu.memory_space<vmem_shared>> -> memref<32x128xf32, #tpu.memory_space<vmem_shared>>
      tpu.enqueue_dma source(%arg14 : memref<32x128xf32, #tpu.memory_space<vmem>>) target(%dma_start3A_222 : memref<32x128xf32, #tpu.memory_space<vmem_shared>>) target_semaphore(%run_scoped3A : memref<!tpu.dma_semaphore, #tpu.memory_space<semaphore_mem>>)
      %dma_wait3A_223 = arith.constant 0 : i32
      %dma_wait3A_224 = tpu.memref_slice %arg18[%add3A_30, %dma_wait3A_223] : memref<10240x128xf32, #tpu.memory_space<vmem_shared>> -> memref<32x128xf32, #tpu.memory_space<vmem_shared>>
      %dma_wait3A_225 = arith.constant 0 : i32
      %dma_wait3A_226 = tpu.memref_slice %arg18[%add3A_30, %dma_wait3A_225] : memref<10240x128xf32, #tpu.memory_space<vmem_shared>> -> memref<32x128xf32, #tpu.memory_space<vmem_shared>>
      tpu.wait_dma2 semaphore(%run_scoped3A : memref<!tpu.dma_semaphore, #tpu.memory_space<semaphore_mem>>) src(%arg14 : memref<32x128xf32, #tpu.memory_space<vmem>>) dst(%dma_wait3A_226 : memref<32x128xf32, #tpu.memory_space<vmem_shared>>)
      tpu.yield
    }) : () -> ()
    %add3A_31 = arith.constant 448 : i32
    %add3A_32 = arith.addi %mul3A_2, %add3A_31 : i32
    "tpu.region"() ({
      %run_scoped3A = tpu.sem_alloc : memref<!tpu.dma_semaphore, #tpu.memory_space<semaphore_mem>>
      %dma_start3A_219 = arith.constant 0 : i32
      %dma_start3A_220 = tpu.memref_slice %arg18[%add3A_32, %dma_start3A_219] : memref<10240x128xf32, #tpu.memory_space<vmem_shared>> -> memref<32x128xf32, #tpu.memory_space<vmem_shared>>
      %dma_start3A_221 = arith.constant 0 : i32
      %dma_start3A_222 = tpu.memref_slice %arg18[%add3A_32, %dma_start3A_221] : memref<10240x128xf32, #tpu.memory_space<vmem_shared>> -> memref<32x128xf32, #tpu.memory_space<vmem_shared>>
      tpu.enqueue_dma source(%arg14 : memref<32x128xf32, #tpu.memory_space<vmem>>) target(%dma_start3A_222 : memref<32x128xf32, #tpu.memory_space<vmem_shared>>) target_semaphore(%run_scoped3A : memref<!tpu.dma_semaphore, #tpu.memory_space<semaphore_mem>>)
      %dma_wait3A_223 = arith.constant 0 : i32
      %dma_wait3A_224 = tpu.memref_slice %arg18[%add3A_32, %dma_wait3A_223] : memref<10240x128xf32, #tpu.memory_space<vmem_shared>> -> memref<32x128xf32, #tpu.memory_space<vmem_shared>>
      %dma_wait3A_225 = arith.constant 0 : i32
      %dma_wait3A_226 = tpu.memref_slice %arg18[%add3A_32, %dma_wait3A_225] : memref<10240x128xf32, #tpu.memory_space<vmem_shared>> -> memref<32x128xf32, #tpu.memory_space<vmem_shared>>
      tpu.wait_dma2 semaphore(%run_scoped3A : memref<!tpu.dma_semaphore, #tpu.memory_space<semaphore_mem>>) src(%arg14 : memref<32x128xf32, #tpu.memory_space<vmem>>) dst(%dma_wait3A_226 : memref<32x128xf32, #tpu.memory_space<vmem_shared>>)
      tpu.yield
    }) : () -> ()
    %add3A_33 = arith.constant 480 : i32
    %add3A_34 = arith.addi %mul3A_2, %add3A_33 : i32
    "tpu.region"() ({
      %run_scoped3A = tpu.sem_alloc : memref<!tpu.dma_semaphore, #tpu.memory_space<semaphore_mem>>
      %dma_start3A_219 = arith.constant 0 : i32
      %dma_start3A_220 = tpu.memref_slice %arg18[%add3A_34, %dma_start3A_219] : memref<10240x128xf32, #tpu.memory_space<vmem_shared>> -> memref<32x128xf32, #tpu.memory_space<vmem_shared>>
      %dma_start3A_221 = arith.constant 0 : i32
      %dma_start3A_222 = tpu.memref_slice %arg18[%add3A_34, %dma_start3A_221] : memref<10240x128xf32, #tpu.memory_space<vmem_shared>> -> memref<32x128xf32, #tpu.memory_space<vmem_shared>>
      tpu.enqueue_dma source(%arg14 : memref<32x128xf32, #tpu.memory_space<vmem>>) target(%dma_start3A_222 : memref<32x128xf32, #tpu.memory_space<vmem_shared>>) target_semaphore(%run_scoped3A : memref<!tpu.dma_semaphore, #tpu.memory_space<semaphore_mem>>)
      %dma_wait3A_223 = arith.constant 0 : i32
      %dma_wait3A_224 = tpu.memref_slice %arg18[%add3A_34, %dma_wait3A_223] : memref<10240x128xf32, #tpu.memory_space<vmem_shared>> -> memref<32x128xf32, #tpu.memory_space<vmem_shared>>
      %dma_wait3A_225 = arith.constant 0 : i32
      %dma_wait3A_226 = tpu.memref_slice %arg18[%add3A_34, %dma_wait3A_225] : memref<10240x128xf32, #tpu.memory_space<vmem_shared>> -> memref<32x128xf32, #tpu.memory_space<vmem_shared>>
      tpu.wait_dma2 semaphore(%run_scoped3A : memref<!tpu.dma_semaphore, #tpu.memory_space<semaphore_mem>>) src(%arg14 : memref<32x128xf32, #tpu.memory_space<vmem>>) dst(%dma_wait3A_226 : memref<32x128xf32, #tpu.memory_space<vmem_shared>>)
      tpu.yield
    }) : () -> ()
    %add3A_35 = arith.constant 512 : i32
    %add3A_36 = arith.addi %mul3A_2, %add3A_35 : i32
    "tpu.region"() ({
      %run_scoped3A = tpu.sem_alloc : memref<!tpu.dma_semaphore, #tpu.memory_space<semaphore_mem>>
      %dma_start3A_219 = arith.constant 0 : i32
      %dma_start3A_220 = tpu.memref_slice %arg18[%add3A_36, %dma_start3A_219] : memref<10240x128xf32, #tpu.memory_space<vmem_shared>> -> memref<32x128xf32, #tpu.memory_space<vmem_shared>>
      %dma_start3A_221 = arith.constant 0 : i32
      %dma_start3A_222 = tpu.memref_slice %arg18[%add3A_36, %dma_start3A_221] : memref<10240x128xf32, #tpu.memory_space<vmem_shared>> -> memref<32x128xf32, #tpu.memory_space<vmem_shared>>
      tpu.enqueue_dma source(%arg14 : memref<32x128xf32, #tpu.memory_space<vmem>>) target(%dma_start3A_222 : memref<32x128xf32, #tpu.memory_space<vmem_shared>>) target_semaphore(%run_scoped3A : memref<!tpu.dma_semaphore, #tpu.memory_space<semaphore_mem>>)
      %dma_wait3A_223 = arith.constant 0 : i32
      %dma_wait3A_224 = tpu.memref_slice %arg18[%add3A_36, %dma_wait3A_223] : memref<10240x128xf32, #tpu.memory_space<vmem_shared>> -> memref<32x128xf32, #tpu.memory_space<vmem_shared>>
      %dma_wait3A_225 = arith.constant 0 : i32
      %dma_wait3A_226 = tpu.memref_slice %arg18[%add3A_36, %dma_wait3A_225] : memref<10240x128xf32, #tpu.memory_space<vmem_shared>> -> memref<32x128xf32, #tpu.memory_space<vmem_shared>>
      tpu.wait_dma2 semaphore(%run_scoped3A : memref<!tpu.dma_semaphore, #tpu.memory_space<semaphore_mem>>) src(%arg14 : memref<32x128xf32, #tpu.memory_space<vmem>>) dst(%dma_wait3A_226 : memref<32x128xf32, #tpu.memory_space<vmem_shared>>)
      tpu.yield
    }) : () -> ()
    %add3A_37 = arith.constant 544 : i32
    %add3A_38 = arith.addi %mul3A_2, %add3A_37 : i32
    "tpu.region"() ({
      %run_scoped3A = tpu.sem_alloc : memref<!tpu.dma_semaphore, #tpu.memory_space<semaphore_mem>>
      %dma_start3A_219 = arith.constant 0 : i32
      %dma_start3A_220 = tpu.memref_slice %arg18[%add3A_38, %dma_start3A_219] : memref<10240x128xf32, #tpu.memory_space<vmem_shared>> -> memref<32x128xf32, #tpu.memory_space<vmem_shared>>
      %dma_start3A_221 = arith.constant 0 : i32
      %dma_start3A_222 = tpu.memref_slice %arg18[%add3A_38, %dma_start3A_221] : memref<10240x128xf32, #tpu.memory_space<vmem_shared>> -> memref<32x128xf32, #tpu.memory_space<vmem_shared>>
      tpu.enqueue_dma source(%arg14 : memref<32x128xf32, #tpu.memory_space<vmem>>) target(%dma_start3A_222 : memref<32x128xf32, #tpu.memory_space<vmem_shared>>) target_semaphore(%run_scoped3A : memref<!tpu.dma_semaphore, #tpu.memory_space<semaphore_mem>>)
      %dma_wait3A_223 = arith.constant 0 : i32
      %dma_wait3A_224 = tpu.memref_slice %arg18[%add3A_38, %dma_wait3A_223] : memref<10240x128xf32, #tpu.memory_space<vmem_shared>> -> memref<32x128xf32, #tpu.memory_space<vmem_shared>>
      %dma_wait3A_225 = arith.constant 0 : i32
      %dma_wait3A_226 = tpu.memref_slice %arg18[%add3A_38, %dma_wait3A_225] : memref<10240x128xf32, #tpu.memory_space<vmem_shared>> -> memref<32x128xf32, #tpu.memory_space<vmem_shared>>
      tpu.wait_dma2 semaphore(%run_scoped3A : memref<!tpu.dma_semaphore, #tpu.memory_space<semaphore_mem>>) src(%arg14 : memref<32x128xf32, #tpu.memory_space<vmem>>) dst(%dma_wait3A_226 : memref<32x128xf32, #tpu.memory_space<vmem_shared>>)
      tpu.yield
    }) : () -> ()
    %add3A_39 = arith.constant 576 : i32
    %add3A_40 = arith.addi %mul3A_2, %add3A_39 : i32
    "tpu.region"() ({
      %run_scoped3A = tpu.sem_alloc : memref<!tpu.dma_semaphore, #tpu.memory_space<semaphore_mem>>
      %dma_start3A_219 = arith.constant 0 : i32
      %dma_start3A_220 = tpu.memref_slice %arg18[%add3A_40, %dma_start3A_219] : memref<10240x128xf32, #tpu.memory_space<vmem_shared>> -> memref<32x128xf32, #tpu.memory_space<vmem_shared>>
      %dma_start3A_221 = arith.constant 0 : i32
      %dma_start3A_222 = tpu.memref_slice %arg18[%add3A_40, %dma_start3A_221] : memref<10240x128xf32, #tpu.memory_space<vmem_shared>> -> memref<32x128xf32, #tpu.memory_space<vmem_shared>>
      tpu.enqueue_dma source(%arg14 : memref<32x128xf32, #tpu.memory_space<vmem>>) target(%dma_start3A_222 : memref<32x128xf32, #tpu.memory_space<vmem_shared>>) target_semaphore(%run_scoped3A : memref<!tpu.dma_semaphore, #tpu.memory_space<semaphore_mem>>)
      %dma_wait3A_223 = arith.constant 0 : i32
      %dma_wait3A_224 = tpu.memref_slice %arg18[%add3A_40, %dma_wait3A_223] : memref<10240x128xf32, #tpu.memory_space<vmem_shared>> -> memref<32x128xf32, #tpu.memory_space<vmem_shared>>
      %dma_wait3A_225 = arith.constant 0 : i32
      %dma_wait3A_226 = tpu.memref_slice %arg18[%add3A_40, %dma_wait3A_225] : memref<10240x128xf32, #tpu.memory_space<vmem_shared>> -> memref<32x128xf32, #tpu.memory_space<vmem_shared>>
      tpu.wait_dma2 semaphore(%run_scoped3A : memref<!tpu.dma_semaphore, #tpu.memory_space<semaphore_mem>>) src(%arg14 : memref<32x128xf32, #tpu.memory_space<vmem>>) dst(%dma_wait3A_226 : memref<32x128xf32, #tpu.memory_space<vmem_shared>>)
      tpu.yield
    }) : () -> ()
    %add3A_41 = arith.constant 608 : i32
    %add3A_42 = arith.addi %mul3A_2, %add3A_41 : i32
    "tpu.region"() ({
      %run_scoped3A = tpu.sem_alloc : memref<!tpu.dma_semaphore, #tpu.memory_space<semaphore_mem>>
      %dma_start3A_219 = arith.constant 0 : i32
      %dma_start3A_220 = tpu.memref_slice %arg18[%add3A_42, %dma_start3A_219] : memref<10240x128xf32, #tpu.memory_space<vmem_shared>> -> memref<32x128xf32, #tpu.memory_space<vmem_shared>>
      %dma_start3A_221 = arith.constant 0 : i32
      %dma_start3A_222 = tpu.memref_slice %arg18[%add3A_42, %dma_start3A_221] : memref<10240x128xf32, #tpu.memory_space<vmem_shared>> -> memref<32x128xf32, #tpu.memory_space<vmem_shared>>
      tpu.enqueue_dma source(%arg14 : memref<32x128xf32, #tpu.memory_space<vmem>>) target(%dma_start3A_222 : memref<32x128xf32, #tpu.memory_space<vmem_shared>>) target_semaphore(%run_scoped3A : memref<!tpu.dma_semaphore, #tpu.memory_space<semaphore_mem>>)
      %dma_wait3A_223 = arith.constant 0 : i32
      %dma_wait3A_224 = tpu.memref_slice %arg18[%add3A_42, %dma_wait3A_223] : memref<10240x128xf32, #tpu.memory_space<vmem_shared>> -> memref<32x128xf32, #tpu.memory_space<vmem_shared>>
      %dma_wait3A_225 = arith.constant 0 : i32
      %dma_wait3A_226 = tpu.memref_slice %arg18[%add3A_42, %dma_wait3A_225] : memref<10240x128xf32, #tpu.memory_space<vmem_shared>> -> memref<32x128xf32, #tpu.memory_space<vmem_shared>>
      tpu.wait_dma2 semaphore(%run_scoped3A : memref<!tpu.dma_semaphore, #tpu.memory_space<semaphore_mem>>) src(%arg14 : memref<32x128xf32, #tpu.memory_space<vmem>>) dst(%dma_wait3A_226 : memref<32x128xf32, #tpu.memory_space<vmem_shared>>)
      tpu.yield
    }) : () -> ()
    %add3A_43 = arith.constant 0 : i32
    %add3A_44 = arith.addi %mul3A_2, %add3A_43 : i32
    "tpu.region"() ({
      %run_scoped3A = tpu.sem_alloc : memref<!tpu.dma_semaphore, #tpu.memory_space<semaphore_mem>>
      %dma_start3A_219 = tpu.memref_slice %arg19[%add3A_44] : memref<10240xf32, #tpu.memory_space<vmem_shared>> -> memref<64xf32, #tpu.memory_space<vmem_shared>>
      %dma_start3A_220 = tpu.memref_slice %arg19[%add3A_44] : memref<10240xf32, #tpu.memory_space<vmem_shared>> -> memref<64xf32, #tpu.memory_space<vmem_shared>>
      tpu.enqueue_dma source(%arg17 : memref<64xf32, #tpu.memory_space<vmem>>) target(%dma_start3A_220 : memref<64xf32, #tpu.memory_space<vmem_shared>>) target_semaphore(%run_scoped3A : memref<!tpu.dma_semaphore, #tpu.memory_space<semaphore_mem>>)
      %dma_wait3A_221 = tpu.memref_slice %arg19[%add3A_44] : memref<10240xf32, #tpu.memory_space<vmem_shared>> -> memref<64xf32, #tpu.memory_space<vmem_shared>>
      %dma_wait3A_222 = tpu.memref_slice %arg19[%add3A_44] : memref<10240xf32, #tpu.memory_space<vmem_shared>> -> memref<64xf32, #tpu.memory_space<vmem_shared>>
      tpu.wait_dma2 semaphore(%run_scoped3A : memref<!tpu.dma_semaphore, #tpu.memory_space<semaphore_mem>>) src(%arg17 : memref<64xf32, #tpu.memory_space<vmem>>) dst(%dma_wait3A_222 : memref<64xf32, #tpu.memory_space<vmem_shared>>)
      tpu.yield
    }) : () -> ()
    %add3A_45 = arith.constant 64 : i32
    %add3A_46 = arith.addi %mul3A_2, %add3A_45 : i32
    "tpu.region"() ({
      %run_scoped3A = tpu.sem_alloc : memref<!tpu.dma_semaphore, #tpu.memory_space<semaphore_mem>>
      %dma_start3A_219 = tpu.memref_slice %arg19[%add3A_46] : memref<10240xf32, #tpu.memory_space<vmem_shared>> -> memref<64xf32, #tpu.memory_space<vmem_shared>>
      %dma_start3A_220 = tpu.memref_slice %arg19[%add3A_46] : memref<10240xf32, #tpu.memory_space<vmem_shared>> -> memref<64xf32, #tpu.memory_space<vmem_shared>>
      tpu.enqueue_dma source(%arg17 : memref<64xf32, #tpu.memory_space<vmem>>) target(%dma_start3A_220 : memref<64xf32, #tpu.memory_space<vmem_shared>>) target_semaphore(%run_scoped3A : memref<!tpu.dma_semaphore, #tpu.memory_space<semaphore_mem>>)
      %dma_wait3A_221 = tpu.memref_slice %arg19[%add3A_46] : memref<10240xf32, #tpu.memory_space<vmem_shared>> -> memref<64xf32, #tpu.memory_space<vmem_shared>>
      %dma_wait3A_222 = tpu.memref_slice %arg19[%add3A_46] : memref<10240xf32, #tpu.memory_space<vmem_shared>> -> memref<64xf32, #tpu.memory_space<vmem_shared>>
      tpu.wait_dma2 semaphore(%run_scoped3A : memref<!tpu.dma_semaphore, #tpu.memory_space<semaphore_mem>>) src(%arg17 : memref<64xf32, #tpu.memory_space<vmem>>) dst(%dma_wait3A_222 : memref<64xf32, #tpu.memory_space<vmem_shared>>)
      tpu.yield
    }) : () -> ()
    %add3A_47 = arith.constant 128 : i32
    %add3A_48 = arith.addi %mul3A_2, %add3A_47 : i32
    "tpu.region"() ({
      %run_scoped3A = tpu.sem_alloc : memref<!tpu.dma_semaphore, #tpu.memory_space<semaphore_mem>>
      %dma_start3A_219 = tpu.memref_slice %arg19[%add3A_48] : memref<10240xf32, #tpu.memory_space<vmem_shared>> -> memref<64xf32, #tpu.memory_space<vmem_shared>>
      %dma_start3A_220 = tpu.memref_slice %arg19[%add3A_48] : memref<10240xf32, #tpu.memory_space<vmem_shared>> -> memref<64xf32, #tpu.memory_space<vmem_shared>>
      tpu.enqueue_dma source(%arg17 : memref<64xf32, #tpu.memory_space<vmem>>) target(%dma_start3A_220 : memref<64xf32, #tpu.memory_space<vmem_shared>>) target_semaphore(%run_scoped3A : memref<!tpu.dma_semaphore, #tpu.memory_space<semaphore_mem>>)
      %dma_wait3A_221 = tpu.memref_slice %arg19[%add3A_48] : memref<10240xf32, #tpu.memory_space<vmem_shared>> -> memref<64xf32, #tpu.memory_space<vmem_shared>>
      %dma_wait3A_222 = tpu.memref_slice %arg19[%add3A_48] : memref<10240xf32, #tpu.memory_space<vmem_shared>> -> memref<64xf32, #tpu.memory_space<vmem_shared>>
      tpu.wait_dma2 semaphore(%run_scoped3A : memref<!tpu.dma_semaphore, #tpu.memory_space<semaphore_mem>>) src(%arg17 : memref<64xf32, #tpu.memory_space<vmem>>) dst(%dma_wait3A_222 : memref<64xf32, #tpu.memory_space<vmem_shared>>)
      tpu.yield
    }) : () -> ()
    %add3A_49 = arith.constant 192 : i32
    %add3A_50 = arith.addi %mul3A_2, %add3A_49 : i32
    "tpu.region"() ({
      %run_scoped3A = tpu.sem_alloc : memref<!tpu.dma_semaphore, #tpu.memory_space<semaphore_mem>>
      %dma_start3A_219 = tpu.memref_slice %arg19[%add3A_50] : memref<10240xf32, #tpu.memory_space<vmem_shared>> -> memref<64xf32, #tpu.memory_space<vmem_shared>>
      %dma_start3A_220 = tpu.memref_slice %arg19[%add3A_50] : memref<10240xf32, #tpu.memory_space<vmem_shared>> -> memref<64xf32, #tpu.memory_space<vmem_shared>>
      tpu.enqueue_dma source(%arg17 : memref<64xf32, #tpu.memory_space<vmem>>) target(%dma_start3A_220 : memref<64xf32, #tpu.memory_space<vmem_shared>>) target_semaphore(%run_scoped3A : memref<!tpu.dma_semaphore, #tpu.memory_space<semaphore_mem>>)
      %dma_wait3A_221 = tpu.memref_slice %arg19[%add3A_50] : memref<10240xf32, #tpu.memory_space<vmem_shared>> -> memref<64xf32, #tpu.memory_space<vmem_shared>>
      %dma_wait3A_222 = tpu.memref_slice %arg19[%add3A_50] : memref<10240xf32, #tpu.memory_space<vmem_shared>> -> memref<64xf32, #tpu.memory_space<vmem_shared>>
      tpu.wait_dma2 semaphore(%run_scoped3A : memref<!tpu.dma_semaphore, #tpu.memory_space<semaphore_mem>>) src(%arg17 : memref<64xf32, #tpu.memory_space<vmem>>) dst(%dma_wait3A_222 : memref<64xf32, #tpu.memory_space<vmem_shared>>)
      tpu.yield
    }) : () -> ()
    %add3A_51 = arith.constant 256 : i32
    %add3A_52 = arith.addi %mul3A_2, %add3A_51 : i32
    "tpu.region"() ({
      %run_scoped3A = tpu.sem_alloc : memref<!tpu.dma_semaphore, #tpu.memory_space<semaphore_mem>>
      %dma_start3A_219 = tpu.memref_slice %arg19[%add3A_52] : memref<10240xf32, #tpu.memory_space<vmem_shared>> -> memref<64xf32, #tpu.memory_space<vmem_shared>>
      %dma_start3A_220 = tpu.memref_slice %arg19[%add3A_52] : memref<10240xf32, #tpu.memory_space<vmem_shared>> -> memref<64xf32, #tpu.memory_space<vmem_shared>>
      tpu.enqueue_dma source(%arg17 : memref<64xf32, #tpu.memory_space<vmem>>) target(%dma_start3A_220 : memref<64xf32, #tpu.memory_space<vmem_shared>>) target_semaphore(%run_scoped3A : memref<!tpu.dma_semaphore, #tpu.memory_space<semaphore_mem>>)
      %dma_wait3A_221 = tpu.memref_slice %arg19[%add3A_52] : memref<10240xf32, #tpu.memory_space<vmem_shared>> -> memref<64xf32, #tpu.memory_space<vmem_shared>>
      %dma_wait3A_222 = tpu.memref_slice %arg19[%add3A_52] : memref<10240xf32, #tpu.memory_space<vmem_shared>> -> memref<64xf32, #tpu.memory_space<vmem_shared>>
      tpu.wait_dma2 semaphore(%run_scoped3A : memref<!tpu.dma_semaphore, #tpu.memory_space<semaphore_mem>>) src(%arg17 : memref<64xf32, #tpu.memory_space<vmem>>) dst(%dma_wait3A_222 : memref<64xf32, #tpu.memory_space<vmem_shared>>)
      tpu.yield
    }) : () -> ()
    %add3A_53 = arith.constant 320 : i32
    %add3A_54 = arith.addi %mul3A_2, %add3A_53 : i32
    "tpu.region"() ({
      %run_scoped3A = tpu.sem_alloc : memref<!tpu.dma_semaphore, #tpu.memory_space<semaphore_mem>>
      %dma_start3A_219 = tpu.memref_slice %arg19[%add3A_54] : memref<10240xf32, #tpu.memory_space<vmem_shared>> -> memref<64xf32, #tpu.memory_space<vmem_shared>>
      %dma_start3A_220 = tpu.memref_slice %arg19[%add3A_54] : memref<10240xf32, #tpu.memory_space<vmem_shared>> -> memref<64xf32, #tpu.memory_space<vmem_shared>>
      tpu.enqueue_dma source(%arg17 : memref<64xf32, #tpu.memory_space<vmem>>) target(%dma_start3A_220 : memref<64xf32, #tpu.memory_space<vmem_shared>>) target_semaphore(%run_scoped3A : memref<!tpu.dma_semaphore, #tpu.memory_space<semaphore_mem>>)
      %dma_wait3A_221 = tpu.memref_slice %arg19[%add3A_54] : memref<10240xf32, #tpu.memory_space<vmem_shared>> -> memref<64xf32, #tpu.memory_space<vmem_shared>>
      %dma_wait3A_222 = tpu.memref_slice %arg19[%add3A_54] : memref<10240xf32, #tpu.memory_space<vmem_shared>> -> memref<64xf32, #tpu.memory_space<vmem_shared>>
      tpu.wait_dma2 semaphore(%run_scoped3A : memref<!tpu.dma_semaphore, #tpu.memory_space<semaphore_mem>>) src(%arg17 : memref<64xf32, #tpu.memory_space<vmem>>) dst(%dma_wait3A_222 : memref<64xf32, #tpu.memory_space<vmem_shared>>)
      tpu.yield
    }) : () -> ()
    %add3A_55 = arith.constant 384 : i32
    %add3A_56 = arith.addi %mul3A_2, %add3A_55 : i32
    "tpu.region"() ({
      %run_scoped3A = tpu.sem_alloc : memref<!tpu.dma_semaphore, #tpu.memory_space<semaphore_mem>>
      %dma_start3A_219 = tpu.memref_slice %arg19[%add3A_56] : memref<10240xf32, #tpu.memory_space<vmem_shared>> -> memref<64xf32, #tpu.memory_space<vmem_shared>>
      %dma_start3A_220 = tpu.memref_slice %arg19[%add3A_56] : memref<10240xf32, #tpu.memory_space<vmem_shared>> -> memref<64xf32, #tpu.memory_space<vmem_shared>>
      tpu.enqueue_dma source(%arg17 : memref<64xf32, #tpu.memory_space<vmem>>) target(%dma_start3A_220 : memref<64xf32, #tpu.memory_space<vmem_shared>>) target_semaphore(%run_scoped3A : memref<!tpu.dma_semaphore, #tpu.memory_space<semaphore_mem>>)
      %dma_wait3A_221 = tpu.memref_slice %arg19[%add3A_56] : memref<10240xf32, #tpu.memory_space<vmem_shared>> -> memref<64xf32, #tpu.memory_space<vmem_shared>>
      %dma_wait3A_222 = tpu.memref_slice %arg19[%add3A_56] : memref<10240xf32, #tpu.memory_space<vmem_shared>> -> memref<64xf32, #tpu.memory_space<vmem_shared>>
      tpu.wait_dma2 semaphore(%run_scoped3A : memref<!tpu.dma_semaphore, #tpu.memory_space<semaphore_mem>>) src(%arg17 : memref<64xf32, #tpu.memory_space<vmem>>) dst(%dma_wait3A_222 : memref<64xf32, #tpu.memory_space<vmem_shared>>)
      tpu.yield
    }) : () -> ()
    %add3A_57 = arith.constant 448 : i32
    %add3A_58 = arith.addi %mul3A_2, %add3A_57 : i32
    "tpu.region"() ({
      %run_scoped3A = tpu.sem_alloc : memref<!tpu.dma_semaphore, #tpu.memory_space<semaphore_mem>>
      %dma_start3A_219 = tpu.memref_slice %arg19[%add3A_58] : memref<10240xf32, #tpu.memory_space<vmem_shared>> -> memref<64xf32, #tpu.memory_space<vmem_shared>>
      %dma_start3A_220 = tpu.memref_slice %arg19[%add3A_58] : memref<10240xf32, #tpu.memory_space<vmem_shared>> -> memref<64xf32, #tpu.memory_space<vmem_shared>>
      tpu.enqueue_dma source(%arg17 : memref<64xf32, #tpu.memory_space<vmem>>) target(%dma_start3A_220 : memref<64xf32, #tpu.memory_space<vmem_shared>>) target_semaphore(%run_scoped3A : memref<!tpu.dma_semaphore, #tpu.memory_space<semaphore_mem>>)
      %dma_wait3A_221 = tpu.memref_slice %arg19[%add3A_58] : memref<10240xf32, #tpu.memory_space<vmem_shared>> -> memref<64xf32, #tpu.memory_space<vmem_shared>>
      %dma_wait3A_222 = tpu.memref_slice %arg19[%add3A_58] : memref<10240xf32, #tpu.memory_space<vmem_shared>> -> memref<64xf32, #tpu.memory_space<vmem_shared>>
      tpu.wait_dma2 semaphore(%run_scoped3A : memref<!tpu.dma_semaphore, #tpu.memory_space<semaphore_mem>>) src(%arg17 : memref<64xf32, #tpu.memory_space<vmem>>) dst(%dma_wait3A_222 : memref<64xf32, #tpu.memory_space<vmem_shared>>)
      tpu.yield
    }) : () -> ()
    %add3A_59 = arith.constant 512 : i32
    %add3A_60 = arith.addi %mul3A_2, %add3A_59 : i32
    "tpu.region"() ({
      %run_scoped3A = tpu.sem_alloc : memref<!tpu.dma_semaphore, #tpu.memory_space<semaphore_mem>>
      %dma_start3A_219 = tpu.memref_slice %arg19[%add3A_60] : memref<10240xf32, #tpu.memory_space<vmem_shared>> -> memref<64xf32, #tpu.memory_space<vmem_shared>>
      %dma_start3A_220 = tpu.memref_slice %arg19[%add3A_60] : memref<10240xf32, #tpu.memory_space<vmem_shared>> -> memref<64xf32, #tpu.memory_space<vmem_shared>>
      tpu.enqueue_dma source(%arg17 : memref<64xf32, #tpu.memory_space<vmem>>) target(%dma_start3A_220 : memref<64xf32, #tpu.memory_space<vmem_shared>>) target_semaphore(%run_scoped3A : memref<!tpu.dma_semaphore, #tpu.memory_space<semaphore_mem>>)
      %dma_wait3A_221 = tpu.memref_slice %arg19[%add3A_60] : memref<10240xf32, #tpu.memory_space<vmem_shared>> -> memref<64xf32, #tpu.memory_space<vmem_shared>>
      %dma_wait3A_222 = tpu.memref_slice %arg19[%add3A_60] : memref<10240xf32, #tpu.memory_space<vmem_shared>> -> memref<64xf32, #tpu.memory_space<vmem_shared>>
      tpu.wait_dma2 semaphore(%run_scoped3A : memref<!tpu.dma_semaphore, #tpu.memory_space<semaphore_mem>>) src(%arg17 : memref<64xf32, #tpu.memory_space<vmem>>) dst(%dma_wait3A_222 : memref<64xf32, #tpu.memory_space<vmem_shared>>)
      tpu.yield
    }) : () -> ()
    %add3A_61 = arith.constant 576 : i32
    %add3A_62 = arith.addi %mul3A_2, %add3A_61 : i32
    "tpu.region"() ({
      %run_scoped3A = tpu.sem_alloc : memref<!tpu.dma_semaphore, #tpu.memory_space<semaphore_mem>>
      %dma_start3A_219 = tpu.memref_slice %arg19[%add3A_62] : memref<10240xf32, #tpu.memory_space<vmem_shared>> -> memref<64xf32, #tpu.memory_space<vmem_shared>>
      %dma_start3A_220 = tpu.memref_slice %arg19[%add3A_62] : memref<10240xf32, #tpu.memory_space<vmem_shared>> -> memref<64xf32, #tpu.memory_space<vmem_shared>>
      tpu.enqueue_dma source(%arg17 : memref<64xf32, #tpu.memory_space<vmem>>) target(%dma_start3A_220 : memref<64xf32, #tpu.memory_space<vmem_shared>>) target_semaphore(%run_scoped3A : memref<!tpu.dma_semaphore, #tpu.memory_space<semaphore_mem>>)
      %dma_wait3A_221 = tpu.memref_slice %arg19[%add3A_62] : memref<10240xf32, #tpu.memory_space<vmem_shared>> -> memref<64xf32, #tpu.memory_space<vmem_shared>>
      %dma_wait3A_222 = tpu.memref_slice %arg19[%add3A_62] : memref<10240xf32, #tpu.memory_space<vmem_shared>> -> memref<64xf32, #tpu.memory_space<vmem_shared>>
      tpu.wait_dma2 semaphore(%run_scoped3A : memref<!tpu.dma_semaphore, #tpu.memory_space<semaphore_mem>>) src(%arg17 : memref<64xf32, #tpu.memory_space<vmem>>) dst(%dma_wait3A_222 : memref<64xf32, #tpu.memory_space<vmem_shared>>)
      tpu.yield
    }) : () -> ()
    "tpu.region"() ({
      %run_scoped3A = tpu.sem_alloc : memref<!tpu.dma_semaphore, #tpu.memory_space<semaphore_mem>>
      tpu.enqueue_dma source(%arg7 : memref<64xf32, #tpu.memory_space<hbm>>) target(%arg17 : memref<64xf32, #tpu.memory_space<vmem>>) target_semaphore(%run_scoped3A : memref<!tpu.dma_semaphore, #tpu.memory_space<semaphore_mem>>)
      tpu.wait_dma2 semaphore(%run_scoped3A : memref<!tpu.dma_semaphore, #tpu.memory_space<semaphore_mem>>) src(%arg7 : memref<64xf32, #tpu.memory_space<hbm>>) dst(%arg17 : memref<64xf32, #tpu.memory_space<vmem>>)
      tpu.yield
    }) : () -> ()
    %barrier3A = arith.constant 0 : index
    tpu.barrier barrier_id(%barrier3A)
    %multiple_of3A = arith.constant 0 : i32
    %multiple_of3A_63 = tpu.assume_multiple %multiple_of3A, 16 : i32
    %dma_start3A = arith.constant 0 : i32
    %dma_start3A_64 = tpu.memref_slice %arg3[%add3A, %multiple_of3A_63, %dma_start3A] : memref<32x320x32xi32, #tpu.memory_space<hbm>> -> memref<1x16x32xi32, #tpu.memory_space<hbm>>
    %dma_start3A_65 = tpu.memref_squeeze %dma_start3A_64 : memref<1x16x32xi32, #tpu.memory_space<hbm>> -> memref<16x32xi32, #tpu.memory_space<hbm>>
    %dma_start3A_66 = arith.constant 0 : i32
    %dma_start3A_67 = tpu.memref_slice %arg3[%add3A, %multiple_of3A_63, %dma_start3A_66] : memref<32x320x32xi32, #tpu.memory_space<hbm>> -> memref<1x16x32xi32, #tpu.memory_space<hbm>>
    %dma_start3A_68 = tpu.memref_squeeze %dma_start3A_67 : memref<1x16x32xi32, #tpu.memory_space<hbm>> -> memref<16x32xi32, #tpu.memory_space<hbm>>
    tpu.enqueue_dma source(%dma_start3A_68 : memref<16x32xi32, #tpu.memory_space<hbm>>) target(%arg10 : memref<16x32xi32, #tpu.memory_space<vmem>>) target_semaphore(%arg27 : memref<!tpu.dma_semaphore, #tpu.memory_space<semaphore_mem>>)
    %dma_start3A_69 = arith.constant 0 : i32
    %dma_start3A_70 = tpu.memref_slice %arg4[%add3A, %multiple_of3A_63, %dma_start3A_69] : memref<32x320x32xi32, #tpu.memory_space<hbm>> -> memref<1x16x32xi32, #tpu.memory_space<hbm>>
    %dma_start3A_71 = tpu.memref_squeeze %dma_start3A_70 : memref<1x16x32xi32, #tpu.memory_space<hbm>> -> memref<16x32xi32, #tpu.memory_space<hbm>>
    %dma_start3A_72 = arith.constant 0 : i32
    %dma_start3A_73 = tpu.memref_slice %arg4[%add3A, %multiple_of3A_63, %dma_start3A_72] : memref<32x320x32xi32, #tpu.memory_space<hbm>> -> memref<1x16x32xi32, #tpu.memory_space<hbm>>
    %dma_start3A_74 = tpu.memref_squeeze %dma_start3A_73 : memref<1x16x32xi32, #tpu.memory_space<hbm>> -> memref<16x32xi32, #tpu.memory_space<hbm>>
    tpu.enqueue_dma source(%dma_start3A_74 : memref<16x32xi32, #tpu.memory_space<hbm>>) target(%arg11 : memref<16x32xi32, #tpu.memory_space<vmem>>) target_semaphore(%arg27 : memref<!tpu.dma_semaphore, #tpu.memory_space<semaphore_mem>>)
    %scan3A = arith.constant 0 : i32
    %scan3A_75 = arith.constant 0 : i32
    %scan3A_76 = arith.constant 10 : i32
    %scan3A_77 = arith.addi %scan3A_75, %scan3A_76 : i32
    %scan3A_78 = arith.constant 1 : i32
    scf.for %scan3A_219 = %scan3A_75 to %scan3A_77 step %scan3A_78  : i32 {
      %dma_wait3A_220 = arith.constant 0 : i32
      %dma_wait3A_221 = arith.constant 0 : i32
      %dma_wait3A_222 = tpu.memref_slice %arg3[%add3A, %dma_wait3A_220, %dma_wait3A_221] : memref<32x320x32xi32, #tpu.memory_space<hbm>> -> memref<1x16x32xi32, #tpu.memory_space<hbm>>
      %dma_wait3A_223 = tpu.memref_squeeze %dma_wait3A_222 : memref<1x16x32xi32, #tpu.memory_space<hbm>> -> memref<16x32xi32, #tpu.memory_space<hbm>>
      %dma_wait3A_224 = arith.constant 0 : i32
      %dma_wait3A_225 = arith.constant 0 : i32
      %dma_wait3A_226 = tpu.memref_slice %arg3[%add3A, %dma_wait3A_224, %dma_wait3A_225] : memref<32x320x32xi32, #tpu.memory_space<hbm>> -> memref<1x16x32xi32, #tpu.memory_space<hbm>>
      %dma_wait3A_227 = tpu.memref_squeeze %dma_wait3A_226 : memref<1x16x32xi32, #tpu.memory_space<hbm>> -> memref<16x32xi32, #tpu.memory_space<hbm>>
      tpu.wait_dma2 semaphore(%arg27 : memref<!tpu.dma_semaphore, #tpu.memory_space<semaphore_mem>>) src(%dma_wait3A_227 : memref<16x32xi32, #tpu.memory_space<hbm>>) dst(%arg10 : memref<16x32xi32, #tpu.memory_space<vmem>>)
      %dma_wait3A_228 = arith.constant 0 : i32
      %dma_wait3A_229 = arith.constant 0 : i32
      %dma_wait3A_230 = tpu.memref_slice %arg4[%add3A, %dma_wait3A_228, %dma_wait3A_229] : memref<32x320x32xi32, #tpu.memory_space<hbm>> -> memref<1x16x32xi32, #tpu.memory_space<hbm>>
      %dma_wait3A_231 = tpu.memref_squeeze %dma_wait3A_230 : memref<1x16x32xi32, #tpu.memory_space<hbm>> -> memref<16x32xi32, #tpu.memory_space<hbm>>
      %dma_wait3A_232 = arith.constant 0 : i32
      %dma_wait3A_233 = arith.constant 0 : i32
      %dma_wait3A_234 = tpu.memref_slice %arg4[%add3A, %dma_wait3A_232, %dma_wait3A_233] : memref<32x320x32xi32, #tpu.memory_space<hbm>> -> memref<1x16x32xi32, #tpu.memory_space<hbm>>
      %dma_wait3A_235 = tpu.memref_squeeze %dma_wait3A_234 : memref<1x16x32xi32, #tpu.memory_space<hbm>> -> memref<16x32xi32, #tpu.memory_space<hbm>>
      tpu.wait_dma2 semaphore(%arg27 : memref<!tpu.dma_semaphore, #tpu.memory_space<semaphore_mem>>) src(%dma_wait3A_235 : memref<16x32xi32, #tpu.memory_space<hbm>>) dst(%arg11 : memref<16x32xi32, #tpu.memory_space<vmem>>)
      %mul3A_236 = arith.constant 2 : i32
      %mul3A_237 = arith.muli %mul3A_236, %scan3A_219 : i32
      %add3A_238 = arith.constant 1 : i32
      %add3A_239 = arith.addi %mul3A_237, %add3A_238 : i32
      %mul3A_240 = arith.constant 16 : i32
      %mul3A_241 = arith.muli %add3A_239, %mul3A_240 : i32
      %multiple_of3A_242 = tpu.assume_multiple %mul3A_241, 16 : i32
      %dma_start3A_243 = arith.constant 0 : i32
      %dma_start3A_244 = tpu.memref_slice %arg3[%add3A, %multiple_of3A_242, %dma_start3A_243] : memref<32x320x32xi32, #tpu.memory_space<hbm>> -> memref<1x16x32xi32, #tpu.memory_space<hbm>>
      %dma_start3A_245 = tpu.memref_squeeze %dma_start3A_244 : memref<1x16x32xi32, #tpu.memory_space<hbm>> -> memref<16x32xi32, #tpu.memory_space<hbm>>
      %dma_start3A_246 = arith.constant 0 : i32
      %dma_start3A_247 = tpu.memref_slice %arg3[%add3A, %multiple_of3A_242, %dma_start3A_246] : memref<32x320x32xi32, #tpu.memory_space<hbm>> -> memref<1x16x32xi32, #tpu.memory_space<hbm>>
      %dma_start3A_248 = tpu.memref_squeeze %dma_start3A_247 : memref<1x16x32xi32, #tpu.memory_space<hbm>> -> memref<16x32xi32, #tpu.memory_space<hbm>>
      tpu.enqueue_dma source(%dma_start3A_248 : memref<16x32xi32, #tpu.memory_space<hbm>>) target(%arg12 : memref<16x32xi32, #tpu.memory_space<vmem>>) target_semaphore(%arg28 : memref<!tpu.dma_semaphore, #tpu.memory_space<semaphore_mem>>)
      %dma_start3A_249 = arith.constant 0 : i32
      %dma_start3A_250 = tpu.memref_slice %arg4[%add3A, %multiple_of3A_242, %dma_start3A_249] : memref<32x320x32xi32, #tpu.memory_space<hbm>> -> memref<1x16x32xi32, #tpu.memory_space<hbm>>
      %dma_start3A_251 = tpu.memref_squeeze %dma_start3A_250 : memref<1x16x32xi32, #tpu.memory_space<hbm>> -> memref<16x32xi32, #tpu.memory_space<hbm>>
      %dma_start3A_252 = arith.constant 0 : i32
      %dma_start3A_253 = tpu.memref_slice %arg4[%add3A, %multiple_of3A_242, %dma_start3A_252] : memref<32x320x32xi32, #tpu.memory_space<hbm>> -> memref<1x16x32xi32, #tpu.memory_space<hbm>>
      %dma_start3A_254 = tpu.memref_squeeze %dma_start3A_253 : memref<1x16x32xi32, #tpu.memory_space<hbm>> -> memref<16x32xi32, #tpu.memory_space<hbm>>
      tpu.enqueue_dma source(%dma_start3A_254 : memref<16x32xi32, #tpu.memory_space<hbm>>) target(%arg13 : memref<16x32xi32, #tpu.memory_space<vmem>>) target_semaphore(%arg28 : memref<!tpu.dma_semaphore, #tpu.memory_space<semaphore_mem>>)
      %dma_start3A_255 = arith.constant 0 : i32
      %dma_start3A_256 = arith.constant 0 : i32
      %dma_start3A_257 = tpu.memref_slice %arg10[%dma_start3A_255, %dma_start3A_256] : memref<16x32xi32, #tpu.memory_space<vmem>> -> memref<1x32xi32, #tpu.memory_space<vmem>>
      %dma_start3A_258 = tpu.memref_squeeze %dma_start3A_257 : memref<1x32xi32, #tpu.memory_space<vmem>> -> memref<32xi32, #tpu.memory_space<vmem>>
      %dma_start3A_259 = arith.constant 0 : i32
      %dma_start3A_260 = arith.constant 0 : i32
      %dma_start3A_261 = tpu.memref_slice %arg2[%dma_start3A_259, %dma_start3A_260] : memref<10000x128xf32, #tpu.memory_space<hbm>> -> memref<10000x128xf32, #tpu.memory_space<hbm>>
      tpu.enqueue_indirect_dma source(%dma_start3A_261 : memref<10000x128xf32, #tpu.memory_space<hbm>>) target(%arg14 : memref<32x128xf32, #tpu.memory_space<vmem>>) offsets(%dma_start3A_258 : memref<32xi32, #tpu.memory_space<vmem>>) semaphore(%arg20 : memref<!tpu.dma_semaphore, #tpu.memory_space<semaphore_mem>>)
      %dma_start3A_262 = arith.constant 1 : i32
      %dma_start3A_263 = arith.constant 0 : i32
      %dma_start3A_264 = tpu.memref_slice %arg10[%dma_start3A_262, %dma_start3A_263] : memref<16x32xi32, #tpu.memory_space<vmem>> -> memref<1x32xi32, #tpu.memory_space<vmem>>
      %dma_start3A_265 = tpu.memref_squeeze %dma_start3A_264 : memref<1x32xi32, #tpu.memory_space<vmem>> -> memref<32xi32, #tpu.memory_space<vmem>>
      %dma_start3A_266 = arith.constant 0 : i32
      %dma_start3A_267 = arith.constant 0 : i32
      %dma_start3A_268 = tpu.memref_slice %arg2[%dma_start3A_266, %dma_start3A_267] : memref<10000x128xf32, #tpu.memory_space<hbm>> -> memref<10000x128xf32, #tpu.memory_space<hbm>>
      tpu.enqueue_indirect_dma source(%dma_start3A_268 : memref<10000x128xf32, #tpu.memory_space<hbm>>) target(%arg15 : memref<32x128xf32, #tpu.memory_space<vmem>>) offsets(%dma_start3A_265 : memref<32xi32, #tpu.memory_space<vmem>>) semaphore(%arg21 : memref<!tpu.dma_semaphore, #tpu.memory_space<semaphore_mem>>)
      %dma_wait3A_269 = arith.constant 0 : i32
      %dma_wait3A_270 = arith.constant 0 : i32
      %dma_wait3A_271 = tpu.memref_slice %arg10[%dma_wait3A_269, %dma_wait3A_270] : memref<16x32xi32, #tpu.memory_space<vmem>> -> memref<1x32xi32, #tpu.memory_space<vmem>>
      %dma_wait3A_272 = tpu.memref_squeeze %dma_wait3A_271 : memref<1x32xi32, #tpu.memory_space<vmem>> -> memref<32xi32, #tpu.memory_space<vmem>>
      %dma_wait3A_273 = arith.constant 0 : i32
      %dma_wait3A_274 = arith.constant 0 : i32
      %dma_wait3A_275 = tpu.memref_slice %arg2[%dma_wait3A_273, %dma_wait3A_274] : memref<10000x128xf32, #tpu.memory_space<hbm>> -> memref<10000x128xf32, #tpu.memory_space<hbm>>
      tpu.wait_indirect_dma semaphore(%arg20 : memref<!tpu.dma_semaphore, #tpu.memory_space<semaphore_mem>>) src(%dma_wait3A_275 : memref<10000x128xf32, #tpu.memory_space<hbm>>) dst(%arg14 : memref<32x128xf32, #tpu.memory_space<vmem>>)
      %dma_start3A_276 = arith.constant 0 : i32
      %dma_start3A_277 = arith.constant 0 : i32
      %dma_start3A_278 = tpu.memref_slice %arg11[%dma_start3A_276, %dma_start3A_277] : memref<16x32xi32, #tpu.memory_space<vmem>> -> memref<1x32xi32, #tpu.memory_space<vmem>>
      %dma_start3A_279 = tpu.memref_squeeze %dma_start3A_278 : memref<1x32xi32, #tpu.memory_space<vmem>> -> memref<32xi32, #tpu.memory_space<vmem>>
      %dma_start3A_280 = arith.constant 0 : i32
      %dma_start3A_281 = arith.constant 0 : i32
      %dma_start3A_282 = tpu.memref_slice %arg18[%dma_start3A_280, %dma_start3A_281] : memref<10240x128xf32, #tpu.memory_space<vmem_shared>> -> memref<10240x128xf32, #tpu.memory_space<vmem_shared>>
      tpu.enqueue_indirect_dma source(%arg14 : memref<32x128xf32, #tpu.memory_space<vmem>>) target(%dma_start3A_282 : memref<10240x128xf32, #tpu.memory_space<vmem_shared>>) offsets(%dma_start3A_279 : memref<32xi32, #tpu.memory_space<vmem>>) semaphore(%arg23 : memref<!tpu.dma_semaphore, #tpu.memory_space<semaphore_mem>>) {add = true}
      %dma_start3A_283 = arith.constant 2 : i32
      %dma_start3A_284 = arith.constant 0 : i32
      %dma_start3A_285 = tpu.memref_slice %arg10[%dma_start3A_283, %dma_start3A_284] : memref<16x32xi32, #tpu.memory_space<vmem>> -> memref<1x32xi32, #tpu.memory_space<vmem>>
      %dma_start3A_286 = tpu.memref_squeeze %dma_start3A_285 : memref<1x32xi32, #tpu.memory_space<vmem>> -> memref<32xi32, #tpu.memory_space<vmem>>
      %dma_start3A_287 = arith.constant 0 : i32
      %dma_start3A_288 = arith.constant 0 : i32
      %dma_start3A_289 = tpu.memref_slice %arg2[%dma_start3A_287, %dma_start3A_288] : memref<10000x128xf32, #tpu.memory_space<hbm>> -> memref<10000x128xf32, #tpu.memory_space<hbm>>
      tpu.enqueue_indirect_dma source(%dma_start3A_289 : memref<10000x128xf32, #tpu.memory_space<hbm>>) target(%arg16 : memref<32x128xf32, #tpu.memory_space<vmem>>) offsets(%dma_start3A_286 : memref<32xi32, #tpu.memory_space<vmem>>) semaphore(%arg22 : memref<!tpu.dma_semaphore, #tpu.memory_space<semaphore_mem>>)
      %dma_start3A_290 = arith.constant 0 : i32
      %dma_start3A_291 = arith.constant 0 : i32
      %dma_start3A_292 = tpu.memref_slice %arg17[%dma_start3A_291] : memref<64xf32, #tpu.memory_space<vmem>> -> memref<32xf32, #tpu.memory_space<vmem>>
      %dma_start3A_293 = arith.constant 0 : i32
      %dma_start3A_294 = tpu.memref_slice %arg11[%dma_start3A_290, %dma_start3A_293] : memref<16x32xi32, #tpu.memory_space<vmem>> -> memref<1x32xi32, #tpu.memory_space<vmem>>
      %dma_start3A_295 = tpu.memref_squeeze %dma_start3A_294 : memref<1x32xi32, #tpu.memory_space<vmem>> -> memref<32xi32, #tpu.memory_space<vmem>>
      %dma_start3A_296 = arith.constant 0 : i32
      %dma_start3A_297 = tpu.memref_slice %arg19[%dma_start3A_296] : memref<10240xf32, #tpu.memory_space<vmem_shared>> -> memref<10240xf32, #tpu.memory_space<vmem_shared>>
      tpu.enqueue_indirect_dma source(%dma_start3A_292 : memref<32xf32, #tpu.memory_space<vmem>>) target(%dma_start3A_297 : memref<10240xf32, #tpu.memory_space<vmem_shared>>) offsets(%dma_start3A_295 : memref<32xi32, #tpu.memory_space<vmem>>) semaphore(%arg26 : memref<!tpu.dma_semaphore, #tpu.memory_space<semaphore_mem>>) {add = true}
      %dma_wait3A_298 = arith.constant 1 : i32
      %dma_wait3A_299 = arith.constant 0 : i32
      %dma_wait3A_300 = tpu.memref_slice %arg10[%dma_wait3A_298, %dma_wait3A_299] : memref<16x32xi32, #tpu.memory_space<vmem>> -> memref<1x32xi32, #tpu.memory_space<vmem>>
      %dma_wait3A_301 = tpu.memref_squeeze %dma_wait3A_300 : memref<1x32xi32, #tpu.memory_space<vmem>> -> memref<32xi32, #tpu.memory_space<vmem>>
      %dma_wait3A_302 = arith.constant 0 : i32
      %dma_wait3A_303 = arith.constant 0 : i32
      %dma_wait3A_304 = tpu.memref_slice %arg2[%dma_wait3A_302, %dma_wait3A_303] : memref<10000x128xf32, #tpu.memory_space<hbm>> -> memref<10000x128xf32, #tpu.memory_space<hbm>>
      tpu.wait_indirect_dma semaphore(%arg21 : memref<!tpu.dma_semaphore, #tpu.memory_space<semaphore_mem>>) src(%dma_wait3A_304 : memref<10000x128xf32, #tpu.memory_space<hbm>>) dst(%arg15 : memref<32x128xf32, #tpu.memory_space<vmem>>)
      %dma_start3A_305 = arith.constant 1 : i32
      %dma_start3A_306 = arith.constant 0 : i32
      %dma_start3A_307 = tpu.memref_slice %arg11[%dma_start3A_305, %dma_start3A_306] : memref<16x32xi32, #tpu.memory_space<vmem>> -> memref<1x32xi32, #tpu.memory_space<vmem>>
      %dma_start3A_308 = tpu.memref_squeeze %dma_start3A_307 : memref<1x32xi32, #tpu.memory_space<vmem>> -> memref<32xi32, #tpu.memory_space<vmem>>
      %dma_start3A_309 = arith.constant 0 : i32
      %dma_start3A_310 = arith.constant 0 : i32
      %dma_start3A_311 = tpu.memref_slice %arg18[%dma_start3A_309, %dma_start3A_310] : memref<10240x128xf32, #tpu.memory_space<vmem_shared>> -> memref<10240x128xf32, #tpu.memory_space<vmem_shared>>
      tpu.enqueue_indirect_dma source(%arg15 : memref<32x128xf32, #tpu.memory_space<vmem>>) target(%dma_start3A_311 : memref<10240x128xf32, #tpu.memory_space<vmem_shared>>) offsets(%dma_start3A_308 : memref<32xi32, #tpu.memory_space<vmem>>) semaphore(%arg24 : memref<!tpu.dma_semaphore, #tpu.memory_space<semaphore_mem>>) {add = true}
      %dma_wait3A_312 = arith.constant 0 : i32
      %dma_wait3A_313 = arith.constant 0 : i32
      %dma_wait3A_314 = tpu.memref_slice %arg11[%dma_wait3A_312, %dma_wait3A_313] : memref<16x32xi32, #tpu.memory_space<vmem>> -> memref<1x32xi32, #tpu.memory_space<vmem>>
      %dma_wait3A_315 = tpu.memref_squeeze %dma_wait3A_314 : memref<1x32xi32, #tpu.memory_space<vmem>> -> memref<32xi32, #tpu.memory_space<vmem>>
      %dma_wait3A_316 = arith.constant 0 : i32
      %dma_wait3A_317 = arith.constant 0 : i32
      %dma_wait3A_318 = tpu.memref_slice %arg18[%dma_wait3A_316, %dma_wait3A_317] : memref<10240x128xf32, #tpu.memory_space<vmem_shared>> -> memref<10240x128xf32, #tpu.memory_space<vmem_shared>>
      tpu.wait_indirect_dma semaphore(%arg23 : memref<!tpu.dma_semaphore, #tpu.memory_space<semaphore_mem>>) src(%arg14 : memref<32x128xf32, #tpu.memory_space<vmem>>) dst(%dma_wait3A_318 : memref<10240x128xf32, #tpu.memory_space<vmem_shared>>)
      %dma_start3A_319 = arith.constant 3 : i32
      %dma_start3A_320 = arith.constant 0 : i32
      %dma_start3A_321 = tpu.memref_slice %arg10[%dma_start3A_319, %dma_start3A_320] : memref<16x32xi32, #tpu.memory_space<vmem>> -> memref<1x32xi32, #tpu.memory_space<vmem>>
      %dma_start3A_322 = tpu.memref_squeeze %dma_start3A_321 : memref<1x32xi32, #tpu.memory_space<vmem>> -> memref<32xi32, #tpu.memory_space<vmem>>
      %dma_start3A_323 = arith.constant 0 : i32
      %dma_start3A_324 = arith.constant 0 : i32
      %dma_start3A_325 = tpu.memref_slice %arg2[%dma_start3A_323, %dma_start3A_324] : memref<10000x128xf32, #tpu.memory_space<hbm>> -> memref<10000x128xf32, #tpu.memory_space<hbm>>
      tpu.enqueue_indirect_dma source(%dma_start3A_325 : memref<10000x128xf32, #tpu.memory_space<hbm>>) target(%arg14 : memref<32x128xf32, #tpu.memory_space<vmem>>) offsets(%dma_start3A_322 : memref<32xi32, #tpu.memory_space<vmem>>) semaphore(%arg20 : memref<!tpu.dma_semaphore, #tpu.memory_space<semaphore_mem>>)
      %dma_start3A_326 = arith.constant 1 : i32
      %dma_start3A_327 = arith.constant 0 : i32
      %dma_start3A_328 = tpu.memref_slice %arg17[%dma_start3A_327] : memref<64xf32, #tpu.memory_space<vmem>> -> memref<32xf32, #tpu.memory_space<vmem>>
      %dma_start3A_329 = arith.constant 0 : i32
      %dma_start3A_330 = tpu.memref_slice %arg11[%dma_start3A_326, %dma_start3A_329] : memref<16x32xi32, #tpu.memory_space<vmem>> -> memref<1x32xi32, #tpu.memory_space<vmem>>
      %dma_start3A_331 = tpu.memref_squeeze %dma_start3A_330 : memref<1x32xi32, #tpu.memory_space<vmem>> -> memref<32xi32, #tpu.memory_space<vmem>>
      %dma_start3A_332 = arith.constant 0 : i32
      %dma_start3A_333 = tpu.memref_slice %arg19[%dma_start3A_332] : memref<10240xf32, #tpu.memory_space<vmem_shared>> -> memref<10240xf32, #tpu.memory_space<vmem_shared>>
      tpu.enqueue_indirect_dma source(%dma_start3A_328 : memref<32xf32, #tpu.memory_space<vmem>>) target(%dma_start3A_333 : memref<10240xf32, #tpu.memory_space<vmem_shared>>) offsets(%dma_start3A_331 : memref<32xi32, #tpu.memory_space<vmem>>) semaphore(%arg26 : memref<!tpu.dma_semaphore, #tpu.memory_space<semaphore_mem>>) {add = true}
      %dma_wait3A_334 = arith.constant 0 : i32
      %dma_wait3A_335 = arith.constant 0 : i32
      %dma_wait3A_336 = tpu.memref_slice %arg17[%dma_wait3A_335] : memref<64xf32, #tpu.memory_space<vmem>> -> memref<32xf32, #tpu.memory_space<vmem>>
      %dma_wait3A_337 = arith.constant 0 : i32
      %dma_wait3A_338 = tpu.memref_slice %arg11[%dma_wait3A_334, %dma_wait3A_337] : memref<16x32xi32, #tpu.memory_space<vmem>> -> memref<1x32xi32, #tpu.memory_space<vmem>>
      %dma_wait3A_339 = tpu.memref_squeeze %dma_wait3A_338 : memref<1x32xi32, #tpu.memory_space<vmem>> -> memref<32xi32, #tpu.memory_space<vmem>>
      %dma_wait3A_340 = arith.constant 0 : i32
      %dma_wait3A_341 = tpu.memref_slice %arg19[%dma_wait3A_340] : memref<10240xf32, #tpu.memory_space<vmem_shared>> -> memref<10240xf32, #tpu.memory_space<vmem_shared>>
      tpu.wait_indirect_dma semaphore(%arg26 : memref<!tpu.dma_semaphore, #tpu.memory_space<semaphore_mem>>) src(%dma_wait3A_336 : memref<32xf32, #tpu.memory_space<vmem>>) dst(%dma_wait3A_341 : memref<10240xf32, #tpu.memory_space<vmem_shared>>)
      %dma_wait3A_342 = arith.constant 2 : i32
      %dma_wait3A_343 = arith.constant 0 : i32
      %dma_wait3A_344 = tpu.memref_slice %arg10[%dma_wait3A_342, %dma_wait3A_343] : memref<16x32xi32, #tpu.memory_space<vmem>> -> memref<1x32xi32, #tpu.memory_space<vmem>>
      %dma_wait3A_345 = tpu.memref_squeeze %dma_wait3A_344 : memref<1x32xi32, #tpu.memory_space<vmem>> -> memref<32xi32, #tpu.memory_space<vmem>>
      %dma_wait3A_346 = arith.constant 0 : i32
      %dma_wait3A_347 = arith.constant 0 : i32
      %dma_wait3A_348 = tpu.memref_slice %arg2[%dma_wait3A_346, %dma_wait3A_347] : memref<10000x128xf32, #tpu.memory_space<hbm>> -> memref<10000x128xf32, #tpu.memory_space<hbm>>
      tpu.wait_indirect_dma semaphore(%arg22 : memref<!tpu.dma_semaphore, #tpu.memory_space<semaphore_mem>>) src(%dma_wait3A_348 : memref<10000x128xf32, #tpu.memory_space<hbm>>) dst(%arg16 : memref<32x128xf32, #tpu.memory_space<vmem>>)
      %dma_start3A_349 = arith.constant 2 : i32
      %dma_start3A_350 = arith.constant 0 : i32
      %dma_start3A_351 = tpu.memref_slice %arg11[%dma_start3A_349, %dma_start3A_350] : memref<16x32xi32, #tpu.memory_space<vmem>> -> memref<1x32xi32, #tpu.memory_space<vmem>>
      %dma_start3A_352 = tpu.memref_squeeze %dma_start3A_351 : memref<1x32xi32, #tpu.memory_space<vmem>> -> memref<32xi32, #tpu.memory_space<vmem>>
      %dma_start3A_353 = arith.constant 0 : i32
      %dma_start3A_354 = arith.constant 0 : i32
      %dma_start3A_355 = tpu.memref_slice %arg18[%dma_start3A_353, %dma_start3A_354] : memref<10240x128xf32, #tpu.memory_space<vmem_shared>> -> memref<10240x128xf32, #tpu.memory_space<vmem_shared>>
      tpu.enqueue_indirect_dma source(%arg16 : memref<32x128xf32, #tpu.memory_space<vmem>>) target(%dma_start3A_355 : memref<10240x128xf32, #tpu.memory_space<vmem_shared>>) offsets(%dma_start3A_352 : memref<32xi32, #tpu.memory_space<vmem>>) semaphore(%arg25 : memref<!tpu.dma_semaphore, #tpu.memory_space<semaphore_mem>>) {add = true}
      %dma_wait3A_356 = arith.constant 1 : i32
      %dma_wait3A_357 = arith.constant 0 : i32
      %dma_wait3A_358 = tpu.memref_slice %arg11[%dma_wait3A_356, %dma_wait3A_357] : memref<16x32xi32, #tpu.memory_space<vmem>> -> memref<1x32xi32, #tpu.memory_space<vmem>>
      %dma_wait3A_359 = tpu.memref_squeeze %dma_wait3A_358 : memref<1x32xi32, #tpu.memory_space<vmem>> -> memref<32xi32, #tpu.memory_space<vmem>>
      %dma_wait3A_360 = arith.constant 0 : i32
      %dma_wait3A_361 = arith.constant 0 : i32
      %dma_wait3A_362 = tpu.memref_slice %arg18[%dma_wait3A_360, %dma_wait3A_361] : memref<10240x128xf32, #tpu.memory_space<vmem_shared>> -> memref<10240x128xf32, #tpu.memory_space<vmem_shared>>
      tpu.wait_indirect_dma semaphore(%arg24 : memref<!tpu.dma_semaphore, #tpu.memory_space<semaphore_mem>>) src(%arg15 : memref<32x128xf32, #tpu.memory_space<vmem>>) dst(%dma_wait3A_362 : memref<10240x128xf32, #tpu.memory_space<vmem_shared>>)
      %dma_start3A_363 = arith.constant 4 : i32
      %dma_start3A_364 = arith.constant 0 : i32
      %dma_start3A_365 = tpu.memref_slice %arg10[%dma_start3A_363, %dma_start3A_364] : memref<16x32xi32, #tpu.memory_space<vmem>> -> memref<1x32xi32, #tpu.memory_space<vmem>>
      %dma_start3A_366 = tpu.memref_squeeze %dma_start3A_365 : memref<1x32xi32, #tpu.memory_space<vmem>> -> memref<32xi32, #tpu.memory_space<vmem>>
      %dma_start3A_367 = arith.constant 0 : i32
      %dma_start3A_368 = arith.constant 0 : i32
      %dma_start3A_369 = tpu.memref_slice %arg2[%dma_start3A_367, %dma_start3A_368] : memref<10000x128xf32, #tpu.memory_space<hbm>> -> memref<10000x128xf32, #tpu.memory_space<hbm>>
      tpu.enqueue_indirect_dma source(%dma_start3A_369 : memref<10000x128xf32, #tpu.memory_space<hbm>>) target(%arg15 : memref<32x128xf32, #tpu.memory_space<vmem>>) offsets(%dma_start3A_366 : memref<32xi32, #tpu.memory_space<vmem>>) semaphore(%arg21 : memref<!tpu.dma_semaphore, #tpu.memory_space<semaphore_mem>>)
      %dma_start3A_370 = arith.constant 2 : i32
      %dma_start3A_371 = arith.constant 0 : i32
      %dma_start3A_372 = tpu.memref_slice %arg17[%dma_start3A_371] : memref<64xf32, #tpu.memory_space<vmem>> -> memref<32xf32, #tpu.memory_space<vmem>>
      %dma_start3A_373 = arith.constant 0 : i32
      %dma_start3A_374 = tpu.memref_slice %arg11[%dma_start3A_370, %dma_start3A_373] : memref<16x32xi32, #tpu.memory_space<vmem>> -> memref<1x32xi32, #tpu.memory_space<vmem>>
      %dma_start3A_375 = tpu.memref_squeeze %dma_start3A_374 : memref<1x32xi32, #tpu.memory_space<vmem>> -> memref<32xi32, #tpu.memory_space<vmem>>
      %dma_start3A_376 = arith.constant 0 : i32
      %dma_start3A_377 = tpu.memref_slice %arg19[%dma_start3A_376] : memref<10240xf32, #tpu.memory_space<vmem_shared>> -> memref<10240xf32, #tpu.memory_space<vmem_shared>>
      tpu.enqueue_indirect_dma source(%dma_start3A_372 : memref<32xf32, #tpu.memory_space<vmem>>) target(%dma_start3A_377 : memref<10240xf32, #tpu.memory_space<vmem_shared>>) offsets(%dma_start3A_375 : memref<32xi32, #tpu.memory_space<vmem>>) semaphore(%arg26 : memref<!tpu.dma_semaphore, #tpu.memory_space<semaphore_mem>>) {add = true}
      %dma_wait3A_378 = arith.constant 1 : i32
      %dma_wait3A_379 = arith.constant 0 : i32
      %dma_wait3A_380 = tpu.memref_slice %arg17[%dma_wait3A_379] : memref<64xf32, #tpu.memory_space<vmem>> -> memref<32xf32, #tpu.memory_space<vmem>>
      %dma_wait3A_381 = arith.constant 0 : i32
      %dma_wait3A_382 = tpu.memref_slice %arg11[%dma_wait3A_378, %dma_wait3A_381] : memref<16x32xi32, #tpu.memory_space<vmem>> -> memref<1x32xi32, #tpu.memory_space<vmem>>
      %dma_wait3A_383 = tpu.memref_squeeze %dma_wait3A_382 : memref<1x32xi32, #tpu.memory_space<vmem>> -> memref<32xi32, #tpu.memory_space<vmem>>
      %dma_wait3A_384 = arith.constant 0 : i32
      %dma_wait3A_385 = tpu.memref_slice %arg19[%dma_wait3A_384] : memref<10240xf32, #tpu.memory_space<vmem_shared>> -> memref<10240xf32, #tpu.memory_space<vmem_shared>>
      tpu.wait_indirect_dma semaphore(%arg26 : memref<!tpu.dma_semaphore, #tpu.memory_space<semaphore_mem>>) src(%dma_wait3A_380 : memref<32xf32, #tpu.memory_space<vmem>>) dst(%dma_wait3A_385 : memref<10240xf32, #tpu.memory_space<vmem_shared>>)
      %dma_wait3A_386 = arith.constant 3 : i32
      %dma_wait3A_387 = arith.constant 0 : i32
      %dma_wait3A_388 = tpu.memref_slice %arg10[%dma_wait3A_386, %dma_wait3A_387] : memref<16x32xi32, #tpu.memory_space<vmem>> -> memref<1x32xi32, #tpu.memory_space<vmem>>
      %dma_wait3A_389 = tpu.memref_squeeze %dma_wait3A_388 : memref<1x32xi32, #tpu.memory_space<vmem>> -> memref<32xi32, #tpu.memory_space<vmem>>
      %dma_wait3A_390 = arith.constant 0 : i32
      %dma_wait3A_391 = arith.constant 0 : i32
      %dma_wait3A_392 = tpu.memref_slice %arg2[%dma_wait3A_390, %dma_wait3A_391] : memref<10000x128xf32, #tpu.memory_space<hbm>> -> memref<10000x128xf32, #tpu.memory_space<hbm>>
      tpu.wait_indirect_dma semaphore(%arg20 : memref<!tpu.dma_semaphore, #tpu.memory_space<semaphore_mem>>) src(%dma_wait3A_392 : memref<10000x128xf32, #tpu.memory_space<hbm>>) dst(%arg14 : memref<32x128xf32, #tpu.memory_space<vmem>>)
      %dma_start3A_393 = arith.constant 3 : i32
      %dma_start3A_394 = arith.constant 0 : i32
      %dma_start3A_395 = tpu.memref_slice %arg11[%dma_start3A_393, %dma_start3A_394] : memref<16x32xi32, #tpu.memory_space<vmem>> -> memref<1x32xi32, #tpu.memory_space<vmem>>
      %dma_start3A_396 = tpu.memref_squeeze %dma_start3A_395 : memref<1x32xi32, #tpu.memory_space<vmem>> -> memref<32xi32, #tpu.memory_space<vmem>>
      %dma_start3A_397 = arith.constant 0 : i32
      %dma_start3A_398 = arith.constant 0 : i32
      %dma_start3A_399 = tpu.memref_slice %arg18[%dma_start3A_397, %dma_start3A_398] : memref<10240x128xf32, #tpu.memory_space<vmem_shared>> -> memref<10240x128xf32, #tpu.memory_space<vmem_shared>>
      tpu.enqueue_indirect_dma source(%arg14 : memref<32x128xf32, #tpu.memory_space<vmem>>) target(%dma_start3A_399 : memref<10240x128xf32, #tpu.memory_space<vmem_shared>>) offsets(%dma_start3A_396 : memref<32xi32, #tpu.memory_space<vmem>>) semaphore(%arg23 : memref<!tpu.dma_semaphore, #tpu.memory_space<semaphore_mem>>) {add = true}
      %dma_wait3A_400 = arith.constant 2 : i32
      %dma_wait3A_401 = arith.constant 0 : i32
      %dma_wait3A_402 = tpu.memref_slice %arg11[%dma_wait3A_400, %dma_wait3A_401] : memref<16x32xi32, #tpu.memory_space<vmem>> -> memref<1x32xi32, #tpu.memory_space<vmem>>
      %dma_wait3A_403 = tpu.memref_squeeze %dma_wait3A_402 : memref<1x32xi32, #tpu.memory_space<vmem>> -> memref<32xi32, #tpu.memory_space<vmem>>
      %dma_wait3A_404 = arith.constant 0 : i32
      %dma_wait3A_405 = arith.constant 0 : i32
      %dma_wait3A_406 = tpu.memref_slice %arg18[%dma_wait3A_404, %dma_wait3A_405] : memref<10240x128xf32, #tpu.memory_space<vmem_shared>> -> memref<10240x128xf32, #tpu.memory_space<vmem_shared>>
      tpu.wait_indirect_dma semaphore(%arg25 : memref<!tpu.dma_semaphore, #tpu.memory_space<semaphore_mem>>) src(%arg16 : memref<32x128xf32, #tpu.memory_space<vmem>>) dst(%dma_wait3A_406 : memref<10240x128xf32, #tpu.memory_space<vmem_shared>>)
      %dma_start3A_407 = arith.constant 5 : i32
      %dma_start3A_408 = arith.constant 0 : i32
      %dma_start3A_409 = tpu.memref_slice %arg10[%dma_start3A_407, %dma_start3A_408] : memref<16x32xi32, #tpu.memory_space<vmem>> -> memref<1x32xi32, #tpu.memory_space<vmem>>
      %dma_start3A_410 = tpu.memref_squeeze %dma_start3A_409 : memref<1x32xi32, #tpu.memory_space<vmem>> -> memref<32xi32, #tpu.memory_space<vmem>>
      %dma_start3A_411 = arith.constant 0 : i32
      %dma_start3A_412 = arith.constant 0 : i32
      %dma_start3A_413 = tpu.memref_slice %arg2[%dma_start3A_411, %dma_start3A_412] : memref<10000x128xf32, #tpu.memory_space<hbm>> -> memref<10000x128xf32, #tpu.memory_space<hbm>>
      tpu.enqueue_indirect_dma source(%dma_start3A_413 : memref<10000x128xf32, #tpu.memory_space<hbm>>) target(%arg16 : memref<32x128xf32, #tpu.memory_space<vmem>>) offsets(%dma_start3A_410 : memref<32xi32, #tpu.memory_space<vmem>>) semaphore(%arg22 : memref<!tpu.dma_semaphore, #tpu.memory_space<semaphore_mem>>)
      %dma_start3A_414 = arith.constant 3 : i32
      %dma_start3A_415 = arith.constant 0 : i32
      %dma_start3A_416 = tpu.memref_slice %arg17[%dma_start3A_415] : memref<64xf32, #tpu.memory_space<vmem>> -> memref<32xf32, #tpu.memory_space<vmem>>
      %dma_start3A_417 = arith.constant 0 : i32
      %dma_start3A_418 = tpu.memref_slice %arg11[%dma_start3A_414, %dma_start3A_417] : memref<16x32xi32, #tpu.memory_space<vmem>> -> memref<1x32xi32, #tpu.memory_space<vmem>>
      %dma_start3A_419 = tpu.memref_squeeze %dma_start3A_418 : memref<1x32xi32, #tpu.memory_space<vmem>> -> memref<32xi32, #tpu.memory_space<vmem>>
      %dma_start3A_420 = arith.constant 0 : i32
      %dma_start3A_421 = tpu.memref_slice %arg19[%dma_start3A_420] : memref<10240xf32, #tpu.memory_space<vmem_shared>> -> memref<10240xf32, #tpu.memory_space<vmem_shared>>
      tpu.enqueue_indirect_dma source(%dma_start3A_416 : memref<32xf32, #tpu.memory_space<vmem>>) target(%dma_start3A_421 : memref<10240xf32, #tpu.memory_space<vmem_shared>>) offsets(%dma_start3A_419 : memref<32xi32, #tpu.memory_space<vmem>>) semaphore(%arg26 : memref<!tpu.dma_semaphore, #tpu.memory_space<semaphore_mem>>) {add = true}
      %dma_wait3A_422 = arith.constant 2 : i32
      %dma_wait3A_423 = arith.constant 0 : i32
      %dma_wait3A_424 = tpu.memref_slice %arg17[%dma_wait3A_423] : memref<64xf32, #tpu.memory_space<vmem>> -> memref<32xf32, #tpu.memory_space<vmem>>
      %dma_wait3A_425 = arith.constant 0 : i32
      %dma_wait3A_426 = tpu.memref_slice %arg11[%dma_wait3A_422, %dma_wait3A_425] : memref<16x32xi32, #tpu.memory_space<vmem>> -> memref<1x32xi32, #tpu.memory_space<vmem>>
      %dma_wait3A_427 = tpu.memref_squeeze %dma_wait3A_426 : memref<1x32xi32, #tpu.memory_space<vmem>> -> memref<32xi32, #tpu.memory_space<vmem>>
      %dma_wait3A_428 = arith.constant 0 : i32
      %dma_wait3A_429 = tpu.memref_slice %arg19[%dma_wait3A_428] : memref<10240xf32, #tpu.memory_space<vmem_shared>> -> memref<10240xf32, #tpu.memory_space<vmem_shared>>
      tpu.wait_indirect_dma semaphore(%arg26 : memref<!tpu.dma_semaphore, #tpu.memory_space<semaphore_mem>>) src(%dma_wait3A_424 : memref<32xf32, #tpu.memory_space<vmem>>) dst(%dma_wait3A_429 : memref<10240xf32, #tpu.memory_space<vmem_shared>>)
      %dma_wait3A_430 = arith.constant 4 : i32
      %dma_wait3A_431 = arith.constant 0 : i32
      %dma_wait3A_432 = tpu.memref_slice %arg10[%dma_wait3A_430, %dma_wait3A_431] : memref<16x32xi32, #tpu.memory_space<vmem>> -> memref<1x32xi32, #tpu.memory_space<vmem>>
      %dma_wait3A_433 = tpu.memref_squeeze %dma_wait3A_432 : memref<1x32xi32, #tpu.memory_space<vmem>> -> memref<32xi32, #tpu.memory_space<vmem>>
      %dma_wait3A_434 = arith.constant 0 : i32
      %dma_wait3A_435 = arith.constant 0 : i32
      %dma_wait3A_436 = tpu.memref_slice %arg2[%dma_wait3A_434, %dma_wait3A_435] : memref<10000x128xf32, #tpu.memory_space<hbm>> -> memref<10000x128xf32, #tpu.memory_space<hbm>>
      tpu.wait_indirect_dma semaphore(%arg21 : memref<!tpu.dma_semaphore, #tpu.memory_space<semaphore_mem>>) src(%dma_wait3A_436 : memref<10000x128xf32, #tpu.memory_space<hbm>>) dst(%arg15 : memref<32x128xf32, #tpu.memory_space<vmem>>)
      %dma_start3A_437 = arith.constant 4 : i32
      %dma_start3A_438 = arith.constant 0 : i32
      %dma_start3A_439 = tpu.memref_slice %arg11[%dma_start3A_437, %dma_start3A_438] : memref<16x32xi32, #tpu.memory_space<vmem>> -> memref<1x32xi32, #tpu.memory_space<vmem>>
      %dma_start3A_440 = tpu.memref_squeeze %dma_start3A_439 : memref<1x32xi32, #tpu.memory_space<vmem>> -> memref<32xi32, #tpu.memory_space<vmem>>
      %dma_start3A_441 = arith.constant 0 : i32
      %dma_start3A_442 = arith.constant 0 : i32
      %dma_start3A_443 = tpu.memref_slice %arg18[%dma_start3A_441, %dma_start3A_442] : memref<10240x128xf32, #tpu.memory_space<vmem_shared>> -> memref<10240x128xf32, #tpu.memory_space<vmem_shared>>
      tpu.enqueue_indirect_dma source(%arg15 : memref<32x128xf32, #tpu.memory_space<vmem>>) target(%dma_start3A_443 : memref<10240x128xf32, #tpu.memory_space<vmem_shared>>) offsets(%dma_start3A_440 : memref<32xi32, #tpu.memory_space<vmem>>) semaphore(%arg24 : memref<!tpu.dma_semaphore, #tpu.memory_space<semaphore_mem>>) {add = true}
      %dma_wait3A_444 = arith.constant 3 : i32
      %dma_wait3A_445 = arith.constant 0 : i32
      %dma_wait3A_446 = tpu.memref_slice %arg11[%dma_wait3A_444, %dma_wait3A_445] : memref<16x32xi32, #tpu.memory_space<vmem>> -> memref<1x32xi32, #tpu.memory_space<vmem>>
      %dma_wait3A_447 = tpu.memref_squeeze %dma_wait3A_446 : memref<1x32xi32, #tpu.memory_space<vmem>> -> memref<32xi32, #tpu.memory_space<vmem>>
      %dma_wait3A_448 = arith.constant 0 : i32
      %dma_wait3A_449 = arith.constant 0 : i32
      %dma_wait3A_450 = tpu.memref_slice %arg18[%dma_wait3A_448, %dma_wait3A_449] : memref<10240x128xf32, #tpu.memory_space<vmem_shared>> -> memref<10240x128xf32, #tpu.memory_space<vmem_shared>>
      tpu.wait_indirect_dma semaphore(%arg23 : memref<!tpu.dma_semaphore, #tpu.memory_space<semaphore_mem>>) src(%arg14 : memref<32x128xf32, #tpu.memory_space<vmem>>) dst(%dma_wait3A_450 : memref<10240x128xf32, #tpu.memory_space<vmem_shared>>)
      %dma_start3A_451 = arith.constant 6 : i32
      %dma_start3A_452 = arith.constant 0 : i32
      %dma_start3A_453 = tpu.memref_slice %arg10[%dma_start3A_451, %dma_start3A_452] : memref<16x32xi32, #tpu.memory_space<vmem>> -> memref<1x32xi32, #tpu.memory_space<vmem>>
      %dma_start3A_454 = tpu.memref_squeeze %dma_start3A_453 : memref<1x32xi32, #tpu.memory_space<vmem>> -> memref<32xi32, #tpu.memory_space<vmem>>
      %dma_start3A_455 = arith.constant 0 : i32
      %dma_start3A_456 = arith.constant 0 : i32
      %dma_start3A_457 = tpu.memref_slice %arg2[%dma_start3A_455, %dma_start3A_456] : memref<10000x128xf32, #tpu.memory_space<hbm>> -> memref<10000x128xf32, #tpu.memory_space<hbm>>
      tpu.enqueue_indirect_dma source(%dma_start3A_457 : memref<10000x128xf32, #tpu.memory_space<hbm>>) target(%arg14 : memref<32x128xf32, #tpu.memory_space<vmem>>) offsets(%dma_start3A_454 : memref<32xi32, #tpu.memory_space<vmem>>) semaphore(%arg20 : memref<!tpu.dma_semaphore, #tpu.memory_space<semaphore_mem>>)
      %dma_start3A_458 = arith.constant 4 : i32
      %dma_start3A_459 = arith.constant 0 : i32
      %dma_start3A_460 = tpu.memref_slice %arg17[%dma_start3A_459] : memref<64xf32, #tpu.memory_space<vmem>> -> memref<32xf32, #tpu.memory_space<vmem>>
      %dma_start3A_461 = arith.constant 0 : i32
      %dma_start3A_462 = tpu.memref_slice %arg11[%dma_start3A_458, %dma_start3A_461] : memref<16x32xi32, #tpu.memory_space<vmem>> -> memref<1x32xi32, #tpu.memory_space<vmem>>
      %dma_start3A_463 = tpu.memref_squeeze %dma_start3A_462 : memref<1x32xi32, #tpu.memory_space<vmem>> -> memref<32xi32, #tpu.memory_space<vmem>>
      %dma_start3A_464 = arith.constant 0 : i32
      %dma_start3A_465 = tpu.memref_slice %arg19[%dma_start3A_464] : memref<10240xf32, #tpu.memory_space<vmem_shared>> -> memref<10240xf32, #tpu.memory_space<vmem_shared>>
      tpu.enqueue_indirect_dma source(%dma_start3A_460 : memref<32xf32, #tpu.memory_space<vmem>>) target(%dma_start3A_465 : memref<10240xf32, #tpu.memory_space<vmem_shared>>) offsets(%dma_start3A_463 : memref<32xi32, #tpu.memory_space<vmem>>) semaphore(%arg26 : memref<!tpu.dma_semaphore, #tpu.memory_space<semaphore_mem>>) {add = true}
      %dma_wait3A_466 = arith.constant 3 : i32
      %dma_wait3A_467 = arith.constant 0 : i32
      %dma_wait3A_468 = tpu.memref_slice %arg17[%dma_wait3A_467] : memref<64xf32, #tpu.memory_space<vmem>> -> memref<32xf32, #tpu.memory_space<vmem>>
      %dma_wait3A_469 = arith.constant 0 : i32
      %dma_wait3A_470 = tpu.memref_slice %arg11[%dma_wait3A_466, %dma_wait3A_469] : memref<16x32xi32, #tpu.memory_space<vmem>> -> memref<1x32xi32, #tpu.memory_space<vmem>>
      %dma_wait3A_471 = tpu.memref_squeeze %dma_wait3A_470 : memref<1x32xi32, #tpu.memory_space<vmem>> -> memref<32xi32, #tpu.memory_space<vmem>>
      %dma_wait3A_472 = arith.constant 0 : i32
      %dma_wait3A_473 = tpu.memref_slice %arg19[%dma_wait3A_472] : memref<10240xf32, #tpu.memory_space<vmem_shared>> -> memref<10240xf32, #tpu.memory_space<vmem_shared>>
      tpu.wait_indirect_dma semaphore(%arg26 : memref<!tpu.dma_semaphore, #tpu.memory_space<semaphore_mem>>) src(%dma_wait3A_468 : memref<32xf32, #tpu.memory_space<vmem>>) dst(%dma_wait3A_473 : memref<10240xf32, #tpu.memory_space<vmem_shared>>)
      %dma_wait3A_474 = arith.constant 5 : i32
      %dma_wait3A_475 = arith.constant 0 : i32
      %dma_wait3A_476 = tpu.memref_slice %arg10[%dma_wait3A_474, %dma_wait3A_475] : memref<16x32xi32, #tpu.memory_space<vmem>> -> memref<1x32xi32, #tpu.memory_space<vmem>>
      %dma_wait3A_477 = tpu.memref_squeeze %dma_wait3A_476 : memref<1x32xi32, #tpu.memory_space<vmem>> -> memref<32xi32, #tpu.memory_space<vmem>>
      %dma_wait3A_478 = arith.constant 0 : i32
      %dma_wait3A_479 = arith.constant 0 : i32
      %dma_wait3A_480 = tpu.memref_slice %arg2[%dma_wait3A_478, %dma_wait3A_479] : memref<10000x128xf32, #tpu.memory_space<hbm>> -> memref<10000x128xf32, #tpu.memory_space<hbm>>
      tpu.wait_indirect_dma semaphore(%arg22 : memref<!tpu.dma_semaphore, #tpu.memory_space<semaphore_mem>>) src(%dma_wait3A_480 : memref<10000x128xf32, #tpu.memory_space<hbm>>) dst(%arg16 : memref<32x128xf32, #tpu.memory_space<vmem>>)
      %dma_start3A_481 = arith.constant 5 : i32
      %dma_start3A_482 = arith.constant 0 : i32
      %dma_start3A_483 = tpu.memref_slice %arg11[%dma_start3A_481, %dma_start3A_482] : memref<16x32xi32, #tpu.memory_space<vmem>> -> memref<1x32xi32, #tpu.memory_space<vmem>>
      %dma_start3A_484 = tpu.memref_squeeze %dma_start3A_483 : memref<1x32xi32, #tpu.memory_space<vmem>> -> memref<32xi32, #tpu.memory_space<vmem>>
      %dma_start3A_485 = arith.constant 0 : i32
      %dma_start3A_486 = arith.constant 0 : i32
      %dma_start3A_487 = tpu.memref_slice %arg18[%dma_start3A_485, %dma_start3A_486] : memref<10240x128xf32, #tpu.memory_space<vmem_shared>> -> memref<10240x128xf32, #tpu.memory_space<vmem_shared>>
      tpu.enqueue_indirect_dma source(%arg16 : memref<32x128xf32, #tpu.memory_space<vmem>>) target(%dma_start3A_487 : memref<10240x128xf32, #tpu.memory_space<vmem_shared>>) offsets(%dma_start3A_484 : memref<32xi32, #tpu.memory_space<vmem>>) semaphore(%arg25 : memref<!tpu.dma_semaphore, #tpu.memory_space<semaphore_mem>>) {add = true}
      %dma_wait3A_488 = arith.constant 4 : i32
      %dma_wait3A_489 = arith.constant 0 : i32
      %dma_wait3A_490 = tpu.memref_slice %arg11[%dma_wait3A_488, %dma_wait3A_489] : memref<16x32xi32, #tpu.memory_space<vmem>> -> memref<1x32xi32, #tpu.memory_space<vmem>>
      %dma_wait3A_491 = tpu.memref_squeeze %dma_wait3A_490 : memref<1x32xi32, #tpu.memory_space<vmem>> -> memref<32xi32, #tpu.memory_space<vmem>>
      %dma_wait3A_492 = arith.constant 0 : i32
      %dma_wait3A_493 = arith.constant 0 : i32
      %dma_wait3A_494 = tpu.memref_slice %arg18[%dma_wait3A_492, %dma_wait3A_493] : memref<10240x128xf32, #tpu.memory_space<vmem_shared>> -> memref<10240x128xf32, #tpu.memory_space<vmem_shared>>
      tpu.wait_indirect_dma semaphore(%arg24 : memref<!tpu.dma_semaphore, #tpu.memory_space<semaphore_mem>>) src(%arg15 : memref<32x128xf32, #tpu.memory_space<vmem>>) dst(%dma_wait3A_494 : memref<10240x128xf32, #tpu.memory_space<vmem_shared>>)
      %dma_start3A_495 = arith.constant 7 : i32
      %dma_start3A_496 = arith.constant 0 : i32
      %dma_start3A_497 = tpu.memref_slice %arg10[%dma_start3A_495, %dma_start3A_496] : memref<16x32xi32, #tpu.memory_space<vmem>> -> memref<1x32xi32, #tpu.memory_space<vmem>>
      %dma_start3A_498 = tpu.memref_squeeze %dma_start3A_497 : memref<1x32xi32, #tpu.memory_space<vmem>> -> memref<32xi32, #tpu.memory_space<vmem>>
      %dma_start3A_499 = arith.constant 0 : i32
      %dma_start3A_500 = arith.constant 0 : i32
      %dma_start3A_501 = tpu.memref_slice %arg2[%dma_start3A_499, %dma_start3A_500] : memref<10000x128xf32, #tpu.memory_space<hbm>> -> memref<10000x128xf32, #tpu.memory_space<hbm>>
      tpu.enqueue_indirect_dma source(%dma_start3A_501 : memref<10000x128xf32, #tpu.memory_space<hbm>>) target(%arg15 : memref<32x128xf32, #tpu.memory_space<vmem>>) offsets(%dma_start3A_498 : memref<32xi32, #tpu.memory_space<vmem>>) semaphore(%arg21 : memref<!tpu.dma_semaphore, #tpu.memory_space<semaphore_mem>>)
      %dma_start3A_502 = arith.constant 5 : i32
      %dma_start3A_503 = arith.constant 0 : i32
      %dma_start3A_504 = tpu.memref_slice %arg17[%dma_start3A_503] : memref<64xf32, #tpu.memory_space<vmem>> -> memref<32xf32, #tpu.memory_space<vmem>>
      %dma_start3A_505 = arith.constant 0 : i32
      %dma_start3A_506 = tpu.memref_slice %arg11[%dma_start3A_502, %dma_start3A_505] : memref<16x32xi32, #tpu.memory_space<vmem>> -> memref<1x32xi32, #tpu.memory_space<vmem>>
      %dma_start3A_507 = tpu.memref_squeeze %dma_start3A_506 : memref<1x32xi32, #tpu.memory_space<vmem>> -> memref<32xi32, #tpu.memory_space<vmem>>
      %dma_start3A_508 = arith.constant 0 : i32
      %dma_start3A_509 = tpu.memref_slice %arg19[%dma_start3A_508] : memref<10240xf32, #tpu.memory_space<vmem_shared>> -> memref<10240xf32, #tpu.memory_space<vmem_shared>>
      tpu.enqueue_indirect_dma source(%dma_start3A_504 : memref<32xf32, #tpu.memory_space<vmem>>) target(%dma_start3A_509 : memref<10240xf32, #tpu.memory_space<vmem_shared>>) offsets(%dma_start3A_507 : memref<32xi32, #tpu.memory_space<vmem>>) semaphore(%arg26 : memref<!tpu.dma_semaphore, #tpu.memory_space<semaphore_mem>>) {add = true}
      %dma_wait3A_510 = arith.constant 4 : i32
      %dma_wait3A_511 = arith.constant 0 : i32
      %dma_wait3A_512 = tpu.memref_slice %arg17[%dma_wait3A_511] : memref<64xf32, #tpu.memory_space<vmem>> -> memref<32xf32, #tpu.memory_space<vmem>>
      %dma_wait3A_513 = arith.constant 0 : i32
      %dma_wait3A_514 = tpu.memref_slice %arg11[%dma_wait3A_510, %dma_wait3A_513] : memref<16x32xi32, #tpu.memory_space<vmem>> -> memref<1x32xi32, #tpu.memory_space<vmem>>
      %dma_wait3A_515 = tpu.memref_squeeze %dma_wait3A_514 : memref<1x32xi32, #tpu.memory_space<vmem>> -> memref<32xi32, #tpu.memory_space<vmem>>
      %dma_wait3A_516 = arith.constant 0 : i32
      %dma_wait3A_517 = tpu.memref_slice %arg19[%dma_wait3A_516] : memref<10240xf32, #tpu.memory_space<vmem_shared>> -> memref<10240xf32, #tpu.memory_space<vmem_shared>>
      tpu.wait_indirect_dma semaphore(%arg26 : memref<!tpu.dma_semaphore, #tpu.memory_space<semaphore_mem>>) src(%dma_wait3A_512 : memref<32xf32, #tpu.memory_space<vmem>>) dst(%dma_wait3A_517 : memref<10240xf32, #tpu.memory_space<vmem_shared>>)
      %dma_wait3A_518 = arith.constant 6 : i32
      %dma_wait3A_519 = arith.constant 0 : i32
      %dma_wait3A_520 = tpu.memref_slice %arg10[%dma_wait3A_518, %dma_wait3A_519] : memref<16x32xi32, #tpu.memory_space<vmem>> -> memref<1x32xi32, #tpu.memory_space<vmem>>
      %dma_wait3A_521 = tpu.memref_squeeze %dma_wait3A_520 : memref<1x32xi32, #tpu.memory_space<vmem>> -> memref<32xi32, #tpu.memory_space<vmem>>
      %dma_wait3A_522 = arith.constant 0 : i32
      %dma_wait3A_523 = arith.constant 0 : i32
      %dma_wait3A_524 = tpu.memref_slice %arg2[%dma_wait3A_522, %dma_wait3A_523] : memref<10000x128xf32, #tpu.memory_space<hbm>> -> memref<10000x128xf32, #tpu.memory_space<hbm>>
      tpu.wait_indirect_dma semaphore(%arg20 : memref<!tpu.dma_semaphore, #tpu.memory_space<semaphore_mem>>) src(%dma_wait3A_524 : memref<10000x128xf32, #tpu.memory_space<hbm>>) dst(%arg14 : memref<32x128xf32, #tpu.memory_space<vmem>>)
      %dma_start3A_525 = arith.constant 6 : i32
      %dma_start3A_526 = arith.constant 0 : i32
      %dma_start3A_527 = tpu.memref_slice %arg11[%dma_start3A_525, %dma_start3A_526] : memref<16x32xi32, #tpu.memory_space<vmem>> -> memref<1x32xi32, #tpu.memory_space<vmem>>
      %dma_start3A_528 = tpu.memref_squeeze %dma_start3A_527 : memref<1x32xi32, #tpu.memory_space<vmem>> -> memref<32xi32, #tpu.memory_space<vmem>>
      %dma_start3A_529 = arith.constant 0 : i32
      %dma_start3A_530 = arith.constant 0 : i32
      %dma_start3A_531 = tpu.memref_slice %arg18[%dma_start3A_529, %dma_start3A_530] : memref<10240x128xf32, #tpu.memory_space<vmem_shared>> -> memref<10240x128xf32, #tpu.memory_space<vmem_shared>>
      tpu.enqueue_indirect_dma source(%arg14 : memref<32x128xf32, #tpu.memory_space<vmem>>) target(%dma_start3A_531 : memref<10240x128xf32, #tpu.memory_space<vmem_shared>>) offsets(%dma_start3A_528 : memref<32xi32, #tpu.memory_space<vmem>>) semaphore(%arg23 : memref<!tpu.dma_semaphore, #tpu.memory_space<semaphore_mem>>) {add = true}
      %dma_wait3A_532 = arith.constant 5 : i32
      %dma_wait3A_533 = arith.constant 0 : i32
      %dma_wait3A_534 = tpu.memref_slice %arg11[%dma_wait3A_532, %dma_wait3A_533] : memref<16x32xi32, #tpu.memory_space<vmem>> -> memref<1x32xi32, #tpu.memory_space<vmem>>
      %dma_wait3A_535 = tpu.memref_squeeze %dma_wait3A_534 : memref<1x32xi32, #tpu.memory_space<vmem>> -> memref<32xi32, #tpu.memory_space<vmem>>
      %dma_wait3A_536 = arith.constant 0 : i32
      %dma_wait3A_537 = arith.constant 0 : i32
      %dma_wait3A_538 = tpu.memref_slice %arg18[%dma_wait3A_536, %dma_wait3A_537] : memref<10240x128xf32, #tpu.memory_space<vmem_shared>> -> memref<10240x128xf32, #tpu.memory_space<vmem_shared>>
      tpu.wait_indirect_dma semaphore(%arg25 : memref<!tpu.dma_semaphore, #tpu.memory_space<semaphore_mem>>) src(%arg16 : memref<32x128xf32, #tpu.memory_space<vmem>>) dst(%dma_wait3A_538 : memref<10240x128xf32, #tpu.memory_space<vmem_shared>>)
      %dma_start3A_539 = arith.constant 8 : i32
      %dma_start3A_540 = arith.constant 0 : i32
      %dma_start3A_541 = tpu.memref_slice %arg10[%dma_start3A_539, %dma_start3A_540] : memref<16x32xi32, #tpu.memory_space<vmem>> -> memref<1x32xi32, #tpu.memory_space<vmem>>
      %dma_start3A_542 = tpu.memref_squeeze %dma_start3A_541 : memref<1x32xi32, #tpu.memory_space<vmem>> -> memref<32xi32, #tpu.memory_space<vmem>>
      %dma_start3A_543 = arith.constant 0 : i32
      %dma_start3A_544 = arith.constant 0 : i32
      %dma_start3A_545 = tpu.memref_slice %arg2[%dma_start3A_543, %dma_start3A_544] : memref<10000x128xf32, #tpu.memory_space<hbm>> -> memref<10000x128xf32, #tpu.memory_space<hbm>>
      tpu.enqueue_indirect_dma source(%dma_start3A_545 : memref<10000x128xf32, #tpu.memory_space<hbm>>) target(%arg16 : memref<32x128xf32, #tpu.memory_space<vmem>>) offsets(%dma_start3A_542 : memref<32xi32, #tpu.memory_space<vmem>>) semaphore(%arg22 : memref<!tpu.dma_semaphore, #tpu.memory_space<semaphore_mem>>)
      %dma_start3A_546 = arith.constant 6 : i32
      %dma_start3A_547 = arith.constant 0 : i32
      %dma_start3A_548 = tpu.memref_slice %arg17[%dma_start3A_547] : memref<64xf32, #tpu.memory_space<vmem>> -> memref<32xf32, #tpu.memory_space<vmem>>
      %dma_start3A_549 = arith.constant 0 : i32
      %dma_start3A_550 = tpu.memref_slice %arg11[%dma_start3A_546, %dma_start3A_549] : memref<16x32xi32, #tpu.memory_space<vmem>> -> memref<1x32xi32, #tpu.memory_space<vmem>>
      %dma_start3A_551 = tpu.memref_squeeze %dma_start3A_550 : memref<1x32xi32, #tpu.memory_space<vmem>> -> memref<32xi32, #tpu.memory_space<vmem>>
      %dma_start3A_552 = arith.constant 0 : i32
      %dma_start3A_553 = tpu.memref_slice %arg19[%dma_start3A_552] : memref<10240xf32, #tpu.memory_space<vmem_shared>> -> memref<10240xf32, #tpu.memory_space<vmem_shared>>
      tpu.enqueue_indirect_dma source(%dma_start3A_548 : memref<32xf32, #tpu.memory_space<vmem>>) target(%dma_start3A_553 : memref<10240xf32, #tpu.memory_space<vmem_shared>>) offsets(%dma_start3A_551 : memref<32xi32, #tpu.memory_space<vmem>>) semaphore(%arg26 : memref<!tpu.dma_semaphore, #tpu.memory_space<semaphore_mem>>) {add = true}
      %dma_wait3A_554 = arith.constant 5 : i32
      %dma_wait3A_555 = arith.constant 0 : i32
      %dma_wait3A_556 = tpu.memref_slice %arg17[%dma_wait3A_555] : memref<64xf32, #tpu.memory_space<vmem>> -> memref<32xf32, #tpu.memory_space<vmem>>
      %dma_wait3A_557 = arith.constant 0 : i32
      %dma_wait3A_558 = tpu.memref_slice %arg11[%dma_wait3A_554, %dma_wait3A_557] : memref<16x32xi32, #tpu.memory_space<vmem>> -> memref<1x32xi32, #tpu.memory_space<vmem>>
      %dma_wait3A_559 = tpu.memref_squeeze %dma_wait3A_558 : memref<1x32xi32, #tpu.memory_space<vmem>> -> memref<32xi32, #tpu.memory_space<vmem>>
      %dma_wait3A_560 = arith.constant 0 : i32
      %dma_wait3A_561 = tpu.memref_slice %arg19[%dma_wait3A_560] : memref<10240xf32, #tpu.memory_space<vmem_shared>> -> memref<10240xf32, #tpu.memory_space<vmem_shared>>
      tpu.wait_indirect_dma semaphore(%arg26 : memref<!tpu.dma_semaphore, #tpu.memory_space<semaphore_mem>>) src(%dma_wait3A_556 : memref<32xf32, #tpu.memory_space<vmem>>) dst(%dma_wait3A_561 : memref<10240xf32, #tpu.memory_space<vmem_shared>>)
      %dma_wait3A_562 = arith.constant 7 : i32
      %dma_wait3A_563 = arith.constant 0 : i32
      %dma_wait3A_564 = tpu.memref_slice %arg10[%dma_wait3A_562, %dma_wait3A_563] : memref<16x32xi32, #tpu.memory_space<vmem>> -> memref<1x32xi32, #tpu.memory_space<vmem>>
      %dma_wait3A_565 = tpu.memref_squeeze %dma_wait3A_564 : memref<1x32xi32, #tpu.memory_space<vmem>> -> memref<32xi32, #tpu.memory_space<vmem>>
      %dma_wait3A_566 = arith.constant 0 : i32
      %dma_wait3A_567 = arith.constant 0 : i32
      %dma_wait3A_568 = tpu.memref_slice %arg2[%dma_wait3A_566, %dma_wait3A_567] : memref<10000x128xf32, #tpu.memory_space<hbm>> -> memref<10000x128xf32, #tpu.memory_space<hbm>>
      tpu.wait_indirect_dma semaphore(%arg21 : memref<!tpu.dma_semaphore, #tpu.memory_space<semaphore_mem>>) src(%dma_wait3A_568 : memref<10000x128xf32, #tpu.memory_space<hbm>>) dst(%arg15 : memref<32x128xf32, #tpu.memory_space<vmem>>)
      %dma_start3A_569 = arith.constant 7 : i32
      %dma_start3A_570 = arith.constant 0 : i32
      %dma_start3A_571 = tpu.memref_slice %arg11[%dma_start3A_569, %dma_start3A_570] : memref<16x32xi32, #tpu.memory_space<vmem>> -> memref<1x32xi32, #tpu.memory_space<vmem>>
      %dma_start3A_572 = tpu.memref_squeeze %dma_start3A_571 : memref<1x32xi32, #tpu.memory_space<vmem>> -> memref<32xi32, #tpu.memory_space<vmem>>
      %dma_start3A_573 = arith.constant 0 : i32
      %dma_start3A_574 = arith.constant 0 : i32
      %dma_start3A_575 = tpu.memref_slice %arg18[%dma_start3A_573, %dma_start3A_574] : memref<10240x128xf32, #tpu.memory_space<vmem_shared>> -> memref<10240x128xf32, #tpu.memory_space<vmem_shared>>
      tpu.enqueue_indirect_dma source(%arg15 : memref<32x128xf32, #tpu.memory_space<vmem>>) target(%dma_start3A_575 : memref<10240x128xf32, #tpu.memory_space<vmem_shared>>) offsets(%dma_start3A_572 : memref<32xi32, #tpu.memory_space<vmem>>) semaphore(%arg24 : memref<!tpu.dma_semaphore, #tpu.memory_space<semaphore_mem>>) {add = true}
      %dma_wait3A_576 = arith.constant 6 : i32
      %dma_wait3A_577 = arith.constant 0 : i32
      %dma_wait3A_578 = tpu.memref_slice %arg11[%dma_wait3A_576, %dma_wait3A_577] : memref<16x32xi32, #tpu.memory_space<vmem>> -> memref<1x32xi32, #tpu.memory_space<vmem>>
      %dma_wait3A_579 = tpu.memref_squeeze %dma_wait3A_578 : memref<1x32xi32, #tpu.memory_space<vmem>> -> memref<32xi32, #tpu.memory_space<vmem>>
      %dma_wait3A_580 = arith.constant 0 : i32
      %dma_wait3A_581 = arith.constant 0 : i32
      %dma_wait3A_582 = tpu.memref_slice %arg18[%dma_wait3A_580, %dma_wait3A_581] : memref<10240x128xf32, #tpu.memory_space<vmem_shared>> -> memref<10240x128xf32, #tpu.memory_space<vmem_shared>>
      tpu.wait_indirect_dma semaphore(%arg23 : memref<!tpu.dma_semaphore, #tpu.memory_space<semaphore_mem>>) src(%arg14 : memref<32x128xf32, #tpu.memory_space<vmem>>) dst(%dma_wait3A_582 : memref<10240x128xf32, #tpu.memory_space<vmem_shared>>)
      %dma_start3A_583 = arith.constant 9 : i32
      %dma_start3A_584 = arith.constant 0 : i32
      %dma_start3A_585 = tpu.memref_slice %arg10[%dma_start3A_583, %dma_start3A_584] : memref<16x32xi32, #tpu.memory_space<vmem>> -> memref<1x32xi32, #tpu.memory_space<vmem>>
      %dma_start3A_586 = tpu.memref_squeeze %dma_start3A_585 : memref<1x32xi32, #tpu.memory_space<vmem>> -> memref<32xi32, #tpu.memory_space<vmem>>
      %dma_start3A_587 = arith.constant 0 : i32
      %dma_start3A_588 = arith.constant 0 : i32
      %dma_start3A_589 = tpu.memref_slice %arg2[%dma_start3A_587, %dma_start3A_588] : memref<10000x128xf32, #tpu.memory_space<hbm>> -> memref<10000x128xf32, #tpu.memory_space<hbm>>
      tpu.enqueue_indirect_dma source(%dma_start3A_589 : memref<10000x128xf32, #tpu.memory_space<hbm>>) target(%arg14 : memref<32x128xf32, #tpu.memory_space<vmem>>) offsets(%dma_start3A_586 : memref<32xi32, #tpu.memory_space<vmem>>) semaphore(%arg20 : memref<!tpu.dma_semaphore, #tpu.memory_space<semaphore_mem>>)
      %dma_start3A_590 = arith.constant 7 : i32
      %dma_start3A_591 = arith.constant 0 : i32
      %dma_start3A_592 = tpu.memref_slice %arg17[%dma_start3A_591] : memref<64xf32, #tpu.memory_space<vmem>> -> memref<32xf32, #tpu.memory_space<vmem>>
      %dma_start3A_593 = arith.constant 0 : i32
      %dma_start3A_594 = tpu.memref_slice %arg11[%dma_start3A_590, %dma_start3A_593] : memref<16x32xi32, #tpu.memory_space<vmem>> -> memref<1x32xi32, #tpu.memory_space<vmem>>
      %dma_start3A_595 = tpu.memref_squeeze %dma_start3A_594 : memref<1x32xi32, #tpu.memory_space<vmem>> -> memref<32xi32, #tpu.memory_space<vmem>>
      %dma_start3A_596 = arith.constant 0 : i32
      %dma_start3A_597 = tpu.memref_slice %arg19[%dma_start3A_596] : memref<10240xf32, #tpu.memory_space<vmem_shared>> -> memref<10240xf32, #tpu.memory_space<vmem_shared>>
      tpu.enqueue_indirect_dma source(%dma_start3A_592 : memref<32xf32, #tpu.memory_space<vmem>>) target(%dma_start3A_597 : memref<10240xf32, #tpu.memory_space<vmem_shared>>) offsets(%dma_start3A_595 : memref<32xi32, #tpu.memory_space<vmem>>) semaphore(%arg26 : memref<!tpu.dma_semaphore, #tpu.memory_space<semaphore_mem>>) {add = true}
      %dma_wait3A_598 = arith.constant 6 : i32
      %dma_wait3A_599 = arith.constant 0 : i32
      %dma_wait3A_600 = tpu.memref_slice %arg17[%dma_wait3A_599] : memref<64xf32, #tpu.memory_space<vmem>> -> memref<32xf32, #tpu.memory_space<vmem>>
      %dma_wait3A_601 = arith.constant 0 : i32
      %dma_wait3A_602 = tpu.memref_slice %arg11[%dma_wait3A_598, %dma_wait3A_601] : memref<16x32xi32, #tpu.memory_space<vmem>> -> memref<1x32xi32, #tpu.memory_space<vmem>>
      %dma_wait3A_603 = tpu.memref_squeeze %dma_wait3A_602 : memref<1x32xi32, #tpu.memory_space<vmem>> -> memref<32xi32, #tpu.memory_space<vmem>>
      %dma_wait3A_604 = arith.constant 0 : i32
      %dma_wait3A_605 = tpu.memref_slice %arg19[%dma_wait3A_604] : memref<10240xf32, #tpu.memory_space<vmem_shared>> -> memref<10240xf32, #tpu.memory_space<vmem_shared>>
      tpu.wait_indirect_dma semaphore(%arg26 : memref<!tpu.dma_semaphore, #tpu.memory_space<semaphore_mem>>) src(%dma_wait3A_600 : memref<32xf32, #tpu.memory_space<vmem>>) dst(%dma_wait3A_605 : memref<10240xf32, #tpu.memory_space<vmem_shared>>)
      %dma_wait3A_606 = arith.constant 8 : i32
      %dma_wait3A_607 = arith.constant 0 : i32
      %dma_wait3A_608 = tpu.memref_slice %arg10[%dma_wait3A_606, %dma_wait3A_607] : memref<16x32xi32, #tpu.memory_space<vmem>> -> memref<1x32xi32, #tpu.memory_space<vmem>>
      %dma_wait3A_609 = tpu.memref_squeeze %dma_wait3A_608 : memref<1x32xi32, #tpu.memory_space<vmem>> -> memref<32xi32, #tpu.memory_space<vmem>>
      %dma_wait3A_610 = arith.constant 0 : i32
      %dma_wait3A_611 = arith.constant 0 : i32
      %dma_wait3A_612 = tpu.memref_slice %arg2[%dma_wait3A_610, %dma_wait3A_611] : memref<10000x128xf32, #tpu.memory_space<hbm>> -> memref<10000x128xf32, #tpu.memory_space<hbm>>
      tpu.wait_indirect_dma semaphore(%arg22 : memref<!tpu.dma_semaphore, #tpu.memory_space<semaphore_mem>>) src(%dma_wait3A_612 : memref<10000x128xf32, #tpu.memory_space<hbm>>) dst(%arg16 : memref<32x128xf32, #tpu.memory_space<vmem>>)
      %dma_start3A_613 = arith.constant 8 : i32
      %dma_start3A_614 = arith.constant 0 : i32
      %dma_start3A_615 = tpu.memref_slice %arg11[%dma_start3A_613, %dma_start3A_614] : memref<16x32xi32, #tpu.memory_space<vmem>> -> memref<1x32xi32, #tpu.memory_space<vmem>>
      %dma_start3A_616 = tpu.memref_squeeze %dma_start3A_615 : memref<1x32xi32, #tpu.memory_space<vmem>> -> memref<32xi32, #tpu.memory_space<vmem>>
      %dma_start3A_617 = arith.constant 0 : i32
      %dma_start3A_618 = arith.constant 0 : i32
      %dma_start3A_619 = tpu.memref_slice %arg18[%dma_start3A_617, %dma_start3A_618] : memref<10240x128xf32, #tpu.memory_space<vmem_shared>> -> memref<10240x128xf32, #tpu.memory_space<vmem_shared>>
      tpu.enqueue_indirect_dma source(%arg16 : memref<32x128xf32, #tpu.memory_space<vmem>>) target(%dma_start3A_619 : memref<10240x128xf32, #tpu.memory_space<vmem_shared>>) offsets(%dma_start3A_616 : memref<32xi32, #tpu.memory_space<vmem>>) semaphore(%arg25 : memref<!tpu.dma_semaphore, #tpu.memory_space<semaphore_mem>>) {add = true}
      %dma_wait3A_620 = arith.constant 7 : i32
      %dma_wait3A_621 = arith.constant 0 : i32
      %dma_wait3A_622 = tpu.memref_slice %arg11[%dma_wait3A_620, %dma_wait3A_621] : memref<16x32xi32, #tpu.memory_space<vmem>> -> memref<1x32xi32, #tpu.memory_space<vmem>>
      %dma_wait3A_623 = tpu.memref_squeeze %dma_wait3A_622 : memref<1x32xi32, #tpu.memory_space<vmem>> -> memref<32xi32, #tpu.memory_space<vmem>>
      %dma_wait3A_624 = arith.constant 0 : i32
      %dma_wait3A_625 = arith.constant 0 : i32
      %dma_wait3A_626 = tpu.memref_slice %arg18[%dma_wait3A_624, %dma_wait3A_625] : memref<10240x128xf32, #tpu.memory_space<vmem_shared>> -> memref<10240x128xf32, #tpu.memory_space<vmem_shared>>
      tpu.wait_indirect_dma semaphore(%arg24 : memref<!tpu.dma_semaphore, #tpu.memory_space<semaphore_mem>>) src(%arg15 : memref<32x128xf32, #tpu.memory_space<vmem>>) dst(%dma_wait3A_626 : memref<10240x128xf32, #tpu.memory_space<vmem_shared>>)
      %dma_start3A_627 = arith.constant 10 : i32
      %dma_start3A_628 = arith.constant 0 : i32
      %dma_start3A_629 = tpu.memref_slice %arg10[%dma_start3A_627, %dma_start3A_628] : memref<16x32xi32, #tpu.memory_space<vmem>> -> memref<1x32xi32, #tpu.memory_space<vmem>>
      %dma_start3A_630 = tpu.memref_squeeze %dma_start3A_629 : memref<1x32xi32, #tpu.memory_space<vmem>> -> memref<32xi32, #tpu.memory_space<vmem>>
      %dma_start3A_631 = arith.constant 0 : i32
      %dma_start3A_632 = arith.constant 0 : i32
      %dma_start3A_633 = tpu.memref_slice %arg2[%dma_start3A_631, %dma_start3A_632] : memref<10000x128xf32, #tpu.memory_space<hbm>> -> memref<10000x128xf32, #tpu.memory_space<hbm>>
      tpu.enqueue_indirect_dma source(%dma_start3A_633 : memref<10000x128xf32, #tpu.memory_space<hbm>>) target(%arg15 : memref<32x128xf32, #tpu.memory_space<vmem>>) offsets(%dma_start3A_630 : memref<32xi32, #tpu.memory_space<vmem>>) semaphore(%arg21 : memref<!tpu.dma_semaphore, #tpu.memory_space<semaphore_mem>>)
      %dma_start3A_634 = arith.constant 8 : i32
      %dma_start3A_635 = arith.constant 0 : i32
      %dma_start3A_636 = tpu.memref_slice %arg17[%dma_start3A_635] : memref<64xf32, #tpu.memory_space<vmem>> -> memref<32xf32, #tpu.memory_space<vmem>>
      %dma_start3A_637 = arith.constant 0 : i32
      %dma_start3A_638 = tpu.memref_slice %arg11[%dma_start3A_634, %dma_start3A_637] : memref<16x32xi32, #tpu.memory_space<vmem>> -> memref<1x32xi32, #tpu.memory_space<vmem>>
      %dma_start3A_639 = tpu.memref_squeeze %dma_start3A_638 : memref<1x32xi32, #tpu.memory_space<vmem>> -> memref<32xi32, #tpu.memory_space<vmem>>
      %dma_start3A_640 = arith.constant 0 : i32
      %dma_start3A_641 = tpu.memref_slice %arg19[%dma_start3A_640] : memref<10240xf32, #tpu.memory_space<vmem_shared>> -> memref<10240xf32, #tpu.memory_space<vmem_shared>>
      tpu.enqueue_indirect_dma source(%dma_start3A_636 : memref<32xf32, #tpu.memory_space<vmem>>) target(%dma_start3A_641 : memref<10240xf32, #tpu.memory_space<vmem_shared>>) offsets(%dma_start3A_639 : memref<32xi32, #tpu.memory_space<vmem>>) semaphore(%arg26 : memref<!tpu.dma_semaphore, #tpu.memory_space<semaphore_mem>>) {add = true}
      %dma_wait3A_642 = arith.constant 7 : i32
      %dma_wait3A_643 = arith.constant 0 : i32
      %dma_wait3A_644 = tpu.memref_slice %arg17[%dma_wait3A_643] : memref<64xf32, #tpu.memory_space<vmem>> -> memref<32xf32, #tpu.memory_space<vmem>>
      %dma_wait3A_645 = arith.constant 0 : i32
      %dma_wait3A_646 = tpu.memref_slice %arg11[%dma_wait3A_642, %dma_wait3A_645] : memref<16x32xi32, #tpu.memory_space<vmem>> -> memref<1x32xi32, #tpu.memory_space<vmem>>
      %dma_wait3A_647 = tpu.memref_squeeze %dma_wait3A_646 : memref<1x32xi32, #tpu.memory_space<vmem>> -> memref<32xi32, #tpu.memory_space<vmem>>
      %dma_wait3A_648 = arith.constant 0 : i32
      %dma_wait3A_649 = tpu.memref_slice %arg19[%dma_wait3A_648] : memref<10240xf32, #tpu.memory_space<vmem_shared>> -> memref<10240xf32, #tpu.memory_space<vmem_shared>>
      tpu.wait_indirect_dma semaphore(%arg26 : memref<!tpu.dma_semaphore, #tpu.memory_space<semaphore_mem>>) src(%dma_wait3A_644 : memref<32xf32, #tpu.memory_space<vmem>>) dst(%dma_wait3A_649 : memref<10240xf32, #tpu.memory_space<vmem_shared>>)
      %dma_wait3A_650 = arith.constant 9 : i32
      %dma_wait3A_651 = arith.constant 0 : i32
      %dma_wait3A_652 = tpu.memref_slice %arg10[%dma_wait3A_650, %dma_wait3A_651] : memref<16x32xi32, #tpu.memory_space<vmem>> -> memref<1x32xi32, #tpu.memory_space<vmem>>
      %dma_wait3A_653 = tpu.memref_squeeze %dma_wait3A_652 : memref<1x32xi32, #tpu.memory_space<vmem>> -> memref<32xi32, #tpu.memory_space<vmem>>
      %dma_wait3A_654 = arith.constant 0 : i32
      %dma_wait3A_655 = arith.constant 0 : i32
      %dma_wait3A_656 = tpu.memref_slice %arg2[%dma_wait3A_654, %dma_wait3A_655] : memref<10000x128xf32, #tpu.memory_space<hbm>> -> memref<10000x128xf32, #tpu.memory_space<hbm>>
      tpu.wait_indirect_dma semaphore(%arg20 : memref<!tpu.dma_semaphore, #tpu.memory_space<semaphore_mem>>) src(%dma_wait3A_656 : memref<10000x128xf32, #tpu.memory_space<hbm>>) dst(%arg14 : memref<32x128xf32, #tpu.memory_space<vmem>>)
      %dma_start3A_657 = arith.constant 9 : i32
      %dma_start3A_658 = arith.constant 0 : i32
      %dma_start3A_659 = tpu.memref_slice %arg11[%dma_start3A_657, %dma_start3A_658] : memref<16x32xi32, #tpu.memory_space<vmem>> -> memref<1x32xi32, #tpu.memory_space<vmem>>
      %dma_start3A_660 = tpu.memref_squeeze %dma_start3A_659 : memref<1x32xi32, #tpu.memory_space<vmem>> -> memref<32xi32, #tpu.memory_space<vmem>>
      %dma_start3A_661 = arith.constant 0 : i32
      %dma_start3A_662 = arith.constant 0 : i32
      %dma_start3A_663 = tpu.memref_slice %arg18[%dma_start3A_661, %dma_start3A_662] : memref<10240x128xf32, #tpu.memory_space<vmem_shared>> -> memref<10240x128xf32, #tpu.memory_space<vmem_shared>>
      tpu.enqueue_indirect_dma source(%arg14 : memref<32x128xf32, #tpu.memory_space<vmem>>) target(%dma_start3A_663 : memref<10240x128xf32, #tpu.memory_space<vmem_shared>>) offsets(%dma_start3A_660 : memref<32xi32, #tpu.memory_space<vmem>>) semaphore(%arg23 : memref<!tpu.dma_semaphore, #tpu.memory_space<semaphore_mem>>) {add = true}
      %dma_wait3A_664 = arith.constant 8 : i32
      %dma_wait3A_665 = arith.constant 0 : i32
      %dma_wait3A_666 = tpu.memref_slice %arg11[%dma_wait3A_664, %dma_wait3A_665] : memref<16x32xi32, #tpu.memory_space<vmem>> -> memref<1x32xi32, #tpu.memory_space<vmem>>
      %dma_wait3A_667 = tpu.memref_squeeze %dma_wait3A_666 : memref<1x32xi32, #tpu.memory_space<vmem>> -> memref<32xi32, #tpu.memory_space<vmem>>
      %dma_wait3A_668 = arith.constant 0 : i32
      %dma_wait3A_669 = arith.constant 0 : i32
      %dma_wait3A_670 = tpu.memref_slice %arg18[%dma_wait3A_668, %dma_wait3A_669] : memref<10240x128xf32, #tpu.memory_space<vmem_shared>> -> memref<10240x128xf32, #tpu.memory_space<vmem_shared>>
      tpu.wait_indirect_dma semaphore(%arg25 : memref<!tpu.dma_semaphore, #tpu.memory_space<semaphore_mem>>) src(%arg16 : memref<32x128xf32, #tpu.memory_space<vmem>>) dst(%dma_wait3A_670 : memref<10240x128xf32, #tpu.memory_space<vmem_shared>>)
      %dma_start3A_671 = arith.constant 11 : i32
      %dma_start3A_672 = arith.constant 0 : i32
      %dma_start3A_673 = tpu.memref_slice %arg10[%dma_start3A_671, %dma_start3A_672] : memref<16x32xi32, #tpu.memory_space<vmem>> -> memref<1x32xi32, #tpu.memory_space<vmem>>
      %dma_start3A_674 = tpu.memref_squeeze %dma_start3A_673 : memref<1x32xi32, #tpu.memory_space<vmem>> -> memref<32xi32, #tpu.memory_space<vmem>>
      %dma_start3A_675 = arith.constant 0 : i32
      %dma_start3A_676 = arith.constant 0 : i32
      %dma_start3A_677 = tpu.memref_slice %arg2[%dma_start3A_675, %dma_start3A_676] : memref<10000x128xf32, #tpu.memory_space<hbm>> -> memref<10000x128xf32, #tpu.memory_space<hbm>>
      tpu.enqueue_indirect_dma source(%dma_start3A_677 : memref<10000x128xf32, #tpu.memory_space<hbm>>) target(%arg16 : memref<32x128xf32, #tpu.memory_space<vmem>>) offsets(%dma_start3A_674 : memref<32xi32, #tpu.memory_space<vmem>>) semaphore(%arg22 : memref<!tpu.dma_semaphore, #tpu.memory_space<semaphore_mem>>)
      %dma_start3A_678 = arith.constant 9 : i32
      %dma_start3A_679 = arith.constant 0 : i32
      %dma_start3A_680 = tpu.memref_slice %arg17[%dma_start3A_679] : memref<64xf32, #tpu.memory_space<vmem>> -> memref<32xf32, #tpu.memory_space<vmem>>
      %dma_start3A_681 = arith.constant 0 : i32
      %dma_start3A_682 = tpu.memref_slice %arg11[%dma_start3A_678, %dma_start3A_681] : memref<16x32xi32, #tpu.memory_space<vmem>> -> memref<1x32xi32, #tpu.memory_space<vmem>>
      %dma_start3A_683 = tpu.memref_squeeze %dma_start3A_682 : memref<1x32xi32, #tpu.memory_space<vmem>> -> memref<32xi32, #tpu.memory_space<vmem>>
      %dma_start3A_684 = arith.constant 0 : i32
      %dma_start3A_685 = tpu.memref_slice %arg19[%dma_start3A_684] : memref<10240xf32, #tpu.memory_space<vmem_shared>> -> memref<10240xf32, #tpu.memory_space<vmem_shared>>
      tpu.enqueue_indirect_dma source(%dma_start3A_680 : memref<32xf32, #tpu.memory_space<vmem>>) target(%dma_start3A_685 : memref<10240xf32, #tpu.memory_space<vmem_shared>>) offsets(%dma_start3A_683 : memref<32xi32, #tpu.memory_space<vmem>>) semaphore(%arg26 : memref<!tpu.dma_semaphore, #tpu.memory_space<semaphore_mem>>) {add = true}
      %dma_wait3A_686 = arith.constant 8 : i32
      %dma_wait3A_687 = arith.constant 0 : i32
      %dma_wait3A_688 = tpu.memref_slice %arg17[%dma_wait3A_687] : memref<64xf32, #tpu.memory_space<vmem>> -> memref<32xf32, #tpu.memory_space<vmem>>
      %dma_wait3A_689 = arith.constant 0 : i32
      %dma_wait3A_690 = tpu.memref_slice %arg11[%dma_wait3A_686, %dma_wait3A_689] : memref<16x32xi32, #tpu.memory_space<vmem>> -> memref<1x32xi32, #tpu.memory_space<vmem>>
      %dma_wait3A_691 = tpu.memref_squeeze %dma_wait3A_690 : memref<1x32xi32, #tpu.memory_space<vmem>> -> memref<32xi32, #tpu.memory_space<vmem>>
      %dma_wait3A_692 = arith.constant 0 : i32
      %dma_wait3A_693 = tpu.memref_slice %arg19[%dma_wait3A_692] : memref<10240xf32, #tpu.memory_space<vmem_shared>> -> memref<10240xf32, #tpu.memory_space<vmem_shared>>
      tpu.wait_indirect_dma semaphore(%arg26 : memref<!tpu.dma_semaphore, #tpu.memory_space<semaphore_mem>>) src(%dma_wait3A_688 : memref<32xf32, #tpu.memory_space<vmem>>) dst(%dma_wait3A_693 : memref<10240xf32, #tpu.memory_space<vmem_shared>>)
      %dma_wait3A_694 = arith.constant 10 : i32
      %dma_wait3A_695 = arith.constant 0 : i32
      %dma_wait3A_696 = tpu.memref_slice %arg10[%dma_wait3A_694, %dma_wait3A_695] : memref<16x32xi32, #tpu.memory_space<vmem>> -> memref<1x32xi32, #tpu.memory_space<vmem>>
      %dma_wait3A_697 = tpu.memref_squeeze %dma_wait3A_696 : memref<1x32xi32, #tpu.memory_space<vmem>> -> memref<32xi32, #tpu.memory_space<vmem>>
      %dma_wait3A_698 = arith.constant 0 : i32
      %dma_wait3A_699 = arith.constant 0 : i32
      %dma_wait3A_700 = tpu.memref_slice %arg2[%dma_wait3A_698, %dma_wait3A_699] : memref<10000x128xf32, #tpu.memory_space<hbm>> -> memref<10000x128xf32, #tpu.memory_space<hbm>>
      tpu.wait_indirect_dma semaphore(%arg21 : memref<!tpu.dma_semaphore, #tpu.memory_space<semaphore_mem>>) src(%dma_wait3A_700 : memref<10000x128xf32, #tpu.memory_space<hbm>>) dst(%arg15 : memref<32x128xf32, #tpu.memory_space<vmem>>)
      %dma_start3A_701 = arith.constant 10 : i32
      %dma_start3A_702 = arith.constant 0 : i32
      %dma_start3A_703 = tpu.memref_slice %arg11[%dma_start3A_701, %dma_start3A_702] : memref<16x32xi32, #tpu.memory_space<vmem>> -> memref<1x32xi32, #tpu.memory_space<vmem>>
      %dma_start3A_704 = tpu.memref_squeeze %dma_start3A_703 : memref<1x32xi32, #tpu.memory_space<vmem>> -> memref<32xi32, #tpu.memory_space<vmem>>
      %dma_start3A_705 = arith.constant 0 : i32
      %dma_start3A_706 = arith.constant 0 : i32
      %dma_start3A_707 = tpu.memref_slice %arg18[%dma_start3A_705, %dma_start3A_706] : memref<10240x128xf32, #tpu.memory_space<vmem_shared>> -> memref<10240x128xf32, #tpu.memory_space<vmem_shared>>
      tpu.enqueue_indirect_dma source(%arg15 : memref<32x128xf32, #tpu.memory_space<vmem>>) target(%dma_start3A_707 : memref<10240x128xf32, #tpu.memory_space<vmem_shared>>) offsets(%dma_start3A_704 : memref<32xi32, #tpu.memory_space<vmem>>) semaphore(%arg24 : memref<!tpu.dma_semaphore, #tpu.memory_space<semaphore_mem>>) {add = true}
      %dma_wait3A_708 = arith.constant 9 : i32
      %dma_wait3A_709 = arith.constant 0 : i32
      %dma_wait3A_710 = tpu.memref_slice %arg11[%dma_wait3A_708, %dma_wait3A_709] : memref<16x32xi32, #tpu.memory_space<vmem>> -> memref<1x32xi32, #tpu.memory_space<vmem>>
      %dma_wait3A_711 = tpu.memref_squeeze %dma_wait3A_710 : memref<1x32xi32, #tpu.memory_space<vmem>> -> memref<32xi32, #tpu.memory_space<vmem>>
      %dma_wait3A_712 = arith.constant 0 : i32
      %dma_wait3A_713 = arith.constant 0 : i32
      %dma_wait3A_714 = tpu.memref_slice %arg18[%dma_wait3A_712, %dma_wait3A_713] : memref<10240x128xf32, #tpu.memory_space<vmem_shared>> -> memref<10240x128xf32, #tpu.memory_space<vmem_shared>>
      tpu.wait_indirect_dma semaphore(%arg23 : memref<!tpu.dma_semaphore, #tpu.memory_space<semaphore_mem>>) src(%arg14 : memref<32x128xf32, #tpu.memory_space<vmem>>) dst(%dma_wait3A_714 : memref<10240x128xf32, #tpu.memory_space<vmem_shared>>)
      %dma_start3A_715 = arith.constant 12 : i32
      %dma_start3A_716 = arith.constant 0 : i32
      %dma_start3A_717 = tpu.memref_slice %arg10[%dma_start3A_715, %dma_start3A_716] : memref<16x32xi32, #tpu.memory_space<vmem>> -> memref<1x32xi32, #tpu.memory_space<vmem>>
      %dma_start3A_718 = tpu.memref_squeeze %dma_start3A_717 : memref<1x32xi32, #tpu.memory_space<vmem>> -> memref<32xi32, #tpu.memory_space<vmem>>
      %dma_start3A_719 = arith.constant 0 : i32
      %dma_start3A_720 = arith.constant 0 : i32
      %dma_start3A_721 = tpu.memref_slice %arg2[%dma_start3A_719, %dma_start3A_720] : memref<10000x128xf32, #tpu.memory_space<hbm>> -> memref<10000x128xf32, #tpu.memory_space<hbm>>
      tpu.enqueue_indirect_dma source(%dma_start3A_721 : memref<10000x128xf32, #tpu.memory_space<hbm>>) target(%arg14 : memref<32x128xf32, #tpu.memory_space<vmem>>) offsets(%dma_start3A_718 : memref<32xi32, #tpu.memory_space<vmem>>) semaphore(%arg20 : memref<!tpu.dma_semaphore, #tpu.memory_space<semaphore_mem>>)
      %dma_start3A_722 = arith.constant 10 : i32
      %dma_start3A_723 = arith.constant 0 : i32
      %dma_start3A_724 = tpu.memref_slice %arg17[%dma_start3A_723] : memref<64xf32, #tpu.memory_space<vmem>> -> memref<32xf32, #tpu.memory_space<vmem>>
      %dma_start3A_725 = arith.constant 0 : i32
      %dma_start3A_726 = tpu.memref_slice %arg11[%dma_start3A_722, %dma_start3A_725] : memref<16x32xi32, #tpu.memory_space<vmem>> -> memref<1x32xi32, #tpu.memory_space<vmem>>
      %dma_start3A_727 = tpu.memref_squeeze %dma_start3A_726 : memref<1x32xi32, #tpu.memory_space<vmem>> -> memref<32xi32, #tpu.memory_space<vmem>>
      %dma_start3A_728 = arith.constant 0 : i32
      %dma_start3A_729 = tpu.memref_slice %arg19[%dma_start3A_728] : memref<10240xf32, #tpu.memory_space<vmem_shared>> -> memref<10240xf32, #tpu.memory_space<vmem_shared>>
      tpu.enqueue_indirect_dma source(%dma_start3A_724 : memref<32xf32, #tpu.memory_space<vmem>>) target(%dma_start3A_729 : memref<10240xf32, #tpu.memory_space<vmem_shared>>) offsets(%dma_start3A_727 : memref<32xi32, #tpu.memory_space<vmem>>) semaphore(%arg26 : memref<!tpu.dma_semaphore, #tpu.memory_space<semaphore_mem>>) {add = true}
      %dma_wait3A_730 = arith.constant 9 : i32
      %dma_wait3A_731 = arith.constant 0 : i32
      %dma_wait3A_732 = tpu.memref_slice %arg17[%dma_wait3A_731] : memref<64xf32, #tpu.memory_space<vmem>> -> memref<32xf32, #tpu.memory_space<vmem>>
      %dma_wait3A_733 = arith.constant 0 : i32
      %dma_wait3A_734 = tpu.memref_slice %arg11[%dma_wait3A_730, %dma_wait3A_733] : memref<16x32xi32, #tpu.memory_space<vmem>> -> memref<1x32xi32, #tpu.memory_space<vmem>>
      %dma_wait3A_735 = tpu.memref_squeeze %dma_wait3A_734 : memref<1x32xi32, #tpu.memory_space<vmem>> -> memref<32xi32, #tpu.memory_space<vmem>>
      %dma_wait3A_736 = arith.constant 0 : i32
      %dma_wait3A_737 = tpu.memref_slice %arg19[%dma_wait3A_736] : memref<10240xf32, #tpu.memory_space<vmem_shared>> -> memref<10240xf32, #tpu.memory_space<vmem_shared>>
      tpu.wait_indirect_dma semaphore(%arg26 : memref<!tpu.dma_semaphore, #tpu.memory_space<semaphore_mem>>) src(%dma_wait3A_732 : memref<32xf32, #tpu.memory_space<vmem>>) dst(%dma_wait3A_737 : memref<10240xf32, #tpu.memory_space<vmem_shared>>)
      %dma_wait3A_738 = arith.constant 11 : i32
      %dma_wait3A_739 = arith.constant 0 : i32
      %dma_wait3A_740 = tpu.memref_slice %arg10[%dma_wait3A_738, %dma_wait3A_739] : memref<16x32xi32, #tpu.memory_space<vmem>> -> memref<1x32xi32, #tpu.memory_space<vmem>>
      %dma_wait3A_741 = tpu.memref_squeeze %dma_wait3A_740 : memref<1x32xi32, #tpu.memory_space<vmem>> -> memref<32xi32, #tpu.memory_space<vmem>>
      %dma_wait3A_742 = arith.constant 0 : i32
      %dma_wait3A_743 = arith.constant 0 : i32
      %dma_wait3A_744 = tpu.memref_slice %arg2[%dma_wait3A_742, %dma_wait3A_743] : memref<10000x128xf32, #tpu.memory_space<hbm>> -> memref<10000x128xf32, #tpu.memory_space<hbm>>
      tpu.wait_indirect_dma semaphore(%arg22 : memref<!tpu.dma_semaphore, #tpu.memory_space<semaphore_mem>>) src(%dma_wait3A_744 : memref<10000x128xf32, #tpu.memory_space<hbm>>) dst(%arg16 : memref<32x128xf32, #tpu.memory_space<vmem>>)
      %dma_start3A_745 = arith.constant 11 : i32
      %dma_start3A_746 = arith.constant 0 : i32
      %dma_start3A_747 = tpu.memref_slice %arg11[%dma_start3A_745, %dma_start3A_746] : memref<16x32xi32, #tpu.memory_space<vmem>> -> memref<1x32xi32, #tpu.memory_space<vmem>>
      %dma_start3A_748 = tpu.memref_squeeze %dma_start3A_747 : memref<1x32xi32, #tpu.memory_space<vmem>> -> memref<32xi32, #tpu.memory_space<vmem>>
      %dma_start3A_749 = arith.constant 0 : i32
      %dma_start3A_750 = arith.constant 0 : i32
      %dma_start3A_751 = tpu.memref_slice %arg18[%dma_start3A_749, %dma_start3A_750] : memref<10240x128xf32, #tpu.memory_space<vmem_shared>> -> memref<10240x128xf32, #tpu.memory_space<vmem_shared>>
      tpu.enqueue_indirect_dma source(%arg16 : memref<32x128xf32, #tpu.memory_space<vmem>>) target(%dma_start3A_751 : memref<10240x128xf32, #tpu.memory_space<vmem_shared>>) offsets(%dma_start3A_748 : memref<32xi32, #tpu.memory_space<vmem>>) semaphore(%arg25 : memref<!tpu.dma_semaphore, #tpu.memory_space<semaphore_mem>>) {add = true}
      %dma_wait3A_752 = arith.constant 10 : i32
      %dma_wait3A_753 = arith.constant 0 : i32
      %dma_wait3A_754 = tpu.memref_slice %arg11[%dma_wait3A_752, %dma_wait3A_753] : memref<16x32xi32, #tpu.memory_space<vmem>> -> memref<1x32xi32, #tpu.memory_space<vmem>>
      %dma_wait3A_755 = tpu.memref_squeeze %dma_wait3A_754 : memref<1x32xi32, #tpu.memory_space<vmem>> -> memref<32xi32, #tpu.memory_space<vmem>>
      %dma_wait3A_756 = arith.constant 0 : i32
      %dma_wait3A_757 = arith.constant 0 : i32
      %dma_wait3A_758 = tpu.memref_slice %arg18[%dma_wait3A_756, %dma_wait3A_757] : memref<10240x128xf32, #tpu.memory_space<vmem_shared>> -> memref<10240x128xf32, #tpu.memory_space<vmem_shared>>
      tpu.wait_indirect_dma semaphore(%arg24 : memref<!tpu.dma_semaphore, #tpu.memory_space<semaphore_mem>>) src(%arg15 : memref<32x128xf32, #tpu.memory_space<vmem>>) dst(%dma_wait3A_758 : memref<10240x128xf32, #tpu.memory_space<vmem_shared>>)
      %dma_start3A_759 = arith.constant 13 : i32
      %dma_start3A_760 = arith.constant 0 : i32
      %dma_start3A_761 = tpu.memref_slice %arg10[%dma_start3A_759, %dma_start3A_760] : memref<16x32xi32, #tpu.memory_space<vmem>> -> memref<1x32xi32, #tpu.memory_space<vmem>>
      %dma_start3A_762 = tpu.memref_squeeze %dma_start3A_761 : memref<1x32xi32, #tpu.memory_space<vmem>> -> memref<32xi32, #tpu.memory_space<vmem>>
      %dma_start3A_763 = arith.constant 0 : i32
      %dma_start3A_764 = arith.constant 0 : i32
      %dma_start3A_765 = tpu.memref_slice %arg2[%dma_start3A_763, %dma_start3A_764] : memref<10000x128xf32, #tpu.memory_space<hbm>> -> memref<10000x128xf32, #tpu.memory_space<hbm>>
      tpu.enqueue_indirect_dma source(%dma_start3A_765 : memref<10000x128xf32, #tpu.memory_space<hbm>>) target(%arg15 : memref<32x128xf32, #tpu.memory_space<vmem>>) offsets(%dma_start3A_762 : memref<32xi32, #tpu.memory_space<vmem>>) semaphore(%arg21 : memref<!tpu.dma_semaphore, #tpu.memory_space<semaphore_mem>>)
      %dma_start3A_766 = arith.constant 11 : i32
      %dma_start3A_767 = arith.constant 0 : i32
      %dma_start3A_768 = tpu.memref_slice %arg17[%dma_start3A_767] : memref<64xf32, #tpu.memory_space<vmem>> -> memref<32xf32, #tpu.memory_space<vmem>>
      %dma_start3A_769 = arith.constant 0 : i32
      %dma_start3A_770 = tpu.memref_slice %arg11[%dma_start3A_766, %dma_start3A_769] : memref<16x32xi32, #tpu.memory_space<vmem>> -> memref<1x32xi32, #tpu.memory_space<vmem>>
      %dma_start3A_771 = tpu.memref_squeeze %dma_start3A_770 : memref<1x32xi32, #tpu.memory_space<vmem>> -> memref<32xi32, #tpu.memory_space<vmem>>
      %dma_start3A_772 = arith.constant 0 : i32
      %dma_start3A_773 = tpu.memref_slice %arg19[%dma_start3A_772] : memref<10240xf32, #tpu.memory_space<vmem_shared>> -> memref<10240xf32, #tpu.memory_space<vmem_shared>>
      tpu.enqueue_indirect_dma source(%dma_start3A_768 : memref<32xf32, #tpu.memory_space<vmem>>) target(%dma_start3A_773 : memref<10240xf32, #tpu.memory_space<vmem_shared>>) offsets(%dma_start3A_771 : memref<32xi32, #tpu.memory_space<vmem>>) semaphore(%arg26 : memref<!tpu.dma_semaphore, #tpu.memory_space<semaphore_mem>>) {add = true}
      %dma_wait3A_774 = arith.constant 10 : i32
      %dma_wait3A_775 = arith.constant 0 : i32
      %dma_wait3A_776 = tpu.memref_slice %arg17[%dma_wait3A_775] : memref<64xf32, #tpu.memory_space<vmem>> -> memref<32xf32, #tpu.memory_space<vmem>>
      %dma_wait3A_777 = arith.constant 0 : i32
      %dma_wait3A_778 = tpu.memref_slice %arg11[%dma_wait3A_774, %dma_wait3A_777] : memref<16x32xi32, #tpu.memory_space<vmem>> -> memref<1x32xi32, #tpu.memory_space<vmem>>
      %dma_wait3A_779 = tpu.memref_squeeze %dma_wait3A_778 : memref<1x32xi32, #tpu.memory_space<vmem>> -> memref<32xi32, #tpu.memory_space<vmem>>
      %dma_wait3A_780 = arith.constant 0 : i32
      %dma_wait3A_781 = tpu.memref_slice %arg19[%dma_wait3A_780] : memref<10240xf32, #tpu.memory_space<vmem_shared>> -> memref<10240xf32, #tpu.memory_space<vmem_shared>>
      tpu.wait_indirect_dma semaphore(%arg26 : memref<!tpu.dma_semaphore, #tpu.memory_space<semaphore_mem>>) src(%dma_wait3A_776 : memref<32xf32, #tpu.memory_space<vmem>>) dst(%dma_wait3A_781 : memref<10240xf32, #tpu.memory_space<vmem_shared>>)
      %dma_wait3A_782 = arith.constant 12 : i32
      %dma_wait3A_783 = arith.constant 0 : i32
      %dma_wait3A_784 = tpu.memref_slice %arg10[%dma_wait3A_782, %dma_wait3A_783] : memref<16x32xi32, #tpu.memory_space<vmem>> -> memref<1x32xi32, #tpu.memory_space<vmem>>
      %dma_wait3A_785 = tpu.memref_squeeze %dma_wait3A_784 : memref<1x32xi32, #tpu.memory_space<vmem>> -> memref<32xi32, #tpu.memory_space<vmem>>
      %dma_wait3A_786 = arith.constant 0 : i32
      %dma_wait3A_787 = arith.constant 0 : i32
      %dma_wait3A_788 = tpu.memref_slice %arg2[%dma_wait3A_786, %dma_wait3A_787] : memref<10000x128xf32, #tpu.memory_space<hbm>> -> memref<10000x128xf32, #tpu.memory_space<hbm>>
      tpu.wait_indirect_dma semaphore(%arg20 : memref<!tpu.dma_semaphore, #tpu.memory_space<semaphore_mem>>) src(%dma_wait3A_788 : memref<10000x128xf32, #tpu.memory_space<hbm>>) dst(%arg14 : memref<32x128xf32, #tpu.memory_space<vmem>>)
      %dma_start3A_789 = arith.constant 12 : i32
      %dma_start3A_790 = arith.constant 0 : i32
      %dma_start3A_791 = tpu.memref_slice %arg11[%dma_start3A_789, %dma_start3A_790] : memref<16x32xi32, #tpu.memory_space<vmem>> -> memref<1x32xi32, #tpu.memory_space<vmem>>
      %dma_start3A_792 = tpu.memref_squeeze %dma_start3A_791 : memref<1x32xi32, #tpu.memory_space<vmem>> -> memref<32xi32, #tpu.memory_space<vmem>>
      %dma_start3A_793 = arith.constant 0 : i32
      %dma_start3A_794 = arith.constant 0 : i32
      %dma_start3A_795 = tpu.memref_slice %arg18[%dma_start3A_793, %dma_start3A_794] : memref<10240x128xf32, #tpu.memory_space<vmem_shared>> -> memref<10240x128xf32, #tpu.memory_space<vmem_shared>>
      tpu.enqueue_indirect_dma source(%arg14 : memref<32x128xf32, #tpu.memory_space<vmem>>) target(%dma_start3A_795 : memref<10240x128xf32, #tpu.memory_space<vmem_shared>>) offsets(%dma_start3A_792 : memref<32xi32, #tpu.memory_space<vmem>>) semaphore(%arg23 : memref<!tpu.dma_semaphore, #tpu.memory_space<semaphore_mem>>) {add = true}
      %dma_wait3A_796 = arith.constant 11 : i32
      %dma_wait3A_797 = arith.constant 0 : i32
      %dma_wait3A_798 = tpu.memref_slice %arg11[%dma_wait3A_796, %dma_wait3A_797] : memref<16x32xi32, #tpu.memory_space<vmem>> -> memref<1x32xi32, #tpu.memory_space<vmem>>
      %dma_wait3A_799 = tpu.memref_squeeze %dma_wait3A_798 : memref<1x32xi32, #tpu.memory_space<vmem>> -> memref<32xi32, #tpu.memory_space<vmem>>
      %dma_wait3A_800 = arith.constant 0 : i32
      %dma_wait3A_801 = arith.constant 0 : i32
      %dma_wait3A_802 = tpu.memref_slice %arg18[%dma_wait3A_800, %dma_wait3A_801] : memref<10240x128xf32, #tpu.memory_space<vmem_shared>> -> memref<10240x128xf32, #tpu.memory_space<vmem_shared>>
      tpu.wait_indirect_dma semaphore(%arg25 : memref<!tpu.dma_semaphore, #tpu.memory_space<semaphore_mem>>) src(%arg16 : memref<32x128xf32, #tpu.memory_space<vmem>>) dst(%dma_wait3A_802 : memref<10240x128xf32, #tpu.memory_space<vmem_shared>>)
      %dma_start3A_803 = arith.constant 14 : i32
      %dma_start3A_804 = arith.constant 0 : i32
      %dma_start3A_805 = tpu.memref_slice %arg10[%dma_start3A_803, %dma_start3A_804] : memref<16x32xi32, #tpu.memory_space<vmem>> -> memref<1x32xi32, #tpu.memory_space<vmem>>
      %dma_start3A_806 = tpu.memref_squeeze %dma_start3A_805 : memref<1x32xi32, #tpu.memory_space<vmem>> -> memref<32xi32, #tpu.memory_space<vmem>>
      %dma_start3A_807 = arith.constant 0 : i32
      %dma_start3A_808 = arith.constant 0 : i32
      %dma_start3A_809 = tpu.memref_slice %arg2[%dma_start3A_807, %dma_start3A_808] : memref<10000x128xf32, #tpu.memory_space<hbm>> -> memref<10000x128xf32, #tpu.memory_space<hbm>>
      tpu.enqueue_indirect_dma source(%dma_start3A_809 : memref<10000x128xf32, #tpu.memory_space<hbm>>) target(%arg16 : memref<32x128xf32, #tpu.memory_space<vmem>>) offsets(%dma_start3A_806 : memref<32xi32, #tpu.memory_space<vmem>>) semaphore(%arg22 : memref<!tpu.dma_semaphore, #tpu.memory_space<semaphore_mem>>)
      %dma_start3A_810 = arith.constant 12 : i32
      %dma_start3A_811 = arith.constant 0 : i32
      %dma_start3A_812 = tpu.memref_slice %arg17[%dma_start3A_811] : memref<64xf32, #tpu.memory_space<vmem>> -> memref<32xf32, #tpu.memory_space<vmem>>
      %dma_start3A_813 = arith.constant 0 : i32
      %dma_start3A_814 = tpu.memref_slice %arg11[%dma_start3A_810, %dma_start3A_813] : memref<16x32xi32, #tpu.memory_space<vmem>> -> memref<1x32xi32, #tpu.memory_space<vmem>>
      %dma_start3A_815 = tpu.memref_squeeze %dma_start3A_814 : memref<1x32xi32, #tpu.memory_space<vmem>> -> memref<32xi32, #tpu.memory_space<vmem>>
      %dma_start3A_816 = arith.constant 0 : i32
      %dma_start3A_817 = tpu.memref_slice %arg19[%dma_start3A_816] : memref<10240xf32, #tpu.memory_space<vmem_shared>> -> memref<10240xf32, #tpu.memory_space<vmem_shared>>
      tpu.enqueue_indirect_dma source(%dma_start3A_812 : memref<32xf32, #tpu.memory_space<vmem>>) target(%dma_start3A_817 : memref<10240xf32, #tpu.memory_space<vmem_shared>>) offsets(%dma_start3A_815 : memref<32xi32, #tpu.memory_space<vmem>>) semaphore(%arg26 : memref<!tpu.dma_semaphore, #tpu.memory_space<semaphore_mem>>) {add = true}
      %dma_wait3A_818 = arith.constant 11 : i32
      %dma_wait3A_819 = arith.constant 0 : i32
      %dma_wait3A_820 = tpu.memref_slice %arg17[%dma_wait3A_819] : memref<64xf32, #tpu.memory_space<vmem>> -> memref<32xf32, #tpu.memory_space<vmem>>
      %dma_wait3A_821 = arith.constant 0 : i32
      %dma_wait3A_822 = tpu.memref_slice %arg11[%dma_wait3A_818, %dma_wait3A_821] : memref<16x32xi32, #tpu.memory_space<vmem>> -> memref<1x32xi32, #tpu.memory_space<vmem>>
      %dma_wait3A_823 = tpu.memref_squeeze %dma_wait3A_822 : memref<1x32xi32, #tpu.memory_space<vmem>> -> memref<32xi32, #tpu.memory_space<vmem>>
      %dma_wait3A_824 = arith.constant 0 : i32
      %dma_wait3A_825 = tpu.memref_slice %arg19[%dma_wait3A_824] : memref<10240xf32, #tpu.memory_space<vmem_shared>> -> memref<10240xf32, #tpu.memory_space<vmem_shared>>
      tpu.wait_indirect_dma semaphore(%arg26 : memref<!tpu.dma_semaphore, #tpu.memory_space<semaphore_mem>>) src(%dma_wait3A_820 : memref<32xf32, #tpu.memory_space<vmem>>) dst(%dma_wait3A_825 : memref<10240xf32, #tpu.memory_space<vmem_shared>>)
      %dma_wait3A_826 = arith.constant 13 : i32
      %dma_wait3A_827 = arith.constant 0 : i32
      %dma_wait3A_828 = tpu.memref_slice %arg10[%dma_wait3A_826, %dma_wait3A_827] : memref<16x32xi32, #tpu.memory_space<vmem>> -> memref<1x32xi32, #tpu.memory_space<vmem>>
      %dma_wait3A_829 = tpu.memref_squeeze %dma_wait3A_828 : memref<1x32xi32, #tpu.memory_space<vmem>> -> memref<32xi32, #tpu.memory_space<vmem>>
      %dma_wait3A_830 = arith.constant 0 : i32
      %dma_wait3A_831 = arith.constant 0 : i32
      %dma_wait3A_832 = tpu.memref_slice %arg2[%dma_wait3A_830, %dma_wait3A_831] : memref<10000x128xf32, #tpu.memory_space<hbm>> -> memref<10000x128xf32, #tpu.memory_space<hbm>>
      tpu.wait_indirect_dma semaphore(%arg21 : memref<!tpu.dma_semaphore, #tpu.memory_space<semaphore_mem>>) src(%dma_wait3A_832 : memref<10000x128xf32, #tpu.memory_space<hbm>>) dst(%arg15 : memref<32x128xf32, #tpu.memory_space<vmem>>)
      %dma_start3A_833 = arith.constant 13 : i32
      %dma_start3A_834 = arith.constant 0 : i32
      %dma_start3A_835 = tpu.memref_slice %arg11[%dma_start3A_833, %dma_start3A_834] : memref<16x32xi32, #tpu.memory_space<vmem>> -> memref<1x32xi32, #tpu.memory_space<vmem>>
      %dma_start3A_836 = tpu.memref_squeeze %dma_start3A_835 : memref<1x32xi32, #tpu.memory_space<vmem>> -> memref<32xi32, #tpu.memory_space<vmem>>
      %dma_start3A_837 = arith.constant 0 : i32
      %dma_start3A_838 = arith.constant 0 : i32
      %dma_start3A_839 = tpu.memref_slice %arg18[%dma_start3A_837, %dma_start3A_838] : memref<10240x128xf32, #tpu.memory_space<vmem_shared>> -> memref<10240x128xf32, #tpu.memory_space<vmem_shared>>
      tpu.enqueue_indirect_dma source(%arg15 : memref<32x128xf32, #tpu.memory_space<vmem>>) target(%dma_start3A_839 : memref<10240x128xf32, #tpu.memory_space<vmem_shared>>) offsets(%dma_start3A_836 : memref<32xi32, #tpu.memory_space<vmem>>) semaphore(%arg24 : memref<!tpu.dma_semaphore, #tpu.memory_space<semaphore_mem>>) {add = true}
      %dma_wait3A_840 = arith.constant 12 : i32
      %dma_wait3A_841 = arith.constant 0 : i32
      %dma_wait3A_842 = tpu.memref_slice %arg11[%dma_wait3A_840, %dma_wait3A_841] : memref<16x32xi32, #tpu.memory_space<vmem>> -> memref<1x32xi32, #tpu.memory_space<vmem>>
      %dma_wait3A_843 = tpu.memref_squeeze %dma_wait3A_842 : memref<1x32xi32, #tpu.memory_space<vmem>> -> memref<32xi32, #tpu.memory_space<vmem>>
      %dma_wait3A_844 = arith.constant 0 : i32
      %dma_wait3A_845 = arith.constant 0 : i32
      %dma_wait3A_846 = tpu.memref_slice %arg18[%dma_wait3A_844, %dma_wait3A_845] : memref<10240x128xf32, #tpu.memory_space<vmem_shared>> -> memref<10240x128xf32, #tpu.memory_space<vmem_shared>>
      tpu.wait_indirect_dma semaphore(%arg23 : memref<!tpu.dma_semaphore, #tpu.memory_space<semaphore_mem>>) src(%arg14 : memref<32x128xf32, #tpu.memory_space<vmem>>) dst(%dma_wait3A_846 : memref<10240x128xf32, #tpu.memory_space<vmem_shared>>)
      %dma_start3A_847 = arith.constant 15 : i32
      %dma_start3A_848 = arith.constant 0 : i32
      %dma_start3A_849 = tpu.memref_slice %arg10[%dma_start3A_847, %dma_start3A_848] : memref<16x32xi32, #tpu.memory_space<vmem>> -> memref<1x32xi32, #tpu.memory_space<vmem>>
      %dma_start3A_850 = tpu.memref_squeeze %dma_start3A_849 : memref<1x32xi32, #tpu.memory_space<vmem>> -> memref<32xi32, #tpu.memory_space<vmem>>
      %dma_start3A_851 = arith.constant 0 : i32
      %dma_start3A_852 = arith.constant 0 : i32
      %dma_start3A_853 = tpu.memref_slice %arg2[%dma_start3A_851, %dma_start3A_852] : memref<10000x128xf32, #tpu.memory_space<hbm>> -> memref<10000x128xf32, #tpu.memory_space<hbm>>
      tpu.enqueue_indirect_dma source(%dma_start3A_853 : memref<10000x128xf32, #tpu.memory_space<hbm>>) target(%arg14 : memref<32x128xf32, #tpu.memory_space<vmem>>) offsets(%dma_start3A_850 : memref<32xi32, #tpu.memory_space<vmem>>) semaphore(%arg20 : memref<!tpu.dma_semaphore, #tpu.memory_space<semaphore_mem>>)
      %dma_start3A_854 = arith.constant 13 : i32
      %dma_start3A_855 = arith.constant 0 : i32
      %dma_start3A_856 = tpu.memref_slice %arg17[%dma_start3A_855] : memref<64xf32, #tpu.memory_space<vmem>> -> memref<32xf32, #tpu.memory_space<vmem>>
      %dma_start3A_857 = arith.constant 0 : i32
      %dma_start3A_858 = tpu.memref_slice %arg11[%dma_start3A_854, %dma_start3A_857] : memref<16x32xi32, #tpu.memory_space<vmem>> -> memref<1x32xi32, #tpu.memory_space<vmem>>
      %dma_start3A_859 = tpu.memref_squeeze %dma_start3A_858 : memref<1x32xi32, #tpu.memory_space<vmem>> -> memref<32xi32, #tpu.memory_space<vmem>>
      %dma_start3A_860 = arith.constant 0 : i32
      %dma_start3A_861 = tpu.memref_slice %arg19[%dma_start3A_860] : memref<10240xf32, #tpu.memory_space<vmem_shared>> -> memref<10240xf32, #tpu.memory_space<vmem_shared>>
      tpu.enqueue_indirect_dma source(%dma_start3A_856 : memref<32xf32, #tpu.memory_space<vmem>>) target(%dma_start3A_861 : memref<10240xf32, #tpu.memory_space<vmem_shared>>) offsets(%dma_start3A_859 : memref<32xi32, #tpu.memory_space<vmem>>) semaphore(%arg26 : memref<!tpu.dma_semaphore, #tpu.memory_space<semaphore_mem>>) {add = true}
      %dma_wait3A_862 = arith.constant 12 : i32
      %dma_wait3A_863 = arith.constant 0 : i32
      %dma_wait3A_864 = tpu.memref_slice %arg17[%dma_wait3A_863] : memref<64xf32, #tpu.memory_space<vmem>> -> memref<32xf32, #tpu.memory_space<vmem>>
      %dma_wait3A_865 = arith.constant 0 : i32
      %dma_wait3A_866 = tpu.memref_slice %arg11[%dma_wait3A_862, %dma_wait3A_865] : memref<16x32xi32, #tpu.memory_space<vmem>> -> memref<1x32xi32, #tpu.memory_space<vmem>>
      %dma_wait3A_867 = tpu.memref_squeeze %dma_wait3A_866 : memref<1x32xi32, #tpu.memory_space<vmem>> -> memref<32xi32, #tpu.memory_space<vmem>>
      %dma_wait3A_868 = arith.constant 0 : i32
      %dma_wait3A_869 = tpu.memref_slice %arg19[%dma_wait3A_868] : memref<10240xf32, #tpu.memory_space<vmem_shared>> -> memref<10240xf32, #tpu.memory_space<vmem_shared>>
      tpu.wait_indirect_dma semaphore(%arg26 : memref<!tpu.dma_semaphore, #tpu.memory_space<semaphore_mem>>) src(%dma_wait3A_864 : memref<32xf32, #tpu.memory_space<vmem>>) dst(%dma_wait3A_869 : memref<10240xf32, #tpu.memory_space<vmem_shared>>)
      %dma_wait3A_870 = arith.constant 14 : i32
      %dma_wait3A_871 = arith.constant 0 : i32
      %dma_wait3A_872 = tpu.memref_slice %arg10[%dma_wait3A_870, %dma_wait3A_871] : memref<16x32xi32, #tpu.memory_space<vmem>> -> memref<1x32xi32, #tpu.memory_space<vmem>>
      %dma_wait3A_873 = tpu.memref_squeeze %dma_wait3A_872 : memref<1x32xi32, #tpu.memory_space<vmem>> -> memref<32xi32, #tpu.memory_space<vmem>>
      %dma_wait3A_874 = arith.constant 0 : i32
      %dma_wait3A_875 = arith.constant 0 : i32
      %dma_wait3A_876 = tpu.memref_slice %arg2[%dma_wait3A_874, %dma_wait3A_875] : memref<10000x128xf32, #tpu.memory_space<hbm>> -> memref<10000x128xf32, #tpu.memory_space<hbm>>
      tpu.wait_indirect_dma semaphore(%arg22 : memref<!tpu.dma_semaphore, #tpu.memory_space<semaphore_mem>>) src(%dma_wait3A_876 : memref<10000x128xf32, #tpu.memory_space<hbm>>) dst(%arg16 : memref<32x128xf32, #tpu.memory_space<vmem>>)
      %dma_start3A_877 = arith.constant 14 : i32
      %dma_start3A_878 = arith.constant 0 : i32
      %dma_start3A_879 = tpu.memref_slice %arg11[%dma_start3A_877, %dma_start3A_878] : memref<16x32xi32, #tpu.memory_space<vmem>> -> memref<1x32xi32, #tpu.memory_space<vmem>>
      %dma_start3A_880 = tpu.memref_squeeze %dma_start3A_879 : memref<1x32xi32, #tpu.memory_space<vmem>> -> memref<32xi32, #tpu.memory_space<vmem>>
      %dma_start3A_881 = arith.constant 0 : i32
      %dma_start3A_882 = arith.constant 0 : i32
      %dma_start3A_883 = tpu.memref_slice %arg18[%dma_start3A_881, %dma_start3A_882] : memref<10240x128xf32, #tpu.memory_space<vmem_shared>> -> memref<10240x128xf32, #tpu.memory_space<vmem_shared>>
      tpu.enqueue_indirect_dma source(%arg16 : memref<32x128xf32, #tpu.memory_space<vmem>>) target(%dma_start3A_883 : memref<10240x128xf32, #tpu.memory_space<vmem_shared>>) offsets(%dma_start3A_880 : memref<32xi32, #tpu.memory_space<vmem>>) semaphore(%arg25 : memref<!tpu.dma_semaphore, #tpu.memory_space<semaphore_mem>>) {add = true}
      %dma_wait3A_884 = arith.constant 13 : i32
      %dma_wait3A_885 = arith.constant 0 : i32
      %dma_wait3A_886 = tpu.memref_slice %arg11[%dma_wait3A_884, %dma_wait3A_885] : memref<16x32xi32, #tpu.memory_space<vmem>> -> memref<1x32xi32, #tpu.memory_space<vmem>>
      %dma_wait3A_887 = tpu.memref_squeeze %dma_wait3A_886 : memref<1x32xi32, #tpu.memory_space<vmem>> -> memref<32xi32, #tpu.memory_space<vmem>>
      %dma_wait3A_888 = arith.constant 0 : i32
      %dma_wait3A_889 = arith.constant 0 : i32
      %dma_wait3A_890 = tpu.memref_slice %arg18[%dma_wait3A_888, %dma_wait3A_889] : memref<10240x128xf32, #tpu.memory_space<vmem_shared>> -> memref<10240x128xf32, #tpu.memory_space<vmem_shared>>
      tpu.wait_indirect_dma semaphore(%arg24 : memref<!tpu.dma_semaphore, #tpu.memory_space<semaphore_mem>>) src(%arg15 : memref<32x128xf32, #tpu.memory_space<vmem>>) dst(%dma_wait3A_890 : memref<10240x128xf32, #tpu.memory_space<vmem_shared>>)
      %dma_start3A_891 = arith.constant 0 : i32
      %dma_start3A_892 = arith.constant 0 : i32
      %dma_start3A_893 = tpu.memref_slice %arg12[%dma_start3A_891, %dma_start3A_892] : memref<16x32xi32, #tpu.memory_space<vmem>> -> memref<1x32xi32, #tpu.memory_space<vmem>>
      %dma_start3A_894 = tpu.memref_squeeze %dma_start3A_893 : memref<1x32xi32, #tpu.memory_space<vmem>> -> memref<32xi32, #tpu.memory_space<vmem>>
      %dma_start3A_895 = arith.constant 0 : i32
      %dma_start3A_896 = arith.constant 0 : i32
      %dma_start3A_897 = tpu.memref_slice %arg2[%dma_start3A_895, %dma_start3A_896] : memref<10000x128xf32, #tpu.memory_space<hbm>> -> memref<10000x128xf32, #tpu.memory_space<hbm>>
      tpu.enqueue_indirect_dma source(%dma_start3A_897 : memref<10000x128xf32, #tpu.memory_space<hbm>>) target(%arg15 : memref<32x128xf32, #tpu.memory_space<vmem>>) offsets(%dma_start3A_894 : memref<32xi32, #tpu.memory_space<vmem>>) semaphore(%arg21 : memref<!tpu.dma_semaphore, #tpu.memory_space<semaphore_mem>>)
      %dma_start3A_898 = arith.constant 14 : i32
      %dma_start3A_899 = arith.constant 0 : i32
      %dma_start3A_900 = tpu.memref_slice %arg17[%dma_start3A_899] : memref<64xf32, #tpu.memory_space<vmem>> -> memref<32xf32, #tpu.memory_space<vmem>>
      %dma_start3A_901 = arith.constant 0 : i32
      %dma_start3A_902 = tpu.memref_slice %arg11[%dma_start3A_898, %dma_start3A_901] : memref<16x32xi32, #tpu.memory_space<vmem>> -> memref<1x32xi32, #tpu.memory_space<vmem>>
      %dma_start3A_903 = tpu.memref_squeeze %dma_start3A_902 : memref<1x32xi32, #tpu.memory_space<vmem>> -> memref<32xi32, #tpu.memory_space<vmem>>
      %dma_start3A_904 = arith.constant 0 : i32
      %dma_start3A_905 = tpu.memref_slice %arg19[%dma_start3A_904] : memref<10240xf32, #tpu.memory_space<vmem_shared>> -> memref<10240xf32, #tpu.memory_space<vmem_shared>>
      tpu.enqueue_indirect_dma source(%dma_start3A_900 : memref<32xf32, #tpu.memory_space<vmem>>) target(%dma_start3A_905 : memref<10240xf32, #tpu.memory_space<vmem_shared>>) offsets(%dma_start3A_903 : memref<32xi32, #tpu.memory_space<vmem>>) semaphore(%arg26 : memref<!tpu.dma_semaphore, #tpu.memory_space<semaphore_mem>>) {add = true}
      %dma_wait3A_906 = arith.constant 13 : i32
      %dma_wait3A_907 = arith.constant 0 : i32
      %dma_wait3A_908 = tpu.memref_slice %arg17[%dma_wait3A_907] : memref<64xf32, #tpu.memory_space<vmem>> -> memref<32xf32, #tpu.memory_space<vmem>>
      %dma_wait3A_909 = arith.constant 0 : i32
      %dma_wait3A_910 = tpu.memref_slice %arg11[%dma_wait3A_906, %dma_wait3A_909] : memref<16x32xi32, #tpu.memory_space<vmem>> -> memref<1x32xi32, #tpu.memory_space<vmem>>
      %dma_wait3A_911 = tpu.memref_squeeze %dma_wait3A_910 : memref<1x32xi32, #tpu.memory_space<vmem>> -> memref<32xi32, #tpu.memory_space<vmem>>
      %dma_wait3A_912 = arith.constant 0 : i32
      %dma_wait3A_913 = tpu.memref_slice %arg19[%dma_wait3A_912] : memref<10240xf32, #tpu.memory_space<vmem_shared>> -> memref<10240xf32, #tpu.memory_space<vmem_shared>>
      tpu.wait_indirect_dma semaphore(%arg26 : memref<!tpu.dma_semaphore, #tpu.memory_space<semaphore_mem>>) src(%dma_wait3A_908 : memref<32xf32, #tpu.memory_space<vmem>>) dst(%dma_wait3A_913 : memref<10240xf32, #tpu.memory_space<vmem_shared>>)
      %dma_wait3A_914 = arith.constant 15 : i32
      %dma_wait3A_915 = arith.constant 0 : i32
      %dma_wait3A_916 = tpu.memref_slice %arg10[%dma_wait3A_914, %dma_wait3A_915] : memref<16x32xi32, #tpu.memory_space<vmem>> -> memref<1x32xi32, #tpu.memory_space<vmem>>
      %dma_wait3A_917 = tpu.memref_squeeze %dma_wait3A_916 : memref<1x32xi32, #tpu.memory_space<vmem>> -> memref<32xi32, #tpu.memory_space<vmem>>
      %dma_wait3A_918 = arith.constant 0 : i32
      %dma_wait3A_919 = arith.constant 0 : i32
      %dma_wait3A_920 = tpu.memref_slice %arg2[%dma_wait3A_918, %dma_wait3A_919] : memref<10000x128xf32, #tpu.memory_space<hbm>> -> memref<10000x128xf32, #tpu.memory_space<hbm>>
      tpu.wait_indirect_dma semaphore(%arg20 : memref<!tpu.dma_semaphore, #tpu.memory_space<semaphore_mem>>) src(%dma_wait3A_920 : memref<10000x128xf32, #tpu.memory_space<hbm>>) dst(%arg14 : memref<32x128xf32, #tpu.memory_space<vmem>>)
      %dma_start3A_921 = arith.constant 15 : i32
      %dma_start3A_922 = arith.constant 0 : i32
      %dma_start3A_923 = tpu.memref_slice %arg11[%dma_start3A_921, %dma_start3A_922] : memref<16x32xi32, #tpu.memory_space<vmem>> -> memref<1x32xi32, #tpu.memory_space<vmem>>
      %dma_start3A_924 = tpu.memref_squeeze %dma_start3A_923 : memref<1x32xi32, #tpu.memory_space<vmem>> -> memref<32xi32, #tpu.memory_space<vmem>>
      %dma_start3A_925 = arith.constant 0 : i32
      %dma_start3A_926 = arith.constant 0 : i32
      %dma_start3A_927 = tpu.memref_slice %arg18[%dma_start3A_925, %dma_start3A_926] : memref<10240x128xf32, #tpu.memory_space<vmem_shared>> -> memref<10240x128xf32, #tpu.memory_space<vmem_shared>>
      tpu.enqueue_indirect_dma source(%arg14 : memref<32x128xf32, #tpu.memory_space<vmem>>) target(%dma_start3A_927 : memref<10240x128xf32, #tpu.memory_space<vmem_shared>>) offsets(%dma_start3A_924 : memref<32xi32, #tpu.memory_space<vmem>>) semaphore(%arg23 : memref<!tpu.dma_semaphore, #tpu.memory_space<semaphore_mem>>) {add = true}
      %dma_wait3A_928 = arith.constant 0 : i32
      %dma_wait3A_929 = arith.constant 0 : i32
      %dma_wait3A_930 = tpu.memref_slice %arg3[%add3A, %dma_wait3A_928, %dma_wait3A_929] : memref<32x320x32xi32, #tpu.memory_space<hbm>> -> memref<1x16x32xi32, #tpu.memory_space<hbm>>
      %dma_wait3A_931 = tpu.memref_squeeze %dma_wait3A_930 : memref<1x16x32xi32, #tpu.memory_space<hbm>> -> memref<16x32xi32, #tpu.memory_space<hbm>>
      %dma_wait3A_932 = arith.constant 0 : i32
      %dma_wait3A_933 = arith.constant 0 : i32
      %dma_wait3A_934 = tpu.memref_slice %arg3[%add3A, %dma_wait3A_932, %dma_wait3A_933] : memref<32x320x32xi32, #tpu.memory_space<hbm>> -> memref<1x16x32xi32, #tpu.memory_space<hbm>>
      %dma_wait3A_935 = tpu.memref_squeeze %dma_wait3A_934 : memref<1x16x32xi32, #tpu.memory_space<hbm>> -> memref<16x32xi32, #tpu.memory_space<hbm>>
      tpu.wait_dma2 semaphore(%arg28 : memref<!tpu.dma_semaphore, #tpu.memory_space<semaphore_mem>>) src(%dma_wait3A_935 : memref<16x32xi32, #tpu.memory_space<hbm>>) dst(%arg12 : memref<16x32xi32, #tpu.memory_space<vmem>>)
      %dma_wait3A_936 = arith.constant 0 : i32
      %dma_wait3A_937 = arith.constant 0 : i32
      %dma_wait3A_938 = tpu.memref_slice %arg4[%add3A, %dma_wait3A_936, %dma_wait3A_937] : memref<32x320x32xi32, #tpu.memory_space<hbm>> -> memref<1x16x32xi32, #tpu.memory_space<hbm>>
      %dma_wait3A_939 = tpu.memref_squeeze %dma_wait3A_938 : memref<1x16x32xi32, #tpu.memory_space<hbm>> -> memref<16x32xi32, #tpu.memory_space<hbm>>
      %dma_wait3A_940 = arith.constant 0 : i32
      %dma_wait3A_941 = arith.constant 0 : i32
      %dma_wait3A_942 = tpu.memref_slice %arg4[%add3A, %dma_wait3A_940, %dma_wait3A_941] : memref<32x320x32xi32, #tpu.memory_space<hbm>> -> memref<1x16x32xi32, #tpu.memory_space<hbm>>
      %dma_wait3A_943 = tpu.memref_squeeze %dma_wait3A_942 : memref<1x16x32xi32, #tpu.memory_space<hbm>> -> memref<16x32xi32, #tpu.memory_space<hbm>>
      tpu.wait_dma2 semaphore(%arg28 : memref<!tpu.dma_semaphore, #tpu.memory_space<semaphore_mem>>) src(%dma_wait3A_943 : memref<16x32xi32, #tpu.memory_space<hbm>>) dst(%arg13 : memref<16x32xi32, #tpu.memory_space<vmem>>)
      %mul3A_944 = arith.constant 2 : i32
      %mul3A_945 = arith.muli %mul3A_944, %scan3A_219 : i32
      %add3A_946 = arith.constant 2 : i32
      %add3A_947 = arith.addi %mul3A_945, %add3A_946 : i32
      %min3A = arith.constant 19 : i32
      %min3A_948 = arith.minsi %add3A_947, %min3A : i32
      %mul3A_949 = arith.constant 16 : i32
      %mul3A_950 = arith.muli %min3A_948, %mul3A_949 : i32
      %multiple_of3A_951 = tpu.assume_multiple %mul3A_950, 16 : i32
      %dma_start3A_952 = arith.constant 0 : i32
      %dma_start3A_953 = tpu.memref_slice %arg3[%add3A, %multiple_of3A_951, %dma_start3A_952] : memref<32x320x32xi32, #tpu.memory_space<hbm>> -> memref<1x16x32xi32, #tpu.memory_space<hbm>>
      %dma_start3A_954 = tpu.memref_squeeze %dma_start3A_953 : memref<1x16x32xi32, #tpu.memory_space<hbm>> -> memref<16x32xi32, #tpu.memory_space<hbm>>
      %dma_start3A_955 = arith.constant 0 : i32
      %dma_start3A_956 = tpu.memref_slice %arg3[%add3A, %multiple_of3A_951, %dma_start3A_955] : memref<32x320x32xi32, #tpu.memory_space<hbm>> -> memref<1x16x32xi32, #tpu.memory_space<hbm>>
      %dma_start3A_957 = tpu.memref_squeeze %dma_start3A_956 : memref<1x16x32xi32, #tpu.memory_space<hbm>> -> memref<16x32xi32, #tpu.memory_space<hbm>>
      tpu.enqueue_dma source(%dma_start3A_957 : memref<16x32xi32, #tpu.memory_space<hbm>>) target(%arg10 : memref<16x32xi32, #tpu.memory_space<vmem>>) target_semaphore(%arg27 : memref<!tpu.dma_semaphore, #tpu.memory_space<semaphore_mem>>)
      %dma_start3A_958 = arith.constant 0 : i32
      %dma_start3A_959 = tpu.memref_slice %arg4[%add3A, %multiple_of3A_951, %dma_start3A_958] : memref<32x320x32xi32, #tpu.memory_space<hbm>> -> memref<1x16x32xi32, #tpu.memory_space<hbm>>
      %dma_start3A_960 = tpu.memref_squeeze %dma_start3A_959 : memref<1x16x32xi32, #tpu.memory_space<hbm>> -> memref<16x32xi32, #tpu.memory_space<hbm>>
      %dma_start3A_961 = arith.constant 0 : i32
      %dma_start3A_962 = tpu.memref_slice %arg4[%add3A, %multiple_of3A_951, %dma_start3A_961] : memref<32x320x32xi32, #tpu.memory_space<hbm>> -> memref<1x16x32xi32, #tpu.memory_space<hbm>>
      %dma_start3A_963 = tpu.memref_squeeze %dma_start3A_962 : memref<1x16x32xi32, #tpu.memory_space<hbm>> -> memref<16x32xi32, #tpu.memory_space<hbm>>
      tpu.enqueue_dma source(%dma_start3A_963 : memref<16x32xi32, #tpu.memory_space<hbm>>) target(%arg11 : memref<16x32xi32, #tpu.memory_space<vmem>>) target_semaphore(%arg27 : memref<!tpu.dma_semaphore, #tpu.memory_space<semaphore_mem>>)
      %dma_wait3A_964 = arith.constant 14 : i32
      %dma_wait3A_965 = arith.constant 0 : i32
      %dma_wait3A_966 = tpu.memref_slice %arg11[%dma_wait3A_964, %dma_wait3A_965] : memref<16x32xi32, #tpu.memory_space<vmem>> -> memref<1x32xi32, #tpu.memory_space<vmem>>
      %dma_wait3A_967 = tpu.memref_squeeze %dma_wait3A_966 : memref<1x32xi32, #tpu.memory_space<vmem>> -> memref<32xi32, #tpu.memory_space<vmem>>
      %dma_wait3A_968 = arith.constant 0 : i32
      %dma_wait3A_969 = arith.constant 0 : i32
      %dma_wait3A_970 = tpu.memref_slice %arg18[%dma_wait3A_968, %dma_wait3A_969] : memref<10240x128xf32, #tpu.memory_space<vmem_shared>> -> memref<10240x128xf32, #tpu.memory_space<vmem_shared>>
      tpu.wait_indirect_dma semaphore(%arg25 : memref<!tpu.dma_semaphore, #tpu.memory_space<semaphore_mem>>) src(%arg16 : memref<32x128xf32, #tpu.memory_space<vmem>>) dst(%dma_wait3A_970 : memref<10240x128xf32, #tpu.memory_space<vmem_shared>>)
      %dma_start3A_971 = arith.constant 1 : i32
      %dma_start3A_972 = arith.constant 0 : i32
      %dma_start3A_973 = tpu.memref_slice %arg12[%dma_start3A_971, %dma_start3A_972] : memref<16x32xi32, #tpu.memory_space<vmem>> -> memref<1x32xi32, #tpu.memory_space<vmem>>
      %dma_start3A_974 = tpu.memref_squeeze %dma_start3A_973 : memref<1x32xi32, #tpu.memory_space<vmem>> -> memref<32xi32, #tpu.memory_space<vmem>>
      %dma_start3A_975 = arith.constant 0 : i32
      %dma_start3A_976 = arith.constant 0 : i32
      %dma_start3A_977 = tpu.memref_slice %arg2[%dma_start3A_975, %dma_start3A_976] : memref<10000x128xf32, #tpu.memory_space<hbm>> -> memref<10000x128xf32, #tpu.memory_space<hbm>>
      tpu.enqueue_indirect_dma source(%dma_start3A_977 : memref<10000x128xf32, #tpu.memory_space<hbm>>) target(%arg16 : memref<32x128xf32, #tpu.memory_space<vmem>>) offsets(%dma_start3A_974 : memref<32xi32, #tpu.memory_space<vmem>>) semaphore(%arg22 : memref<!tpu.dma_semaphore, #tpu.memory_space<semaphore_mem>>)
      %dma_start3A_978 = arith.constant 15 : i32
      %dma_start3A_979 = arith.constant 0 : i32
      %dma_start3A_980 = tpu.memref_slice %arg17[%dma_start3A_979] : memref<64xf32, #tpu.memory_space<vmem>> -> memref<32xf32, #tpu.memory_space<vmem>>
      %dma_start3A_981 = arith.constant 0 : i32
      %dma_start3A_982 = tpu.memref_slice %arg11[%dma_start3A_978, %dma_start3A_981] : memref<16x32xi32, #tpu.memory_space<vmem>> -> memref<1x32xi32, #tpu.memory_space<vmem>>
      %dma_start3A_983 = tpu.memref_squeeze %dma_start3A_982 : memref<1x32xi32, #tpu.memory_space<vmem>> -> memref<32xi32, #tpu.memory_space<vmem>>
      %dma_start3A_984 = arith.constant 0 : i32
      %dma_start3A_985 = tpu.memref_slice %arg19[%dma_start3A_984] : memref<10240xf32, #tpu.memory_space<vmem_shared>> -> memref<10240xf32, #tpu.memory_space<vmem_shared>>
      tpu.enqueue_indirect_dma source(%dma_start3A_980 : memref<32xf32, #tpu.memory_space<vmem>>) target(%dma_start3A_985 : memref<10240xf32, #tpu.memory_space<vmem_shared>>) offsets(%dma_start3A_983 : memref<32xi32, #tpu.memory_space<vmem>>) semaphore(%arg26 : memref<!tpu.dma_semaphore, #tpu.memory_space<semaphore_mem>>) {add = true}
      %dma_wait3A_986 = arith.constant 14 : i32
      %dma_wait3A_987 = arith.constant 0 : i32
      %dma_wait3A_988 = tpu.memref_slice %arg17[%dma_wait3A_987] : memref<64xf32, #tpu.memory_space<vmem>> -> memref<32xf32, #tpu.memory_space<vmem>>
      %dma_wait3A_989 = arith.constant 0 : i32
      %dma_wait3A_990 = tpu.memref_slice %arg11[%dma_wait3A_986, %dma_wait3A_989] : memref<16x32xi32, #tpu.memory_space<vmem>> -> memref<1x32xi32, #tpu.memory_space<vmem>>
      %dma_wait3A_991 = tpu.memref_squeeze %dma_wait3A_990 : memref<1x32xi32, #tpu.memory_space<vmem>> -> memref<32xi32, #tpu.memory_space<vmem>>
      %dma_wait3A_992 = arith.constant 0 : i32
      %dma_wait3A_993 = tpu.memref_slice %arg19[%dma_wait3A_992] : memref<10240xf32, #tpu.memory_space<vmem_shared>> -> memref<10240xf32, #tpu.memory_space<vmem_shared>>
      tpu.wait_indirect_dma semaphore(%arg26 : memref<!tpu.dma_semaphore, #tpu.memory_space<semaphore_mem>>) src(%dma_wait3A_988 : memref<32xf32, #tpu.memory_space<vmem>>) dst(%dma_wait3A_993 : memref<10240xf32, #tpu.memory_space<vmem_shared>>)
      %dma_wait3A_994 = arith.constant 0 : i32
      %dma_wait3A_995 = arith.constant 0 : i32
      %dma_wait3A_996 = tpu.memref_slice %arg12[%dma_wait3A_994, %dma_wait3A_995] : memref<16x32xi32, #tpu.memory_space<vmem>> -> memref<1x32xi32, #tpu.memory_space<vmem>>
      %dma_wait3A_997 = tpu.memref_squeeze %dma_wait3A_996 : memref<1x32xi32, #tpu.memory_space<vmem>> -> memref<32xi32, #tpu.memory_space<vmem>>
      %dma_wait3A_998 = arith.constant 0 : i32
      %dma_wait3A_999 = arith.constant 0 : i32
      %dma_wait3A_1000 = tpu.memref_slice %arg2[%dma_wait3A_998, %dma_wait3A_999] : memref<10000x128xf32, #tpu.memory_space<hbm>> -> memref<10000x128xf32, #tpu.memory_space<hbm>>
      tpu.wait_indirect_dma semaphore(%arg21 : memref<!tpu.dma_semaphore, #tpu.memory_space<semaphore_mem>>) src(%dma_wait3A_1000 : memref<10000x128xf32, #tpu.memory_space<hbm>>) dst(%arg15 : memref<32x128xf32, #tpu.memory_space<vmem>>)
      %dma_start3A_1001 = arith.constant 0 : i32
      %dma_start3A_1002 = arith.constant 0 : i32
      %dma_start3A_1003 = tpu.memref_slice %arg13[%dma_start3A_1001, %dma_start3A_1002] : memref<16x32xi32, #tpu.memory_space<vmem>> -> memref<1x32xi32, #tpu.memory_space<vmem>>
      %dma_start3A_1004 = tpu.memref_squeeze %dma_start3A_1003 : memref<1x32xi32, #tpu.memory_space<vmem>> -> memref<32xi32, #tpu.memory_space<vmem>>
      %dma_start3A_1005 = arith.constant 0 : i32
      %dma_start3A_1006 = arith.constant 0 : i32
      %dma_start3A_1007 = tpu.memref_slice %arg18[%dma_start3A_1005, %dma_start3A_1006] : memref<10240x128xf32, #tpu.memory_space<vmem_shared>> -> memref<10240x128xf32, #tpu.memory_space<vmem_shared>>
      tpu.enqueue_indirect_dma source(%arg15 : memref<32x128xf32, #tpu.memory_space<vmem>>) target(%dma_start3A_1007 : memref<10240x128xf32, #tpu.memory_space<vmem_shared>>) offsets(%dma_start3A_1004 : memref<32xi32, #tpu.memory_space<vmem>>) semaphore(%arg24 : memref<!tpu.dma_semaphore, #tpu.memory_space<semaphore_mem>>) {add = true}
      %dma_wait3A_1008 = arith.constant 15 : i32
      %dma_wait3A_1009 = arith.constant 0 : i32
      %dma_wait3A_1010 = tpu.memref_slice %arg11[%dma_wait3A_1008, %dma_wait3A_1009] : memref<16x32xi32, #tpu.memory_space<vmem>> -> memref<1x32xi32, #tpu.memory_space<vmem>>
      %dma_wait3A_1011 = tpu.memref_squeeze %dma_wait3A_1010 : memref<1x32xi32, #tpu.memory_space<vmem>> -> memref<32xi32, #tpu.memory_space<vmem>>
      %dma_wait3A_1012 = arith.constant 0 : i32
      %dma_wait3A_1013 = arith.constant 0 : i32
      %dma_wait3A_1014 = tpu.memref_slice %arg18[%dma_wait3A_1012, %dma_wait3A_1013] : memref<10240x128xf32, #tpu.memory_space<vmem_shared>> -> memref<10240x128xf32, #tpu.memory_space<vmem_shared>>
      tpu.wait_indirect_dma semaphore(%arg23 : memref<!tpu.dma_semaphore, #tpu.memory_space<semaphore_mem>>) src(%arg14 : memref<32x128xf32, #tpu.memory_space<vmem>>) dst(%dma_wait3A_1014 : memref<10240x128xf32, #tpu.memory_space<vmem_shared>>)
      %dma_start3A_1015 = arith.constant 2 : i32
      %dma_start3A_1016 = arith.constant 0 : i32
      %dma_start3A_1017 = tpu.memref_slice %arg12[%dma_start3A_1015, %dma_start3A_1016] : memref<16x32xi32, #tpu.memory_space<vmem>> -> memref<1x32xi32, #tpu.memory_space<vmem>>
      %dma_start3A_1018 = tpu.memref_squeeze %dma_start3A_1017 : memref<1x32xi32, #tpu.memory_space<vmem>> -> memref<32xi32, #tpu.memory_space<vmem>>
      %dma_start3A_1019 = arith.constant 0 : i32
      %dma_start3A_1020 = arith.constant 0 : i32
      %dma_start3A_1021 = tpu.memref_slice %arg2[%dma_start3A_1019, %dma_start3A_1020] : memref<10000x128xf32, #tpu.memory_space<hbm>> -> memref<10000x128xf32, #tpu.memory_space<hbm>>
      tpu.enqueue_indirect_dma source(%dma_start3A_1021 : memref<10000x128xf32, #tpu.memory_space<hbm>>) target(%arg14 : memref<32x128xf32, #tpu.memory_space<vmem>>) offsets(%dma_start3A_1018 : memref<32xi32, #tpu.memory_space<vmem>>) semaphore(%arg20 : memref<!tpu.dma_semaphore, #tpu.memory_space<semaphore_mem>>)
      %dma_start3A_1022 = arith.constant 0 : i32
      %dma_start3A_1023 = arith.constant 0 : i32
      %dma_start3A_1024 = tpu.memref_slice %arg17[%dma_start3A_1023] : memref<64xf32, #tpu.memory_space<vmem>> -> memref<32xf32, #tpu.memory_space<vmem>>
      %dma_start3A_1025 = arith.constant 0 : i32
      %dma_start3A_1026 = tpu.memref_slice %arg13[%dma_start3A_1022, %dma_start3A_1025] : memref<16x32xi32, #tpu.memory_space<vmem>> -> memref<1x32xi32, #tpu.memory_space<vmem>>
      %dma_start3A_1027 = tpu.memref_squeeze %dma_start3A_1026 : memref<1x32xi32, #tpu.memory_space<vmem>> -> memref<32xi32, #tpu.memory_space<vmem>>
      %dma_start3A_1028 = arith.constant 0 : i32
      %dma_start3A_1029 = tpu.memref_slice %arg19[%dma_start3A_1028] : memref<10240xf32, #tpu.memory_space<vmem_shared>> -> memref<10240xf32, #tpu.memory_space<vmem_shared>>
      tpu.enqueue_indirect_dma source(%dma_start3A_1024 : memref<32xf32, #tpu.memory_space<vmem>>) target(%dma_start3A_1029 : memref<10240xf32, #tpu.memory_space<vmem_shared>>) offsets(%dma_start3A_1027 : memref<32xi32, #tpu.memory_space<vmem>>) semaphore(%arg26 : memref<!tpu.dma_semaphore, #tpu.memory_space<semaphore_mem>>) {add = true}
      %dma_wait3A_1030 = arith.constant 15 : i32
      %dma_wait3A_1031 = arith.constant 0 : i32
      %dma_wait3A_1032 = tpu.memref_slice %arg17[%dma_wait3A_1031] : memref<64xf32, #tpu.memory_space<vmem>> -> memref<32xf32, #tpu.memory_space<vmem>>
      %dma_wait3A_1033 = arith.constant 0 : i32
      %dma_wait3A_1034 = tpu.memref_slice %arg11[%dma_wait3A_1030, %dma_wait3A_1033] : memref<16x32xi32, #tpu.memory_space<vmem>> -> memref<1x32xi32, #tpu.memory_space<vmem>>
      %dma_wait3A_1035 = tpu.memref_squeeze %dma_wait3A_1034 : memref<1x32xi32, #tpu.memory_space<vmem>> -> memref<32xi32, #tpu.memory_space<vmem>>
      %dma_wait3A_1036 = arith.constant 0 : i32
      %dma_wait3A_1037 = tpu.memref_slice %arg19[%dma_wait3A_1036] : memref<10240xf32, #tpu.memory_space<vmem_shared>> -> memref<10240xf32, #tpu.memory_space<vmem_shared>>
      tpu.wait_indirect_dma semaphore(%arg26 : memref<!tpu.dma_semaphore, #tpu.memory_space<semaphore_mem>>) src(%dma_wait3A_1032 : memref<32xf32, #tpu.memory_space<vmem>>) dst(%dma_wait3A_1037 : memref<10240xf32, #tpu.memory_space<vmem_shared>>)
      %dma_wait3A_1038 = arith.constant 1 : i32
      %dma_wait3A_1039 = arith.constant 0 : i32
      %dma_wait3A_1040 = tpu.memref_slice %arg12[%dma_wait3A_1038, %dma_wait3A_1039] : memref<16x32xi32, #tpu.memory_space<vmem>> -> memref<1x32xi32, #tpu.memory_space<vmem>>
      %dma_wait3A_1041 = tpu.memref_squeeze %dma_wait3A_1040 : memref<1x32xi32, #tpu.memory_space<vmem>> -> memref<32xi32, #tpu.memory_space<vmem>>
      %dma_wait3A_1042 = arith.constant 0 : i32
      %dma_wait3A_1043 = arith.constant 0 : i32
      %dma_wait3A_1044 = tpu.memref_slice %arg2[%dma_wait3A_1042, %dma_wait3A_1043] : memref<10000x128xf32, #tpu.memory_space<hbm>> -> memref<10000x128xf32, #tpu.memory_space<hbm>>
      tpu.wait_indirect_dma semaphore(%arg22 : memref<!tpu.dma_semaphore, #tpu.memory_space<semaphore_mem>>) src(%dma_wait3A_1044 : memref<10000x128xf32, #tpu.memory_space<hbm>>) dst(%arg16 : memref<32x128xf32, #tpu.memory_space<vmem>>)
      %dma_start3A_1045 = arith.constant 1 : i32
      %dma_start3A_1046 = arith.constant 0 : i32
      %dma_start3A_1047 = tpu.memref_slice %arg13[%dma_start3A_1045, %dma_start3A_1046] : memref<16x32xi32, #tpu.memory_space<vmem>> -> memref<1x32xi32, #tpu.memory_space<vmem>>
      %dma_start3A_1048 = tpu.memref_squeeze %dma_start3A_1047 : memref<1x32xi32, #tpu.memory_space<vmem>> -> memref<32xi32, #tpu.memory_space<vmem>>
      %dma_start3A_1049 = arith.constant 0 : i32
      %dma_start3A_1050 = arith.constant 0 : i32
      %dma_start3A_1051 = tpu.memref_slice %arg18[%dma_start3A_1049, %dma_start3A_1050] : memref<10240x128xf32, #tpu.memory_space<vmem_shared>> -> memref<10240x128xf32, #tpu.memory_space<vmem_shared>>
      tpu.enqueue_indirect_dma source(%arg16 : memref<32x128xf32, #tpu.memory_space<vmem>>) target(%dma_start3A_1051 : memref<10240x128xf32, #tpu.memory_space<vmem_shared>>) offsets(%dma_start3A_1048 : memref<32xi32, #tpu.memory_space<vmem>>) semaphore(%arg25 : memref<!tpu.dma_semaphore, #tpu.memory_space<semaphore_mem>>) {add = true}
      %dma_wait3A_1052 = arith.constant 0 : i32
      %dma_wait3A_1053 = arith.constant 0 : i32
      %dma_wait3A_1054 = tpu.memref_slice %arg13[%dma_wait3A_1052, %dma_wait3A_1053] : memref<16x32xi32, #tpu.memory_space<vmem>> -> memref<1x32xi32, #tpu.memory_space<vmem>>
      %dma_wait3A_1055 = tpu.memref_squeeze %dma_wait3A_1054 : memref<1x32xi32, #tpu.memory_space<vmem>> -> memref<32xi32, #tpu.memory_space<vmem>>
      %dma_wait3A_1056 = arith.constant 0 : i32
      %dma_wait3A_1057 = arith.constant 0 : i32
      %dma_wait3A_1058 = tpu.memref_slice %arg18[%dma_wait3A_1056, %dma_wait3A_1057] : memref<10240x128xf32, #tpu.memory_space<vmem_shared>> -> memref<10240x128xf32, #tpu.memory_space<vmem_shared>>
      tpu.wait_indirect_dma semaphore(%arg24 : memref<!tpu.dma_semaphore, #tpu.memory_space<semaphore_mem>>) src(%arg15 : memref<32x128xf32, #tpu.memory_space<vmem>>) dst(%dma_wait3A_1058 : memref<10240x128xf32, #tpu.memory_space<vmem_shared>>)
      %dma_start3A_1059 = arith.constant 3 : i32
      %dma_start3A_1060 = arith.constant 0 : i32
      %dma_start3A_1061 = tpu.memref_slice %arg12[%dma_start3A_1059, %dma_start3A_1060] : memref<16x32xi32, #tpu.memory_space<vmem>> -> memref<1x32xi32, #tpu.memory_space<vmem>>
      %dma_start3A_1062 = tpu.memref_squeeze %dma_start3A_1061 : memref<1x32xi32, #tpu.memory_space<vmem>> -> memref<32xi32, #tpu.memory_space<vmem>>
      %dma_start3A_1063 = arith.constant 0 : i32
      %dma_start3A_1064 = arith.constant 0 : i32
      %dma_start3A_1065 = tpu.memref_slice %arg2[%dma_start3A_1063, %dma_start3A_1064] : memref<10000x128xf32, #tpu.memory_space<hbm>> -> memref<10000x128xf32, #tpu.memory_space<hbm>>
      tpu.enqueue_indirect_dma source(%dma_start3A_1065 : memref<10000x128xf32, #tpu.memory_space<hbm>>) target(%arg15 : memref<32x128xf32, #tpu.memory_space<vmem>>) offsets(%dma_start3A_1062 : memref<32xi32, #tpu.memory_space<vmem>>) semaphore(%arg21 : memref<!tpu.dma_semaphore, #tpu.memory_space<semaphore_mem>>)
      %dma_start3A_1066 = arith.constant 1 : i32
      %dma_start3A_1067 = arith.constant 0 : i32
      %dma_start3A_1068 = tpu.memref_slice %arg17[%dma_start3A_1067] : memref<64xf32, #tpu.memory_space<vmem>> -> memref<32xf32, #tpu.memory_space<vmem>>
      %dma_start3A_1069 = arith.constant 0 : i32
      %dma_start3A_1070 = tpu.memref_slice %arg13[%dma_start3A_1066, %dma_start3A_1069] : memref<16x32xi32, #tpu.memory_space<vmem>> -> memref<1x32xi32, #tpu.memory_space<vmem>>
      %dma_start3A_1071 = tpu.memref_squeeze %dma_start3A_1070 : memref<1x32xi32, #tpu.memory_space<vmem>> -> memref<32xi32, #tpu.memory_space<vmem>>
      %dma_start3A_1072 = arith.constant 0 : i32
      %dma_start3A_1073 = tpu.memref_slice %arg19[%dma_start3A_1072] : memref<10240xf32, #tpu.memory_space<vmem_shared>> -> memref<10240xf32, #tpu.memory_space<vmem_shared>>
      tpu.enqueue_indirect_dma source(%dma_start3A_1068 : memref<32xf32, #tpu.memory_space<vmem>>) target(%dma_start3A_1073 : memref<10240xf32, #tpu.memory_space<vmem_shared>>) offsets(%dma_start3A_1071 : memref<32xi32, #tpu.memory_space<vmem>>) semaphore(%arg26 : memref<!tpu.dma_semaphore, #tpu.memory_space<semaphore_mem>>) {add = true}
      %dma_wait3A_1074 = arith.constant 0 : i32
      %dma_wait3A_1075 = arith.constant 0 : i32
      %dma_wait3A_1076 = tpu.memref_slice %arg17[%dma_wait3A_1075] : memref<64xf32, #tpu.memory_space<vmem>> -> memref<32xf32, #tpu.memory_space<vmem>>
      %dma_wait3A_1077 = arith.constant 0 : i32
      %dma_wait3A_1078 = tpu.memref_slice %arg13[%dma_wait3A_1074, %dma_wait3A_1077] : memref<16x32xi32, #tpu.memory_space<vmem>> -> memref<1x32xi32, #tpu.memory_space<vmem>>
      %dma_wait3A_1079 = tpu.memref_squeeze %dma_wait3A_1078 : memref<1x32xi32, #tpu.memory_space<vmem>> -> memref<32xi32, #tpu.memory_space<vmem>>
      %dma_wait3A_1080 = arith.constant 0 : i32
      %dma_wait3A_1081 = tpu.memref_slice %arg19[%dma_wait3A_1080] : memref<10240xf32, #tpu.memory_space<vmem_shared>> -> memref<10240xf32, #tpu.memory_space<vmem_shared>>
      tpu.wait_indirect_dma semaphore(%arg26 : memref<!tpu.dma_semaphore, #tpu.memory_space<semaphore_mem>>) src(%dma_wait3A_1076 : memref<32xf32, #tpu.memory_space<vmem>>) dst(%dma_wait3A_1081 : memref<10240xf32, #tpu.memory_space<vmem_shared>>)
      %dma_wait3A_1082 = arith.constant 2 : i32
      %dma_wait3A_1083 = arith.constant 0 : i32
      %dma_wait3A_1084 = tpu.memref_slice %arg12[%dma_wait3A_1082, %dma_wait3A_1083] : memref<16x32xi32, #tpu.memory_space<vmem>> -> memref<1x32xi32, #tpu.memory_space<vmem>>
      %dma_wait3A_1085 = tpu.memref_squeeze %dma_wait3A_1084 : memref<1x32xi32, #tpu.memory_space<vmem>> -> memref<32xi32, #tpu.memory_space<vmem>>
      %dma_wait3A_1086 = arith.constant 0 : i32
      %dma_wait3A_1087 = arith.constant 0 : i32
      %dma_wait3A_1088 = tpu.memref_slice %arg2[%dma_wait3A_1086, %dma_wait3A_1087] : memref<10000x128xf32, #tpu.memory_space<hbm>> -> memref<10000x128xf32, #tpu.memory_space<hbm>>
      tpu.wait_indirect_dma semaphore(%arg20 : memref<!tpu.dma_semaphore, #tpu.memory_space<semaphore_mem>>) src(%dma_wait3A_1088 : memref<10000x128xf32, #tpu.memory_space<hbm>>) dst(%arg14 : memref<32x128xf32, #tpu.memory_space<vmem>>)
      %dma_start3A_1089 = arith.constant 2 : i32
      %dma_start3A_1090 = arith.constant 0 : i32
      %dma_start3A_1091 = tpu.memref_slice %arg13[%dma_start3A_1089, %dma_start3A_1090] : memref<16x32xi32, #tpu.memory_space<vmem>> -> memref<1x32xi32, #tpu.memory_space<vmem>>
      %dma_start3A_1092 = tpu.memref_squeeze %dma_start3A_1091 : memref<1x32xi32, #tpu.memory_space<vmem>> -> memref<32xi32, #tpu.memory_space<vmem>>
      %dma_start3A_1093 = arith.constant 0 : i32
      %dma_start3A_1094 = arith.constant 0 : i32
      %dma_start3A_1095 = tpu.memref_slice %arg18[%dma_start3A_1093, %dma_start3A_1094] : memref<10240x128xf32, #tpu.memory_space<vmem_shared>> -> memref<10240x128xf32, #tpu.memory_space<vmem_shared>>
      tpu.enqueue_indirect_dma source(%arg14 : memref<32x128xf32, #tpu.memory_space<vmem>>) target(%dma_start3A_1095 : memref<10240x128xf32, #tpu.memory_space<vmem_shared>>) offsets(%dma_start3A_1092 : memref<32xi32, #tpu.memory_space<vmem>>) semaphore(%arg23 : memref<!tpu.dma_semaphore, #tpu.memory_space<semaphore_mem>>) {add = true}
      %dma_wait3A_1096 = arith.constant 1 : i32
      %dma_wait3A_1097 = arith.constant 0 : i32
      %dma_wait3A_1098 = tpu.memref_slice %arg13[%dma_wait3A_1096, %dma_wait3A_1097] : memref<16x32xi32, #tpu.memory_space<vmem>> -> memref<1x32xi32, #tpu.memory_space<vmem>>
      %dma_wait3A_1099 = tpu.memref_squeeze %dma_wait3A_1098 : memref<1x32xi32, #tpu.memory_space<vmem>> -> memref<32xi32, #tpu.memory_space<vmem>>
      %dma_wait3A_1100 = arith.constant 0 : i32
      %dma_wait3A_1101 = arith.constant 0 : i32
      %dma_wait3A_1102 = tpu.memref_slice %arg18[%dma_wait3A_1100, %dma_wait3A_1101] : memref<10240x128xf32, #tpu.memory_space<vmem_shared>> -> memref<10240x128xf32, #tpu.memory_space<vmem_shared>>
      tpu.wait_indirect_dma semaphore(%arg25 : memref<!tpu.dma_semaphore, #tpu.memory_space<semaphore_mem>>) src(%arg16 : memref<32x128xf32, #tpu.memory_space<vmem>>) dst(%dma_wait3A_1102 : memref<10240x128xf32, #tpu.memory_space<vmem_shared>>)
      %dma_start3A_1103 = arith.constant 4 : i32
      %dma_start3A_1104 = arith.constant 0 : i32
      %dma_start3A_1105 = tpu.memref_slice %arg12[%dma_start3A_1103, %dma_start3A_1104] : memref<16x32xi32, #tpu.memory_space<vmem>> -> memref<1x32xi32, #tpu.memory_space<vmem>>
      %dma_start3A_1106 = tpu.memref_squeeze %dma_start3A_1105 : memref<1x32xi32, #tpu.memory_space<vmem>> -> memref<32xi32, #tpu.memory_space<vmem>>
      %dma_start3A_1107 = arith.constant 0 : i32
      %dma_start3A_1108 = arith.constant 0 : i32
      %dma_start3A_1109 = tpu.memref_slice %arg2[%dma_start3A_1107, %dma_start3A_1108] : memref<10000x128xf32, #tpu.memory_space<hbm>> -> memref<10000x128xf32, #tpu.memory_space<hbm>>
      tpu.enqueue_indirect_dma source(%dma_start3A_1109 : memref<10000x128xf32, #tpu.memory_space<hbm>>) target(%arg16 : memref<32x128xf32, #tpu.memory_space<vmem>>) offsets(%dma_start3A_1106 : memref<32xi32, #tpu.memory_space<vmem>>) semaphore(%arg22 : memref<!tpu.dma_semaphore, #tpu.memory_space<semaphore_mem>>)
      %dma_start3A_1110 = arith.constant 2 : i32
      %dma_start3A_1111 = arith.constant 0 : i32
      %dma_start3A_1112 = tpu.memref_slice %arg17[%dma_start3A_1111] : memref<64xf32, #tpu.memory_space<vmem>> -> memref<32xf32, #tpu.memory_space<vmem>>
      %dma_start3A_1113 = arith.constant 0 : i32
      %dma_start3A_1114 = tpu.memref_slice %arg13[%dma_start3A_1110, %dma_start3A_1113] : memref<16x32xi32, #tpu.memory_space<vmem>> -> memref<1x32xi32, #tpu.memory_space<vmem>>
      %dma_start3A_1115 = tpu.memref_squeeze %dma_start3A_1114 : memref<1x32xi32, #tpu.memory_space<vmem>> -> memref<32xi32, #tpu.memory_space<vmem>>
      %dma_start3A_1116 = arith.constant 0 : i32
      %dma_start3A_1117 = tpu.memref_slice %arg19[%dma_start3A_1116] : memref<10240xf32, #tpu.memory_space<vmem_shared>> -> memref<10240xf32, #tpu.memory_space<vmem_shared>>
      tpu.enqueue_indirect_dma source(%dma_start3A_1112 : memref<32xf32, #tpu.memory_space<vmem>>) target(%dma_start3A_1117 : memref<10240xf32, #tpu.memory_space<vmem_shared>>) offsets(%dma_start3A_1115 : memref<32xi32, #tpu.memory_space<vmem>>) semaphore(%arg26 : memref<!tpu.dma_semaphore, #tpu.memory_space<semaphore_mem>>) {add = true}
      %dma_wait3A_1118 = arith.constant 1 : i32
      %dma_wait3A_1119 = arith.constant 0 : i32
      %dma_wait3A_1120 = tpu.memref_slice %arg17[%dma_wait3A_1119] : memref<64xf32, #tpu.memory_space<vmem>> -> memref<32xf32, #tpu.memory_space<vmem>>
      %dma_wait3A_1121 = arith.constant 0 : i32
      %dma_wait3A_1122 = tpu.memref_slice %arg13[%dma_wait3A_1118, %dma_wait3A_1121] : memref<16x32xi32, #tpu.memory_space<vmem>> -> memref<1x32xi32, #tpu.memory_space<vmem>>
      %dma_wait3A_1123 = tpu.memref_squeeze %dma_wait3A_1122 : memref<1x32xi32, #tpu.memory_space<vmem>> -> memref<32xi32, #tpu.memory_space<vmem>>
      %dma_wait3A_1124 = arith.constant 0 : i32
      %dma_wait3A_1125 = tpu.memref_slice %arg19[%dma_wait3A_1124] : memref<10240xf32, #tpu.memory_space<vmem_shared>> -> memref<10240xf32, #tpu.memory_space<vmem_shared>>
      tpu.wait_indirect_dma semaphore(%arg26 : memref<!tpu.dma_semaphore, #tpu.memory_space<semaphore_mem>>) src(%dma_wait3A_1120 : memref<32xf32, #tpu.memory_space<vmem>>) dst(%dma_wait3A_1125 : memref<10240xf32, #tpu.memory_space<vmem_shared>>)
      %dma_wait3A_1126 = arith.constant 3 : i32
      %dma_wait3A_1127 = arith.constant 0 : i32
      %dma_wait3A_1128 = tpu.memref_slice %arg12[%dma_wait3A_1126, %dma_wait3A_1127] : memref<16x32xi32, #tpu.memory_space<vmem>> -> memref<1x32xi32, #tpu.memory_space<vmem>>
      %dma_wait3A_1129 = tpu.memref_squeeze %dma_wait3A_1128 : memref<1x32xi32, #tpu.memory_space<vmem>> -> memref<32xi32, #tpu.memory_space<vmem>>
      %dma_wait3A_1130 = arith.constant 0 : i32
      %dma_wait3A_1131 = arith.constant 0 : i32
      %dma_wait3A_1132 = tpu.memref_slice %arg2[%dma_wait3A_1130, %dma_wait3A_1131] : memref<10000x128xf32, #tpu.memory_space<hbm>> -> memref<10000x128xf32, #tpu.memory_space<hbm>>
      tpu.wait_indirect_dma semaphore(%arg21 : memref<!tpu.dma_semaphore, #tpu.memory_space<semaphore_mem>>) src(%dma_wait3A_1132 : memref<10000x128xf32, #tpu.memory_space<hbm>>) dst(%arg15 : memref<32x128xf32, #tpu.memory_space<vmem>>)
      %dma_start3A_1133 = arith.constant 3 : i32
      %dma_start3A_1134 = arith.constant 0 : i32
      %dma_start3A_1135 = tpu.memref_slice %arg13[%dma_start3A_1133, %dma_start3A_1134] : memref<16x32xi32, #tpu.memory_space<vmem>> -> memref<1x32xi32, #tpu.memory_space<vmem>>
      %dma_start3A_1136 = tpu.memref_squeeze %dma_start3A_1135 : memref<1x32xi32, #tpu.memory_space<vmem>> -> memref<32xi32, #tpu.memory_space<vmem>>
      %dma_start3A_1137 = arith.constant 0 : i32
      %dma_start3A_1138 = arith.constant 0 : i32
      %dma_start3A_1139 = tpu.memref_slice %arg18[%dma_start3A_1137, %dma_start3A_1138] : memref<10240x128xf32, #tpu.memory_space<vmem_shared>> -> memref<10240x128xf32, #tpu.memory_space<vmem_shared>>
      tpu.enqueue_indirect_dma source(%arg15 : memref<32x128xf32, #tpu.memory_space<vmem>>) target(%dma_start3A_1139 : memref<10240x128xf32, #tpu.memory_space<vmem_shared>>) offsets(%dma_start3A_1136 : memref<32xi32, #tpu.memory_space<vmem>>) semaphore(%arg24 : memref<!tpu.dma_semaphore, #tpu.memory_space<semaphore_mem>>) {add = true}
      %dma_wait3A_1140 = arith.constant 2 : i32
      %dma_wait3A_1141 = arith.constant 0 : i32
      %dma_wait3A_1142 = tpu.memref_slice %arg13[%dma_wait3A_1140, %dma_wait3A_1141] : memref<16x32xi32, #tpu.memory_space<vmem>> -> memref<1x32xi32, #tpu.memory_space<vmem>>
      %dma_wait3A_1143 = tpu.memref_squeeze %dma_wait3A_1142 : memref<1x32xi32, #tpu.memory_space<vmem>> -> memref<32xi32, #tpu.memory_space<vmem>>
      %dma_wait3A_1144 = arith.constant 0 : i32
      %dma_wait3A_1145 = arith.constant 0 : i32
      %dma_wait3A_1146 = tpu.memref_slice %arg18[%dma_wait3A_1144, %dma_wait3A_1145] : memref<10240x128xf32, #tpu.memory_space<vmem_shared>> -> memref<10240x128xf32, #tpu.memory_space<vmem_shared>>
      tpu.wait_indirect_dma semaphore(%arg23 : memref<!tpu.dma_semaphore, #tpu.memory_space<semaphore_mem>>) src(%arg14 : memref<32x128xf32, #tpu.memory_space<vmem>>) dst(%dma_wait3A_1146 : memref<10240x128xf32, #tpu.memory_space<vmem_shared>>)
      %dma_start3A_1147 = arith.constant 5 : i32
      %dma_start3A_1148 = arith.constant 0 : i32
      %dma_start3A_1149 = tpu.memref_slice %arg12[%dma_start3A_1147, %dma_start3A_1148] : memref<16x32xi32, #tpu.memory_space<vmem>> -> memref<1x32xi32, #tpu.memory_space<vmem>>
      %dma_start3A_1150 = tpu.memref_squeeze %dma_start3A_1149 : memref<1x32xi32, #tpu.memory_space<vmem>> -> memref<32xi32, #tpu.memory_space<vmem>>
      %dma_start3A_1151 = arith.constant 0 : i32
      %dma_start3A_1152 = arith.constant 0 : i32
      %dma_start3A_1153 = tpu.memref_slice %arg2[%dma_start3A_1151, %dma_start3A_1152] : memref<10000x128xf32, #tpu.memory_space<hbm>> -> memref<10000x128xf32, #tpu.memory_space<hbm>>
      tpu.enqueue_indirect_dma source(%dma_start3A_1153 : memref<10000x128xf32, #tpu.memory_space<hbm>>) target(%arg14 : memref<32x128xf32, #tpu.memory_space<vmem>>) offsets(%dma_start3A_1150 : memref<32xi32, #tpu.memory_space<vmem>>) semaphore(%arg20 : memref<!tpu.dma_semaphore, #tpu.memory_space<semaphore_mem>>)
      %dma_start3A_1154 = arith.constant 3 : i32
      %dma_start3A_1155 = arith.constant 0 : i32
      %dma_start3A_1156 = tpu.memref_slice %arg17[%dma_start3A_1155] : memref<64xf32, #tpu.memory_space<vmem>> -> memref<32xf32, #tpu.memory_space<vmem>>
      %dma_start3A_1157 = arith.constant 0 : i32
      %dma_start3A_1158 = tpu.memref_slice %arg13[%dma_start3A_1154, %dma_start3A_1157] : memref<16x32xi32, #tpu.memory_space<vmem>> -> memref<1x32xi32, #tpu.memory_space<vmem>>
      %dma_start3A_1159 = tpu.memref_squeeze %dma_start3A_1158 : memref<1x32xi32, #tpu.memory_space<vmem>> -> memref<32xi32, #tpu.memory_space<vmem>>
      %dma_start3A_1160 = arith.constant 0 : i32
      %dma_start3A_1161 = tpu.memref_slice %arg19[%dma_start3A_1160] : memref<10240xf32, #tpu.memory_space<vmem_shared>> -> memref<10240xf32, #tpu.memory_space<vmem_shared>>
      tpu.enqueue_indirect_dma source(%dma_start3A_1156 : memref<32xf32, #tpu.memory_space<vmem>>) target(%dma_start3A_1161 : memref<10240xf32, #tpu.memory_space<vmem_shared>>) offsets(%dma_start3A_1159 : memref<32xi32, #tpu.memory_space<vmem>>) semaphore(%arg26 : memref<!tpu.dma_semaphore, #tpu.memory_space<semaphore_mem>>) {add = true}
      %dma_wait3A_1162 = arith.constant 2 : i32
      %dma_wait3A_1163 = arith.constant 0 : i32
      %dma_wait3A_1164 = tpu.memref_slice %arg17[%dma_wait3A_1163] : memref<64xf32, #tpu.memory_space<vmem>> -> memref<32xf32, #tpu.memory_space<vmem>>
      %dma_wait3A_1165 = arith.constant 0 : i32
      %dma_wait3A_1166 = tpu.memref_slice %arg13[%dma_wait3A_1162, %dma_wait3A_1165] : memref<16x32xi32, #tpu.memory_space<vmem>> -> memref<1x32xi32, #tpu.memory_space<vmem>>
      %dma_wait3A_1167 = tpu.memref_squeeze %dma_wait3A_1166 : memref<1x32xi32, #tpu.memory_space<vmem>> -> memref<32xi32, #tpu.memory_space<vmem>>
      %dma_wait3A_1168 = arith.constant 0 : i32
      %dma_wait3A_1169 = tpu.memref_slice %arg19[%dma_wait3A_1168] : memref<10240xf32, #tpu.memory_space<vmem_shared>> -> memref<10240xf32, #tpu.memory_space<vmem_shared>>
      tpu.wait_indirect_dma semaphore(%arg26 : memref<!tpu.dma_semaphore, #tpu.memory_space<semaphore_mem>>) src(%dma_wait3A_1164 : memref<32xf32, #tpu.memory_space<vmem>>) dst(%dma_wait3A_1169 : memref<10240xf32, #tpu.memory_space<vmem_shared>>)
      %dma_wait3A_1170 = arith.constant 4 : i32
      %dma_wait3A_1171 = arith.constant 0 : i32
      %dma_wait3A_1172 = tpu.memref_slice %arg12[%dma_wait3A_1170, %dma_wait3A_1171] : memref<16x32xi32, #tpu.memory_space<vmem>> -> memref<1x32xi32, #tpu.memory_space<vmem>>
      %dma_wait3A_1173 = tpu.memref_squeeze %dma_wait3A_1172 : memref<1x32xi32, #tpu.memory_space<vmem>> -> memref<32xi32, #tpu.memory_space<vmem>>
      %dma_wait3A_1174 = arith.constant 0 : i32
      %dma_wait3A_1175 = arith.constant 0 : i32
      %dma_wait3A_1176 = tpu.memref_slice %arg2[%dma_wait3A_1174, %dma_wait3A_1175] : memref<10000x128xf32, #tpu.memory_space<hbm>> -> memref<10000x128xf32, #tpu.memory_space<hbm>>
      tpu.wait_indirect_dma semaphore(%arg22 : memref<!tpu.dma_semaphore, #tpu.memory_space<semaphore_mem>>) src(%dma_wait3A_1176 : memref<10000x128xf32, #tpu.memory_space<hbm>>) dst(%arg16 : memref<32x128xf32, #tpu.memory_space<vmem>>)
      %dma_start3A_1177 = arith.constant 4 : i32
      %dma_start3A_1178 = arith.constant 0 : i32
      %dma_start3A_1179 = tpu.memref_slice %arg13[%dma_start3A_1177, %dma_start3A_1178] : memref<16x32xi32, #tpu.memory_space<vmem>> -> memref<1x32xi32, #tpu.memory_space<vmem>>
      %dma_start3A_1180 = tpu.memref_squeeze %dma_start3A_1179 : memref<1x32xi32, #tpu.memory_space<vmem>> -> memref<32xi32, #tpu.memory_space<vmem>>
      %dma_start3A_1181 = arith.constant 0 : i32
      %dma_start3A_1182 = arith.constant 0 : i32
      %dma_start3A_1183 = tpu.memref_slice %arg18[%dma_start3A_1181, %dma_start3A_1182] : memref<10240x128xf32, #tpu.memory_space<vmem_shared>> -> memref<10240x128xf32, #tpu.memory_space<vmem_shared>>
      tpu.enqueue_indirect_dma source(%arg16 : memref<32x128xf32, #tpu.memory_space<vmem>>) target(%dma_start3A_1183 : memref<10240x128xf32, #tpu.memory_space<vmem_shared>>) offsets(%dma_start3A_1180 : memref<32xi32, #tpu.memory_space<vmem>>) semaphore(%arg25 : memref<!tpu.dma_semaphore, #tpu.memory_space<semaphore_mem>>) {add = true}
      %dma_wait3A_1184 = arith.constant 3 : i32
      %dma_wait3A_1185 = arith.constant 0 : i32
      %dma_wait3A_1186 = tpu.memref_slice %arg13[%dma_wait3A_1184, %dma_wait3A_1185] : memref<16x32xi32, #tpu.memory_space<vmem>> -> memref<1x32xi32, #tpu.memory_space<vmem>>
      %dma_wait3A_1187 = tpu.memref_squeeze %dma_wait3A_1186 : memref<1x32xi32, #tpu.memory_space<vmem>> -> memref<32xi32, #tpu.memory_space<vmem>>
      %dma_wait3A_1188 = arith.constant 0 : i32
      %dma_wait3A_1189 = arith.constant 0 : i32
      %dma_wait3A_1190 = tpu.memref_slice %arg18[%dma_wait3A_1188, %dma_wait3A_1189] : memref<10240x128xf32, #tpu.memory_space<vmem_shared>> -> memref<10240x128xf32, #tpu.memory_space<vmem_shared>>
      tpu.wait_indirect_dma semaphore(%arg24 : memref<!tpu.dma_semaphore, #tpu.memory_space<semaphore_mem>>) src(%arg15 : memref<32x128xf32, #tpu.memory_space<vmem>>) dst(%dma_wait3A_1190 : memref<10240x128xf32, #tpu.memory_space<vmem_shared>>)
      %dma_start3A_1191 = arith.constant 6 : i32
      %dma_start3A_1192 = arith.constant 0 : i32
      %dma_start3A_1193 = tpu.memref_slice %arg12[%dma_start3A_1191, %dma_start3A_1192] : memref<16x32xi32, #tpu.memory_space<vmem>> -> memref<1x32xi32, #tpu.memory_space<vmem>>
      %dma_start3A_1194 = tpu.memref_squeeze %dma_start3A_1193 : memref<1x32xi32, #tpu.memory_space<vmem>> -> memref<32xi32, #tpu.memory_space<vmem>>
      %dma_start3A_1195 = arith.constant 0 : i32
      %dma_start3A_1196 = arith.constant 0 : i32
      %dma_start3A_1197 = tpu.memref_slice %arg2[%dma_start3A_1195, %dma_start3A_1196] : memref<10000x128xf32, #tpu.memory_space<hbm>> -> memref<10000x128xf32, #tpu.memory_space<hbm>>
      tpu.enqueue_indirect_dma source(%dma_start3A_1197 : memref<10000x128xf32, #tpu.memory_space<hbm>>) target(%arg15 : memref<32x128xf32, #tpu.memory_space<vmem>>) offsets(%dma_start3A_1194 : memref<32xi32, #tpu.memory_space<vmem>>) semaphore(%arg21 : memref<!tpu.dma_semaphore, #tpu.memory_space<semaphore_mem>>)
      %dma_start3A_1198 = arith.constant 4 : i32
      %dma_start3A_1199 = arith.constant 0 : i32
      %dma_start3A_1200 = tpu.memref_slice %arg17[%dma_start3A_1199] : memref<64xf32, #tpu.memory_space<vmem>> -> memref<32xf32, #tpu.memory_space<vmem>>
      %dma_start3A_1201 = arith.constant 0 : i32
      %dma_start3A_1202 = tpu.memref_slice %arg13[%dma_start3A_1198, %dma_start3A_1201] : memref<16x32xi32, #tpu.memory_space<vmem>> -> memref<1x32xi32, #tpu.memory_space<vmem>>
      %dma_start3A_1203 = tpu.memref_squeeze %dma_start3A_1202 : memref<1x32xi32, #tpu.memory_space<vmem>> -> memref<32xi32, #tpu.memory_space<vmem>>
      %dma_start3A_1204 = arith.constant 0 : i32
      %dma_start3A_1205 = tpu.memref_slice %arg19[%dma_start3A_1204] : memref<10240xf32, #tpu.memory_space<vmem_shared>> -> memref<10240xf32, #tpu.memory_space<vmem_shared>>
      tpu.enqueue_indirect_dma source(%dma_start3A_1200 : memref<32xf32, #tpu.memory_space<vmem>>) target(%dma_start3A_1205 : memref<10240xf32, #tpu.memory_space<vmem_shared>>) offsets(%dma_start3A_1203 : memref<32xi32, #tpu.memory_space<vmem>>) semaphore(%arg26 : memref<!tpu.dma_semaphore, #tpu.memory_space<semaphore_mem>>) {add = true}
      %dma_wait3A_1206 = arith.constant 3 : i32
      %dma_wait3A_1207 = arith.constant 0 : i32
      %dma_wait3A_1208 = tpu.memref_slice %arg17[%dma_wait3A_1207] : memref<64xf32, #tpu.memory_space<vmem>> -> memref<32xf32, #tpu.memory_space<vmem>>
      %dma_wait3A_1209 = arith.constant 0 : i32
      %dma_wait3A_1210 = tpu.memref_slice %arg13[%dma_wait3A_1206, %dma_wait3A_1209] : memref<16x32xi32, #tpu.memory_space<vmem>> -> memref<1x32xi32, #tpu.memory_space<vmem>>
      %dma_wait3A_1211 = tpu.memref_squeeze %dma_wait3A_1210 : memref<1x32xi32, #tpu.memory_space<vmem>> -> memref<32xi32, #tpu.memory_space<vmem>>
      %dma_wait3A_1212 = arith.constant 0 : i32
      %dma_wait3A_1213 = tpu.memref_slice %arg19[%dma_wait3A_1212] : memref<10240xf32, #tpu.memory_space<vmem_shared>> -> memref<10240xf32, #tpu.memory_space<vmem_shared>>
      tpu.wait_indirect_dma semaphore(%arg26 : memref<!tpu.dma_semaphore, #tpu.memory_space<semaphore_mem>>) src(%dma_wait3A_1208 : memref<32xf32, #tpu.memory_space<vmem>>) dst(%dma_wait3A_1213 : memref<10240xf32, #tpu.memory_space<vmem_shared>>)
      %dma_wait3A_1214 = arith.constant 5 : i32
      %dma_wait3A_1215 = arith.constant 0 : i32
      %dma_wait3A_1216 = tpu.memref_slice %arg12[%dma_wait3A_1214, %dma_wait3A_1215] : memref<16x32xi32, #tpu.memory_space<vmem>> -> memref<1x32xi32, #tpu.memory_space<vmem>>
      %dma_wait3A_1217 = tpu.memref_squeeze %dma_wait3A_1216 : memref<1x32xi32, #tpu.memory_space<vmem>> -> memref<32xi32, #tpu.memory_space<vmem>>
      %dma_wait3A_1218 = arith.constant 0 : i32
      %dma_wait3A_1219 = arith.constant 0 : i32
      %dma_wait3A_1220 = tpu.memref_slice %arg2[%dma_wait3A_1218, %dma_wait3A_1219] : memref<10000x128xf32, #tpu.memory_space<hbm>> -> memref<10000x128xf32, #tpu.memory_space<hbm>>
      tpu.wait_indirect_dma semaphore(%arg20 : memref<!tpu.dma_semaphore, #tpu.memory_space<semaphore_mem>>) src(%dma_wait3A_1220 : memref<10000x128xf32, #tpu.memory_space<hbm>>) dst(%arg14 : memref<32x128xf32, #tpu.memory_space<vmem>>)
      %dma_start3A_1221 = arith.constant 5 : i32
      %dma_start3A_1222 = arith.constant 0 : i32
      %dma_start3A_1223 = tpu.memref_slice %arg13[%dma_start3A_1221, %dma_start3A_1222] : memref<16x32xi32, #tpu.memory_space<vmem>> -> memref<1x32xi32, #tpu.memory_space<vmem>>
      %dma_start3A_1224 = tpu.memref_squeeze %dma_start3A_1223 : memref<1x32xi32, #tpu.memory_space<vmem>> -> memref<32xi32, #tpu.memory_space<vmem>>
      %dma_start3A_1225 = arith.constant 0 : i32
      %dma_start3A_1226 = arith.constant 0 : i32
      %dma_start3A_1227 = tpu.memref_slice %arg18[%dma_start3A_1225, %dma_start3A_1226] : memref<10240x128xf32, #tpu.memory_space<vmem_shared>> -> memref<10240x128xf32, #tpu.memory_space<vmem_shared>>
      tpu.enqueue_indirect_dma source(%arg14 : memref<32x128xf32, #tpu.memory_space<vmem>>) target(%dma_start3A_1227 : memref<10240x128xf32, #tpu.memory_space<vmem_shared>>) offsets(%dma_start3A_1224 : memref<32xi32, #tpu.memory_space<vmem>>) semaphore(%arg23 : memref<!tpu.dma_semaphore, #tpu.memory_space<semaphore_mem>>) {add = true}
      %dma_wait3A_1228 = arith.constant 4 : i32
      %dma_wait3A_1229 = arith.constant 0 : i32
      %dma_wait3A_1230 = tpu.memref_slice %arg13[%dma_wait3A_1228, %dma_wait3A_1229] : memref<16x32xi32, #tpu.memory_space<vmem>> -> memref<1x32xi32, #tpu.memory_space<vmem>>
      %dma_wait3A_1231 = tpu.memref_squeeze %dma_wait3A_1230 : memref<1x32xi32, #tpu.memory_space<vmem>> -> memref<32xi32, #tpu.memory_space<vmem>>
      %dma_wait3A_1232 = arith.constant 0 : i32
      %dma_wait3A_1233 = arith.constant 0 : i32
      %dma_wait3A_1234 = tpu.memref_slice %arg18[%dma_wait3A_1232, %dma_wait3A_1233] : memref<10240x128xf32, #tpu.memory_space<vmem_shared>> -> memref<10240x128xf32, #tpu.memory_space<vmem_shared>>
      tpu.wait_indirect_dma semaphore(%arg25 : memref<!tpu.dma_semaphore, #tpu.memory_space<semaphore_mem>>) src(%arg16 : memref<32x128xf32, #tpu.memory_space<vmem>>) dst(%dma_wait3A_1234 : memref<10240x128xf32, #tpu.memory_space<vmem_shared>>)
      %dma_start3A_1235 = arith.constant 7 : i32
      %dma_start3A_1236 = arith.constant 0 : i32
      %dma_start3A_1237 = tpu.memref_slice %arg12[%dma_start3A_1235, %dma_start3A_1236] : memref<16x32xi32, #tpu.memory_space<vmem>> -> memref<1x32xi32, #tpu.memory_space<vmem>>
      %dma_start3A_1238 = tpu.memref_squeeze %dma_start3A_1237 : memref<1x32xi32, #tpu.memory_space<vmem>> -> memref<32xi32, #tpu.memory_space<vmem>>
      %dma_start3A_1239 = arith.constant 0 : i32
      %dma_start3A_1240 = arith.constant 0 : i32
      %dma_start3A_1241 = tpu.memref_slice %arg2[%dma_start3A_1239, %dma_start3A_1240] : memref<10000x128xf32, #tpu.memory_space<hbm>> -> memref<10000x128xf32, #tpu.memory_space<hbm>>
      tpu.enqueue_indirect_dma source(%dma_start3A_1241 : memref<10000x128xf32, #tpu.memory_space<hbm>>) target(%arg16 : memref<32x128xf32, #tpu.memory_space<vmem>>) offsets(%dma_start3A_1238 : memref<32xi32, #tpu.memory_space<vmem>>) semaphore(%arg22 : memref<!tpu.dma_semaphore, #tpu.memory_space<semaphore_mem>>)
      %dma_start3A_1242 = arith.constant 5 : i32
      %dma_start3A_1243 = arith.constant 0 : i32
      %dma_start3A_1244 = tpu.memref_slice %arg17[%dma_start3A_1243] : memref<64xf32, #tpu.memory_space<vmem>> -> memref<32xf32, #tpu.memory_space<vmem>>
      %dma_start3A_1245 = arith.constant 0 : i32
      %dma_start3A_1246 = tpu.memref_slice %arg13[%dma_start3A_1242, %dma_start3A_1245] : memref<16x32xi32, #tpu.memory_space<vmem>> -> memref<1x32xi32, #tpu.memory_space<vmem>>
      %dma_start3A_1247 = tpu.memref_squeeze %dma_start3A_1246 : memref<1x32xi32, #tpu.memory_space<vmem>> -> memref<32xi32, #tpu.memory_space<vmem>>
      %dma_start3A_1248 = arith.constant 0 : i32
      %dma_start3A_1249 = tpu.memref_slice %arg19[%dma_start3A_1248] : memref<10240xf32, #tpu.memory_space<vmem_shared>> -> memref<10240xf32, #tpu.memory_space<vmem_shared>>
      tpu.enqueue_indirect_dma source(%dma_start3A_1244 : memref<32xf32, #tpu.memory_space<vmem>>) target(%dma_start3A_1249 : memref<10240xf32, #tpu.memory_space<vmem_shared>>) offsets(%dma_start3A_1247 : memref<32xi32, #tpu.memory_space<vmem>>) semaphore(%arg26 : memref<!tpu.dma_semaphore, #tpu.memory_space<semaphore_mem>>) {add = true}
      %dma_wait3A_1250 = arith.constant 4 : i32
      %dma_wait3A_1251 = arith.constant 0 : i32
      %dma_wait3A_1252 = tpu.memref_slice %arg17[%dma_wait3A_1251] : memref<64xf32, #tpu.memory_space<vmem>> -> memref<32xf32, #tpu.memory_space<vmem>>
      %dma_wait3A_1253 = arith.constant 0 : i32
      %dma_wait3A_1254 = tpu.memref_slice %arg13[%dma_wait3A_1250, %dma_wait3A_1253] : memref<16x32xi32, #tpu.memory_space<vmem>> -> memref<1x32xi32, #tpu.memory_space<vmem>>
      %dma_wait3A_1255 = tpu.memref_squeeze %dma_wait3A_1254 : memref<1x32xi32, #tpu.memory_space<vmem>> -> memref<32xi32, #tpu.memory_space<vmem>>
      %dma_wait3A_1256 = arith.constant 0 : i32
      %dma_wait3A_1257 = tpu.memref_slice %arg19[%dma_wait3A_1256] : memref<10240xf32, #tpu.memory_space<vmem_shared>> -> memref<10240xf32, #tpu.memory_space<vmem_shared>>
      tpu.wait_indirect_dma semaphore(%arg26 : memref<!tpu.dma_semaphore, #tpu.memory_space<semaphore_mem>>) src(%dma_wait3A_1252 : memref<32xf32, #tpu.memory_space<vmem>>) dst(%dma_wait3A_1257 : memref<10240xf32, #tpu.memory_space<vmem_shared>>)
      %dma_wait3A_1258 = arith.constant 6 : i32
      %dma_wait3A_1259 = arith.constant 0 : i32
      %dma_wait3A_1260 = tpu.memref_slice %arg12[%dma_wait3A_1258, %dma_wait3A_1259] : memref<16x32xi32, #tpu.memory_space<vmem>> -> memref<1x32xi32, #tpu.memory_space<vmem>>
      %dma_wait3A_1261 = tpu.memref_squeeze %dma_wait3A_1260 : memref<1x32xi32, #tpu.memory_space<vmem>> -> memref<32xi32, #tpu.memory_space<vmem>>
      %dma_wait3A_1262 = arith.constant 0 : i32
      %dma_wait3A_1263 = arith.constant 0 : i32
      %dma_wait3A_1264 = tpu.memref_slice %arg2[%dma_wait3A_1262, %dma_wait3A_1263] : memref<10000x128xf32, #tpu.memory_space<hbm>> -> memref<10000x128xf32, #tpu.memory_space<hbm>>
      tpu.wait_indirect_dma semaphore(%arg21 : memref<!tpu.dma_semaphore, #tpu.memory_space<semaphore_mem>>) src(%dma_wait3A_1264 : memref<10000x128xf32, #tpu.memory_space<hbm>>) dst(%arg15 : memref<32x128xf32, #tpu.memory_space<vmem>>)
      %dma_start3A_1265 = arith.constant 6 : i32
      %dma_start3A_1266 = arith.constant 0 : i32
      %dma_start3A_1267 = tpu.memref_slice %arg13[%dma_start3A_1265, %dma_start3A_1266] : memref<16x32xi32, #tpu.memory_space<vmem>> -> memref<1x32xi32, #tpu.memory_space<vmem>>
      %dma_start3A_1268 = tpu.memref_squeeze %dma_start3A_1267 : memref<1x32xi32, #tpu.memory_space<vmem>> -> memref<32xi32, #tpu.memory_space<vmem>>
      %dma_start3A_1269 = arith.constant 0 : i32
      %dma_start3A_1270 = arith.constant 0 : i32
      %dma_start3A_1271 = tpu.memref_slice %arg18[%dma_start3A_1269, %dma_start3A_1270] : memref<10240x128xf32, #tpu.memory_space<vmem_shared>> -> memref<10240x128xf32, #tpu.memory_space<vmem_shared>>
      tpu.enqueue_indirect_dma source(%arg15 : memref<32x128xf32, #tpu.memory_space<vmem>>) target(%dma_start3A_1271 : memref<10240x128xf32, #tpu.memory_space<vmem_shared>>) offsets(%dma_start3A_1268 : memref<32xi32, #tpu.memory_space<vmem>>) semaphore(%arg24 : memref<!tpu.dma_semaphore, #tpu.memory_space<semaphore_mem>>) {add = true}
      %dma_wait3A_1272 = arith.constant 5 : i32
      %dma_wait3A_1273 = arith.constant 0 : i32
      %dma_wait3A_1274 = tpu.memref_slice %arg13[%dma_wait3A_1272, %dma_wait3A_1273] : memref<16x32xi32, #tpu.memory_space<vmem>> -> memref<1x32xi32, #tpu.memory_space<vmem>>
      %dma_wait3A_1275 = tpu.memref_squeeze %dma_wait3A_1274 : memref<1x32xi32, #tpu.memory_space<vmem>> -> memref<32xi32, #tpu.memory_space<vmem>>
      %dma_wait3A_1276 = arith.constant 0 : i32
      %dma_wait3A_1277 = arith.constant 0 : i32
      %dma_wait3A_1278 = tpu.memref_slice %arg18[%dma_wait3A_1276, %dma_wait3A_1277] : memref<10240x128xf32, #tpu.memory_space<vmem_shared>> -> memref<10240x128xf32, #tpu.memory_space<vmem_shared>>
      tpu.wait_indirect_dma semaphore(%arg23 : memref<!tpu.dma_semaphore, #tpu.memory_space<semaphore_mem>>) src(%arg14 : memref<32x128xf32, #tpu.memory_space<vmem>>) dst(%dma_wait3A_1278 : memref<10240x128xf32, #tpu.memory_space<vmem_shared>>)
      %dma_start3A_1279 = arith.constant 8 : i32
      %dma_start3A_1280 = arith.constant 0 : i32
      %dma_start3A_1281 = tpu.memref_slice %arg12[%dma_start3A_1279, %dma_start3A_1280] : memref<16x32xi32, #tpu.memory_space<vmem>> -> memref<1x32xi32, #tpu.memory_space<vmem>>
      %dma_start3A_1282 = tpu.memref_squeeze %dma_start3A_1281 : memref<1x32xi32, #tpu.memory_space<vmem>> -> memref<32xi32, #tpu.memory_space<vmem>>
      %dma_start3A_1283 = arith.constant 0 : i32
      %dma_start3A_1284 = arith.constant 0 : i32
      %dma_start3A_1285 = tpu.memref_slice %arg2[%dma_start3A_1283, %dma_start3A_1284] : memref<10000x128xf32, #tpu.memory_space<hbm>> -> memref<10000x128xf32, #tpu.memory_space<hbm>>
      tpu.enqueue_indirect_dma source(%dma_start3A_1285 : memref<10000x128xf32, #tpu.memory_space<hbm>>) target(%arg14 : memref<32x128xf32, #tpu.memory_space<vmem>>) offsets(%dma_start3A_1282 : memref<32xi32, #tpu.memory_space<vmem>>) semaphore(%arg20 : memref<!tpu.dma_semaphore, #tpu.memory_space<semaphore_mem>>)
      %dma_start3A_1286 = arith.constant 6 : i32
      %dma_start3A_1287 = arith.constant 0 : i32
      %dma_start3A_1288 = tpu.memref_slice %arg17[%dma_start3A_1287] : memref<64xf32, #tpu.memory_space<vmem>> -> memref<32xf32, #tpu.memory_space<vmem>>
      %dma_start3A_1289 = arith.constant 0 : i32
      %dma_start3A_1290 = tpu.memref_slice %arg13[%dma_start3A_1286, %dma_start3A_1289] : memref<16x32xi32, #tpu.memory_space<vmem>> -> memref<1x32xi32, #tpu.memory_space<vmem>>
      %dma_start3A_1291 = tpu.memref_squeeze %dma_start3A_1290 : memref<1x32xi32, #tpu.memory_space<vmem>> -> memref<32xi32, #tpu.memory_space<vmem>>
      %dma_start3A_1292 = arith.constant 0 : i32
      %dma_start3A_1293 = tpu.memref_slice %arg19[%dma_start3A_1292] : memref<10240xf32, #tpu.memory_space<vmem_shared>> -> memref<10240xf32, #tpu.memory_space<vmem_shared>>
      tpu.enqueue_indirect_dma source(%dma_start3A_1288 : memref<32xf32, #tpu.memory_space<vmem>>) target(%dma_start3A_1293 : memref<10240xf32, #tpu.memory_space<vmem_shared>>) offsets(%dma_start3A_1291 : memref<32xi32, #tpu.memory_space<vmem>>) semaphore(%arg26 : memref<!tpu.dma_semaphore, #tpu.memory_space<semaphore_mem>>) {add = true}
      %dma_wait3A_1294 = arith.constant 5 : i32
      %dma_wait3A_1295 = arith.constant 0 : i32
      %dma_wait3A_1296 = tpu.memref_slice %arg17[%dma_wait3A_1295] : memref<64xf32, #tpu.memory_space<vmem>> -> memref<32xf32, #tpu.memory_space<vmem>>
      %dma_wait3A_1297 = arith.constant 0 : i32
      %dma_wait3A_1298 = tpu.memref_slice %arg13[%dma_wait3A_1294, %dma_wait3A_1297] : memref<16x32xi32, #tpu.memory_space<vmem>> -> memref<1x32xi32, #tpu.memory_space<vmem>>
      %dma_wait3A_1299 = tpu.memref_squeeze %dma_wait3A_1298 : memref<1x32xi32, #tpu.memory_space<vmem>> -> memref<32xi32, #tpu.memory_space<vmem>>
      %dma_wait3A_1300 = arith.constant 0 : i32
      %dma_wait3A_1301 = tpu.memref_slice %arg19[%dma_wait3A_1300] : memref<10240xf32, #tpu.memory_space<vmem_shared>> -> memref<10240xf32, #tpu.memory_space<vmem_shared>>
      tpu.wait_indirect_dma semaphore(%arg26 : memref<!tpu.dma_semaphore, #tpu.memory_space<semaphore_mem>>) src(%dma_wait3A_1296 : memref<32xf32, #tpu.memory_space<vmem>>) dst(%dma_wait3A_1301 : memref<10240xf32, #tpu.memory_space<vmem_shared>>)
      %dma_wait3A_1302 = arith.constant 7 : i32
      %dma_wait3A_1303 = arith.constant 0 : i32
      %dma_wait3A_1304 = tpu.memref_slice %arg12[%dma_wait3A_1302, %dma_wait3A_1303] : memref<16x32xi32, #tpu.memory_space<vmem>> -> memref<1x32xi32, #tpu.memory_space<vmem>>
      %dma_wait3A_1305 = tpu.memref_squeeze %dma_wait3A_1304 : memref<1x32xi32, #tpu.memory_space<vmem>> -> memref<32xi32, #tpu.memory_space<vmem>>
      %dma_wait3A_1306 = arith.constant 0 : i32
      %dma_wait3A_1307 = arith.constant 0 : i32
      %dma_wait3A_1308 = tpu.memref_slice %arg2[%dma_wait3A_1306, %dma_wait3A_1307] : memref<10000x128xf32, #tpu.memory_space<hbm>> -> memref<10000x128xf32, #tpu.memory_space<hbm>>
      tpu.wait_indirect_dma semaphore(%arg22 : memref<!tpu.dma_semaphore, #tpu.memory_space<semaphore_mem>>) src(%dma_wait3A_1308 : memref<10000x128xf32, #tpu.memory_space<hbm>>) dst(%arg16 : memref<32x128xf32, #tpu.memory_space<vmem>>)
      %dma_start3A_1309 = arith.constant 7 : i32
      %dma_start3A_1310 = arith.constant 0 : i32
      %dma_start3A_1311 = tpu.memref_slice %arg13[%dma_start3A_1309, %dma_start3A_1310] : memref<16x32xi32, #tpu.memory_space<vmem>> -> memref<1x32xi32, #tpu.memory_space<vmem>>
      %dma_start3A_1312 = tpu.memref_squeeze %dma_start3A_1311 : memref<1x32xi32, #tpu.memory_space<vmem>> -> memref<32xi32, #tpu.memory_space<vmem>>
      %dma_start3A_1313 = arith.constant 0 : i32
      %dma_start3A_1314 = arith.constant 0 : i32
      %dma_start3A_1315 = tpu.memref_slice %arg18[%dma_start3A_1313, %dma_start3A_1314] : memref<10240x128xf32, #tpu.memory_space<vmem_shared>> -> memref<10240x128xf32, #tpu.memory_space<vmem_shared>>
      tpu.enqueue_indirect_dma source(%arg16 : memref<32x128xf32, #tpu.memory_space<vmem>>) target(%dma_start3A_1315 : memref<10240x128xf32, #tpu.memory_space<vmem_shared>>) offsets(%dma_start3A_1312 : memref<32xi32, #tpu.memory_space<vmem>>) semaphore(%arg25 : memref<!tpu.dma_semaphore, #tpu.memory_space<semaphore_mem>>) {add = true}
      %dma_wait3A_1316 = arith.constant 6 : i32
      %dma_wait3A_1317 = arith.constant 0 : i32
      %dma_wait3A_1318 = tpu.memref_slice %arg13[%dma_wait3A_1316, %dma_wait3A_1317] : memref<16x32xi32, #tpu.memory_space<vmem>> -> memref<1x32xi32, #tpu.memory_space<vmem>>
      %dma_wait3A_1319 = tpu.memref_squeeze %dma_wait3A_1318 : memref<1x32xi32, #tpu.memory_space<vmem>> -> memref<32xi32, #tpu.memory_space<vmem>>
      %dma_wait3A_1320 = arith.constant 0 : i32
      %dma_wait3A_1321 = arith.constant 0 : i32
      %dma_wait3A_1322 = tpu.memref_slice %arg18[%dma_wait3A_1320, %dma_wait3A_1321] : memref<10240x128xf32, #tpu.memory_space<vmem_shared>> -> memref<10240x128xf32, #tpu.memory_space<vmem_shared>>
      tpu.wait_indirect_dma semaphore(%arg24 : memref<!tpu.dma_semaphore, #tpu.memory_space<semaphore_mem>>) src(%arg15 : memref<32x128xf32, #tpu.memory_space<vmem>>) dst(%dma_wait3A_1322 : memref<10240x128xf32, #tpu.memory_space<vmem_shared>>)
      %dma_start3A_1323 = arith.constant 9 : i32
      %dma_start3A_1324 = arith.constant 0 : i32
      %dma_start3A_1325 = tpu.memref_slice %arg12[%dma_start3A_1323, %dma_start3A_1324] : memref<16x32xi32, #tpu.memory_space<vmem>> -> memref<1x32xi32, #tpu.memory_space<vmem>>
      %dma_start3A_1326 = tpu.memref_squeeze %dma_start3A_1325 : memref<1x32xi32, #tpu.memory_space<vmem>> -> memref<32xi32, #tpu.memory_space<vmem>>
      %dma_start3A_1327 = arith.constant 0 : i32
      %dma_start3A_1328 = arith.constant 0 : i32
      %dma_start3A_1329 = tpu.memref_slice %arg2[%dma_start3A_1327, %dma_start3A_1328] : memref<10000x128xf32, #tpu.memory_space<hbm>> -> memref<10000x128xf32, #tpu.memory_space<hbm>>
      tpu.enqueue_indirect_dma source(%dma_start3A_1329 : memref<10000x128xf32, #tpu.memory_space<hbm>>) target(%arg15 : memref<32x128xf32, #tpu.memory_space<vmem>>) offsets(%dma_start3A_1326 : memref<32xi32, #tpu.memory_space<vmem>>) semaphore(%arg21 : memref<!tpu.dma_semaphore, #tpu.memory_space<semaphore_mem>>)
      %dma_start3A_1330 = arith.constant 7 : i32
      %dma_start3A_1331 = arith.constant 0 : i32
      %dma_start3A_1332 = tpu.memref_slice %arg17[%dma_start3A_1331] : memref<64xf32, #tpu.memory_space<vmem>> -> memref<32xf32, #tpu.memory_space<vmem>>
      %dma_start3A_1333 = arith.constant 0 : i32
      %dma_start3A_1334 = tpu.memref_slice %arg13[%dma_start3A_1330, %dma_start3A_1333] : memref<16x32xi32, #tpu.memory_space<vmem>> -> memref<1x32xi32, #tpu.memory_space<vmem>>
      %dma_start3A_1335 = tpu.memref_squeeze %dma_start3A_1334 : memref<1x32xi32, #tpu.memory_space<vmem>> -> memref<32xi32, #tpu.memory_space<vmem>>
      %dma_start3A_1336 = arith.constant 0 : i32
      %dma_start3A_1337 = tpu.memref_slice %arg19[%dma_start3A_1336] : memref<10240xf32, #tpu.memory_space<vmem_shared>> -> memref<10240xf32, #tpu.memory_space<vmem_shared>>
      tpu.enqueue_indirect_dma source(%dma_start3A_1332 : memref<32xf32, #tpu.memory_space<vmem>>) target(%dma_start3A_1337 : memref<10240xf32, #tpu.memory_space<vmem_shared>>) offsets(%dma_start3A_1335 : memref<32xi32, #tpu.memory_space<vmem>>) semaphore(%arg26 : memref<!tpu.dma_semaphore, #tpu.memory_space<semaphore_mem>>) {add = true}
      %dma_wait3A_1338 = arith.constant 6 : i32
      %dma_wait3A_1339 = arith.constant 0 : i32
      %dma_wait3A_1340 = tpu.memref_slice %arg17[%dma_wait3A_1339] : memref<64xf32, #tpu.memory_space<vmem>> -> memref<32xf32, #tpu.memory_space<vmem>>
      %dma_wait3A_1341 = arith.constant 0 : i32
      %dma_wait3A_1342 = tpu.memref_slice %arg13[%dma_wait3A_1338, %dma_wait3A_1341] : memref<16x32xi32, #tpu.memory_space<vmem>> -> memref<1x32xi32, #tpu.memory_space<vmem>>
      %dma_wait3A_1343 = tpu.memref_squeeze %dma_wait3A_1342 : memref<1x32xi32, #tpu.memory_space<vmem>> -> memref<32xi32, #tpu.memory_space<vmem>>
      %dma_wait3A_1344 = arith.constant 0 : i32
      %dma_wait3A_1345 = tpu.memref_slice %arg19[%dma_wait3A_1344] : memref<10240xf32, #tpu.memory_space<vmem_shared>> -> memref<10240xf32, #tpu.memory_space<vmem_shared>>
      tpu.wait_indirect_dma semaphore(%arg26 : memref<!tpu.dma_semaphore, #tpu.memory_space<semaphore_mem>>) src(%dma_wait3A_1340 : memref<32xf32, #tpu.memory_space<vmem>>) dst(%dma_wait3A_1345 : memref<10240xf32, #tpu.memory_space<vmem_shared>>)
      %dma_wait3A_1346 = arith.constant 8 : i32
      %dma_wait3A_1347 = arith.constant 0 : i32
      %dma_wait3A_1348 = tpu.memref_slice %arg12[%dma_wait3A_1346, %dma_wait3A_1347] : memref<16x32xi32, #tpu.memory_space<vmem>> -> memref<1x32xi32, #tpu.memory_space<vmem>>
      %dma_wait3A_1349 = tpu.memref_squeeze %dma_wait3A_1348 : memref<1x32xi32, #tpu.memory_space<vmem>> -> memref<32xi32, #tpu.memory_space<vmem>>
      %dma_wait3A_1350 = arith.constant 0 : i32
      %dma_wait3A_1351 = arith.constant 0 : i32
      %dma_wait3A_1352 = tpu.memref_slice %arg2[%dma_wait3A_1350, %dma_wait3A_1351] : memref<10000x128xf32, #tpu.memory_space<hbm>> -> memref<10000x128xf32, #tpu.memory_space<hbm>>
      tpu.wait_indirect_dma semaphore(%arg20 : memref<!tpu.dma_semaphore, #tpu.memory_space<semaphore_mem>>) src(%dma_wait3A_1352 : memref<10000x128xf32, #tpu.memory_space<hbm>>) dst(%arg14 : memref<32x128xf32, #tpu.memory_space<vmem>>)
      %dma_start3A_1353 = arith.constant 8 : i32
      %dma_start3A_1354 = arith.constant 0 : i32
      %dma_start3A_1355 = tpu.memref_slice %arg13[%dma_start3A_1353, %dma_start3A_1354] : memref<16x32xi32, #tpu.memory_space<vmem>> -> memref<1x32xi32, #tpu.memory_space<vmem>>
      %dma_start3A_1356 = tpu.memref_squeeze %dma_start3A_1355 : memref<1x32xi32, #tpu.memory_space<vmem>> -> memref<32xi32, #tpu.memory_space<vmem>>
      %dma_start3A_1357 = arith.constant 0 : i32
      %dma_start3A_1358 = arith.constant 0 : i32
      %dma_start3A_1359 = tpu.memref_slice %arg18[%dma_start3A_1357, %dma_start3A_1358] : memref<10240x128xf32, #tpu.memory_space<vmem_shared>> -> memref<10240x128xf32, #tpu.memory_space<vmem_shared>>
      tpu.enqueue_indirect_dma source(%arg14 : memref<32x128xf32, #tpu.memory_space<vmem>>) target(%dma_start3A_1359 : memref<10240x128xf32, #tpu.memory_space<vmem_shared>>) offsets(%dma_start3A_1356 : memref<32xi32, #tpu.memory_space<vmem>>) semaphore(%arg23 : memref<!tpu.dma_semaphore, #tpu.memory_space<semaphore_mem>>) {add = true}
      %dma_wait3A_1360 = arith.constant 7 : i32
      %dma_wait3A_1361 = arith.constant 0 : i32
      %dma_wait3A_1362 = tpu.memref_slice %arg13[%dma_wait3A_1360, %dma_wait3A_1361] : memref<16x32xi32, #tpu.memory_space<vmem>> -> memref<1x32xi32, #tpu.memory_space<vmem>>
      %dma_wait3A_1363 = tpu.memref_squeeze %dma_wait3A_1362 : memref<1x32xi32, #tpu.memory_space<vmem>> -> memref<32xi32, #tpu.memory_space<vmem>>
      %dma_wait3A_1364 = arith.constant 0 : i32
      %dma_wait3A_1365 = arith.constant 0 : i32
      %dma_wait3A_1366 = tpu.memref_slice %arg18[%dma_wait3A_1364, %dma_wait3A_1365] : memref<10240x128xf32, #tpu.memory_space<vmem_shared>> -> memref<10240x128xf32, #tpu.memory_space<vmem_shared>>
      tpu.wait_indirect_dma semaphore(%arg25 : memref<!tpu.dma_semaphore, #tpu.memory_space<semaphore_mem>>) src(%arg16 : memref<32x128xf32, #tpu.memory_space<vmem>>) dst(%dma_wait3A_1366 : memref<10240x128xf32, #tpu.memory_space<vmem_shared>>)
      %dma_start3A_1367 = arith.constant 10 : i32
      %dma_start3A_1368 = arith.constant 0 : i32
      %dma_start3A_1369 = tpu.memref_slice %arg12[%dma_start3A_1367, %dma_start3A_1368] : memref<16x32xi32, #tpu.memory_space<vmem>> -> memref<1x32xi32, #tpu.memory_space<vmem>>
      %dma_start3A_1370 = tpu.memref_squeeze %dma_start3A_1369 : memref<1x32xi32, #tpu.memory_space<vmem>> -> memref<32xi32, #tpu.memory_space<vmem>>
      %dma_start3A_1371 = arith.constant 0 : i32
      %dma_start3A_1372 = arith.constant 0 : i32
      %dma_start3A_1373 = tpu.memref_slice %arg2[%dma_start3A_1371, %dma_start3A_1372] : memref<10000x128xf32, #tpu.memory_space<hbm>> -> memref<10000x128xf32, #tpu.memory_space<hbm>>
      tpu.enqueue_indirect_dma source(%dma_start3A_1373 : memref<10000x128xf32, #tpu.memory_space<hbm>>) target(%arg16 : memref<32x128xf32, #tpu.memory_space<vmem>>) offsets(%dma_start3A_1370 : memref<32xi32, #tpu.memory_space<vmem>>) semaphore(%arg22 : memref<!tpu.dma_semaphore, #tpu.memory_space<semaphore_mem>>)
      %dma_start3A_1374 = arith.constant 8 : i32
      %dma_start3A_1375 = arith.constant 0 : i32
      %dma_start3A_1376 = tpu.memref_slice %arg17[%dma_start3A_1375] : memref<64xf32, #tpu.memory_space<vmem>> -> memref<32xf32, #tpu.memory_space<vmem>>
      %dma_start3A_1377 = arith.constant 0 : i32
      %dma_start3A_1378 = tpu.memref_slice %arg13[%dma_start3A_1374, %dma_start3A_1377] : memref<16x32xi32, #tpu.memory_space<vmem>> -> memref<1x32xi32, #tpu.memory_space<vmem>>
      %dma_start3A_1379 = tpu.memref_squeeze %dma_start3A_1378 : memref<1x32xi32, #tpu.memory_space<vmem>> -> memref<32xi32, #tpu.memory_space<vmem>>
      %dma_start3A_1380 = arith.constant 0 : i32
      %dma_start3A_1381 = tpu.memref_slice %arg19[%dma_start3A_1380] : memref<10240xf32, #tpu.memory_space<vmem_shared>> -> memref<10240xf32, #tpu.memory_space<vmem_shared>>
      tpu.enqueue_indirect_dma source(%dma_start3A_1376 : memref<32xf32, #tpu.memory_space<vmem>>) target(%dma_start3A_1381 : memref<10240xf32, #tpu.memory_space<vmem_shared>>) offsets(%dma_start3A_1379 : memref<32xi32, #tpu.memory_space<vmem>>) semaphore(%arg26 : memref<!tpu.dma_semaphore, #tpu.memory_space<semaphore_mem>>) {add = true}
      %dma_wait3A_1382 = arith.constant 7 : i32
      %dma_wait3A_1383 = arith.constant 0 : i32
      %dma_wait3A_1384 = tpu.memref_slice %arg17[%dma_wait3A_1383] : memref<64xf32, #tpu.memory_space<vmem>> -> memref<32xf32, #tpu.memory_space<vmem>>
      %dma_wait3A_1385 = arith.constant 0 : i32
      %dma_wait3A_1386 = tpu.memref_slice %arg13[%dma_wait3A_1382, %dma_wait3A_1385] : memref<16x32xi32, #tpu.memory_space<vmem>> -> memref<1x32xi32, #tpu.memory_space<vmem>>
      %dma_wait3A_1387 = tpu.memref_squeeze %dma_wait3A_1386 : memref<1x32xi32, #tpu.memory_space<vmem>> -> memref<32xi32, #tpu.memory_space<vmem>>
      %dma_wait3A_1388 = arith.constant 0 : i32
      %dma_wait3A_1389 = tpu.memref_slice %arg19[%dma_wait3A_1388] : memref<10240xf32, #tpu.memory_space<vmem_shared>> -> memref<10240xf32, #tpu.memory_space<vmem_shared>>
      tpu.wait_indirect_dma semaphore(%arg26 : memref<!tpu.dma_semaphore, #tpu.memory_space<semaphore_mem>>) src(%dma_wait3A_1384 : memref<32xf32, #tpu.memory_space<vmem>>) dst(%dma_wait3A_1389 : memref<10240xf32, #tpu.memory_space<vmem_shared>>)
      %dma_wait3A_1390 = arith.constant 9 : i32
      %dma_wait3A_1391 = arith.constant 0 : i32
      %dma_wait3A_1392 = tpu.memref_slice %arg12[%dma_wait3A_1390, %dma_wait3A_1391] : memref<16x32xi32, #tpu.memory_space<vmem>> -> memref<1x32xi32, #tpu.memory_space<vmem>>
      %dma_wait3A_1393 = tpu.memref_squeeze %dma_wait3A_1392 : memref<1x32xi32, #tpu.memory_space<vmem>> -> memref<32xi32, #tpu.memory_space<vmem>>
      %dma_wait3A_1394 = arith.constant 0 : i32
      %dma_wait3A_1395 = arith.constant 0 : i32
      %dma_wait3A_1396 = tpu.memref_slice %arg2[%dma_wait3A_1394, %dma_wait3A_1395] : memref<10000x128xf32, #tpu.memory_space<hbm>> -> memref<10000x128xf32, #tpu.memory_space<hbm>>
      tpu.wait_indirect_dma semaphore(%arg21 : memref<!tpu.dma_semaphore, #tpu.memory_space<semaphore_mem>>) src(%dma_wait3A_1396 : memref<10000x128xf32, #tpu.memory_space<hbm>>) dst(%arg15 : memref<32x128xf32, #tpu.memory_space<vmem>>)
      %dma_start3A_1397 = arith.constant 9 : i32
      %dma_start3A_1398 = arith.constant 0 : i32
      %dma_start3A_1399 = tpu.memref_slice %arg13[%dma_start3A_1397, %dma_start3A_1398] : memref<16x32xi32, #tpu.memory_space<vmem>> -> memref<1x32xi32, #tpu.memory_space<vmem>>
      %dma_start3A_1400 = tpu.memref_squeeze %dma_start3A_1399 : memref<1x32xi32, #tpu.memory_space<vmem>> -> memref<32xi32, #tpu.memory_space<vmem>>
      %dma_start3A_1401 = arith.constant 0 : i32
      %dma_start3A_1402 = arith.constant 0 : i32
      %dma_start3A_1403 = tpu.memref_slice %arg18[%dma_start3A_1401, %dma_start3A_1402] : memref<10240x128xf32, #tpu.memory_space<vmem_shared>> -> memref<10240x128xf32, #tpu.memory_space<vmem_shared>>
      tpu.enqueue_indirect_dma source(%arg15 : memref<32x128xf32, #tpu.memory_space<vmem>>) target(%dma_start3A_1403 : memref<10240x128xf32, #tpu.memory_space<vmem_shared>>) offsets(%dma_start3A_1400 : memref<32xi32, #tpu.memory_space<vmem>>) semaphore(%arg24 : memref<!tpu.dma_semaphore, #tpu.memory_space<semaphore_mem>>) {add = true}
      %dma_wait3A_1404 = arith.constant 8 : i32
      %dma_wait3A_1405 = arith.constant 0 : i32
      %dma_wait3A_1406 = tpu.memref_slice %arg13[%dma_wait3A_1404, %dma_wait3A_1405] : memref<16x32xi32, #tpu.memory_space<vmem>> -> memref<1x32xi32, #tpu.memory_space<vmem>>
      %dma_wait3A_1407 = tpu.memref_squeeze %dma_wait3A_1406 : memref<1x32xi32, #tpu.memory_space<vmem>> -> memref<32xi32, #tpu.memory_space<vmem>>
      %dma_wait3A_1408 = arith.constant 0 : i32
      %dma_wait3A_1409 = arith.constant 0 : i32
      %dma_wait3A_1410 = tpu.memref_slice %arg18[%dma_wait3A_1408, %dma_wait3A_1409] : memref<10240x128xf32, #tpu.memory_space<vmem_shared>> -> memref<10240x128xf32, #tpu.memory_space<vmem_shared>>
      tpu.wait_indirect_dma semaphore(%arg23 : memref<!tpu.dma_semaphore, #tpu.memory_space<semaphore_mem>>) src(%arg14 : memref<32x128xf32, #tpu.memory_space<vmem>>) dst(%dma_wait3A_1410 : memref<10240x128xf32, #tpu.memory_space<vmem_shared>>)
      %dma_start3A_1411 = arith.constant 11 : i32
      %dma_start3A_1412 = arith.constant 0 : i32
      %dma_start3A_1413 = tpu.memref_slice %arg12[%dma_start3A_1411, %dma_start3A_1412] : memref<16x32xi32, #tpu.memory_space<vmem>> -> memref<1x32xi32, #tpu.memory_space<vmem>>
      %dma_start3A_1414 = tpu.memref_squeeze %dma_start3A_1413 : memref<1x32xi32, #tpu.memory_space<vmem>> -> memref<32xi32, #tpu.memory_space<vmem>>
      %dma_start3A_1415 = arith.constant 0 : i32
      %dma_start3A_1416 = arith.constant 0 : i32
      %dma_start3A_1417 = tpu.memref_slice %arg2[%dma_start3A_1415, %dma_start3A_1416] : memref<10000x128xf32, #tpu.memory_space<hbm>> -> memref<10000x128xf32, #tpu.memory_space<hbm>>
      tpu.enqueue_indirect_dma source(%dma_start3A_1417 : memref<10000x128xf32, #tpu.memory_space<hbm>>) target(%arg14 : memref<32x128xf32, #tpu.memory_space<vmem>>) offsets(%dma_start3A_1414 : memref<32xi32, #tpu.memory_space<vmem>>) semaphore(%arg20 : memref<!tpu.dma_semaphore, #tpu.memory_space<semaphore_mem>>)
      %dma_start3A_1418 = arith.constant 9 : i32
      %dma_start3A_1419 = arith.constant 0 : i32
      %dma_start3A_1420 = tpu.memref_slice %arg17[%dma_start3A_1419] : memref<64xf32, #tpu.memory_space<vmem>> -> memref<32xf32, #tpu.memory_space<vmem>>
      %dma_start3A_1421 = arith.constant 0 : i32
      %dma_start3A_1422 = tpu.memref_slice %arg13[%dma_start3A_1418, %dma_start3A_1421] : memref<16x32xi32, #tpu.memory_space<vmem>> -> memref<1x32xi32, #tpu.memory_space<vmem>>
      %dma_start3A_1423 = tpu.memref_squeeze %dma_start3A_1422 : memref<1x32xi32, #tpu.memory_space<vmem>> -> memref<32xi32, #tpu.memory_space<vmem>>
      %dma_start3A_1424 = arith.constant 0 : i32
      %dma_start3A_1425 = tpu.memref_slice %arg19[%dma_start3A_1424] : memref<10240xf32, #tpu.memory_space<vmem_shared>> -> memref<10240xf32, #tpu.memory_space<vmem_shared>>
      tpu.enqueue_indirect_dma source(%dma_start3A_1420 : memref<32xf32, #tpu.memory_space<vmem>>) target(%dma_start3A_1425 : memref<10240xf32, #tpu.memory_space<vmem_shared>>) offsets(%dma_start3A_1423 : memref<32xi32, #tpu.memory_space<vmem>>) semaphore(%arg26 : memref<!tpu.dma_semaphore, #tpu.memory_space<semaphore_mem>>) {add = true}
      %dma_wait3A_1426 = arith.constant 8 : i32
      %dma_wait3A_1427 = arith.constant 0 : i32
      %dma_wait3A_1428 = tpu.memref_slice %arg17[%dma_wait3A_1427] : memref<64xf32, #tpu.memory_space<vmem>> -> memref<32xf32, #tpu.memory_space<vmem>>
      %dma_wait3A_1429 = arith.constant 0 : i32
      %dma_wait3A_1430 = tpu.memref_slice %arg13[%dma_wait3A_1426, %dma_wait3A_1429] : memref<16x32xi32, #tpu.memory_space<vmem>> -> memref<1x32xi32, #tpu.memory_space<vmem>>
      %dma_wait3A_1431 = tpu.memref_squeeze %dma_wait3A_1430 : memref<1x32xi32, #tpu.memory_space<vmem>> -> memref<32xi32, #tpu.memory_space<vmem>>
      %dma_wait3A_1432 = arith.constant 0 : i32
      %dma_wait3A_1433 = tpu.memref_slice %arg19[%dma_wait3A_1432] : memref<10240xf32, #tpu.memory_space<vmem_shared>> -> memref<10240xf32, #tpu.memory_space<vmem_shared>>
      tpu.wait_indirect_dma semaphore(%arg26 : memref<!tpu.dma_semaphore, #tpu.memory_space<semaphore_mem>>) src(%dma_wait3A_1428 : memref<32xf32, #tpu.memory_space<vmem>>) dst(%dma_wait3A_1433 : memref<10240xf32, #tpu.memory_space<vmem_shared>>)
      %dma_wait3A_1434 = arith.constant 10 : i32
      %dma_wait3A_1435 = arith.constant 0 : i32
      %dma_wait3A_1436 = tpu.memref_slice %arg12[%dma_wait3A_1434, %dma_wait3A_1435] : memref<16x32xi32, #tpu.memory_space<vmem>> -> memref<1x32xi32, #tpu.memory_space<vmem>>
      %dma_wait3A_1437 = tpu.memref_squeeze %dma_wait3A_1436 : memref<1x32xi32, #tpu.memory_space<vmem>> -> memref<32xi32, #tpu.memory_space<vmem>>
      %dma_wait3A_1438 = arith.constant 0 : i32
      %dma_wait3A_1439 = arith.constant 0 : i32
      %dma_wait3A_1440 = tpu.memref_slice %arg2[%dma_wait3A_1438, %dma_wait3A_1439] : memref<10000x128xf32, #tpu.memory_space<hbm>> -> memref<10000x128xf32, #tpu.memory_space<hbm>>
      tpu.wait_indirect_dma semaphore(%arg22 : memref<!tpu.dma_semaphore, #tpu.memory_space<semaphore_mem>>) src(%dma_wait3A_1440 : memref<10000x128xf32, #tpu.memory_space<hbm>>) dst(%arg16 : memref<32x128xf32, #tpu.memory_space<vmem>>)
      %dma_start3A_1441 = arith.constant 10 : i32
      %dma_start3A_1442 = arith.constant 0 : i32
      %dma_start3A_1443 = tpu.memref_slice %arg13[%dma_start3A_1441, %dma_start3A_1442] : memref<16x32xi32, #tpu.memory_space<vmem>> -> memref<1x32xi32, #tpu.memory_space<vmem>>
      %dma_start3A_1444 = tpu.memref_squeeze %dma_start3A_1443 : memref<1x32xi32, #tpu.memory_space<vmem>> -> memref<32xi32, #tpu.memory_space<vmem>>
      %dma_start3A_1445 = arith.constant 0 : i32
      %dma_start3A_1446 = arith.constant 0 : i32
      %dma_start3A_1447 = tpu.memref_slice %arg18[%dma_start3A_1445, %dma_start3A_1446] : memref<10240x128xf32, #tpu.memory_space<vmem_shared>> -> memref<10240x128xf32, #tpu.memory_space<vmem_shared>>
      tpu.enqueue_indirect_dma source(%arg16 : memref<32x128xf32, #tpu.memory_space<vmem>>) target(%dma_start3A_1447 : memref<10240x128xf32, #tpu.memory_space<vmem_shared>>) offsets(%dma_start3A_1444 : memref<32xi32, #tpu.memory_space<vmem>>) semaphore(%arg25 : memref<!tpu.dma_semaphore, #tpu.memory_space<semaphore_mem>>) {add = true}
      %dma_wait3A_1448 = arith.constant 9 : i32
      %dma_wait3A_1449 = arith.constant 0 : i32
      %dma_wait3A_1450 = tpu.memref_slice %arg13[%dma_wait3A_1448, %dma_wait3A_1449] : memref<16x32xi32, #tpu.memory_space<vmem>> -> memref<1x32xi32, #tpu.memory_space<vmem>>
      %dma_wait3A_1451 = tpu.memref_squeeze %dma_wait3A_1450 : memref<1x32xi32, #tpu.memory_space<vmem>> -> memref<32xi32, #tpu.memory_space<vmem>>
      %dma_wait3A_1452 = arith.constant 0 : i32
      %dma_wait3A_1453 = arith.constant 0 : i32
      %dma_wait3A_1454 = tpu.memref_slice %arg18[%dma_wait3A_1452, %dma_wait3A_1453] : memref<10240x128xf32, #tpu.memory_space<vmem_shared>> -> memref<10240x128xf32, #tpu.memory_space<vmem_shared>>
      tpu.wait_indirect_dma semaphore(%arg24 : memref<!tpu.dma_semaphore, #tpu.memory_space<semaphore_mem>>) src(%arg15 : memref<32x128xf32, #tpu.memory_space<vmem>>) dst(%dma_wait3A_1454 : memref<10240x128xf32, #tpu.memory_space<vmem_shared>>)
      %dma_start3A_1455 = arith.constant 12 : i32
      %dma_start3A_1456 = arith.constant 0 : i32
      %dma_start3A_1457 = tpu.memref_slice %arg12[%dma_start3A_1455, %dma_start3A_1456] : memref<16x32xi32, #tpu.memory_space<vmem>> -> memref<1x32xi32, #tpu.memory_space<vmem>>
      %dma_start3A_1458 = tpu.memref_squeeze %dma_start3A_1457 : memref<1x32xi32, #tpu.memory_space<vmem>> -> memref<32xi32, #tpu.memory_space<vmem>>
      %dma_start3A_1459 = arith.constant 0 : i32
      %dma_start3A_1460 = arith.constant 0 : i32
      %dma_start3A_1461 = tpu.memref_slice %arg2[%dma_start3A_1459, %dma_start3A_1460] : memref<10000x128xf32, #tpu.memory_space<hbm>> -> memref<10000x128xf32, #tpu.memory_space<hbm>>
      tpu.enqueue_indirect_dma source(%dma_start3A_1461 : memref<10000x128xf32, #tpu.memory_space<hbm>>) target(%arg15 : memref<32x128xf32, #tpu.memory_space<vmem>>) offsets(%dma_start3A_1458 : memref<32xi32, #tpu.memory_space<vmem>>) semaphore(%arg21 : memref<!tpu.dma_semaphore, #tpu.memory_space<semaphore_mem>>)
      %dma_start3A_1462 = arith.constant 10 : i32
      %dma_start3A_1463 = arith.constant 0 : i32
      %dma_start3A_1464 = tpu.memref_slice %arg17[%dma_start3A_1463] : memref<64xf32, #tpu.memory_space<vmem>> -> memref<32xf32, #tpu.memory_space<vmem>>
      %dma_start3A_1465 = arith.constant 0 : i32
      %dma_start3A_1466 = tpu.memref_slice %arg13[%dma_start3A_1462, %dma_start3A_1465] : memref<16x32xi32, #tpu.memory_space<vmem>> -> memref<1x32xi32, #tpu.memory_space<vmem>>
      %dma_start3A_1467 = tpu.memref_squeeze %dma_start3A_1466 : memref<1x32xi32, #tpu.memory_space<vmem>> -> memref<32xi32, #tpu.memory_space<vmem>>
      %dma_start3A_1468 = arith.constant 0 : i32
      %dma_start3A_1469 = tpu.memref_slice %arg19[%dma_start3A_1468] : memref<10240xf32, #tpu.memory_space<vmem_shared>> -> memref<10240xf32, #tpu.memory_space<vmem_shared>>
      tpu.enqueue_indirect_dma source(%dma_start3A_1464 : memref<32xf32, #tpu.memory_space<vmem>>) target(%dma_start3A_1469 : memref<10240xf32, #tpu.memory_space<vmem_shared>>) offsets(%dma_start3A_1467 : memref<32xi32, #tpu.memory_space<vmem>>) semaphore(%arg26 : memref<!tpu.dma_semaphore, #tpu.memory_space<semaphore_mem>>) {add = true}
      %dma_wait3A_1470 = arith.constant 9 : i32
      %dma_wait3A_1471 = arith.constant 0 : i32
      %dma_wait3A_1472 = tpu.memref_slice %arg17[%dma_wait3A_1471] : memref<64xf32, #tpu.memory_space<vmem>> -> memref<32xf32, #tpu.memory_space<vmem>>
      %dma_wait3A_1473 = arith.constant 0 : i32
      %dma_wait3A_1474 = tpu.memref_slice %arg13[%dma_wait3A_1470, %dma_wait3A_1473] : memref<16x32xi32, #tpu.memory_space<vmem>> -> memref<1x32xi32, #tpu.memory_space<vmem>>
      %dma_wait3A_1475 = tpu.memref_squeeze %dma_wait3A_1474 : memref<1x32xi32, #tpu.memory_space<vmem>> -> memref<32xi32, #tpu.memory_space<vmem>>
      %dma_wait3A_1476 = arith.constant 0 : i32
      %dma_wait3A_1477 = tpu.memref_slice %arg19[%dma_wait3A_1476] : memref<10240xf32, #tpu.memory_space<vmem_shared>> -> memref<10240xf32, #tpu.memory_space<vmem_shared>>
      tpu.wait_indirect_dma semaphore(%arg26 : memref<!tpu.dma_semaphore, #tpu.memory_space<semaphore_mem>>) src(%dma_wait3A_1472 : memref<32xf32, #tpu.memory_space<vmem>>) dst(%dma_wait3A_1477 : memref<10240xf32, #tpu.memory_space<vmem_shared>>)
      %dma_wait3A_1478 = arith.constant 11 : i32
      %dma_wait3A_1479 = arith.constant 0 : i32
      %dma_wait3A_1480 = tpu.memref_slice %arg12[%dma_wait3A_1478, %dma_wait3A_1479] : memref<16x32xi32, #tpu.memory_space<vmem>> -> memref<1x32xi32, #tpu.memory_space<vmem>>
      %dma_wait3A_1481 = tpu.memref_squeeze %dma_wait3A_1480 : memref<1x32xi32, #tpu.memory_space<vmem>> -> memref<32xi32, #tpu.memory_space<vmem>>
      %dma_wait3A_1482 = arith.constant 0 : i32
      %dma_wait3A_1483 = arith.constant 0 : i32
      %dma_wait3A_1484 = tpu.memref_slice %arg2[%dma_wait3A_1482, %dma_wait3A_1483] : memref<10000x128xf32, #tpu.memory_space<hbm>> -> memref<10000x128xf32, #tpu.memory_space<hbm>>
      tpu.wait_indirect_dma semaphore(%arg20 : memref<!tpu.dma_semaphore, #tpu.memory_space<semaphore_mem>>) src(%dma_wait3A_1484 : memref<10000x128xf32, #tpu.memory_space<hbm>>) dst(%arg14 : memref<32x128xf32, #tpu.memory_space<vmem>>)
      %dma_start3A_1485 = arith.constant 11 : i32
      %dma_start3A_1486 = arith.constant 0 : i32
      %dma_start3A_1487 = tpu.memref_slice %arg13[%dma_start3A_1485, %dma_start3A_1486] : memref<16x32xi32, #tpu.memory_space<vmem>> -> memref<1x32xi32, #tpu.memory_space<vmem>>
      %dma_start3A_1488 = tpu.memref_squeeze %dma_start3A_1487 : memref<1x32xi32, #tpu.memory_space<vmem>> -> memref<32xi32, #tpu.memory_space<vmem>>
      %dma_start3A_1489 = arith.constant 0 : i32
      %dma_start3A_1490 = arith.constant 0 : i32
      %dma_start3A_1491 = tpu.memref_slice %arg18[%dma_start3A_1489, %dma_start3A_1490] : memref<10240x128xf32, #tpu.memory_space<vmem_shared>> -> memref<10240x128xf32, #tpu.memory_space<vmem_shared>>
      tpu.enqueue_indirect_dma source(%arg14 : memref<32x128xf32, #tpu.memory_space<vmem>>) target(%dma_start3A_1491 : memref<10240x128xf32, #tpu.memory_space<vmem_shared>>) offsets(%dma_start3A_1488 : memref<32xi32, #tpu.memory_space<vmem>>) semaphore(%arg23 : memref<!tpu.dma_semaphore, #tpu.memory_space<semaphore_mem>>) {add = true}
      %dma_wait3A_1492 = arith.constant 10 : i32
      %dma_wait3A_1493 = arith.constant 0 : i32
      %dma_wait3A_1494 = tpu.memref_slice %arg13[%dma_wait3A_1492, %dma_wait3A_1493] : memref<16x32xi32, #tpu.memory_space<vmem>> -> memref<1x32xi32, #tpu.memory_space<vmem>>
      %dma_wait3A_1495 = tpu.memref_squeeze %dma_wait3A_1494 : memref<1x32xi32, #tpu.memory_space<vmem>> -> memref<32xi32, #tpu.memory_space<vmem>>
      %dma_wait3A_1496 = arith.constant 0 : i32
      %dma_wait3A_1497 = arith.constant 0 : i32
      %dma_wait3A_1498 = tpu.memref_slice %arg18[%dma_wait3A_1496, %dma_wait3A_1497] : memref<10240x128xf32, #tpu.memory_space<vmem_shared>> -> memref<10240x128xf32, #tpu.memory_space<vmem_shared>>
      tpu.wait_indirect_dma semaphore(%arg25 : memref<!tpu.dma_semaphore, #tpu.memory_space<semaphore_mem>>) src(%arg16 : memref<32x128xf32, #tpu.memory_space<vmem>>) dst(%dma_wait3A_1498 : memref<10240x128xf32, #tpu.memory_space<vmem_shared>>)
      %dma_start3A_1499 = arith.constant 13 : i32
      %dma_start3A_1500 = arith.constant 0 : i32
      %dma_start3A_1501 = tpu.memref_slice %arg12[%dma_start3A_1499, %dma_start3A_1500] : memref<16x32xi32, #tpu.memory_space<vmem>> -> memref<1x32xi32, #tpu.memory_space<vmem>>
      %dma_start3A_1502 = tpu.memref_squeeze %dma_start3A_1501 : memref<1x32xi32, #tpu.memory_space<vmem>> -> memref<32xi32, #tpu.memory_space<vmem>>
      %dma_start3A_1503 = arith.constant 0 : i32
      %dma_start3A_1504 = arith.constant 0 : i32
      %dma_start3A_1505 = tpu.memref_slice %arg2[%dma_start3A_1503, %dma_start3A_1504] : memref<10000x128xf32, #tpu.memory_space<hbm>> -> memref<10000x128xf32, #tpu.memory_space<hbm>>
      tpu.enqueue_indirect_dma source(%dma_start3A_1505 : memref<10000x128xf32, #tpu.memory_space<hbm>>) target(%arg16 : memref<32x128xf32, #tpu.memory_space<vmem>>) offsets(%dma_start3A_1502 : memref<32xi32, #tpu.memory_space<vmem>>) semaphore(%arg22 : memref<!tpu.dma_semaphore, #tpu.memory_space<semaphore_mem>>)
      %dma_start3A_1506 = arith.constant 11 : i32
      %dma_start3A_1507 = arith.constant 0 : i32
      %dma_start3A_1508 = tpu.memref_slice %arg17[%dma_start3A_1507] : memref<64xf32, #tpu.memory_space<vmem>> -> memref<32xf32, #tpu.memory_space<vmem>>
      %dma_start3A_1509 = arith.constant 0 : i32
      %dma_start3A_1510 = tpu.memref_slice %arg13[%dma_start3A_1506, %dma_start3A_1509] : memref<16x32xi32, #tpu.memory_space<vmem>> -> memref<1x32xi32, #tpu.memory_space<vmem>>
      %dma_start3A_1511 = tpu.memref_squeeze %dma_start3A_1510 : memref<1x32xi32, #tpu.memory_space<vmem>> -> memref<32xi32, #tpu.memory_space<vmem>>
      %dma_start3A_1512 = arith.constant 0 : i32
      %dma_start3A_1513 = tpu.memref_slice %arg19[%dma_start3A_1512] : memref<10240xf32, #tpu.memory_space<vmem_shared>> -> memref<10240xf32, #tpu.memory_space<vmem_shared>>
      tpu.enqueue_indirect_dma source(%dma_start3A_1508 : memref<32xf32, #tpu.memory_space<vmem>>) target(%dma_start3A_1513 : memref<10240xf32, #tpu.memory_space<vmem_shared>>) offsets(%dma_start3A_1511 : memref<32xi32, #tpu.memory_space<vmem>>) semaphore(%arg26 : memref<!tpu.dma_semaphore, #tpu.memory_space<semaphore_mem>>) {add = true}
      %dma_wait3A_1514 = arith.constant 10 : i32
      %dma_wait3A_1515 = arith.constant 0 : i32
      %dma_wait3A_1516 = tpu.memref_slice %arg17[%dma_wait3A_1515] : memref<64xf32, #tpu.memory_space<vmem>> -> memref<32xf32, #tpu.memory_space<vmem>>
      %dma_wait3A_1517 = arith.constant 0 : i32
      %dma_wait3A_1518 = tpu.memref_slice %arg13[%dma_wait3A_1514, %dma_wait3A_1517] : memref<16x32xi32, #tpu.memory_space<vmem>> -> memref<1x32xi32, #tpu.memory_space<vmem>>
      %dma_wait3A_1519 = tpu.memref_squeeze %dma_wait3A_1518 : memref<1x32xi32, #tpu.memory_space<vmem>> -> memref<32xi32, #tpu.memory_space<vmem>>
      %dma_wait3A_1520 = arith.constant 0 : i32
      %dma_wait3A_1521 = tpu.memref_slice %arg19[%dma_wait3A_1520] : memref<10240xf32, #tpu.memory_space<vmem_shared>> -> memref<10240xf32, #tpu.memory_space<vmem_shared>>
      tpu.wait_indirect_dma semaphore(%arg26 : memref<!tpu.dma_semaphore, #tpu.memory_space<semaphore_mem>>) src(%dma_wait3A_1516 : memref<32xf32, #tpu.memory_space<vmem>>) dst(%dma_wait3A_1521 : memref<10240xf32, #tpu.memory_space<vmem_shared>>)
      %dma_wait3A_1522 = arith.constant 12 : i32
      %dma_wait3A_1523 = arith.constant 0 : i32
      %dma_wait3A_1524 = tpu.memref_slice %arg12[%dma_wait3A_1522, %dma_wait3A_1523] : memref<16x32xi32, #tpu.memory_space<vmem>> -> memref<1x32xi32, #tpu.memory_space<vmem>>
      %dma_wait3A_1525 = tpu.memref_squeeze %dma_wait3A_1524 : memref<1x32xi32, #tpu.memory_space<vmem>> -> memref<32xi32, #tpu.memory_space<vmem>>
      %dma_wait3A_1526 = arith.constant 0 : i32
      %dma_wait3A_1527 = arith.constant 0 : i32
      %dma_wait3A_1528 = tpu.memref_slice %arg2[%dma_wait3A_1526, %dma_wait3A_1527] : memref<10000x128xf32, #tpu.memory_space<hbm>> -> memref<10000x128xf32, #tpu.memory_space<hbm>>
      tpu.wait_indirect_dma semaphore(%arg21 : memref<!tpu.dma_semaphore, #tpu.memory_space<semaphore_mem>>) src(%dma_wait3A_1528 : memref<10000x128xf32, #tpu.memory_space<hbm>>) dst(%arg15 : memref<32x128xf32, #tpu.memory_space<vmem>>)
      %dma_start3A_1529 = arith.constant 12 : i32
      %dma_start3A_1530 = arith.constant 0 : i32
      %dma_start3A_1531 = tpu.memref_slice %arg13[%dma_start3A_1529, %dma_start3A_1530] : memref<16x32xi32, #tpu.memory_space<vmem>> -> memref<1x32xi32, #tpu.memory_space<vmem>>
      %dma_start3A_1532 = tpu.memref_squeeze %dma_start3A_1531 : memref<1x32xi32, #tpu.memory_space<vmem>> -> memref<32xi32, #tpu.memory_space<vmem>>
      %dma_start3A_1533 = arith.constant 0 : i32
      %dma_start3A_1534 = arith.constant 0 : i32
      %dma_start3A_1535 = tpu.memref_slice %arg18[%dma_start3A_1533, %dma_start3A_1534] : memref<10240x128xf32, #tpu.memory_space<vmem_shared>> -> memref<10240x128xf32, #tpu.memory_space<vmem_shared>>
      tpu.enqueue_indirect_dma source(%arg15 : memref<32x128xf32, #tpu.memory_space<vmem>>) target(%dma_start3A_1535 : memref<10240x128xf32, #tpu.memory_space<vmem_shared>>) offsets(%dma_start3A_1532 : memref<32xi32, #tpu.memory_space<vmem>>) semaphore(%arg24 : memref<!tpu.dma_semaphore, #tpu.memory_space<semaphore_mem>>) {add = true}
      %dma_wait3A_1536 = arith.constant 11 : i32
      %dma_wait3A_1537 = arith.constant 0 : i32
      %dma_wait3A_1538 = tpu.memref_slice %arg13[%dma_wait3A_1536, %dma_wait3A_1537] : memref<16x32xi32, #tpu.memory_space<vmem>> -> memref<1x32xi32, #tpu.memory_space<vmem>>
      %dma_wait3A_1539 = tpu.memref_squeeze %dma_wait3A_1538 : memref<1x32xi32, #tpu.memory_space<vmem>> -> memref<32xi32, #tpu.memory_space<vmem>>
      %dma_wait3A_1540 = arith.constant 0 : i32
      %dma_wait3A_1541 = arith.constant 0 : i32
      %dma_wait3A_1542 = tpu.memref_slice %arg18[%dma_wait3A_1540, %dma_wait3A_1541] : memref<10240x128xf32, #tpu.memory_space<vmem_shared>> -> memref<10240x128xf32, #tpu.memory_space<vmem_shared>>
      tpu.wait_indirect_dma semaphore(%arg23 : memref<!tpu.dma_semaphore, #tpu.memory_space<semaphore_mem>>) src(%arg14 : memref<32x128xf32, #tpu.memory_space<vmem>>) dst(%dma_wait3A_1542 : memref<10240x128xf32, #tpu.memory_space<vmem_shared>>)
      %dma_start3A_1543 = arith.constant 14 : i32
      %dma_start3A_1544 = arith.constant 0 : i32
      %dma_start3A_1545 = tpu.memref_slice %arg12[%dma_start3A_1543, %dma_start3A_1544] : memref<16x32xi32, #tpu.memory_space<vmem>> -> memref<1x32xi32, #tpu.memory_space<vmem>>
      %dma_start3A_1546 = tpu.memref_squeeze %dma_start3A_1545 : memref<1x32xi32, #tpu.memory_space<vmem>> -> memref<32xi32, #tpu.memory_space<vmem>>
      %dma_start3A_1547 = arith.constant 0 : i32
      %dma_start3A_1548 = arith.constant 0 : i32
      %dma_start3A_1549 = tpu.memref_slice %arg2[%dma_start3A_1547, %dma_start3A_1548] : memref<10000x128xf32, #tpu.memory_space<hbm>> -> memref<10000x128xf32, #tpu.memory_space<hbm>>
      tpu.enqueue_indirect_dma source(%dma_start3A_1549 : memref<10000x128xf32, #tpu.memory_space<hbm>>) target(%arg14 : memref<32x128xf32, #tpu.memory_space<vmem>>) offsets(%dma_start3A_1546 : memref<32xi32, #tpu.memory_space<vmem>>) semaphore(%arg20 : memref<!tpu.dma_semaphore, #tpu.memory_space<semaphore_mem>>)
      %dma_start3A_1550 = arith.constant 12 : i32
      %dma_start3A_1551 = arith.constant 0 : i32
      %dma_start3A_1552 = tpu.memref_slice %arg17[%dma_start3A_1551] : memref<64xf32, #tpu.memory_space<vmem>> -> memref<32xf32, #tpu.memory_space<vmem>>
      %dma_start3A_1553 = arith.constant 0 : i32
      %dma_start3A_1554 = tpu.memref_slice %arg13[%dma_start3A_1550, %dma_start3A_1553] : memref<16x32xi32, #tpu.memory_space<vmem>> -> memref<1x32xi32, #tpu.memory_space<vmem>>
      %dma_start3A_1555 = tpu.memref_squeeze %dma_start3A_1554 : memref<1x32xi32, #tpu.memory_space<vmem>> -> memref<32xi32, #tpu.memory_space<vmem>>
      %dma_start3A_1556 = arith.constant 0 : i32
      %dma_start3A_1557 = tpu.memref_slice %arg19[%dma_start3A_1556] : memref<10240xf32, #tpu.memory_space<vmem_shared>> -> memref<10240xf32, #tpu.memory_space<vmem_shared>>
      tpu.enqueue_indirect_dma source(%dma_start3A_1552 : memref<32xf32, #tpu.memory_space<vmem>>) target(%dma_start3A_1557 : memref<10240xf32, #tpu.memory_space<vmem_shared>>) offsets(%dma_start3A_1555 : memref<32xi32, #tpu.memory_space<vmem>>) semaphore(%arg26 : memref<!tpu.dma_semaphore, #tpu.memory_space<semaphore_mem>>) {add = true}
      %dma_wait3A_1558 = arith.constant 11 : i32
      %dma_wait3A_1559 = arith.constant 0 : i32
      %dma_wait3A_1560 = tpu.memref_slice %arg17[%dma_wait3A_1559] : memref<64xf32, #tpu.memory_space<vmem>> -> memref<32xf32, #tpu.memory_space<vmem>>
      %dma_wait3A_1561 = arith.constant 0 : i32
      %dma_wait3A_1562 = tpu.memref_slice %arg13[%dma_wait3A_1558, %dma_wait3A_1561] : memref<16x32xi32, #tpu.memory_space<vmem>> -> memref<1x32xi32, #tpu.memory_space<vmem>>
      %dma_wait3A_1563 = tpu.memref_squeeze %dma_wait3A_1562 : memref<1x32xi32, #tpu.memory_space<vmem>> -> memref<32xi32, #tpu.memory_space<vmem>>
      %dma_wait3A_1564 = arith.constant 0 : i32
      %dma_wait3A_1565 = tpu.memref_slice %arg19[%dma_wait3A_1564] : memref<10240xf32, #tpu.memory_space<vmem_shared>> -> memref<10240xf32, #tpu.memory_space<vmem_shared>>
      tpu.wait_indirect_dma semaphore(%arg26 : memref<!tpu.dma_semaphore, #tpu.memory_space<semaphore_mem>>) src(%dma_wait3A_1560 : memref<32xf32, #tpu.memory_space<vmem>>) dst(%dma_wait3A_1565 : memref<10240xf32, #tpu.memory_space<vmem_shared>>)
      %dma_wait3A_1566 = arith.constant 13 : i32
      %dma_wait3A_1567 = arith.constant 0 : i32
      %dma_wait3A_1568 = tpu.memref_slice %arg12[%dma_wait3A_1566, %dma_wait3A_1567] : memref<16x32xi32, #tpu.memory_space<vmem>> -> memref<1x32xi32, #tpu.memory_space<vmem>>
      %dma_wait3A_1569 = tpu.memref_squeeze %dma_wait3A_1568 : memref<1x32xi32, #tpu.memory_space<vmem>> -> memref<32xi32, #tpu.memory_space<vmem>>
      %dma_wait3A_1570 = arith.constant 0 : i32
      %dma_wait3A_1571 = arith.constant 0 : i32
      %dma_wait3A_1572 = tpu.memref_slice %arg2[%dma_wait3A_1570, %dma_wait3A_1571] : memref<10000x128xf32, #tpu.memory_space<hbm>> -> memref<10000x128xf32, #tpu.memory_space<hbm>>
      tpu.wait_indirect_dma semaphore(%arg22 : memref<!tpu.dma_semaphore, #tpu.memory_space<semaphore_mem>>) src(%dma_wait3A_1572 : memref<10000x128xf32, #tpu.memory_space<hbm>>) dst(%arg16 : memref<32x128xf32, #tpu.memory_space<vmem>>)
      %dma_start3A_1573 = arith.constant 13 : i32
      %dma_start3A_1574 = arith.constant 0 : i32
      %dma_start3A_1575 = tpu.memref_slice %arg13[%dma_start3A_1573, %dma_start3A_1574] : memref<16x32xi32, #tpu.memory_space<vmem>> -> memref<1x32xi32, #tpu.memory_space<vmem>>
      %dma_start3A_1576 = tpu.memref_squeeze %dma_start3A_1575 : memref<1x32xi32, #tpu.memory_space<vmem>> -> memref<32xi32, #tpu.memory_space<vmem>>
      %dma_start3A_1577 = arith.constant 0 : i32
      %dma_start3A_1578 = arith.constant 0 : i32
      %dma_start3A_1579 = tpu.memref_slice %arg18[%dma_start3A_1577, %dma_start3A_1578] : memref<10240x128xf32, #tpu.memory_space<vmem_shared>> -> memref<10240x128xf32, #tpu.memory_space<vmem_shared>>
      tpu.enqueue_indirect_dma source(%arg16 : memref<32x128xf32, #tpu.memory_space<vmem>>) target(%dma_start3A_1579 : memref<10240x128xf32, #tpu.memory_space<vmem_shared>>) offsets(%dma_start3A_1576 : memref<32xi32, #tpu.memory_space<vmem>>) semaphore(%arg25 : memref<!tpu.dma_semaphore, #tpu.memory_space<semaphore_mem>>) {add = true}
      %dma_wait3A_1580 = arith.constant 12 : i32
      %dma_wait3A_1581 = arith.constant 0 : i32
      %dma_wait3A_1582 = tpu.memref_slice %arg13[%dma_wait3A_1580, %dma_wait3A_1581] : memref<16x32xi32, #tpu.memory_space<vmem>> -> memref<1x32xi32, #tpu.memory_space<vmem>>
      %dma_wait3A_1583 = tpu.memref_squeeze %dma_wait3A_1582 : memref<1x32xi32, #tpu.memory_space<vmem>> -> memref<32xi32, #tpu.memory_space<vmem>>
      %dma_wait3A_1584 = arith.constant 0 : i32
      %dma_wait3A_1585 = arith.constant 0 : i32
      %dma_wait3A_1586 = tpu.memref_slice %arg18[%dma_wait3A_1584, %dma_wait3A_1585] : memref<10240x128xf32, #tpu.memory_space<vmem_shared>> -> memref<10240x128xf32, #tpu.memory_space<vmem_shared>>
      tpu.wait_indirect_dma semaphore(%arg24 : memref<!tpu.dma_semaphore, #tpu.memory_space<semaphore_mem>>) src(%arg15 : memref<32x128xf32, #tpu.memory_space<vmem>>) dst(%dma_wait3A_1586 : memref<10240x128xf32, #tpu.memory_space<vmem_shared>>)
      %dma_start3A_1587 = arith.constant 15 : i32
      %dma_start3A_1588 = arith.constant 0 : i32
      %dma_start3A_1589 = tpu.memref_slice %arg12[%dma_start3A_1587, %dma_start3A_1588] : memref<16x32xi32, #tpu.memory_space<vmem>> -> memref<1x32xi32, #tpu.memory_space<vmem>>
      %dma_start3A_1590 = tpu.memref_squeeze %dma_start3A_1589 : memref<1x32xi32, #tpu.memory_space<vmem>> -> memref<32xi32, #tpu.memory_space<vmem>>
      %dma_start3A_1591 = arith.constant 0 : i32
      %dma_start3A_1592 = arith.constant 0 : i32
      %dma_start3A_1593 = tpu.memref_slice %arg2[%dma_start3A_1591, %dma_start3A_1592] : memref<10000x128xf32, #tpu.memory_space<hbm>> -> memref<10000x128xf32, #tpu.memory_space<hbm>>
      tpu.enqueue_indirect_dma source(%dma_start3A_1593 : memref<10000x128xf32, #tpu.memory_space<hbm>>) target(%arg15 : memref<32x128xf32, #tpu.memory_space<vmem>>) offsets(%dma_start3A_1590 : memref<32xi32, #tpu.memory_space<vmem>>) semaphore(%arg21 : memref<!tpu.dma_semaphore, #tpu.memory_space<semaphore_mem>>)
      %dma_start3A_1594 = arith.constant 13 : i32
      %dma_start3A_1595 = arith.constant 0 : i32
      %dma_start3A_1596 = tpu.memref_slice %arg17[%dma_start3A_1595] : memref<64xf32, #tpu.memory_space<vmem>> -> memref<32xf32, #tpu.memory_space<vmem>>
      %dma_start3A_1597 = arith.constant 0 : i32
      %dma_start3A_1598 = tpu.memref_slice %arg13[%dma_start3A_1594, %dma_start3A_1597] : memref<16x32xi32, #tpu.memory_space<vmem>> -> memref<1x32xi32, #tpu.memory_space<vmem>>
      %dma_start3A_1599 = tpu.memref_squeeze %dma_start3A_1598 : memref<1x32xi32, #tpu.memory_space<vmem>> -> memref<32xi32, #tpu.memory_space<vmem>>
      %dma_start3A_1600 = arith.constant 0 : i32
      %dma_start3A_1601 = tpu.memref_slice %arg19[%dma_start3A_1600] : memref<10240xf32, #tpu.memory_space<vmem_shared>> -> memref<10240xf32, #tpu.memory_space<vmem_shared>>
      tpu.enqueue_indirect_dma source(%dma_start3A_1596 : memref<32xf32, #tpu.memory_space<vmem>>) target(%dma_start3A_1601 : memref<10240xf32, #tpu.memory_space<vmem_shared>>) offsets(%dma_start3A_1599 : memref<32xi32, #tpu.memory_space<vmem>>) semaphore(%arg26 : memref<!tpu.dma_semaphore, #tpu.memory_space<semaphore_mem>>) {add = true}
      %dma_wait3A_1602 = arith.constant 12 : i32
      %dma_wait3A_1603 = arith.constant 0 : i32
      %dma_wait3A_1604 = tpu.memref_slice %arg17[%dma_wait3A_1603] : memref<64xf32, #tpu.memory_space<vmem>> -> memref<32xf32, #tpu.memory_space<vmem>>
      %dma_wait3A_1605 = arith.constant 0 : i32
      %dma_wait3A_1606 = tpu.memref_slice %arg13[%dma_wait3A_1602, %dma_wait3A_1605] : memref<16x32xi32, #tpu.memory_space<vmem>> -> memref<1x32xi32, #tpu.memory_space<vmem>>
      %dma_wait3A_1607 = tpu.memref_squeeze %dma_wait3A_1606 : memref<1x32xi32, #tpu.memory_space<vmem>> -> memref<32xi32, #tpu.memory_space<vmem>>
      %dma_wait3A_1608 = arith.constant 0 : i32
      %dma_wait3A_1609 = tpu.memref_slice %arg19[%dma_wait3A_1608] : memref<10240xf32, #tpu.memory_space<vmem_shared>> -> memref<10240xf32, #tpu.memory_space<vmem_shared>>
      tpu.wait_indirect_dma semaphore(%arg26 : memref<!tpu.dma_semaphore, #tpu.memory_space<semaphore_mem>>) src(%dma_wait3A_1604 : memref<32xf32, #tpu.memory_space<vmem>>) dst(%dma_wait3A_1609 : memref<10240xf32, #tpu.memory_space<vmem_shared>>)
      %dma_wait3A_1610 = arith.constant 14 : i32
      %dma_wait3A_1611 = arith.constant 0 : i32
      %dma_wait3A_1612 = tpu.memref_slice %arg12[%dma_wait3A_1610, %dma_wait3A_1611] : memref<16x32xi32, #tpu.memory_space<vmem>> -> memref<1x32xi32, #tpu.memory_space<vmem>>
      %dma_wait3A_1613 = tpu.memref_squeeze %dma_wait3A_1612 : memref<1x32xi32, #tpu.memory_space<vmem>> -> memref<32xi32, #tpu.memory_space<vmem>>
      %dma_wait3A_1614 = arith.constant 0 : i32
      %dma_wait3A_1615 = arith.constant 0 : i32
      %dma_wait3A_1616 = tpu.memref_slice %arg2[%dma_wait3A_1614, %dma_wait3A_1615] : memref<10000x128xf32, #tpu.memory_space<hbm>> -> memref<10000x128xf32, #tpu.memory_space<hbm>>
      tpu.wait_indirect_dma semaphore(%arg20 : memref<!tpu.dma_semaphore, #tpu.memory_space<semaphore_mem>>) src(%dma_wait3A_1616 : memref<10000x128xf32, #tpu.memory_space<hbm>>) dst(%arg14 : memref<32x128xf32, #tpu.memory_space<vmem>>)
      %dma_start3A_1617 = arith.constant 14 : i32
      %dma_start3A_1618 = arith.constant 0 : i32
      %dma_start3A_1619 = tpu.memref_slice %arg13[%dma_start3A_1617, %dma_start3A_1618] : memref<16x32xi32, #tpu.memory_space<vmem>> -> memref<1x32xi32, #tpu.memory_space<vmem>>
      %dma_start3A_1620 = tpu.memref_squeeze %dma_start3A_1619 : memref<1x32xi32, #tpu.memory_space<vmem>> -> memref<32xi32, #tpu.memory_space<vmem>>
      %dma_start3A_1621 = arith.constant 0 : i32
      %dma_start3A_1622 = arith.constant 0 : i32
      %dma_start3A_1623 = tpu.memref_slice %arg18[%dma_start3A_1621, %dma_start3A_1622] : memref<10240x128xf32, #tpu.memory_space<vmem_shared>> -> memref<10240x128xf32, #tpu.memory_space<vmem_shared>>
      tpu.enqueue_indirect_dma source(%arg14 : memref<32x128xf32, #tpu.memory_space<vmem>>) target(%dma_start3A_1623 : memref<10240x128xf32, #tpu.memory_space<vmem_shared>>) offsets(%dma_start3A_1620 : memref<32xi32, #tpu.memory_space<vmem>>) semaphore(%arg23 : memref<!tpu.dma_semaphore, #tpu.memory_space<semaphore_mem>>) {add = true}
      %dma_start3A_1624 = arith.constant 14 : i32
      %dma_start3A_1625 = arith.constant 0 : i32
      %dma_start3A_1626 = tpu.memref_slice %arg17[%dma_start3A_1625] : memref<64xf32, #tpu.memory_space<vmem>> -> memref<32xf32, #tpu.memory_space<vmem>>
      %dma_start3A_1627 = arith.constant 0 : i32
      %dma_start3A_1628 = tpu.memref_slice %arg13[%dma_start3A_1624, %dma_start3A_1627] : memref<16x32xi32, #tpu.memory_space<vmem>> -> memref<1x32xi32, #tpu.memory_space<vmem>>
      %dma_start3A_1629 = tpu.memref_squeeze %dma_start3A_1628 : memref<1x32xi32, #tpu.memory_space<vmem>> -> memref<32xi32, #tpu.memory_space<vmem>>
      %dma_start3A_1630 = arith.constant 0 : i32
      %dma_start3A_1631 = tpu.memref_slice %arg19[%dma_start3A_1630] : memref<10240xf32, #tpu.memory_space<vmem_shared>> -> memref<10240xf32, #tpu.memory_space<vmem_shared>>
      tpu.enqueue_indirect_dma source(%dma_start3A_1626 : memref<32xf32, #tpu.memory_space<vmem>>) target(%dma_start3A_1631 : memref<10240xf32, #tpu.memory_space<vmem_shared>>) offsets(%dma_start3A_1629 : memref<32xi32, #tpu.memory_space<vmem>>) semaphore(%arg26 : memref<!tpu.dma_semaphore, #tpu.memory_space<semaphore_mem>>) {add = true}
      %dma_wait3A_1632 = arith.constant 13 : i32
      %dma_wait3A_1633 = arith.constant 0 : i32
      %dma_wait3A_1634 = tpu.memref_slice %arg17[%dma_wait3A_1633] : memref<64xf32, #tpu.memory_space<vmem>> -> memref<32xf32, #tpu.memory_space<vmem>>
      %dma_wait3A_1635 = arith.constant 0 : i32
      %dma_wait3A_1636 = tpu.memref_slice %arg13[%dma_wait3A_1632, %dma_wait3A_1635] : memref<16x32xi32, #tpu.memory_space<vmem>> -> memref<1x32xi32, #tpu.memory_space<vmem>>
      %dma_wait3A_1637 = tpu.memref_squeeze %dma_wait3A_1636 : memref<1x32xi32, #tpu.memory_space<vmem>> -> memref<32xi32, #tpu.memory_space<vmem>>
      %dma_wait3A_1638 = arith.constant 0 : i32
      %dma_wait3A_1639 = tpu.memref_slice %arg19[%dma_wait3A_1638] : memref<10240xf32, #tpu.memory_space<vmem_shared>> -> memref<10240xf32, #tpu.memory_space<vmem_shared>>
      tpu.wait_indirect_dma semaphore(%arg26 : memref<!tpu.dma_semaphore, #tpu.memory_space<semaphore_mem>>) src(%dma_wait3A_1634 : memref<32xf32, #tpu.memory_space<vmem>>) dst(%dma_wait3A_1639 : memref<10240xf32, #tpu.memory_space<vmem_shared>>)
      %dma_wait3A_1640 = arith.constant 15 : i32
      %dma_wait3A_1641 = arith.constant 0 : i32
      %dma_wait3A_1642 = tpu.memref_slice %arg12[%dma_wait3A_1640, %dma_wait3A_1641] : memref<16x32xi32, #tpu.memory_space<vmem>> -> memref<1x32xi32, #tpu.memory_space<vmem>>
      %dma_wait3A_1643 = tpu.memref_squeeze %dma_wait3A_1642 : memref<1x32xi32, #tpu.memory_space<vmem>> -> memref<32xi32, #tpu.memory_space<vmem>>
      %dma_wait3A_1644 = arith.constant 0 : i32
      %dma_wait3A_1645 = arith.constant 0 : i32
      %dma_wait3A_1646 = tpu.memref_slice %arg2[%dma_wait3A_1644, %dma_wait3A_1645] : memref<10000x128xf32, #tpu.memory_space<hbm>> -> memref<10000x128xf32, #tpu.memory_space<hbm>>
      tpu.wait_indirect_dma semaphore(%arg21 : memref<!tpu.dma_semaphore, #tpu.memory_space<semaphore_mem>>) src(%dma_wait3A_1646 : memref<10000x128xf32, #tpu.memory_space<hbm>>) dst(%arg15 : memref<32x128xf32, #tpu.memory_space<vmem>>)
      %dma_start3A_1647 = arith.constant 15 : i32
      %dma_start3A_1648 = arith.constant 0 : i32
      %dma_start3A_1649 = tpu.memref_slice %arg13[%dma_start3A_1647, %dma_start3A_1648] : memref<16x32xi32, #tpu.memory_space<vmem>> -> memref<1x32xi32, #tpu.memory_space<vmem>>
      %dma_start3A_1650 = tpu.memref_squeeze %dma_start3A_1649 : memref<1x32xi32, #tpu.memory_space<vmem>> -> memref<32xi32, #tpu.memory_space<vmem>>
      %dma_start3A_1651 = arith.constant 0 : i32
      %dma_start3A_1652 = arith.constant 0 : i32
      %dma_start3A_1653 = tpu.memref_slice %arg18[%dma_start3A_1651, %dma_start3A_1652] : memref<10240x128xf32, #tpu.memory_space<vmem_shared>> -> memref<10240x128xf32, #tpu.memory_space<vmem_shared>>
      tpu.enqueue_indirect_dma source(%arg15 : memref<32x128xf32, #tpu.memory_space<vmem>>) target(%dma_start3A_1653 : memref<10240x128xf32, #tpu.memory_space<vmem_shared>>) offsets(%dma_start3A_1650 : memref<32xi32, #tpu.memory_space<vmem>>) semaphore(%arg24 : memref<!tpu.dma_semaphore, #tpu.memory_space<semaphore_mem>>) {add = true}
      %dma_start3A_1654 = arith.constant 15 : i32
      %dma_start3A_1655 = arith.constant 0 : i32
      %dma_start3A_1656 = tpu.memref_slice %arg17[%dma_start3A_1655] : memref<64xf32, #tpu.memory_space<vmem>> -> memref<32xf32, #tpu.memory_space<vmem>>
      %dma_start3A_1657 = arith.constant 0 : i32
      %dma_start3A_1658 = tpu.memref_slice %arg13[%dma_start3A_1654, %dma_start3A_1657] : memref<16x32xi32, #tpu.memory_space<vmem>> -> memref<1x32xi32, #tpu.memory_space<vmem>>
      %dma_start3A_1659 = tpu.memref_squeeze %dma_start3A_1658 : memref<1x32xi32, #tpu.memory_space<vmem>> -> memref<32xi32, #tpu.memory_space<vmem>>
      %dma_start3A_1660 = arith.constant 0 : i32
      %dma_start3A_1661 = tpu.memref_slice %arg19[%dma_start3A_1660] : memref<10240xf32, #tpu.memory_space<vmem_shared>> -> memref<10240xf32, #tpu.memory_space<vmem_shared>>
      tpu.enqueue_indirect_dma source(%dma_start3A_1656 : memref<32xf32, #tpu.memory_space<vmem>>) target(%dma_start3A_1661 : memref<10240xf32, #tpu.memory_space<vmem_shared>>) offsets(%dma_start3A_1659 : memref<32xi32, #tpu.memory_space<vmem>>) semaphore(%arg26 : memref<!tpu.dma_semaphore, #tpu.memory_space<semaphore_mem>>) {add = true}
      %dma_wait3A_1662 = arith.constant 14 : i32
      %dma_wait3A_1663 = arith.constant 0 : i32
      %dma_wait3A_1664 = tpu.memref_slice %arg17[%dma_wait3A_1663] : memref<64xf32, #tpu.memory_space<vmem>> -> memref<32xf32, #tpu.memory_space<vmem>>
      %dma_wait3A_1665 = arith.constant 0 : i32
      %dma_wait3A_1666 = tpu.memref_slice %arg13[%dma_wait3A_1662, %dma_wait3A_1665] : memref<16x32xi32, #tpu.memory_space<vmem>> -> memref<1x32xi32, #tpu.memory_space<vmem>>
      %dma_wait3A_1667 = tpu.memref_squeeze %dma_wait3A_1666 : memref<1x32xi32, #tpu.memory_space<vmem>> -> memref<32xi32, #tpu.memory_space<vmem>>
      %dma_wait3A_1668 = arith.constant 0 : i32
      %dma_wait3A_1669 = tpu.memref_slice %arg19[%dma_wait3A_1668] : memref<10240xf32, #tpu.memory_space<vmem_shared>> -> memref<10240xf32, #tpu.memory_space<vmem_shared>>
      tpu.wait_indirect_dma semaphore(%arg26 : memref<!tpu.dma_semaphore, #tpu.memory_space<semaphore_mem>>) src(%dma_wait3A_1664 : memref<32xf32, #tpu.memory_space<vmem>>) dst(%dma_wait3A_1669 : memref<10240xf32, #tpu.memory_space<vmem_shared>>)
      %dma_wait3A_1670 = arith.constant 14 : i32
      %dma_wait3A_1671 = arith.constant 0 : i32
      %dma_wait3A_1672 = tpu.memref_slice %arg13[%dma_wait3A_1670, %dma_wait3A_1671] : memref<16x32xi32, #tpu.memory_space<vmem>> -> memref<1x32xi32, #tpu.memory_space<vmem>>
      %dma_wait3A_1673 = tpu.memref_squeeze %dma_wait3A_1672 : memref<1x32xi32, #tpu.memory_space<vmem>> -> memref<32xi32, #tpu.memory_space<vmem>>
      %dma_wait3A_1674 = arith.constant 0 : i32
      %dma_wait3A_1675 = arith.constant 0 : i32
      %dma_wait3A_1676 = tpu.memref_slice %arg18[%dma_wait3A_1674, %dma_wait3A_1675] : memref<10240x128xf32, #tpu.memory_space<vmem_shared>> -> memref<10240x128xf32, #tpu.memory_space<vmem_shared>>
      tpu.wait_indirect_dma semaphore(%arg23 : memref<!tpu.dma_semaphore, #tpu.memory_space<semaphore_mem>>) src(%arg14 : memref<32x128xf32, #tpu.memory_space<vmem>>) dst(%dma_wait3A_1676 : memref<10240x128xf32, #tpu.memory_space<vmem_shared>>)
      %dma_wait3A_1677 = arith.constant 15 : i32
      %dma_wait3A_1678 = arith.constant 0 : i32
      %dma_wait3A_1679 = tpu.memref_slice %arg13[%dma_wait3A_1677, %dma_wait3A_1678] : memref<16x32xi32, #tpu.memory_space<vmem>> -> memref<1x32xi32, #tpu.memory_space<vmem>>
      %dma_wait3A_1680 = tpu.memref_squeeze %dma_wait3A_1679 : memref<1x32xi32, #tpu.memory_space<vmem>> -> memref<32xi32, #tpu.memory_space<vmem>>
      %dma_wait3A_1681 = arith.constant 0 : i32
      %dma_wait3A_1682 = arith.constant 0 : i32
      %dma_wait3A_1683 = tpu.memref_slice %arg18[%dma_wait3A_1681, %dma_wait3A_1682] : memref<10240x128xf32, #tpu.memory_space<vmem_shared>> -> memref<10240x128xf32, #tpu.memory_space<vmem_shared>>
      tpu.wait_indirect_dma semaphore(%arg24 : memref<!tpu.dma_semaphore, #tpu.memory_space<semaphore_mem>>) src(%arg15 : memref<32x128xf32, #tpu.memory_space<vmem>>) dst(%dma_wait3A_1683 : memref<10240x128xf32, #tpu.memory_space<vmem_shared>>)
      %dma_wait3A_1684 = arith.constant 13 : i32
      %dma_wait3A_1685 = arith.constant 0 : i32
      %dma_wait3A_1686 = tpu.memref_slice %arg13[%dma_wait3A_1684, %dma_wait3A_1685] : memref<16x32xi32, #tpu.memory_space<vmem>> -> memref<1x32xi32, #tpu.memory_space<vmem>>
      %dma_wait3A_1687 = tpu.memref_squeeze %dma_wait3A_1686 : memref<1x32xi32, #tpu.memory_space<vmem>> -> memref<32xi32, #tpu.memory_space<vmem>>
      %dma_wait3A_1688 = arith.constant 0 : i32
      %dma_wait3A_1689 = arith.constant 0 : i32
      %dma_wait3A_1690 = tpu.memref_slice %arg18[%dma_wait3A_1688, %dma_wait3A_1689] : memref<10240x128xf32, #tpu.memory_space<vmem_shared>> -> memref<10240x128xf32, #tpu.memory_space<vmem_shared>>
      tpu.wait_indirect_dma semaphore(%arg25 : memref<!tpu.dma_semaphore, #tpu.memory_space<semaphore_mem>>) src(%arg16 : memref<32x128xf32, #tpu.memory_space<vmem>>) dst(%dma_wait3A_1690 : memref<10240x128xf32, #tpu.memory_space<vmem_shared>>)
      %dma_wait3A_1691 = arith.constant 15 : i32
      %dma_wait3A_1692 = arith.constant 0 : i32
      %dma_wait3A_1693 = tpu.memref_slice %arg17[%dma_wait3A_1692] : memref<64xf32, #tpu.memory_space<vmem>> -> memref<32xf32, #tpu.memory_space<vmem>>
      %dma_wait3A_1694 = arith.constant 0 : i32
      %dma_wait3A_1695 = tpu.memref_slice %arg13[%dma_wait3A_1691, %dma_wait3A_1694] : memref<16x32xi32, #tpu.memory_space<vmem>> -> memref<1x32xi32, #tpu.memory_space<vmem>>
      %dma_wait3A_1696 = tpu.memref_squeeze %dma_wait3A_1695 : memref<1x32xi32, #tpu.memory_space<vmem>> -> memref<32xi32, #tpu.memory_space<vmem>>
      %dma_wait3A_1697 = arith.constant 0 : i32
      %dma_wait3A_1698 = tpu.memref_slice %arg19[%dma_wait3A_1697] : memref<10240xf32, #tpu.memory_space<vmem_shared>> -> memref<10240xf32, #tpu.memory_space<vmem_shared>>
      tpu.wait_indirect_dma semaphore(%arg26 : memref<!tpu.dma_semaphore, #tpu.memory_space<semaphore_mem>>) src(%dma_wait3A_1693 : memref<32xf32, #tpu.memory_space<vmem>>) dst(%dma_wait3A_1698 : memref<10240xf32, #tpu.memory_space<vmem_shared>>)
    }
    %scan3A_79 = arith.constant 10 : i32
    %dma_wait3A = arith.constant 0 : i32
    %dma_wait3A_80 = arith.constant 0 : i32
    %dma_wait3A_81 = tpu.memref_slice %arg3[%add3A, %dma_wait3A, %dma_wait3A_80] : memref<32x320x32xi32, #tpu.memory_space<hbm>> -> memref<1x16x32xi32, #tpu.memory_space<hbm>>
    %dma_wait3A_82 = tpu.memref_squeeze %dma_wait3A_81 : memref<1x16x32xi32, #tpu.memory_space<hbm>> -> memref<16x32xi32, #tpu.memory_space<hbm>>
    %dma_wait3A_83 = arith.constant 0 : i32
    %dma_wait3A_84 = arith.constant 0 : i32
    %dma_wait3A_85 = tpu.memref_slice %arg3[%add3A, %dma_wait3A_83, %dma_wait3A_84] : memref<32x320x32xi32, #tpu.memory_space<hbm>> -> memref<1x16x32xi32, #tpu.memory_space<hbm>>
    %dma_wait3A_86 = tpu.memref_squeeze %dma_wait3A_85 : memref<1x16x32xi32, #tpu.memory_space<hbm>> -> memref<16x32xi32, #tpu.memory_space<hbm>>
    tpu.wait_dma2 semaphore(%arg27 : memref<!tpu.dma_semaphore, #tpu.memory_space<semaphore_mem>>) src(%dma_wait3A_86 : memref<16x32xi32, #tpu.memory_space<hbm>>) dst(%arg10 : memref<16x32xi32, #tpu.memory_space<vmem>>)
    %dma_wait3A_87 = arith.constant 0 : i32
    %dma_wait3A_88 = arith.constant 0 : i32
    %dma_wait3A_89 = tpu.memref_slice %arg4[%add3A, %dma_wait3A_87, %dma_wait3A_88] : memref<32x320x32xi32, #tpu.memory_space<hbm>> -> memref<1x16x32xi32, #tpu.memory_space<hbm>>
    %dma_wait3A_90 = tpu.memref_squeeze %dma_wait3A_89 : memref<1x16x32xi32, #tpu.memory_space<hbm>> -> memref<16x32xi32, #tpu.memory_space<hbm>>
    %dma_wait3A_91 = arith.constant 0 : i32
    %dma_wait3A_92 = arith.constant 0 : i32
    %dma_wait3A_93 = tpu.memref_slice %arg4[%add3A, %dma_wait3A_91, %dma_wait3A_92] : memref<32x320x32xi32, #tpu.memory_space<hbm>> -> memref<1x16x32xi32, #tpu.memory_space<hbm>>
    %dma_wait3A_94 = tpu.memref_squeeze %dma_wait3A_93 : memref<1x16x32xi32, #tpu.memory_space<hbm>> -> memref<16x32xi32, #tpu.memory_space<hbm>>
    tpu.wait_dma2 semaphore(%arg27 : memref<!tpu.dma_semaphore, #tpu.memory_space<semaphore_mem>>) src(%dma_wait3A_94 : memref<16x32xi32, #tpu.memory_space<hbm>>) dst(%arg11 : memref<16x32xi32, #tpu.memory_space<vmem>>)
    %barrier3A_95 = arith.constant 0 : index
    tpu.barrier barrier_id(%barrier3A_95)
    %mul3A_96 = arith.constant 10240 : i32
    %mul3A_97 = arith.muli %arg0, %mul3A_96 : i32
    %add3A_98 = arith.addi %mul3A_97, %mul3A_2 : i32
    %add3A_99 = arith.constant 0 : i32
    %add3A_100 = arith.addi %mul3A_2, %add3A_99 : i32
    "tpu.region"() ({
      %run_scoped3A = tpu.sem_alloc : memref<!tpu.dma_semaphore, #tpu.memory_space<semaphore_mem>>
      %dma_start3A_219 = arith.constant 0 : i32
      %dma_start3A_220 = tpu.memref_slice %arg18[%add3A_100, %dma_start3A_219] : memref<10240x128xf32, #tpu.memory_space<vmem_shared>> -> memref<32x128xf32, #tpu.memory_space<vmem_shared>>
      %dma_start3A_221 = arith.constant 0 : i32
      %dma_start3A_222 = tpu.memref_slice %arg18[%add3A_100, %dma_start3A_221] : memref<10240x128xf32, #tpu.memory_space<vmem_shared>> -> memref<32x128xf32, #tpu.memory_space<vmem_shared>>
      tpu.enqueue_dma source(%dma_start3A_222 : memref<32x128xf32, #tpu.memory_space<vmem_shared>>) target(%arg14 : memref<32x128xf32, #tpu.memory_space<vmem>>) target_semaphore(%run_scoped3A : memref<!tpu.dma_semaphore, #tpu.memory_space<semaphore_mem>>)
      %dma_wait3A_223 = arith.constant 0 : i32
      %dma_wait3A_224 = tpu.memref_slice %arg18[%add3A_100, %dma_wait3A_223] : memref<10240x128xf32, #tpu.memory_space<vmem_shared>> -> memref<32x128xf32, #tpu.memory_space<vmem_shared>>
      %dma_wait3A_225 = arith.constant 0 : i32
      %dma_wait3A_226 = tpu.memref_slice %arg18[%add3A_100, %dma_wait3A_225] : memref<10240x128xf32, #tpu.memory_space<vmem_shared>> -> memref<32x128xf32, #tpu.memory_space<vmem_shared>>
      tpu.wait_dma2 semaphore(%run_scoped3A : memref<!tpu.dma_semaphore, #tpu.memory_space<semaphore_mem>>) src(%dma_wait3A_226 : memref<32x128xf32, #tpu.memory_space<vmem_shared>>) dst(%arg14 : memref<32x128xf32, #tpu.memory_space<vmem>>)
      tpu.yield
    }) : () -> ()
    %add3A_101 = arith.constant 0 : i32
    %add3A_102 = arith.addi %add3A_98, %add3A_101 : i32
    "tpu.region"() ({
      %run_scoped3A = tpu.sem_alloc : memref<!tpu.dma_semaphore, #tpu.memory_space<semaphore_mem>>
      %dma_start3A_219 = arith.constant 0 : i32
      %dma_start3A_220 = tpu.memref_slice %arg8[%add3A_102, %dma_start3A_219] : memref<20480x128xf32, #tpu.memory_space<hbm>> -> memref<32x128xf32, #tpu.memory_space<hbm>>
      %dma_start3A_221 = arith.constant 0 : i32
      %dma_start3A_222 = tpu.memref_slice %arg8[%add3A_102, %dma_start3A_221] : memref<20480x128xf32, #tpu.memory_space<hbm>> -> memref<32x128xf32, #tpu.memory_space<hbm>>
      tpu.enqueue_dma source(%arg14 : memref<32x128xf32, #tpu.memory_space<vmem>>) target(%dma_start3A_222 : memref<32x128xf32, #tpu.memory_space<hbm>>) target_semaphore(%run_scoped3A : memref<!tpu.dma_semaphore, #tpu.memory_space<semaphore_mem>>)
      %dma_wait3A_223 = arith.constant 0 : i32
      %dma_wait3A_224 = tpu.memref_slice %arg8[%add3A_102, %dma_wait3A_223] : memref<20480x128xf32, #tpu.memory_space<hbm>> -> memref<32x128xf32, #tpu.memory_space<hbm>>
      %dma_wait3A_225 = arith.constant 0 : i32
      %dma_wait3A_226 = tpu.memref_slice %arg8[%add3A_102, %dma_wait3A_225] : memref<20480x128xf32, #tpu.memory_space<hbm>> -> memref<32x128xf32, #tpu.memory_space<hbm>>
      tpu.wait_dma2 semaphore(%run_scoped3A : memref<!tpu.dma_semaphore, #tpu.memory_space<semaphore_mem>>) src(%arg14 : memref<32x128xf32, #tpu.memory_space<vmem>>) dst(%dma_wait3A_226 : memref<32x128xf32, #tpu.memory_space<hbm>>)
      tpu.yield
    }) : () -> ()
    %add3A_103 = arith.constant 32 : i32
    %add3A_104 = arith.addi %mul3A_2, %add3A_103 : i32
    "tpu.region"() ({
      %run_scoped3A = tpu.sem_alloc : memref<!tpu.dma_semaphore, #tpu.memory_space<semaphore_mem>>
      %dma_start3A_219 = arith.constant 0 : i32
      %dma_start3A_220 = tpu.memref_slice %arg18[%add3A_104, %dma_start3A_219] : memref<10240x128xf32, #tpu.memory_space<vmem_shared>> -> memref<32x128xf32, #tpu.memory_space<vmem_shared>>
      %dma_start3A_221 = arith.constant 0 : i32
      %dma_start3A_222 = tpu.memref_slice %arg18[%add3A_104, %dma_start3A_221] : memref<10240x128xf32, #tpu.memory_space<vmem_shared>> -> memref<32x128xf32, #tpu.memory_space<vmem_shared>>
      tpu.enqueue_dma source(%dma_start3A_222 : memref<32x128xf32, #tpu.memory_space<vmem_shared>>) target(%arg14 : memref<32x128xf32, #tpu.memory_space<vmem>>) target_semaphore(%run_scoped3A : memref<!tpu.dma_semaphore, #tpu.memory_space<semaphore_mem>>)
      %dma_wait3A_223 = arith.constant 0 : i32
      %dma_wait3A_224 = tpu.memref_slice %arg18[%add3A_104, %dma_wait3A_223] : memref<10240x128xf32, #tpu.memory_space<vmem_shared>> -> memref<32x128xf32, #tpu.memory_space<vmem_shared>>
      %dma_wait3A_225 = arith.constant 0 : i32
      %dma_wait3A_226 = tpu.memref_slice %arg18[%add3A_104, %dma_wait3A_225] : memref<10240x128xf32, #tpu.memory_space<vmem_shared>> -> memref<32x128xf32, #tpu.memory_space<vmem_shared>>
      tpu.wait_dma2 semaphore(%run_scoped3A : memref<!tpu.dma_semaphore, #tpu.memory_space<semaphore_mem>>) src(%dma_wait3A_226 : memref<32x128xf32, #tpu.memory_space<vmem_shared>>) dst(%arg14 : memref<32x128xf32, #tpu.memory_space<vmem>>)
      tpu.yield
    }) : () -> ()
    %add3A_105 = arith.constant 32 : i32
    %add3A_106 = arith.addi %add3A_98, %add3A_105 : i32
    "tpu.region"() ({
      %run_scoped3A = tpu.sem_alloc : memref<!tpu.dma_semaphore, #tpu.memory_space<semaphore_mem>>
      %dma_start3A_219 = arith.constant 0 : i32
      %dma_start3A_220 = tpu.memref_slice %arg8[%add3A_106, %dma_start3A_219] : memref<20480x128xf32, #tpu.memory_space<hbm>> -> memref<32x128xf32, #tpu.memory_space<hbm>>
      %dma_start3A_221 = arith.constant 0 : i32
      %dma_start3A_222 = tpu.memref_slice %arg8[%add3A_106, %dma_start3A_221] : memref<20480x128xf32, #tpu.memory_space<hbm>> -> memref<32x128xf32, #tpu.memory_space<hbm>>
      tpu.enqueue_dma source(%arg14 : memref<32x128xf32, #tpu.memory_space<vmem>>) target(%dma_start3A_222 : memref<32x128xf32, #tpu.memory_space<hbm>>) target_semaphore(%run_scoped3A : memref<!tpu.dma_semaphore, #tpu.memory_space<semaphore_mem>>)
      %dma_wait3A_223 = arith.constant 0 : i32
      %dma_wait3A_224 = tpu.memref_slice %arg8[%add3A_106, %dma_wait3A_223] : memref<20480x128xf32, #tpu.memory_space<hbm>> -> memref<32x128xf32, #tpu.memory_space<hbm>>
      %dma_wait3A_225 = arith.constant 0 : i32
      %dma_wait3A_226 = tpu.memref_slice %arg8[%add3A_106, %dma_wait3A_225] : memref<20480x128xf32, #tpu.memory_space<hbm>> -> memref<32x128xf32, #tpu.memory_space<hbm>>
      tpu.wait_dma2 semaphore(%run_scoped3A : memref<!tpu.dma_semaphore, #tpu.memory_space<semaphore_mem>>) src(%arg14 : memref<32x128xf32, #tpu.memory_space<vmem>>) dst(%dma_wait3A_226 : memref<32x128xf32, #tpu.memory_space<hbm>>)
      tpu.yield
    }) : () -> ()
    %add3A_107 = arith.constant 64 : i32
    %add3A_108 = arith.addi %mul3A_2, %add3A_107 : i32
    "tpu.region"() ({
      %run_scoped3A = tpu.sem_alloc : memref<!tpu.dma_semaphore, #tpu.memory_space<semaphore_mem>>
      %dma_start3A_219 = arith.constant 0 : i32
      %dma_start3A_220 = tpu.memref_slice %arg18[%add3A_108, %dma_start3A_219] : memref<10240x128xf32, #tpu.memory_space<vmem_shared>> -> memref<32x128xf32, #tpu.memory_space<vmem_shared>>
      %dma_start3A_221 = arith.constant 0 : i32
      %dma_start3A_222 = tpu.memref_slice %arg18[%add3A_108, %dma_start3A_221] : memref<10240x128xf32, #tpu.memory_space<vmem_shared>> -> memref<32x128xf32, #tpu.memory_space<vmem_shared>>
      tpu.enqueue_dma source(%dma_start3A_222 : memref<32x128xf32, #tpu.memory_space<vmem_shared>>) target(%arg14 : memref<32x128xf32, #tpu.memory_space<vmem>>) target_semaphore(%run_scoped3A : memref<!tpu.dma_semaphore, #tpu.memory_space<semaphore_mem>>)
      %dma_wait3A_223 = arith.constant 0 : i32
      %dma_wait3A_224 = tpu.memref_slice %arg18[%add3A_108, %dma_wait3A_223] : memref<10240x128xf32, #tpu.memory_space<vmem_shared>> -> memref<32x128xf32, #tpu.memory_space<vmem_shared>>
      %dma_wait3A_225 = arith.constant 0 : i32
      %dma_wait3A_226 = tpu.memref_slice %arg18[%add3A_108, %dma_wait3A_225] : memref<10240x128xf32, #tpu.memory_space<vmem_shared>> -> memref<32x128xf32, #tpu.memory_space<vmem_shared>>
      tpu.wait_dma2 semaphore(%run_scoped3A : memref<!tpu.dma_semaphore, #tpu.memory_space<semaphore_mem>>) src(%dma_wait3A_226 : memref<32x128xf32, #tpu.memory_space<vmem_shared>>) dst(%arg14 : memref<32x128xf32, #tpu.memory_space<vmem>>)
      tpu.yield
    }) : () -> ()
    %add3A_109 = arith.constant 64 : i32
    %add3A_110 = arith.addi %add3A_98, %add3A_109 : i32
    "tpu.region"() ({
      %run_scoped3A = tpu.sem_alloc : memref<!tpu.dma_semaphore, #tpu.memory_space<semaphore_mem>>
      %dma_start3A_219 = arith.constant 0 : i32
      %dma_start3A_220 = tpu.memref_slice %arg8[%add3A_110, %dma_start3A_219] : memref<20480x128xf32, #tpu.memory_space<hbm>> -> memref<32x128xf32, #tpu.memory_space<hbm>>
      %dma_start3A_221 = arith.constant 0 : i32
      %dma_start3A_222 = tpu.memref_slice %arg8[%add3A_110, %dma_start3A_221] : memref<20480x128xf32, #tpu.memory_space<hbm>> -> memref<32x128xf32, #tpu.memory_space<hbm>>
      tpu.enqueue_dma source(%arg14 : memref<32x128xf32, #tpu.memory_space<vmem>>) target(%dma_start3A_222 : memref<32x128xf32, #tpu.memory_space<hbm>>) target_semaphore(%run_scoped3A : memref<!tpu.dma_semaphore, #tpu.memory_space<semaphore_mem>>)
      %dma_wait3A_223 = arith.constant 0 : i32
      %dma_wait3A_224 = tpu.memref_slice %arg8[%add3A_110, %dma_wait3A_223] : memref<20480x128xf32, #tpu.memory_space<hbm>> -> memref<32x128xf32, #tpu.memory_space<hbm>>
      %dma_wait3A_225 = arith.constant 0 : i32
      %dma_wait3A_226 = tpu.memref_slice %arg8[%add3A_110, %dma_wait3A_225] : memref<20480x128xf32, #tpu.memory_space<hbm>> -> memref<32x128xf32, #tpu.memory_space<hbm>>
      tpu.wait_dma2 semaphore(%run_scoped3A : memref<!tpu.dma_semaphore, #tpu.memory_space<semaphore_mem>>) src(%arg14 : memref<32x128xf32, #tpu.memory_space<vmem>>) dst(%dma_wait3A_226 : memref<32x128xf32, #tpu.memory_space<hbm>>)
      tpu.yield
    }) : () -> ()
    %add3A_111 = arith.constant 96 : i32
    %add3A_112 = arith.addi %mul3A_2, %add3A_111 : i32
    "tpu.region"() ({
      %run_scoped3A = tpu.sem_alloc : memref<!tpu.dma_semaphore, #tpu.memory_space<semaphore_mem>>
      %dma_start3A_219 = arith.constant 0 : i32
      %dma_start3A_220 = tpu.memref_slice %arg18[%add3A_112, %dma_start3A_219] : memref<10240x128xf32, #tpu.memory_space<vmem_shared>> -> memref<32x128xf32, #tpu.memory_space<vmem_shared>>
      %dma_start3A_221 = arith.constant 0 : i32
      %dma_start3A_222 = tpu.memref_slice %arg18[%add3A_112, %dma_start3A_221] : memref<10240x128xf32, #tpu.memory_space<vmem_shared>> -> memref<32x128xf32, #tpu.memory_space<vmem_shared>>
      tpu.enqueue_dma source(%dma_start3A_222 : memref<32x128xf32, #tpu.memory_space<vmem_shared>>) target(%arg14 : memref<32x128xf32, #tpu.memory_space<vmem>>) target_semaphore(%run_scoped3A : memref<!tpu.dma_semaphore, #tpu.memory_space<semaphore_mem>>)
      %dma_wait3A_223 = arith.constant 0 : i32
      %dma_wait3A_224 = tpu.memref_slice %arg18[%add3A_112, %dma_wait3A_223] : memref<10240x128xf32, #tpu.memory_space<vmem_shared>> -> memref<32x128xf32, #tpu.memory_space<vmem_shared>>
      %dma_wait3A_225 = arith.constant 0 : i32
      %dma_wait3A_226 = tpu.memref_slice %arg18[%add3A_112, %dma_wait3A_225] : memref<10240x128xf32, #tpu.memory_space<vmem_shared>> -> memref<32x128xf32, #tpu.memory_space<vmem_shared>>
      tpu.wait_dma2 semaphore(%run_scoped3A : memref<!tpu.dma_semaphore, #tpu.memory_space<semaphore_mem>>) src(%dma_wait3A_226 : memref<32x128xf32, #tpu.memory_space<vmem_shared>>) dst(%arg14 : memref<32x128xf32, #tpu.memory_space<vmem>>)
      tpu.yield
    }) : () -> ()
    %add3A_113 = arith.constant 96 : i32
    %add3A_114 = arith.addi %add3A_98, %add3A_113 : i32
    "tpu.region"() ({
      %run_scoped3A = tpu.sem_alloc : memref<!tpu.dma_semaphore, #tpu.memory_space<semaphore_mem>>
      %dma_start3A_219 = arith.constant 0 : i32
      %dma_start3A_220 = tpu.memref_slice %arg8[%add3A_114, %dma_start3A_219] : memref<20480x128xf32, #tpu.memory_space<hbm>> -> memref<32x128xf32, #tpu.memory_space<hbm>>
      %dma_start3A_221 = arith.constant 0 : i32
      %dma_start3A_222 = tpu.memref_slice %arg8[%add3A_114, %dma_start3A_221] : memref<20480x128xf32, #tpu.memory_space<hbm>> -> memref<32x128xf32, #tpu.memory_space<hbm>>
      tpu.enqueue_dma source(%arg14 : memref<32x128xf32, #tpu.memory_space<vmem>>) target(%dma_start3A_222 : memref<32x128xf32, #tpu.memory_space<hbm>>) target_semaphore(%run_scoped3A : memref<!tpu.dma_semaphore, #tpu.memory_space<semaphore_mem>>)
      %dma_wait3A_223 = arith.constant 0 : i32
      %dma_wait3A_224 = tpu.memref_slice %arg8[%add3A_114, %dma_wait3A_223] : memref<20480x128xf32, #tpu.memory_space<hbm>> -> memref<32x128xf32, #tpu.memory_space<hbm>>
      %dma_wait3A_225 = arith.constant 0 : i32
      %dma_wait3A_226 = tpu.memref_slice %arg8[%add3A_114, %dma_wait3A_225] : memref<20480x128xf32, #tpu.memory_space<hbm>> -> memref<32x128xf32, #tpu.memory_space<hbm>>
      tpu.wait_dma2 semaphore(%run_scoped3A : memref<!tpu.dma_semaphore, #tpu.memory_space<semaphore_mem>>) src(%arg14 : memref<32x128xf32, #tpu.memory_space<vmem>>) dst(%dma_wait3A_226 : memref<32x128xf32, #tpu.memory_space<hbm>>)
      tpu.yield
    }) : () -> ()
    %add3A_115 = arith.constant 128 : i32
    %add3A_116 = arith.addi %mul3A_2, %add3A_115 : i32
    "tpu.region"() ({
      %run_scoped3A = tpu.sem_alloc : memref<!tpu.dma_semaphore, #tpu.memory_space<semaphore_mem>>
      %dma_start3A_219 = arith.constant 0 : i32
      %dma_start3A_220 = tpu.memref_slice %arg18[%add3A_116, %dma_start3A_219] : memref<10240x128xf32, #tpu.memory_space<vmem_shared>> -> memref<32x128xf32, #tpu.memory_space<vmem_shared>>
      %dma_start3A_221 = arith.constant 0 : i32
      %dma_start3A_222 = tpu.memref_slice %arg18[%add3A_116, %dma_start3A_221] : memref<10240x128xf32, #tpu.memory_space<vmem_shared>> -> memref<32x128xf32, #tpu.memory_space<vmem_shared>>
      tpu.enqueue_dma source(%dma_start3A_222 : memref<32x128xf32, #tpu.memory_space<vmem_shared>>) target(%arg14 : memref<32x128xf32, #tpu.memory_space<vmem>>) target_semaphore(%run_scoped3A : memref<!tpu.dma_semaphore, #tpu.memory_space<semaphore_mem>>)
      %dma_wait3A_223 = arith.constant 0 : i32
      %dma_wait3A_224 = tpu.memref_slice %arg18[%add3A_116, %dma_wait3A_223] : memref<10240x128xf32, #tpu.memory_space<vmem_shared>> -> memref<32x128xf32, #tpu.memory_space<vmem_shared>>
      %dma_wait3A_225 = arith.constant 0 : i32
      %dma_wait3A_226 = tpu.memref_slice %arg18[%add3A_116, %dma_wait3A_225] : memref<10240x128xf32, #tpu.memory_space<vmem_shared>> -> memref<32x128xf32, #tpu.memory_space<vmem_shared>>
      tpu.wait_dma2 semaphore(%run_scoped3A : memref<!tpu.dma_semaphore, #tpu.memory_space<semaphore_mem>>) src(%dma_wait3A_226 : memref<32x128xf32, #tpu.memory_space<vmem_shared>>) dst(%arg14 : memref<32x128xf32, #tpu.memory_space<vmem>>)
      tpu.yield
    }) : () -> ()
    %add3A_117 = arith.constant 128 : i32
    %add3A_118 = arith.addi %add3A_98, %add3A_117 : i32
    "tpu.region"() ({
      %run_scoped3A = tpu.sem_alloc : memref<!tpu.dma_semaphore, #tpu.memory_space<semaphore_mem>>
      %dma_start3A_219 = arith.constant 0 : i32
      %dma_start3A_220 = tpu.memref_slice %arg8[%add3A_118, %dma_start3A_219] : memref<20480x128xf32, #tpu.memory_space<hbm>> -> memref<32x128xf32, #tpu.memory_space<hbm>>
      %dma_start3A_221 = arith.constant 0 : i32
      %dma_start3A_222 = tpu.memref_slice %arg8[%add3A_118, %dma_start3A_221] : memref<20480x128xf32, #tpu.memory_space<hbm>> -> memref<32x128xf32, #tpu.memory_space<hbm>>
      tpu.enqueue_dma source(%arg14 : memref<32x128xf32, #tpu.memory_space<vmem>>) target(%dma_start3A_222 : memref<32x128xf32, #tpu.memory_space<hbm>>) target_semaphore(%run_scoped3A : memref<!tpu.dma_semaphore, #tpu.memory_space<semaphore_mem>>)
      %dma_wait3A_223 = arith.constant 0 : i32
      %dma_wait3A_224 = tpu.memref_slice %arg8[%add3A_118, %dma_wait3A_223] : memref<20480x128xf32, #tpu.memory_space<hbm>> -> memref<32x128xf32, #tpu.memory_space<hbm>>
      %dma_wait3A_225 = arith.constant 0 : i32
      %dma_wait3A_226 = tpu.memref_slice %arg8[%add3A_118, %dma_wait3A_225] : memref<20480x128xf32, #tpu.memory_space<hbm>> -> memref<32x128xf32, #tpu.memory_space<hbm>>
      tpu.wait_dma2 semaphore(%run_scoped3A : memref<!tpu.dma_semaphore, #tpu.memory_space<semaphore_mem>>) src(%arg14 : memref<32x128xf32, #tpu.memory_space<vmem>>) dst(%dma_wait3A_226 : memref<32x128xf32, #tpu.memory_space<hbm>>)
      tpu.yield
    }) : () -> ()
    %add3A_119 = arith.constant 160 : i32
    %add3A_120 = arith.addi %mul3A_2, %add3A_119 : i32
    "tpu.region"() ({
      %run_scoped3A = tpu.sem_alloc : memref<!tpu.dma_semaphore, #tpu.memory_space<semaphore_mem>>
      %dma_start3A_219 = arith.constant 0 : i32
      %dma_start3A_220 = tpu.memref_slice %arg18[%add3A_120, %dma_start3A_219] : memref<10240x128xf32, #tpu.memory_space<vmem_shared>> -> memref<32x128xf32, #tpu.memory_space<vmem_shared>>
      %dma_start3A_221 = arith.constant 0 : i32
      %dma_start3A_222 = tpu.memref_slice %arg18[%add3A_120, %dma_start3A_221] : memref<10240x128xf32, #tpu.memory_space<vmem_shared>> -> memref<32x128xf32, #tpu.memory_space<vmem_shared>>
      tpu.enqueue_dma source(%dma_start3A_222 : memref<32x128xf32, #tpu.memory_space<vmem_shared>>) target(%arg14 : memref<32x128xf32, #tpu.memory_space<vmem>>) target_semaphore(%run_scoped3A : memref<!tpu.dma_semaphore, #tpu.memory_space<semaphore_mem>>)
      %dma_wait3A_223 = arith.constant 0 : i32
      %dma_wait3A_224 = tpu.memref_slice %arg18[%add3A_120, %dma_wait3A_223] : memref<10240x128xf32, #tpu.memory_space<vmem_shared>> -> memref<32x128xf32, #tpu.memory_space<vmem_shared>>
      %dma_wait3A_225 = arith.constant 0 : i32
      %dma_wait3A_226 = tpu.memref_slice %arg18[%add3A_120, %dma_wait3A_225] : memref<10240x128xf32, #tpu.memory_space<vmem_shared>> -> memref<32x128xf32, #tpu.memory_space<vmem_shared>>
      tpu.wait_dma2 semaphore(%run_scoped3A : memref<!tpu.dma_semaphore, #tpu.memory_space<semaphore_mem>>) src(%dma_wait3A_226 : memref<32x128xf32, #tpu.memory_space<vmem_shared>>) dst(%arg14 : memref<32x128xf32, #tpu.memory_space<vmem>>)
      tpu.yield
    }) : () -> ()
    %add3A_121 = arith.constant 160 : i32
    %add3A_122 = arith.addi %add3A_98, %add3A_121 : i32
    "tpu.region"() ({
      %run_scoped3A = tpu.sem_alloc : memref<!tpu.dma_semaphore, #tpu.memory_space<semaphore_mem>>
      %dma_start3A_219 = arith.constant 0 : i32
      %dma_start3A_220 = tpu.memref_slice %arg8[%add3A_122, %dma_start3A_219] : memref<20480x128xf32, #tpu.memory_space<hbm>> -> memref<32x128xf32, #tpu.memory_space<hbm>>
      %dma_start3A_221 = arith.constant 0 : i32
      %dma_start3A_222 = tpu.memref_slice %arg8[%add3A_122, %dma_start3A_221] : memref<20480x128xf32, #tpu.memory_space<hbm>> -> memref<32x128xf32, #tpu.memory_space<hbm>>
      tpu.enqueue_dma source(%arg14 : memref<32x128xf32, #tpu.memory_space<vmem>>) target(%dma_start3A_222 : memref<32x128xf32, #tpu.memory_space<hbm>>) target_semaphore(%run_scoped3A : memref<!tpu.dma_semaphore, #tpu.memory_space<semaphore_mem>>)
      %dma_wait3A_223 = arith.constant 0 : i32
      %dma_wait3A_224 = tpu.memref_slice %arg8[%add3A_122, %dma_wait3A_223] : memref<20480x128xf32, #tpu.memory_space<hbm>> -> memref<32x128xf32, #tpu.memory_space<hbm>>
      %dma_wait3A_225 = arith.constant 0 : i32
      %dma_wait3A_226 = tpu.memref_slice %arg8[%add3A_122, %dma_wait3A_225] : memref<20480x128xf32, #tpu.memory_space<hbm>> -> memref<32x128xf32, #tpu.memory_space<hbm>>
      tpu.wait_dma2 semaphore(%run_scoped3A : memref<!tpu.dma_semaphore, #tpu.memory_space<semaphore_mem>>) src(%arg14 : memref<32x128xf32, #tpu.memory_space<vmem>>) dst(%dma_wait3A_226 : memref<32x128xf32, #tpu.memory_space<hbm>>)
      tpu.yield
    }) : () -> ()
    %add3A_123 = arith.constant 192 : i32
    %add3A_124 = arith.addi %mul3A_2, %add3A_123 : i32
    "tpu.region"() ({
      %run_scoped3A = tpu.sem_alloc : memref<!tpu.dma_semaphore, #tpu.memory_space<semaphore_mem>>
      %dma_start3A_219 = arith.constant 0 : i32
      %dma_start3A_220 = tpu.memref_slice %arg18[%add3A_124, %dma_start3A_219] : memref<10240x128xf32, #tpu.memory_space<vmem_shared>> -> memref<32x128xf32, #tpu.memory_space<vmem_shared>>
      %dma_start3A_221 = arith.constant 0 : i32
      %dma_start3A_222 = tpu.memref_slice %arg18[%add3A_124, %dma_start3A_221] : memref<10240x128xf32, #tpu.memory_space<vmem_shared>> -> memref<32x128xf32, #tpu.memory_space<vmem_shared>>
      tpu.enqueue_dma source(%dma_start3A_222 : memref<32x128xf32, #tpu.memory_space<vmem_shared>>) target(%arg14 : memref<32x128xf32, #tpu.memory_space<vmem>>) target_semaphore(%run_scoped3A : memref<!tpu.dma_semaphore, #tpu.memory_space<semaphore_mem>>)
      %dma_wait3A_223 = arith.constant 0 : i32
      %dma_wait3A_224 = tpu.memref_slice %arg18[%add3A_124, %dma_wait3A_223] : memref<10240x128xf32, #tpu.memory_space<vmem_shared>> -> memref<32x128xf32, #tpu.memory_space<vmem_shared>>
      %dma_wait3A_225 = arith.constant 0 : i32
      %dma_wait3A_226 = tpu.memref_slice %arg18[%add3A_124, %dma_wait3A_225] : memref<10240x128xf32, #tpu.memory_space<vmem_shared>> -> memref<32x128xf32, #tpu.memory_space<vmem_shared>>
      tpu.wait_dma2 semaphore(%run_scoped3A : memref<!tpu.dma_semaphore, #tpu.memory_space<semaphore_mem>>) src(%dma_wait3A_226 : memref<32x128xf32, #tpu.memory_space<vmem_shared>>) dst(%arg14 : memref<32x128xf32, #tpu.memory_space<vmem>>)
      tpu.yield
    }) : () -> ()
    %add3A_125 = arith.constant 192 : i32
    %add3A_126 = arith.addi %add3A_98, %add3A_125 : i32
    "tpu.region"() ({
      %run_scoped3A = tpu.sem_alloc : memref<!tpu.dma_semaphore, #tpu.memory_space<semaphore_mem>>
      %dma_start3A_219 = arith.constant 0 : i32
      %dma_start3A_220 = tpu.memref_slice %arg8[%add3A_126, %dma_start3A_219] : memref<20480x128xf32, #tpu.memory_space<hbm>> -> memref<32x128xf32, #tpu.memory_space<hbm>>
      %dma_start3A_221 = arith.constant 0 : i32
      %dma_start3A_222 = tpu.memref_slice %arg8[%add3A_126, %dma_start3A_221] : memref<20480x128xf32, #tpu.memory_space<hbm>> -> memref<32x128xf32, #tpu.memory_space<hbm>>
      tpu.enqueue_dma source(%arg14 : memref<32x128xf32, #tpu.memory_space<vmem>>) target(%dma_start3A_222 : memref<32x128xf32, #tpu.memory_space<hbm>>) target_semaphore(%run_scoped3A : memref<!tpu.dma_semaphore, #tpu.memory_space<semaphore_mem>>)
      %dma_wait3A_223 = arith.constant 0 : i32
      %dma_wait3A_224 = tpu.memref_slice %arg8[%add3A_126, %dma_wait3A_223] : memref<20480x128xf32, #tpu.memory_space<hbm>> -> memref<32x128xf32, #tpu.memory_space<hbm>>
      %dma_wait3A_225 = arith.constant 0 : i32
      %dma_wait3A_226 = tpu.memref_slice %arg8[%add3A_126, %dma_wait3A_225] : memref<20480x128xf32, #tpu.memory_space<hbm>> -> memref<32x128xf32, #tpu.memory_space<hbm>>
      tpu.wait_dma2 semaphore(%run_scoped3A : memref<!tpu.dma_semaphore, #tpu.memory_space<semaphore_mem>>) src(%arg14 : memref<32x128xf32, #tpu.memory_space<vmem>>) dst(%dma_wait3A_226 : memref<32x128xf32, #tpu.memory_space<hbm>>)
      tpu.yield
    }) : () -> ()
    %add3A_127 = arith.constant 224 : i32
    %add3A_128 = arith.addi %mul3A_2, %add3A_127 : i32
    "tpu.region"() ({
      %run_scoped3A = tpu.sem_alloc : memref<!tpu.dma_semaphore, #tpu.memory_space<semaphore_mem>>
      %dma_start3A_219 = arith.constant 0 : i32
      %dma_start3A_220 = tpu.memref_slice %arg18[%add3A_128, %dma_start3A_219] : memref<10240x128xf32, #tpu.memory_space<vmem_shared>> -> memref<32x128xf32, #tpu.memory_space<vmem_shared>>
      %dma_start3A_221 = arith.constant 0 : i32
      %dma_start3A_222 = tpu.memref_slice %arg18[%add3A_128, %dma_start3A_221] : memref<10240x128xf32, #tpu.memory_space<vmem_shared>> -> memref<32x128xf32, #tpu.memory_space<vmem_shared>>
      tpu.enqueue_dma source(%dma_start3A_222 : memref<32x128xf32, #tpu.memory_space<vmem_shared>>) target(%arg14 : memref<32x128xf32, #tpu.memory_space<vmem>>) target_semaphore(%run_scoped3A : memref<!tpu.dma_semaphore, #tpu.memory_space<semaphore_mem>>)
      %dma_wait3A_223 = arith.constant 0 : i32
      %dma_wait3A_224 = tpu.memref_slice %arg18[%add3A_128, %dma_wait3A_223] : memref<10240x128xf32, #tpu.memory_space<vmem_shared>> -> memref<32x128xf32, #tpu.memory_space<vmem_shared>>
      %dma_wait3A_225 = arith.constant 0 : i32
      %dma_wait3A_226 = tpu.memref_slice %arg18[%add3A_128, %dma_wait3A_225] : memref<10240x128xf32, #tpu.memory_space<vmem_shared>> -> memref<32x128xf32, #tpu.memory_space<vmem_shared>>
      tpu.wait_dma2 semaphore(%run_scoped3A : memref<!tpu.dma_semaphore, #tpu.memory_space<semaphore_mem>>) src(%dma_wait3A_226 : memref<32x128xf32, #tpu.memory_space<vmem_shared>>) dst(%arg14 : memref<32x128xf32, #tpu.memory_space<vmem>>)
      tpu.yield
    }) : () -> ()
    %add3A_129 = arith.constant 224 : i32
    %add3A_130 = arith.addi %add3A_98, %add3A_129 : i32
    "tpu.region"() ({
      %run_scoped3A = tpu.sem_alloc : memref<!tpu.dma_semaphore, #tpu.memory_space<semaphore_mem>>
      %dma_start3A_219 = arith.constant 0 : i32
      %dma_start3A_220 = tpu.memref_slice %arg8[%add3A_130, %dma_start3A_219] : memref<20480x128xf32, #tpu.memory_space<hbm>> -> memref<32x128xf32, #tpu.memory_space<hbm>>
      %dma_start3A_221 = arith.constant 0 : i32
      %dma_start3A_222 = tpu.memref_slice %arg8[%add3A_130, %dma_start3A_221] : memref<20480x128xf32, #tpu.memory_space<hbm>> -> memref<32x128xf32, #tpu.memory_space<hbm>>
      tpu.enqueue_dma source(%arg14 : memref<32x128xf32, #tpu.memory_space<vmem>>) target(%dma_start3A_222 : memref<32x128xf32, #tpu.memory_space<hbm>>) target_semaphore(%run_scoped3A : memref<!tpu.dma_semaphore, #tpu.memory_space<semaphore_mem>>)
      %dma_wait3A_223 = arith.constant 0 : i32
      %dma_wait3A_224 = tpu.memref_slice %arg8[%add3A_130, %dma_wait3A_223] : memref<20480x128xf32, #tpu.memory_space<hbm>> -> memref<32x128xf32, #tpu.memory_space<hbm>>
      %dma_wait3A_225 = arith.constant 0 : i32
      %dma_wait3A_226 = tpu.memref_slice %arg8[%add3A_130, %dma_wait3A_225] : memref<20480x128xf32, #tpu.memory_space<hbm>> -> memref<32x128xf32, #tpu.memory_space<hbm>>
      tpu.wait_dma2 semaphore(%run_scoped3A : memref<!tpu.dma_semaphore, #tpu.memory_space<semaphore_mem>>) src(%arg14 : memref<32x128xf32, #tpu.memory_space<vmem>>) dst(%dma_wait3A_226 : memref<32x128xf32, #tpu.memory_space<hbm>>)
      tpu.yield
    }) : () -> ()
    %add3A_131 = arith.constant 256 : i32
    %add3A_132 = arith.addi %mul3A_2, %add3A_131 : i32
    "tpu.region"() ({
      %run_scoped3A = tpu.sem_alloc : memref<!tpu.dma_semaphore, #tpu.memory_space<semaphore_mem>>
      %dma_start3A_219 = arith.constant 0 : i32
      %dma_start3A_220 = tpu.memref_slice %arg18[%add3A_132, %dma_start3A_219] : memref<10240x128xf32, #tpu.memory_space<vmem_shared>> -> memref<32x128xf32, #tpu.memory_space<vmem_shared>>
      %dma_start3A_221 = arith.constant 0 : i32
      %dma_start3A_222 = tpu.memref_slice %arg18[%add3A_132, %dma_start3A_221] : memref<10240x128xf32, #tpu.memory_space<vmem_shared>> -> memref<32x128xf32, #tpu.memory_space<vmem_shared>>
      tpu.enqueue_dma source(%dma_start3A_222 : memref<32x128xf32, #tpu.memory_space<vmem_shared>>) target(%arg14 : memref<32x128xf32, #tpu.memory_space<vmem>>) target_semaphore(%run_scoped3A : memref<!tpu.dma_semaphore, #tpu.memory_space<semaphore_mem>>)
      %dma_wait3A_223 = arith.constant 0 : i32
      %dma_wait3A_224 = tpu.memref_slice %arg18[%add3A_132, %dma_wait3A_223] : memref<10240x128xf32, #tpu.memory_space<vmem_shared>> -> memref<32x128xf32, #tpu.memory_space<vmem_shared>>
      %dma_wait3A_225 = arith.constant 0 : i32
      %dma_wait3A_226 = tpu.memref_slice %arg18[%add3A_132, %dma_wait3A_225] : memref<10240x128xf32, #tpu.memory_space<vmem_shared>> -> memref<32x128xf32, #tpu.memory_space<vmem_shared>>
      tpu.wait_dma2 semaphore(%run_scoped3A : memref<!tpu.dma_semaphore, #tpu.memory_space<semaphore_mem>>) src(%dma_wait3A_226 : memref<32x128xf32, #tpu.memory_space<vmem_shared>>) dst(%arg14 : memref<32x128xf32, #tpu.memory_space<vmem>>)
      tpu.yield
    }) : () -> ()
    %add3A_133 = arith.constant 256 : i32
    %add3A_134 = arith.addi %add3A_98, %add3A_133 : i32
    "tpu.region"() ({
      %run_scoped3A = tpu.sem_alloc : memref<!tpu.dma_semaphore, #tpu.memory_space<semaphore_mem>>
      %dma_start3A_219 = arith.constant 0 : i32
      %dma_start3A_220 = tpu.memref_slice %arg8[%add3A_134, %dma_start3A_219] : memref<20480x128xf32, #tpu.memory_space<hbm>> -> memref<32x128xf32, #tpu.memory_space<hbm>>
      %dma_start3A_221 = arith.constant 0 : i32
      %dma_start3A_222 = tpu.memref_slice %arg8[%add3A_134, %dma_start3A_221] : memref<20480x128xf32, #tpu.memory_space<hbm>> -> memref<32x128xf32, #tpu.memory_space<hbm>>
      tpu.enqueue_dma source(%arg14 : memref<32x128xf32, #tpu.memory_space<vmem>>) target(%dma_start3A_222 : memref<32x128xf32, #tpu.memory_space<hbm>>) target_semaphore(%run_scoped3A : memref<!tpu.dma_semaphore, #tpu.memory_space<semaphore_mem>>)
      %dma_wait3A_223 = arith.constant 0 : i32
      %dma_wait3A_224 = tpu.memref_slice %arg8[%add3A_134, %dma_wait3A_223] : memref<20480x128xf32, #tpu.memory_space<hbm>> -> memref<32x128xf32, #tpu.memory_space<hbm>>
      %dma_wait3A_225 = arith.constant 0 : i32
      %dma_wait3A_226 = tpu.memref_slice %arg8[%add3A_134, %dma_wait3A_225] : memref<20480x128xf32, #tpu.memory_space<hbm>> -> memref<32x128xf32, #tpu.memory_space<hbm>>
      tpu.wait_dma2 semaphore(%run_scoped3A : memref<!tpu.dma_semaphore, #tpu.memory_space<semaphore_mem>>) src(%arg14 : memref<32x128xf32, #tpu.memory_space<vmem>>) dst(%dma_wait3A_226 : memref<32x128xf32, #tpu.memory_space<hbm>>)
      tpu.yield
    }) : () -> ()
    %add3A_135 = arith.constant 288 : i32
    %add3A_136 = arith.addi %mul3A_2, %add3A_135 : i32
    "tpu.region"() ({
      %run_scoped3A = tpu.sem_alloc : memref<!tpu.dma_semaphore, #tpu.memory_space<semaphore_mem>>
      %dma_start3A_219 = arith.constant 0 : i32
      %dma_start3A_220 = tpu.memref_slice %arg18[%add3A_136, %dma_start3A_219] : memref<10240x128xf32, #tpu.memory_space<vmem_shared>> -> memref<32x128xf32, #tpu.memory_space<vmem_shared>>
      %dma_start3A_221 = arith.constant 0 : i32
      %dma_start3A_222 = tpu.memref_slice %arg18[%add3A_136, %dma_start3A_221] : memref<10240x128xf32, #tpu.memory_space<vmem_shared>> -> memref<32x128xf32, #tpu.memory_space<vmem_shared>>
      tpu.enqueue_dma source(%dma_start3A_222 : memref<32x128xf32, #tpu.memory_space<vmem_shared>>) target(%arg14 : memref<32x128xf32, #tpu.memory_space<vmem>>) target_semaphore(%run_scoped3A : memref<!tpu.dma_semaphore, #tpu.memory_space<semaphore_mem>>)
      %dma_wait3A_223 = arith.constant 0 : i32
      %dma_wait3A_224 = tpu.memref_slice %arg18[%add3A_136, %dma_wait3A_223] : memref<10240x128xf32, #tpu.memory_space<vmem_shared>> -> memref<32x128xf32, #tpu.memory_space<vmem_shared>>
      %dma_wait3A_225 = arith.constant 0 : i32
      %dma_wait3A_226 = tpu.memref_slice %arg18[%add3A_136, %dma_wait3A_225] : memref<10240x128xf32, #tpu.memory_space<vmem_shared>> -> memref<32x128xf32, #tpu.memory_space<vmem_shared>>
      tpu.wait_dma2 semaphore(%run_scoped3A : memref<!tpu.dma_semaphore, #tpu.memory_space<semaphore_mem>>) src(%dma_wait3A_226 : memref<32x128xf32, #tpu.memory_space<vmem_shared>>) dst(%arg14 : memref<32x128xf32, #tpu.memory_space<vmem>>)
      tpu.yield
    }) : () -> ()
    %add3A_137 = arith.constant 288 : i32
    %add3A_138 = arith.addi %add3A_98, %add3A_137 : i32
    "tpu.region"() ({
      %run_scoped3A = tpu.sem_alloc : memref<!tpu.dma_semaphore, #tpu.memory_space<semaphore_mem>>
      %dma_start3A_219 = arith.constant 0 : i32
      %dma_start3A_220 = tpu.memref_slice %arg8[%add3A_138, %dma_start3A_219] : memref<20480x128xf32, #tpu.memory_space<hbm>> -> memref<32x128xf32, #tpu.memory_space<hbm>>
      %dma_start3A_221 = arith.constant 0 : i32
      %dma_start3A_222 = tpu.memref_slice %arg8[%add3A_138, %dma_start3A_221] : memref<20480x128xf32, #tpu.memory_space<hbm>> -> memref<32x128xf32, #tpu.memory_space<hbm>>
      tpu.enqueue_dma source(%arg14 : memref<32x128xf32, #tpu.memory_space<vmem>>) target(%dma_start3A_222 : memref<32x128xf32, #tpu.memory_space<hbm>>) target_semaphore(%run_scoped3A : memref<!tpu.dma_semaphore, #tpu.memory_space<semaphore_mem>>)
      %dma_wait3A_223 = arith.constant 0 : i32
      %dma_wait3A_224 = tpu.memref_slice %arg8[%add3A_138, %dma_wait3A_223] : memref<20480x128xf32, #tpu.memory_space<hbm>> -> memref<32x128xf32, #tpu.memory_space<hbm>>
      %dma_wait3A_225 = arith.constant 0 : i32
      %dma_wait3A_226 = tpu.memref_slice %arg8[%add3A_138, %dma_wait3A_225] : memref<20480x128xf32, #tpu.memory_space<hbm>> -> memref<32x128xf32, #tpu.memory_space<hbm>>
      tpu.wait_dma2 semaphore(%run_scoped3A : memref<!tpu.dma_semaphore, #tpu.memory_space<semaphore_mem>>) src(%arg14 : memref<32x128xf32, #tpu.memory_space<vmem>>) dst(%dma_wait3A_226 : memref<32x128xf32, #tpu.memory_space<hbm>>)
      tpu.yield
    }) : () -> ()
    %add3A_139 = arith.constant 320 : i32
    %add3A_140 = arith.addi %mul3A_2, %add3A_139 : i32
    "tpu.region"() ({
      %run_scoped3A = tpu.sem_alloc : memref<!tpu.dma_semaphore, #tpu.memory_space<semaphore_mem>>
      %dma_start3A_219 = arith.constant 0 : i32
      %dma_start3A_220 = tpu.memref_slice %arg18[%add3A_140, %dma_start3A_219] : memref<10240x128xf32, #tpu.memory_space<vmem_shared>> -> memref<32x128xf32, #tpu.memory_space<vmem_shared>>
      %dma_start3A_221 = arith.constant 0 : i32
      %dma_start3A_222 = tpu.memref_slice %arg18[%add3A_140, %dma_start3A_221] : memref<10240x128xf32, #tpu.memory_space<vmem_shared>> -> memref<32x128xf32, #tpu.memory_space<vmem_shared>>
      tpu.enqueue_dma source(%dma_start3A_222 : memref<32x128xf32, #tpu.memory_space<vmem_shared>>) target(%arg14 : memref<32x128xf32, #tpu.memory_space<vmem>>) target_semaphore(%run_scoped3A : memref<!tpu.dma_semaphore, #tpu.memory_space<semaphore_mem>>)
      %dma_wait3A_223 = arith.constant 0 : i32
      %dma_wait3A_224 = tpu.memref_slice %arg18[%add3A_140, %dma_wait3A_223] : memref<10240x128xf32, #tpu.memory_space<vmem_shared>> -> memref<32x128xf32, #tpu.memory_space<vmem_shared>>
      %dma_wait3A_225 = arith.constant 0 : i32
      %dma_wait3A_226 = tpu.memref_slice %arg18[%add3A_140, %dma_wait3A_225] : memref<10240x128xf32, #tpu.memory_space<vmem_shared>> -> memref<32x128xf32, #tpu.memory_space<vmem_shared>>
      tpu.wait_dma2 semaphore(%run_scoped3A : memref<!tpu.dma_semaphore, #tpu.memory_space<semaphore_mem>>) src(%dma_wait3A_226 : memref<32x128xf32, #tpu.memory_space<vmem_shared>>) dst(%arg14 : memref<32x128xf32, #tpu.memory_space<vmem>>)
      tpu.yield
    }) : () -> ()
    %add3A_141 = arith.constant 320 : i32
    %add3A_142 = arith.addi %add3A_98, %add3A_141 : i32
    "tpu.region"() ({
      %run_scoped3A = tpu.sem_alloc : memref<!tpu.dma_semaphore, #tpu.memory_space<semaphore_mem>>
      %dma_start3A_219 = arith.constant 0 : i32
      %dma_start3A_220 = tpu.memref_slice %arg8[%add3A_142, %dma_start3A_219] : memref<20480x128xf32, #tpu.memory_space<hbm>> -> memref<32x128xf32, #tpu.memory_space<hbm>>
      %dma_start3A_221 = arith.constant 0 : i32
      %dma_start3A_222 = tpu.memref_slice %arg8[%add3A_142, %dma_start3A_221] : memref<20480x128xf32, #tpu.memory_space<hbm>> -> memref<32x128xf32, #tpu.memory_space<hbm>>
      tpu.enqueue_dma source(%arg14 : memref<32x128xf32, #tpu.memory_space<vmem>>) target(%dma_start3A_222 : memref<32x128xf32, #tpu.memory_space<hbm>>) target_semaphore(%run_scoped3A : memref<!tpu.dma_semaphore, #tpu.memory_space<semaphore_mem>>)
      %dma_wait3A_223 = arith.constant 0 : i32
      %dma_wait3A_224 = tpu.memref_slice %arg8[%add3A_142, %dma_wait3A_223] : memref<20480x128xf32, #tpu.memory_space<hbm>> -> memref<32x128xf32, #tpu.memory_space<hbm>>
      %dma_wait3A_225 = arith.constant 0 : i32
      %dma_wait3A_226 = tpu.memref_slice %arg8[%add3A_142, %dma_wait3A_225] : memref<20480x128xf32, #tpu.memory_space<hbm>> -> memref<32x128xf32, #tpu.memory_space<hbm>>
      tpu.wait_dma2 semaphore(%run_scoped3A : memref<!tpu.dma_semaphore, #tpu.memory_space<semaphore_mem>>) src(%arg14 : memref<32x128xf32, #tpu.memory_space<vmem>>) dst(%dma_wait3A_226 : memref<32x128xf32, #tpu.memory_space<hbm>>)
      tpu.yield
    }) : () -> ()
    %add3A_143 = arith.constant 352 : i32
    %add3A_144 = arith.addi %mul3A_2, %add3A_143 : i32
    "tpu.region"() ({
      %run_scoped3A = tpu.sem_alloc : memref<!tpu.dma_semaphore, #tpu.memory_space<semaphore_mem>>
      %dma_start3A_219 = arith.constant 0 : i32
      %dma_start3A_220 = tpu.memref_slice %arg18[%add3A_144, %dma_start3A_219] : memref<10240x128xf32, #tpu.memory_space<vmem_shared>> -> memref<32x128xf32, #tpu.memory_space<vmem_shared>>
      %dma_start3A_221 = arith.constant 0 : i32
      %dma_start3A_222 = tpu.memref_slice %arg18[%add3A_144, %dma_start3A_221] : memref<10240x128xf32, #tpu.memory_space<vmem_shared>> -> memref<32x128xf32, #tpu.memory_space<vmem_shared>>
      tpu.enqueue_dma source(%dma_start3A_222 : memref<32x128xf32, #tpu.memory_space<vmem_shared>>) target(%arg14 : memref<32x128xf32, #tpu.memory_space<vmem>>) target_semaphore(%run_scoped3A : memref<!tpu.dma_semaphore, #tpu.memory_space<semaphore_mem>>)
      %dma_wait3A_223 = arith.constant 0 : i32
      %dma_wait3A_224 = tpu.memref_slice %arg18[%add3A_144, %dma_wait3A_223] : memref<10240x128xf32, #tpu.memory_space<vmem_shared>> -> memref<32x128xf32, #tpu.memory_space<vmem_shared>>
      %dma_wait3A_225 = arith.constant 0 : i32
      %dma_wait3A_226 = tpu.memref_slice %arg18[%add3A_144, %dma_wait3A_225] : memref<10240x128xf32, #tpu.memory_space<vmem_shared>> -> memref<32x128xf32, #tpu.memory_space<vmem_shared>>
      tpu.wait_dma2 semaphore(%run_scoped3A : memref<!tpu.dma_semaphore, #tpu.memory_space<semaphore_mem>>) src(%dma_wait3A_226 : memref<32x128xf32, #tpu.memory_space<vmem_shared>>) dst(%arg14 : memref<32x128xf32, #tpu.memory_space<vmem>>)
      tpu.yield
    }) : () -> ()
    %add3A_145 = arith.constant 352 : i32
    %add3A_146 = arith.addi %add3A_98, %add3A_145 : i32
    "tpu.region"() ({
      %run_scoped3A = tpu.sem_alloc : memref<!tpu.dma_semaphore, #tpu.memory_space<semaphore_mem>>
      %dma_start3A_219 = arith.constant 0 : i32
      %dma_start3A_220 = tpu.memref_slice %arg8[%add3A_146, %dma_start3A_219] : memref<20480x128xf32, #tpu.memory_space<hbm>> -> memref<32x128xf32, #tpu.memory_space<hbm>>
      %dma_start3A_221 = arith.constant 0 : i32
      %dma_start3A_222 = tpu.memref_slice %arg8[%add3A_146, %dma_start3A_221] : memref<20480x128xf32, #tpu.memory_space<hbm>> -> memref<32x128xf32, #tpu.memory_space<hbm>>
      tpu.enqueue_dma source(%arg14 : memref<32x128xf32, #tpu.memory_space<vmem>>) target(%dma_start3A_222 : memref<32x128xf32, #tpu.memory_space<hbm>>) target_semaphore(%run_scoped3A : memref<!tpu.dma_semaphore, #tpu.memory_space<semaphore_mem>>)
      %dma_wait3A_223 = arith.constant 0 : i32
      %dma_wait3A_224 = tpu.memref_slice %arg8[%add3A_146, %dma_wait3A_223] : memref<20480x128xf32, #tpu.memory_space<hbm>> -> memref<32x128xf32, #tpu.memory_space<hbm>>
      %dma_wait3A_225 = arith.constant 0 : i32
      %dma_wait3A_226 = tpu.memref_slice %arg8[%add3A_146, %dma_wait3A_225] : memref<20480x128xf32, #tpu.memory_space<hbm>> -> memref<32x128xf32, #tpu.memory_space<hbm>>
      tpu.wait_dma2 semaphore(%run_scoped3A : memref<!tpu.dma_semaphore, #tpu.memory_space<semaphore_mem>>) src(%arg14 : memref<32x128xf32, #tpu.memory_space<vmem>>) dst(%dma_wait3A_226 : memref<32x128xf32, #tpu.memory_space<hbm>>)
      tpu.yield
    }) : () -> ()
    %add3A_147 = arith.constant 384 : i32
    %add3A_148 = arith.addi %mul3A_2, %add3A_147 : i32
    "tpu.region"() ({
      %run_scoped3A = tpu.sem_alloc : memref<!tpu.dma_semaphore, #tpu.memory_space<semaphore_mem>>
      %dma_start3A_219 = arith.constant 0 : i32
      %dma_start3A_220 = tpu.memref_slice %arg18[%add3A_148, %dma_start3A_219] : memref<10240x128xf32, #tpu.memory_space<vmem_shared>> -> memref<32x128xf32, #tpu.memory_space<vmem_shared>>
      %dma_start3A_221 = arith.constant 0 : i32
      %dma_start3A_222 = tpu.memref_slice %arg18[%add3A_148, %dma_start3A_221] : memref<10240x128xf32, #tpu.memory_space<vmem_shared>> -> memref<32x128xf32, #tpu.memory_space<vmem_shared>>
      tpu.enqueue_dma source(%dma_start3A_222 : memref<32x128xf32, #tpu.memory_space<vmem_shared>>) target(%arg14 : memref<32x128xf32, #tpu.memory_space<vmem>>) target_semaphore(%run_scoped3A : memref<!tpu.dma_semaphore, #tpu.memory_space<semaphore_mem>>)
      %dma_wait3A_223 = arith.constant 0 : i32
      %dma_wait3A_224 = tpu.memref_slice %arg18[%add3A_148, %dma_wait3A_223] : memref<10240x128xf32, #tpu.memory_space<vmem_shared>> -> memref<32x128xf32, #tpu.memory_space<vmem_shared>>
      %dma_wait3A_225 = arith.constant 0 : i32
      %dma_wait3A_226 = tpu.memref_slice %arg18[%add3A_148, %dma_wait3A_225] : memref<10240x128xf32, #tpu.memory_space<vmem_shared>> -> memref<32x128xf32, #tpu.memory_space<vmem_shared>>
      tpu.wait_dma2 semaphore(%run_scoped3A : memref<!tpu.dma_semaphore, #tpu.memory_space<semaphore_mem>>) src(%dma_wait3A_226 : memref<32x128xf32, #tpu.memory_space<vmem_shared>>) dst(%arg14 : memref<32x128xf32, #tpu.memory_space<vmem>>)
      tpu.yield
    }) : () -> ()
    %add3A_149 = arith.constant 384 : i32
    %add3A_150 = arith.addi %add3A_98, %add3A_149 : i32
    "tpu.region"() ({
      %run_scoped3A = tpu.sem_alloc : memref<!tpu.dma_semaphore, #tpu.memory_space<semaphore_mem>>
      %dma_start3A_219 = arith.constant 0 : i32
      %dma_start3A_220 = tpu.memref_slice %arg8[%add3A_150, %dma_start3A_219] : memref<20480x128xf32, #tpu.memory_space<hbm>> -> memref<32x128xf32, #tpu.memory_space<hbm>>
      %dma_start3A_221 = arith.constant 0 : i32
      %dma_start3A_222 = tpu.memref_slice %arg8[%add3A_150, %dma_start3A_221] : memref<20480x128xf32, #tpu.memory_space<hbm>> -> memref<32x128xf32, #tpu.memory_space<hbm>>
      tpu.enqueue_dma source(%arg14 : memref<32x128xf32, #tpu.memory_space<vmem>>) target(%dma_start3A_222 : memref<32x128xf32, #tpu.memory_space<hbm>>) target_semaphore(%run_scoped3A : memref<!tpu.dma_semaphore, #tpu.memory_space<semaphore_mem>>)
      %dma_wait3A_223 = arith.constant 0 : i32
      %dma_wait3A_224 = tpu.memref_slice %arg8[%add3A_150, %dma_wait3A_223] : memref<20480x128xf32, #tpu.memory_space<hbm>> -> memref<32x128xf32, #tpu.memory_space<hbm>>
      %dma_wait3A_225 = arith.constant 0 : i32
      %dma_wait3A_226 = tpu.memref_slice %arg8[%add3A_150, %dma_wait3A_225] : memref<20480x128xf32, #tpu.memory_space<hbm>> -> memref<32x128xf32, #tpu.memory_space<hbm>>
      tpu.wait_dma2 semaphore(%run_scoped3A : memref<!tpu.dma_semaphore, #tpu.memory_space<semaphore_mem>>) src(%arg14 : memref<32x128xf32, #tpu.memory_space<vmem>>) dst(%dma_wait3A_226 : memref<32x128xf32, #tpu.memory_space<hbm>>)
      tpu.yield
    }) : () -> ()
    %add3A_151 = arith.constant 416 : i32
    %add3A_152 = arith.addi %mul3A_2, %add3A_151 : i32
    "tpu.region"() ({
      %run_scoped3A = tpu.sem_alloc : memref<!tpu.dma_semaphore, #tpu.memory_space<semaphore_mem>>
      %dma_start3A_219 = arith.constant 0 : i32
      %dma_start3A_220 = tpu.memref_slice %arg18[%add3A_152, %dma_start3A_219] : memref<10240x128xf32, #tpu.memory_space<vmem_shared>> -> memref<32x128xf32, #tpu.memory_space<vmem_shared>>
      %dma_start3A_221 = arith.constant 0 : i32
      %dma_start3A_222 = tpu.memref_slice %arg18[%add3A_152, %dma_start3A_221] : memref<10240x128xf32, #tpu.memory_space<vmem_shared>> -> memref<32x128xf32, #tpu.memory_space<vmem_shared>>
      tpu.enqueue_dma source(%dma_start3A_222 : memref<32x128xf32, #tpu.memory_space<vmem_shared>>) target(%arg14 : memref<32x128xf32, #tpu.memory_space<vmem>>) target_semaphore(%run_scoped3A : memref<!tpu.dma_semaphore, #tpu.memory_space<semaphore_mem>>)
      %dma_wait3A_223 = arith.constant 0 : i32
      %dma_wait3A_224 = tpu.memref_slice %arg18[%add3A_152, %dma_wait3A_223] : memref<10240x128xf32, #tpu.memory_space<vmem_shared>> -> memref<32x128xf32, #tpu.memory_space<vmem_shared>>
      %dma_wait3A_225 = arith.constant 0 : i32
      %dma_wait3A_226 = tpu.memref_slice %arg18[%add3A_152, %dma_wait3A_225] : memref<10240x128xf32, #tpu.memory_space<vmem_shared>> -> memref<32x128xf32, #tpu.memory_space<vmem_shared>>
      tpu.wait_dma2 semaphore(%run_scoped3A : memref<!tpu.dma_semaphore, #tpu.memory_space<semaphore_mem>>) src(%dma_wait3A_226 : memref<32x128xf32, #tpu.memory_space<vmem_shared>>) dst(%arg14 : memref<32x128xf32, #tpu.memory_space<vmem>>)
      tpu.yield
    }) : () -> ()
    %add3A_153 = arith.constant 416 : i32
    %add3A_154 = arith.addi %add3A_98, %add3A_153 : i32
    "tpu.region"() ({
      %run_scoped3A = tpu.sem_alloc : memref<!tpu.dma_semaphore, #tpu.memory_space<semaphore_mem>>
      %dma_start3A_219 = arith.constant 0 : i32
      %dma_start3A_220 = tpu.memref_slice %arg8[%add3A_154, %dma_start3A_219] : memref<20480x128xf32, #tpu.memory_space<hbm>> -> memref<32x128xf32, #tpu.memory_space<hbm>>
      %dma_start3A_221 = arith.constant 0 : i32
      %dma_start3A_222 = tpu.memref_slice %arg8[%add3A_154, %dma_start3A_221] : memref<20480x128xf32, #tpu.memory_space<hbm>> -> memref<32x128xf32, #tpu.memory_space<hbm>>
      tpu.enqueue_dma source(%arg14 : memref<32x128xf32, #tpu.memory_space<vmem>>) target(%dma_start3A_222 : memref<32x128xf32, #tpu.memory_space<hbm>>) target_semaphore(%run_scoped3A : memref<!tpu.dma_semaphore, #tpu.memory_space<semaphore_mem>>)
      %dma_wait3A_223 = arith.constant 0 : i32
      %dma_wait3A_224 = tpu.memref_slice %arg8[%add3A_154, %dma_wait3A_223] : memref<20480x128xf32, #tpu.memory_space<hbm>> -> memref<32x128xf32, #tpu.memory_space<hbm>>
      %dma_wait3A_225 = arith.constant 0 : i32
      %dma_wait3A_226 = tpu.memref_slice %arg8[%add3A_154, %dma_wait3A_225] : memref<20480x128xf32, #tpu.memory_space<hbm>> -> memref<32x128xf32, #tpu.memory_space<hbm>>
      tpu.wait_dma2 semaphore(%run_scoped3A : memref<!tpu.dma_semaphore, #tpu.memory_space<semaphore_mem>>) src(%arg14 : memref<32x128xf32, #tpu.memory_space<vmem>>) dst(%dma_wait3A_226 : memref<32x128xf32, #tpu.memory_space<hbm>>)
      tpu.yield
    }) : () -> ()
    %add3A_155 = arith.constant 448 : i32
    %add3A_156 = arith.addi %mul3A_2, %add3A_155 : i32
    "tpu.region"() ({
      %run_scoped3A = tpu.sem_alloc : memref<!tpu.dma_semaphore, #tpu.memory_space<semaphore_mem>>
      %dma_start3A_219 = arith.constant 0 : i32
      %dma_start3A_220 = tpu.memref_slice %arg18[%add3A_156, %dma_start3A_219] : memref<10240x128xf32, #tpu.memory_space<vmem_shared>> -> memref<32x128xf32, #tpu.memory_space<vmem_shared>>
      %dma_start3A_221 = arith.constant 0 : i32
      %dma_start3A_222 = tpu.memref_slice %arg18[%add3A_156, %dma_start3A_221] : memref<10240x128xf32, #tpu.memory_space<vmem_shared>> -> memref<32x128xf32, #tpu.memory_space<vmem_shared>>
      tpu.enqueue_dma source(%dma_start3A_222 : memref<32x128xf32, #tpu.memory_space<vmem_shared>>) target(%arg14 : memref<32x128xf32, #tpu.memory_space<vmem>>) target_semaphore(%run_scoped3A : memref<!tpu.dma_semaphore, #tpu.memory_space<semaphore_mem>>)
      %dma_wait3A_223 = arith.constant 0 : i32
      %dma_wait3A_224 = tpu.memref_slice %arg18[%add3A_156, %dma_wait3A_223] : memref<10240x128xf32, #tpu.memory_space<vmem_shared>> -> memref<32x128xf32, #tpu.memory_space<vmem_shared>>
      %dma_wait3A_225 = arith.constant 0 : i32
      %dma_wait3A_226 = tpu.memref_slice %arg18[%add3A_156, %dma_wait3A_225] : memref<10240x128xf32, #tpu.memory_space<vmem_shared>> -> memref<32x128xf32, #tpu.memory_space<vmem_shared>>
      tpu.wait_dma2 semaphore(%run_scoped3A : memref<!tpu.dma_semaphore, #tpu.memory_space<semaphore_mem>>) src(%dma_wait3A_226 : memref<32x128xf32, #tpu.memory_space<vmem_shared>>) dst(%arg14 : memref<32x128xf32, #tpu.memory_space<vmem>>)
      tpu.yield
    }) : () -> ()
    %add3A_157 = arith.constant 448 : i32
    %add3A_158 = arith.addi %add3A_98, %add3A_157 : i32
    "tpu.region"() ({
      %run_scoped3A = tpu.sem_alloc : memref<!tpu.dma_semaphore, #tpu.memory_space<semaphore_mem>>
      %dma_start3A_219 = arith.constant 0 : i32
      %dma_start3A_220 = tpu.memref_slice %arg8[%add3A_158, %dma_start3A_219] : memref<20480x128xf32, #tpu.memory_space<hbm>> -> memref<32x128xf32, #tpu.memory_space<hbm>>
      %dma_start3A_221 = arith.constant 0 : i32
      %dma_start3A_222 = tpu.memref_slice %arg8[%add3A_158, %dma_start3A_221] : memref<20480x128xf32, #tpu.memory_space<hbm>> -> memref<32x128xf32, #tpu.memory_space<hbm>>
      tpu.enqueue_dma source(%arg14 : memref<32x128xf32, #tpu.memory_space<vmem>>) target(%dma_start3A_222 : memref<32x128xf32, #tpu.memory_space<hbm>>) target_semaphore(%run_scoped3A : memref<!tpu.dma_semaphore, #tpu.memory_space<semaphore_mem>>)
      %dma_wait3A_223 = arith.constant 0 : i32
      %dma_wait3A_224 = tpu.memref_slice %arg8[%add3A_158, %dma_wait3A_223] : memref<20480x128xf32, #tpu.memory_space<hbm>> -> memref<32x128xf32, #tpu.memory_space<hbm>>
      %dma_wait3A_225 = arith.constant 0 : i32
      %dma_wait3A_226 = tpu.memref_slice %arg8[%add3A_158, %dma_wait3A_225] : memref<20480x128xf32, #tpu.memory_space<hbm>> -> memref<32x128xf32, #tpu.memory_space<hbm>>
      tpu.wait_dma2 semaphore(%run_scoped3A : memref<!tpu.dma_semaphore, #tpu.memory_space<semaphore_mem>>) src(%arg14 : memref<32x128xf32, #tpu.memory_space<vmem>>) dst(%dma_wait3A_226 : memref<32x128xf32, #tpu.memory_space<hbm>>)
      tpu.yield
    }) : () -> ()
    %add3A_159 = arith.constant 480 : i32
    %add3A_160 = arith.addi %mul3A_2, %add3A_159 : i32
    "tpu.region"() ({
      %run_scoped3A = tpu.sem_alloc : memref<!tpu.dma_semaphore, #tpu.memory_space<semaphore_mem>>
      %dma_start3A_219 = arith.constant 0 : i32
      %dma_start3A_220 = tpu.memref_slice %arg18[%add3A_160, %dma_start3A_219] : memref<10240x128xf32, #tpu.memory_space<vmem_shared>> -> memref<32x128xf32, #tpu.memory_space<vmem_shared>>
      %dma_start3A_221 = arith.constant 0 : i32
      %dma_start3A_222 = tpu.memref_slice %arg18[%add3A_160, %dma_start3A_221] : memref<10240x128xf32, #tpu.memory_space<vmem_shared>> -> memref<32x128xf32, #tpu.memory_space<vmem_shared>>
      tpu.enqueue_dma source(%dma_start3A_222 : memref<32x128xf32, #tpu.memory_space<vmem_shared>>) target(%arg14 : memref<32x128xf32, #tpu.memory_space<vmem>>) target_semaphore(%run_scoped3A : memref<!tpu.dma_semaphore, #tpu.memory_space<semaphore_mem>>)
      %dma_wait3A_223 = arith.constant 0 : i32
      %dma_wait3A_224 = tpu.memref_slice %arg18[%add3A_160, %dma_wait3A_223] : memref<10240x128xf32, #tpu.memory_space<vmem_shared>> -> memref<32x128xf32, #tpu.memory_space<vmem_shared>>
      %dma_wait3A_225 = arith.constant 0 : i32
      %dma_wait3A_226 = tpu.memref_slice %arg18[%add3A_160, %dma_wait3A_225] : memref<10240x128xf32, #tpu.memory_space<vmem_shared>> -> memref<32x128xf32, #tpu.memory_space<vmem_shared>>
      tpu.wait_dma2 semaphore(%run_scoped3A : memref<!tpu.dma_semaphore, #tpu.memory_space<semaphore_mem>>) src(%dma_wait3A_226 : memref<32x128xf32, #tpu.memory_space<vmem_shared>>) dst(%arg14 : memref<32x128xf32, #tpu.memory_space<vmem>>)
      tpu.yield
    }) : () -> ()
    %add3A_161 = arith.constant 480 : i32
    %add3A_162 = arith.addi %add3A_98, %add3A_161 : i32
    "tpu.region"() ({
      %run_scoped3A = tpu.sem_alloc : memref<!tpu.dma_semaphore, #tpu.memory_space<semaphore_mem>>
      %dma_start3A_219 = arith.constant 0 : i32
      %dma_start3A_220 = tpu.memref_slice %arg8[%add3A_162, %dma_start3A_219] : memref<20480x128xf32, #tpu.memory_space<hbm>> -> memref<32x128xf32, #tpu.memory_space<hbm>>
      %dma_start3A_221 = arith.constant 0 : i32
      %dma_start3A_222 = tpu.memref_slice %arg8[%add3A_162, %dma_start3A_221] : memref<20480x128xf32, #tpu.memory_space<hbm>> -> memref<32x128xf32, #tpu.memory_space<hbm>>
      tpu.enqueue_dma source(%arg14 : memref<32x128xf32, #tpu.memory_space<vmem>>) target(%dma_start3A_222 : memref<32x128xf32, #tpu.memory_space<hbm>>) target_semaphore(%run_scoped3A : memref<!tpu.dma_semaphore, #tpu.memory_space<semaphore_mem>>)
      %dma_wait3A_223 = arith.constant 0 : i32
      %dma_wait3A_224 = tpu.memref_slice %arg8[%add3A_162, %dma_wait3A_223] : memref<20480x128xf32, #tpu.memory_space<hbm>> -> memref<32x128xf32, #tpu.memory_space<hbm>>
      %dma_wait3A_225 = arith.constant 0 : i32
      %dma_wait3A_226 = tpu.memref_slice %arg8[%add3A_162, %dma_wait3A_225] : memref<20480x128xf32, #tpu.memory_space<hbm>> -> memref<32x128xf32, #tpu.memory_space<hbm>>
      tpu.wait_dma2 semaphore(%run_scoped3A : memref<!tpu.dma_semaphore, #tpu.memory_space<semaphore_mem>>) src(%arg14 : memref<32x128xf32, #tpu.memory_space<vmem>>) dst(%dma_wait3A_226 : memref<32x128xf32, #tpu.memory_space<hbm>>)
      tpu.yield
    }) : () -> ()
    %add3A_163 = arith.constant 512 : i32
    %add3A_164 = arith.addi %mul3A_2, %add3A_163 : i32
    "tpu.region"() ({
      %run_scoped3A = tpu.sem_alloc : memref<!tpu.dma_semaphore, #tpu.memory_space<semaphore_mem>>
      %dma_start3A_219 = arith.constant 0 : i32
      %dma_start3A_220 = tpu.memref_slice %arg18[%add3A_164, %dma_start3A_219] : memref<10240x128xf32, #tpu.memory_space<vmem_shared>> -> memref<32x128xf32, #tpu.memory_space<vmem_shared>>
      %dma_start3A_221 = arith.constant 0 : i32
      %dma_start3A_222 = tpu.memref_slice %arg18[%add3A_164, %dma_start3A_221] : memref<10240x128xf32, #tpu.memory_space<vmem_shared>> -> memref<32x128xf32, #tpu.memory_space<vmem_shared>>
      tpu.enqueue_dma source(%dma_start3A_222 : memref<32x128xf32, #tpu.memory_space<vmem_shared>>) target(%arg14 : memref<32x128xf32, #tpu.memory_space<vmem>>) target_semaphore(%run_scoped3A : memref<!tpu.dma_semaphore, #tpu.memory_space<semaphore_mem>>)
      %dma_wait3A_223 = arith.constant 0 : i32
      %dma_wait3A_224 = tpu.memref_slice %arg18[%add3A_164, %dma_wait3A_223] : memref<10240x128xf32, #tpu.memory_space<vmem_shared>> -> memref<32x128xf32, #tpu.memory_space<vmem_shared>>
      %dma_wait3A_225 = arith.constant 0 : i32
      %dma_wait3A_226 = tpu.memref_slice %arg18[%add3A_164, %dma_wait3A_225] : memref<10240x128xf32, #tpu.memory_space<vmem_shared>> -> memref<32x128xf32, #tpu.memory_space<vmem_shared>>
      tpu.wait_dma2 semaphore(%run_scoped3A : memref<!tpu.dma_semaphore, #tpu.memory_space<semaphore_mem>>) src(%dma_wait3A_226 : memref<32x128xf32, #tpu.memory_space<vmem_shared>>) dst(%arg14 : memref<32x128xf32, #tpu.memory_space<vmem>>)
      tpu.yield
    }) : () -> ()
    %add3A_165 = arith.constant 512 : i32
    %add3A_166 = arith.addi %add3A_98, %add3A_165 : i32
    "tpu.region"() ({
      %run_scoped3A = tpu.sem_alloc : memref<!tpu.dma_semaphore, #tpu.memory_space<semaphore_mem>>
      %dma_start3A_219 = arith.constant 0 : i32
      %dma_start3A_220 = tpu.memref_slice %arg8[%add3A_166, %dma_start3A_219] : memref<20480x128xf32, #tpu.memory_space<hbm>> -> memref<32x128xf32, #tpu.memory_space<hbm>>
      %dma_start3A_221 = arith.constant 0 : i32
      %dma_start3A_222 = tpu.memref_slice %arg8[%add3A_166, %dma_start3A_221] : memref<20480x128xf32, #tpu.memory_space<hbm>> -> memref<32x128xf32, #tpu.memory_space<hbm>>
      tpu.enqueue_dma source(%arg14 : memref<32x128xf32, #tpu.memory_space<vmem>>) target(%dma_start3A_222 : memref<32x128xf32, #tpu.memory_space<hbm>>) target_semaphore(%run_scoped3A : memref<!tpu.dma_semaphore, #tpu.memory_space<semaphore_mem>>)
      %dma_wait3A_223 = arith.constant 0 : i32
      %dma_wait3A_224 = tpu.memref_slice %arg8[%add3A_166, %dma_wait3A_223] : memref<20480x128xf32, #tpu.memory_space<hbm>> -> memref<32x128xf32, #tpu.memory_space<hbm>>
      %dma_wait3A_225 = arith.constant 0 : i32
      %dma_wait3A_226 = tpu.memref_slice %arg8[%add3A_166, %dma_wait3A_225] : memref<20480x128xf32, #tpu.memory_space<hbm>> -> memref<32x128xf32, #tpu.memory_space<hbm>>
      tpu.wait_dma2 semaphore(%run_scoped3A : memref<!tpu.dma_semaphore, #tpu.memory_space<semaphore_mem>>) src(%arg14 : memref<32x128xf32, #tpu.memory_space<vmem>>) dst(%dma_wait3A_226 : memref<32x128xf32, #tpu.memory_space<hbm>>)
      tpu.yield
    }) : () -> ()
    %add3A_167 = arith.constant 544 : i32
    %add3A_168 = arith.addi %mul3A_2, %add3A_167 : i32
    "tpu.region"() ({
      %run_scoped3A = tpu.sem_alloc : memref<!tpu.dma_semaphore, #tpu.memory_space<semaphore_mem>>
      %dma_start3A_219 = arith.constant 0 : i32
      %dma_start3A_220 = tpu.memref_slice %arg18[%add3A_168, %dma_start3A_219] : memref<10240x128xf32, #tpu.memory_space<vmem_shared>> -> memref<32x128xf32, #tpu.memory_space<vmem_shared>>
      %dma_start3A_221 = arith.constant 0 : i32
      %dma_start3A_222 = tpu.memref_slice %arg18[%add3A_168, %dma_start3A_221] : memref<10240x128xf32, #tpu.memory_space<vmem_shared>> -> memref<32x128xf32, #tpu.memory_space<vmem_shared>>
      tpu.enqueue_dma source(%dma_start3A_222 : memref<32x128xf32, #tpu.memory_space<vmem_shared>>) target(%arg14 : memref<32x128xf32, #tpu.memory_space<vmem>>) target_semaphore(%run_scoped3A : memref<!tpu.dma_semaphore, #tpu.memory_space<semaphore_mem>>)
      %dma_wait3A_223 = arith.constant 0 : i32
      %dma_wait3A_224 = tpu.memref_slice %arg18[%add3A_168, %dma_wait3A_223] : memref<10240x128xf32, #tpu.memory_space<vmem_shared>> -> memref<32x128xf32, #tpu.memory_space<vmem_shared>>
      %dma_wait3A_225 = arith.constant 0 : i32
      %dma_wait3A_226 = tpu.memref_slice %arg18[%add3A_168, %dma_wait3A_225] : memref<10240x128xf32, #tpu.memory_space<vmem_shared>> -> memref<32x128xf32, #tpu.memory_space<vmem_shared>>
      tpu.wait_dma2 semaphore(%run_scoped3A : memref<!tpu.dma_semaphore, #tpu.memory_space<semaphore_mem>>) src(%dma_wait3A_226 : memref<32x128xf32, #tpu.memory_space<vmem_shared>>) dst(%arg14 : memref<32x128xf32, #tpu.memory_space<vmem>>)
      tpu.yield
    }) : () -> ()
    %add3A_169 = arith.constant 544 : i32
    %add3A_170 = arith.addi %add3A_98, %add3A_169 : i32
    "tpu.region"() ({
      %run_scoped3A = tpu.sem_alloc : memref<!tpu.dma_semaphore, #tpu.memory_space<semaphore_mem>>
      %dma_start3A_219 = arith.constant 0 : i32
      %dma_start3A_220 = tpu.memref_slice %arg8[%add3A_170, %dma_start3A_219] : memref<20480x128xf32, #tpu.memory_space<hbm>> -> memref<32x128xf32, #tpu.memory_space<hbm>>
      %dma_start3A_221 = arith.constant 0 : i32
      %dma_start3A_222 = tpu.memref_slice %arg8[%add3A_170, %dma_start3A_221] : memref<20480x128xf32, #tpu.memory_space<hbm>> -> memref<32x128xf32, #tpu.memory_space<hbm>>
      tpu.enqueue_dma source(%arg14 : memref<32x128xf32, #tpu.memory_space<vmem>>) target(%dma_start3A_222 : memref<32x128xf32, #tpu.memory_space<hbm>>) target_semaphore(%run_scoped3A : memref<!tpu.dma_semaphore, #tpu.memory_space<semaphore_mem>>)
      %dma_wait3A_223 = arith.constant 0 : i32
      %dma_wait3A_224 = tpu.memref_slice %arg8[%add3A_170, %dma_wait3A_223] : memref<20480x128xf32, #tpu.memory_space<hbm>> -> memref<32x128xf32, #tpu.memory_space<hbm>>
      %dma_wait3A_225 = arith.constant 0 : i32
      %dma_wait3A_226 = tpu.memref_slice %arg8[%add3A_170, %dma_wait3A_225] : memref<20480x128xf32, #tpu.memory_space<hbm>> -> memref<32x128xf32, #tpu.memory_space<hbm>>
      tpu.wait_dma2 semaphore(%run_scoped3A : memref<!tpu.dma_semaphore, #tpu.memory_space<semaphore_mem>>) src(%arg14 : memref<32x128xf32, #tpu.memory_space<vmem>>) dst(%dma_wait3A_226 : memref<32x128xf32, #tpu.memory_space<hbm>>)
      tpu.yield
    }) : () -> ()
    %add3A_171 = arith.constant 576 : i32
    %add3A_172 = arith.addi %mul3A_2, %add3A_171 : i32
    "tpu.region"() ({
      %run_scoped3A = tpu.sem_alloc : memref<!tpu.dma_semaphore, #tpu.memory_space<semaphore_mem>>
      %dma_start3A_219 = arith.constant 0 : i32
      %dma_start3A_220 = tpu.memref_slice %arg18[%add3A_172, %dma_start3A_219] : memref<10240x128xf32, #tpu.memory_space<vmem_shared>> -> memref<32x128xf32, #tpu.memory_space<vmem_shared>>
      %dma_start3A_221 = arith.constant 0 : i32
      %dma_start3A_222 = tpu.memref_slice %arg18[%add3A_172, %dma_start3A_221] : memref<10240x128xf32, #tpu.memory_space<vmem_shared>> -> memref<32x128xf32, #tpu.memory_space<vmem_shared>>
      tpu.enqueue_dma source(%dma_start3A_222 : memref<32x128xf32, #tpu.memory_space<vmem_shared>>) target(%arg14 : memref<32x128xf32, #tpu.memory_space<vmem>>) target_semaphore(%run_scoped3A : memref<!tpu.dma_semaphore, #tpu.memory_space<semaphore_mem>>)
      %dma_wait3A_223 = arith.constant 0 : i32
      %dma_wait3A_224 = tpu.memref_slice %arg18[%add3A_172, %dma_wait3A_223] : memref<10240x128xf32, #tpu.memory_space<vmem_shared>> -> memref<32x128xf32, #tpu.memory_space<vmem_shared>>
      %dma_wait3A_225 = arith.constant 0 : i32
      %dma_wait3A_226 = tpu.memref_slice %arg18[%add3A_172, %dma_wait3A_225] : memref<10240x128xf32, #tpu.memory_space<vmem_shared>> -> memref<32x128xf32, #tpu.memory_space<vmem_shared>>
      tpu.wait_dma2 semaphore(%run_scoped3A : memref<!tpu.dma_semaphore, #tpu.memory_space<semaphore_mem>>) src(%dma_wait3A_226 : memref<32x128xf32, #tpu.memory_space<vmem_shared>>) dst(%arg14 : memref<32x128xf32, #tpu.memory_space<vmem>>)
      tpu.yield
    }) : () -> ()
    %add3A_173 = arith.constant 576 : i32
    %add3A_174 = arith.addi %add3A_98, %add3A_173 : i32
    "tpu.region"() ({
      %run_scoped3A = tpu.sem_alloc : memref<!tpu.dma_semaphore, #tpu.memory_space<semaphore_mem>>
      %dma_start3A_219 = arith.constant 0 : i32
      %dma_start3A_220 = tpu.memref_slice %arg8[%add3A_174, %dma_start3A_219] : memref<20480x128xf32, #tpu.memory_space<hbm>> -> memref<32x128xf32, #tpu.memory_space<hbm>>
      %dma_start3A_221 = arith.constant 0 : i32
      %dma_start3A_222 = tpu.memref_slice %arg8[%add3A_174, %dma_start3A_221] : memref<20480x128xf32, #tpu.memory_space<hbm>> -> memref<32x128xf32, #tpu.memory_space<hbm>>
      tpu.enqueue_dma source(%arg14 : memref<32x128xf32, #tpu.memory_space<vmem>>) target(%dma_start3A_222 : memref<32x128xf32, #tpu.memory_space<hbm>>) target_semaphore(%run_scoped3A : memref<!tpu.dma_semaphore, #tpu.memory_space<semaphore_mem>>)
      %dma_wait3A_223 = arith.constant 0 : i32
      %dma_wait3A_224 = tpu.memref_slice %arg8[%add3A_174, %dma_wait3A_223] : memref<20480x128xf32, #tpu.memory_space<hbm>> -> memref<32x128xf32, #tpu.memory_space<hbm>>
      %dma_wait3A_225 = arith.constant 0 : i32
      %dma_wait3A_226 = tpu.memref_slice %arg8[%add3A_174, %dma_wait3A_225] : memref<20480x128xf32, #tpu.memory_space<hbm>> -> memref<32x128xf32, #tpu.memory_space<hbm>>
      tpu.wait_dma2 semaphore(%run_scoped3A : memref<!tpu.dma_semaphore, #tpu.memory_space<semaphore_mem>>) src(%arg14 : memref<32x128xf32, #tpu.memory_space<vmem>>) dst(%dma_wait3A_226 : memref<32x128xf32, #tpu.memory_space<hbm>>)
      tpu.yield
    }) : () -> ()
    %add3A_175 = arith.constant 608 : i32
    %add3A_176 = arith.addi %mul3A_2, %add3A_175 : i32
    "tpu.region"() ({
      %run_scoped3A = tpu.sem_alloc : memref<!tpu.dma_semaphore, #tpu.memory_space<semaphore_mem>>
      %dma_start3A_219 = arith.constant 0 : i32
      %dma_start3A_220 = tpu.memref_slice %arg18[%add3A_176, %dma_start3A_219] : memref<10240x128xf32, #tpu.memory_space<vmem_shared>> -> memref<32x128xf32, #tpu.memory_space<vmem_shared>>
      %dma_start3A_221 = arith.constant 0 : i32
      %dma_start3A_222 = tpu.memref_slice %arg18[%add3A_176, %dma_start3A_221] : memref<10240x128xf32, #tpu.memory_space<vmem_shared>> -> memref<32x128xf32, #tpu.memory_space<vmem_shared>>
      tpu.enqueue_dma source(%dma_start3A_222 : memref<32x128xf32, #tpu.memory_space<vmem_shared>>) target(%arg14 : memref<32x128xf32, #tpu.memory_space<vmem>>) target_semaphore(%run_scoped3A : memref<!tpu.dma_semaphore, #tpu.memory_space<semaphore_mem>>)
      %dma_wait3A_223 = arith.constant 0 : i32
      %dma_wait3A_224 = tpu.memref_slice %arg18[%add3A_176, %dma_wait3A_223] : memref<10240x128xf32, #tpu.memory_space<vmem_shared>> -> memref<32x128xf32, #tpu.memory_space<vmem_shared>>
      %dma_wait3A_225 = arith.constant 0 : i32
      %dma_wait3A_226 = tpu.memref_slice %arg18[%add3A_176, %dma_wait3A_225] : memref<10240x128xf32, #tpu.memory_space<vmem_shared>> -> memref<32x128xf32, #tpu.memory_space<vmem_shared>>
      tpu.wait_dma2 semaphore(%run_scoped3A : memref<!tpu.dma_semaphore, #tpu.memory_space<semaphore_mem>>) src(%dma_wait3A_226 : memref<32x128xf32, #tpu.memory_space<vmem_shared>>) dst(%arg14 : memref<32x128xf32, #tpu.memory_space<vmem>>)
      tpu.yield
    }) : () -> ()
    %add3A_177 = arith.constant 608 : i32
    %add3A_178 = arith.addi %add3A_98, %add3A_177 : i32
    "tpu.region"() ({
      %run_scoped3A = tpu.sem_alloc : memref<!tpu.dma_semaphore, #tpu.memory_space<semaphore_mem>>
      %dma_start3A_219 = arith.constant 0 : i32
      %dma_start3A_220 = tpu.memref_slice %arg8[%add3A_178, %dma_start3A_219] : memref<20480x128xf32, #tpu.memory_space<hbm>> -> memref<32x128xf32, #tpu.memory_space<hbm>>
      %dma_start3A_221 = arith.constant 0 : i32
      %dma_start3A_222 = tpu.memref_slice %arg8[%add3A_178, %dma_start3A_221] : memref<20480x128xf32, #tpu.memory_space<hbm>> -> memref<32x128xf32, #tpu.memory_space<hbm>>
      tpu.enqueue_dma source(%arg14 : memref<32x128xf32, #tpu.memory_space<vmem>>) target(%dma_start3A_222 : memref<32x128xf32, #tpu.memory_space<hbm>>) target_semaphore(%run_scoped3A : memref<!tpu.dma_semaphore, #tpu.memory_space<semaphore_mem>>)
      %dma_wait3A_223 = arith.constant 0 : i32
      %dma_wait3A_224 = tpu.memref_slice %arg8[%add3A_178, %dma_wait3A_223] : memref<20480x128xf32, #tpu.memory_space<hbm>> -> memref<32x128xf32, #tpu.memory_space<hbm>>
      %dma_wait3A_225 = arith.constant 0 : i32
      %dma_wait3A_226 = tpu.memref_slice %arg8[%add3A_178, %dma_wait3A_225] : memref<20480x128xf32, #tpu.memory_space<hbm>> -> memref<32x128xf32, #tpu.memory_space<hbm>>
      tpu.wait_dma2 semaphore(%run_scoped3A : memref<!tpu.dma_semaphore, #tpu.memory_space<semaphore_mem>>) src(%arg14 : memref<32x128xf32, #tpu.memory_space<vmem>>) dst(%dma_wait3A_226 : memref<32x128xf32, #tpu.memory_space<hbm>>)
      tpu.yield
    }) : () -> ()
    %add3A_179 = arith.constant 0 : i32
    %add3A_180 = arith.addi %mul3A_2, %add3A_179 : i32
    "tpu.region"() ({
      %run_scoped3A = tpu.sem_alloc : memref<!tpu.dma_semaphore, #tpu.memory_space<semaphore_mem>>
      %dma_start3A_219 = tpu.memref_slice %arg19[%add3A_180] : memref<10240xf32, #tpu.memory_space<vmem_shared>> -> memref<64xf32, #tpu.memory_space<vmem_shared>>
      %dma_start3A_220 = tpu.memref_slice %arg19[%add3A_180] : memref<10240xf32, #tpu.memory_space<vmem_shared>> -> memref<64xf32, #tpu.memory_space<vmem_shared>>
      tpu.enqueue_dma source(%dma_start3A_220 : memref<64xf32, #tpu.memory_space<vmem_shared>>) target(%arg17 : memref<64xf32, #tpu.memory_space<vmem>>) target_semaphore(%run_scoped3A : memref<!tpu.dma_semaphore, #tpu.memory_space<semaphore_mem>>)
      %dma_wait3A_221 = tpu.memref_slice %arg19[%add3A_180] : memref<10240xf32, #tpu.memory_space<vmem_shared>> -> memref<64xf32, #tpu.memory_space<vmem_shared>>
      %dma_wait3A_222 = tpu.memref_slice %arg19[%add3A_180] : memref<10240xf32, #tpu.memory_space<vmem_shared>> -> memref<64xf32, #tpu.memory_space<vmem_shared>>
      tpu.wait_dma2 semaphore(%run_scoped3A : memref<!tpu.dma_semaphore, #tpu.memory_space<semaphore_mem>>) src(%dma_wait3A_222 : memref<64xf32, #tpu.memory_space<vmem_shared>>) dst(%arg17 : memref<64xf32, #tpu.memory_space<vmem>>)
      tpu.yield
    }) : () -> ()
    %add3A_181 = arith.constant 0 : i32
    %add3A_182 = arith.addi %add3A_98, %add3A_181 : i32
    "tpu.region"() ({
      %run_scoped3A = tpu.sem_alloc : memref<!tpu.dma_semaphore, #tpu.memory_space<semaphore_mem>>
      %dma_start3A_219 = tpu.memref_slice %arg9[%add3A_182] : memref<20480xf32, #tpu.memory_space<hbm>> -> memref<64xf32, #tpu.memory_space<hbm>>
      %dma_start3A_220 = tpu.memref_slice %arg9[%add3A_182] : memref<20480xf32, #tpu.memory_space<hbm>> -> memref<64xf32, #tpu.memory_space<hbm>>
      tpu.enqueue_dma source(%arg17 : memref<64xf32, #tpu.memory_space<vmem>>) target(%dma_start3A_220 : memref<64xf32, #tpu.memory_space<hbm>>) target_semaphore(%run_scoped3A : memref<!tpu.dma_semaphore, #tpu.memory_space<semaphore_mem>>)
      %dma_wait3A_221 = tpu.memref_slice %arg9[%add3A_182] : memref<20480xf32, #tpu.memory_space<hbm>> -> memref<64xf32, #tpu.memory_space<hbm>>
      %dma_wait3A_222 = tpu.memref_slice %arg9[%add3A_182] : memref<20480xf32, #tpu.memory_space<hbm>> -> memref<64xf32, #tpu.memory_space<hbm>>
      tpu.wait_dma2 semaphore(%run_scoped3A : memref<!tpu.dma_semaphore, #tpu.memory_space<semaphore_mem>>) src(%arg17 : memref<64xf32, #tpu.memory_space<vmem>>) dst(%dma_wait3A_222 : memref<64xf32, #tpu.memory_space<hbm>>)
      tpu.yield
    }) : () -> ()
    %add3A_183 = arith.constant 64 : i32
    %add3A_184 = arith.addi %mul3A_2, %add3A_183 : i32
    "tpu.region"() ({
      %run_scoped3A = tpu.sem_alloc : memref<!tpu.dma_semaphore, #tpu.memory_space<semaphore_mem>>
      %dma_start3A_219 = tpu.memref_slice %arg19[%add3A_184] : memref<10240xf32, #tpu.memory_space<vmem_shared>> -> memref<64xf32, #tpu.memory_space<vmem_shared>>
      %dma_start3A_220 = tpu.memref_slice %arg19[%add3A_184] : memref<10240xf32, #tpu.memory_space<vmem_shared>> -> memref<64xf32, #tpu.memory_space<vmem_shared>>
      tpu.enqueue_dma source(%dma_start3A_220 : memref<64xf32, #tpu.memory_space<vmem_shared>>) target(%arg17 : memref<64xf32, #tpu.memory_space<vmem>>) target_semaphore(%run_scoped3A : memref<!tpu.dma_semaphore, #tpu.memory_space<semaphore_mem>>)
      %dma_wait3A_221 = tpu.memref_slice %arg19[%add3A_184] : memref<10240xf32, #tpu.memory_space<vmem_shared>> -> memref<64xf32, #tpu.memory_space<vmem_shared>>
      %dma_wait3A_222 = tpu.memref_slice %arg19[%add3A_184] : memref<10240xf32, #tpu.memory_space<vmem_shared>> -> memref<64xf32, #tpu.memory_space<vmem_shared>>
      tpu.wait_dma2 semaphore(%run_scoped3A : memref<!tpu.dma_semaphore, #tpu.memory_space<semaphore_mem>>) src(%dma_wait3A_222 : memref<64xf32, #tpu.memory_space<vmem_shared>>) dst(%arg17 : memref<64xf32, #tpu.memory_space<vmem>>)
      tpu.yield
    }) : () -> ()
    %add3A_185 = arith.constant 64 : i32
    %add3A_186 = arith.addi %add3A_98, %add3A_185 : i32
    "tpu.region"() ({
      %run_scoped3A = tpu.sem_alloc : memref<!tpu.dma_semaphore, #tpu.memory_space<semaphore_mem>>
      %dma_start3A_219 = tpu.memref_slice %arg9[%add3A_186] : memref<20480xf32, #tpu.memory_space<hbm>> -> memref<64xf32, #tpu.memory_space<hbm>>
      %dma_start3A_220 = tpu.memref_slice %arg9[%add3A_186] : memref<20480xf32, #tpu.memory_space<hbm>> -> memref<64xf32, #tpu.memory_space<hbm>>
      tpu.enqueue_dma source(%arg17 : memref<64xf32, #tpu.memory_space<vmem>>) target(%dma_start3A_220 : memref<64xf32, #tpu.memory_space<hbm>>) target_semaphore(%run_scoped3A : memref<!tpu.dma_semaphore, #tpu.memory_space<semaphore_mem>>)
      %dma_wait3A_221 = tpu.memref_slice %arg9[%add3A_186] : memref<20480xf32, #tpu.memory_space<hbm>> -> memref<64xf32, #tpu.memory_space<hbm>>
      %dma_wait3A_222 = tpu.memref_slice %arg9[%add3A_186] : memref<20480xf32, #tpu.memory_space<hbm>> -> memref<64xf32, #tpu.memory_space<hbm>>
      tpu.wait_dma2 semaphore(%run_scoped3A : memref<!tpu.dma_semaphore, #tpu.memory_space<semaphore_mem>>) src(%arg17 : memref<64xf32, #tpu.memory_space<vmem>>) dst(%dma_wait3A_222 : memref<64xf32, #tpu.memory_space<hbm>>)
      tpu.yield
    }) : () -> ()
    %add3A_187 = arith.constant 128 : i32
    %add3A_188 = arith.addi %mul3A_2, %add3A_187 : i32
    "tpu.region"() ({
      %run_scoped3A = tpu.sem_alloc : memref<!tpu.dma_semaphore, #tpu.memory_space<semaphore_mem>>
      %dma_start3A_219 = tpu.memref_slice %arg19[%add3A_188] : memref<10240xf32, #tpu.memory_space<vmem_shared>> -> memref<64xf32, #tpu.memory_space<vmem_shared>>
      %dma_start3A_220 = tpu.memref_slice %arg19[%add3A_188] : memref<10240xf32, #tpu.memory_space<vmem_shared>> -> memref<64xf32, #tpu.memory_space<vmem_shared>>
      tpu.enqueue_dma source(%dma_start3A_220 : memref<64xf32, #tpu.memory_space<vmem_shared>>) target(%arg17 : memref<64xf32, #tpu.memory_space<vmem>>) target_semaphore(%run_scoped3A : memref<!tpu.dma_semaphore, #tpu.memory_space<semaphore_mem>>)
      %dma_wait3A_221 = tpu.memref_slice %arg19[%add3A_188] : memref<10240xf32, #tpu.memory_space<vmem_shared>> -> memref<64xf32, #tpu.memory_space<vmem_shared>>
      %dma_wait3A_222 = tpu.memref_slice %arg19[%add3A_188] : memref<10240xf32, #tpu.memory_space<vmem_shared>> -> memref<64xf32, #tpu.memory_space<vmem_shared>>
      tpu.wait_dma2 semaphore(%run_scoped3A : memref<!tpu.dma_semaphore, #tpu.memory_space<semaphore_mem>>) src(%dma_wait3A_222 : memref<64xf32, #tpu.memory_space<vmem_shared>>) dst(%arg17 : memref<64xf32, #tpu.memory_space<vmem>>)
      tpu.yield
    }) : () -> ()
    %add3A_189 = arith.constant 128 : i32
    %add3A_190 = arith.addi %add3A_98, %add3A_189 : i32
    "tpu.region"() ({
      %run_scoped3A = tpu.sem_alloc : memref<!tpu.dma_semaphore, #tpu.memory_space<semaphore_mem>>
      %dma_start3A_219 = tpu.memref_slice %arg9[%add3A_190] : memref<20480xf32, #tpu.memory_space<hbm>> -> memref<64xf32, #tpu.memory_space<hbm>>
      %dma_start3A_220 = tpu.memref_slice %arg9[%add3A_190] : memref<20480xf32, #tpu.memory_space<hbm>> -> memref<64xf32, #tpu.memory_space<hbm>>
      tpu.enqueue_dma source(%arg17 : memref<64xf32, #tpu.memory_space<vmem>>) target(%dma_start3A_220 : memref<64xf32, #tpu.memory_space<hbm>>) target_semaphore(%run_scoped3A : memref<!tpu.dma_semaphore, #tpu.memory_space<semaphore_mem>>)
      %dma_wait3A_221 = tpu.memref_slice %arg9[%add3A_190] : memref<20480xf32, #tpu.memory_space<hbm>> -> memref<64xf32, #tpu.memory_space<hbm>>
      %dma_wait3A_222 = tpu.memref_slice %arg9[%add3A_190] : memref<20480xf32, #tpu.memory_space<hbm>> -> memref<64xf32, #tpu.memory_space<hbm>>
      tpu.wait_dma2 semaphore(%run_scoped3A : memref<!tpu.dma_semaphore, #tpu.memory_space<semaphore_mem>>) src(%arg17 : memref<64xf32, #tpu.memory_space<vmem>>) dst(%dma_wait3A_222 : memref<64xf32, #tpu.memory_space<hbm>>)
      tpu.yield
    }) : () -> ()
    %add3A_191 = arith.constant 192 : i32
    %add3A_192 = arith.addi %mul3A_2, %add3A_191 : i32
    "tpu.region"() ({
      %run_scoped3A = tpu.sem_alloc : memref<!tpu.dma_semaphore, #tpu.memory_space<semaphore_mem>>
      %dma_start3A_219 = tpu.memref_slice %arg19[%add3A_192] : memref<10240xf32, #tpu.memory_space<vmem_shared>> -> memref<64xf32, #tpu.memory_space<vmem_shared>>
      %dma_start3A_220 = tpu.memref_slice %arg19[%add3A_192] : memref<10240xf32, #tpu.memory_space<vmem_shared>> -> memref<64xf32, #tpu.memory_space<vmem_shared>>
      tpu.enqueue_dma source(%dma_start3A_220 : memref<64xf32, #tpu.memory_space<vmem_shared>>) target(%arg17 : memref<64xf32, #tpu.memory_space<vmem>>) target_semaphore(%run_scoped3A : memref<!tpu.dma_semaphore, #tpu.memory_space<semaphore_mem>>)
      %dma_wait3A_221 = tpu.memref_slice %arg19[%add3A_192] : memref<10240xf32, #tpu.memory_space<vmem_shared>> -> memref<64xf32, #tpu.memory_space<vmem_shared>>
      %dma_wait3A_222 = tpu.memref_slice %arg19[%add3A_192] : memref<10240xf32, #tpu.memory_space<vmem_shared>> -> memref<64xf32, #tpu.memory_space<vmem_shared>>
      tpu.wait_dma2 semaphore(%run_scoped3A : memref<!tpu.dma_semaphore, #tpu.memory_space<semaphore_mem>>) src(%dma_wait3A_222 : memref<64xf32, #tpu.memory_space<vmem_shared>>) dst(%arg17 : memref<64xf32, #tpu.memory_space<vmem>>)
      tpu.yield
    }) : () -> ()
    %add3A_193 = arith.constant 192 : i32
    %add3A_194 = arith.addi %add3A_98, %add3A_193 : i32
    "tpu.region"() ({
      %run_scoped3A = tpu.sem_alloc : memref<!tpu.dma_semaphore, #tpu.memory_space<semaphore_mem>>
      %dma_start3A_219 = tpu.memref_slice %arg9[%add3A_194] : memref<20480xf32, #tpu.memory_space<hbm>> -> memref<64xf32, #tpu.memory_space<hbm>>
      %dma_start3A_220 = tpu.memref_slice %arg9[%add3A_194] : memref<20480xf32, #tpu.memory_space<hbm>> -> memref<64xf32, #tpu.memory_space<hbm>>
      tpu.enqueue_dma source(%arg17 : memref<64xf32, #tpu.memory_space<vmem>>) target(%dma_start3A_220 : memref<64xf32, #tpu.memory_space<hbm>>) target_semaphore(%run_scoped3A : memref<!tpu.dma_semaphore, #tpu.memory_space<semaphore_mem>>)
      %dma_wait3A_221 = tpu.memref_slice %arg9[%add3A_194] : memref<20480xf32, #tpu.memory_space<hbm>> -> memref<64xf32, #tpu.memory_space<hbm>>
      %dma_wait3A_222 = tpu.memref_slice %arg9[%add3A_194] : memref<20480xf32, #tpu.memory_space<hbm>> -> memref<64xf32, #tpu.memory_space<hbm>>
      tpu.wait_dma2 semaphore(%run_scoped3A : memref<!tpu.dma_semaphore, #tpu.memory_space<semaphore_mem>>) src(%arg17 : memref<64xf32, #tpu.memory_space<vmem>>) dst(%dma_wait3A_222 : memref<64xf32, #tpu.memory_space<hbm>>)
      tpu.yield
    }) : () -> ()
    %add3A_195 = arith.constant 256 : i32
    %add3A_196 = arith.addi %mul3A_2, %add3A_195 : i32
    "tpu.region"() ({
      %run_scoped3A = tpu.sem_alloc : memref<!tpu.dma_semaphore, #tpu.memory_space<semaphore_mem>>
      %dma_start3A_219 = tpu.memref_slice %arg19[%add3A_196] : memref<10240xf32, #tpu.memory_space<vmem_shared>> -> memref<64xf32, #tpu.memory_space<vmem_shared>>
      %dma_start3A_220 = tpu.memref_slice %arg19[%add3A_196] : memref<10240xf32, #tpu.memory_space<vmem_shared>> -> memref<64xf32, #tpu.memory_space<vmem_shared>>
      tpu.enqueue_dma source(%dma_start3A_220 : memref<64xf32, #tpu.memory_space<vmem_shared>>) target(%arg17 : memref<64xf32, #tpu.memory_space<vmem>>) target_semaphore(%run_scoped3A : memref<!tpu.dma_semaphore, #tpu.memory_space<semaphore_mem>>)
      %dma_wait3A_221 = tpu.memref_slice %arg19[%add3A_196] : memref<10240xf32, #tpu.memory_space<vmem_shared>> -> memref<64xf32, #tpu.memory_space<vmem_shared>>
      %dma_wait3A_222 = tpu.memref_slice %arg19[%add3A_196] : memref<10240xf32, #tpu.memory_space<vmem_shared>> -> memref<64xf32, #tpu.memory_space<vmem_shared>>
      tpu.wait_dma2 semaphore(%run_scoped3A : memref<!tpu.dma_semaphore, #tpu.memory_space<semaphore_mem>>) src(%dma_wait3A_222 : memref<64xf32, #tpu.memory_space<vmem_shared>>) dst(%arg17 : memref<64xf32, #tpu.memory_space<vmem>>)
      tpu.yield
    }) : () -> ()
    %add3A_197 = arith.constant 256 : i32
    %add3A_198 = arith.addi %add3A_98, %add3A_197 : i32
    "tpu.region"() ({
      %run_scoped3A = tpu.sem_alloc : memref<!tpu.dma_semaphore, #tpu.memory_space<semaphore_mem>>
      %dma_start3A_219 = tpu.memref_slice %arg9[%add3A_198] : memref<20480xf32, #tpu.memory_space<hbm>> -> memref<64xf32, #tpu.memory_space<hbm>>
      %dma_start3A_220 = tpu.memref_slice %arg9[%add3A_198] : memref<20480xf32, #tpu.memory_space<hbm>> -> memref<64xf32, #tpu.memory_space<hbm>>
      tpu.enqueue_dma source(%arg17 : memref<64xf32, #tpu.memory_space<vmem>>) target(%dma_start3A_220 : memref<64xf32, #tpu.memory_space<hbm>>) target_semaphore(%run_scoped3A : memref<!tpu.dma_semaphore, #tpu.memory_space<semaphore_mem>>)
      %dma_wait3A_221 = tpu.memref_slice %arg9[%add3A_198] : memref<20480xf32, #tpu.memory_space<hbm>> -> memref<64xf32, #tpu.memory_space<hbm>>
      %dma_wait3A_222 = tpu.memref_slice %arg9[%add3A_198] : memref<20480xf32, #tpu.memory_space<hbm>> -> memref<64xf32, #tpu.memory_space<hbm>>
      tpu.wait_dma2 semaphore(%run_scoped3A : memref<!tpu.dma_semaphore, #tpu.memory_space<semaphore_mem>>) src(%arg17 : memref<64xf32, #tpu.memory_space<vmem>>) dst(%dma_wait3A_222 : memref<64xf32, #tpu.memory_space<hbm>>)
      tpu.yield
    }) : () -> ()
    %add3A_199 = arith.constant 320 : i32
    %add3A_200 = arith.addi %mul3A_2, %add3A_199 : i32
    "tpu.region"() ({
      %run_scoped3A = tpu.sem_alloc : memref<!tpu.dma_semaphore, #tpu.memory_space<semaphore_mem>>
      %dma_start3A_219 = tpu.memref_slice %arg19[%add3A_200] : memref<10240xf32, #tpu.memory_space<vmem_shared>> -> memref<64xf32, #tpu.memory_space<vmem_shared>>
      %dma_start3A_220 = tpu.memref_slice %arg19[%add3A_200] : memref<10240xf32, #tpu.memory_space<vmem_shared>> -> memref<64xf32, #tpu.memory_space<vmem_shared>>
      tpu.enqueue_dma source(%dma_start3A_220 : memref<64xf32, #tpu.memory_space<vmem_shared>>) target(%arg17 : memref<64xf32, #tpu.memory_space<vmem>>) target_semaphore(%run_scoped3A : memref<!tpu.dma_semaphore, #tpu.memory_space<semaphore_mem>>)
      %dma_wait3A_221 = tpu.memref_slice %arg19[%add3A_200] : memref<10240xf32, #tpu.memory_space<vmem_shared>> -> memref<64xf32, #tpu.memory_space<vmem_shared>>
      %dma_wait3A_222 = tpu.memref_slice %arg19[%add3A_200] : memref<10240xf32, #tpu.memory_space<vmem_shared>> -> memref<64xf32, #tpu.memory_space<vmem_shared>>
      tpu.wait_dma2 semaphore(%run_scoped3A : memref<!tpu.dma_semaphore, #tpu.memory_space<semaphore_mem>>) src(%dma_wait3A_222 : memref<64xf32, #tpu.memory_space<vmem_shared>>) dst(%arg17 : memref<64xf32, #tpu.memory_space<vmem>>)
      tpu.yield
    }) : () -> ()
    %add3A_201 = arith.constant 320 : i32
    %add3A_202 = arith.addi %add3A_98, %add3A_201 : i32
    "tpu.region"() ({
      %run_scoped3A = tpu.sem_alloc : memref<!tpu.dma_semaphore, #tpu.memory_space<semaphore_mem>>
      %dma_start3A_219 = tpu.memref_slice %arg9[%add3A_202] : memref<20480xf32, #tpu.memory_space<hbm>> -> memref<64xf32, #tpu.memory_space<hbm>>
      %dma_start3A_220 = tpu.memref_slice %arg9[%add3A_202] : memref<20480xf32, #tpu.memory_space<hbm>> -> memref<64xf32, #tpu.memory_space<hbm>>
      tpu.enqueue_dma source(%arg17 : memref<64xf32, #tpu.memory_space<vmem>>) target(%dma_start3A_220 : memref<64xf32, #tpu.memory_space<hbm>>) target_semaphore(%run_scoped3A : memref<!tpu.dma_semaphore, #tpu.memory_space<semaphore_mem>>)
      %dma_wait3A_221 = tpu.memref_slice %arg9[%add3A_202] : memref<20480xf32, #tpu.memory_space<hbm>> -> memref<64xf32, #tpu.memory_space<hbm>>
      %dma_wait3A_222 = tpu.memref_slice %arg9[%add3A_202] : memref<20480xf32, #tpu.memory_space<hbm>> -> memref<64xf32, #tpu.memory_space<hbm>>
      tpu.wait_dma2 semaphore(%run_scoped3A : memref<!tpu.dma_semaphore, #tpu.memory_space<semaphore_mem>>) src(%arg17 : memref<64xf32, #tpu.memory_space<vmem>>) dst(%dma_wait3A_222 : memref<64xf32, #tpu.memory_space<hbm>>)
      tpu.yield
    }) : () -> ()
    %add3A_203 = arith.constant 384 : i32
    %add3A_204 = arith.addi %mul3A_2, %add3A_203 : i32
    "tpu.region"() ({
      %run_scoped3A = tpu.sem_alloc : memref<!tpu.dma_semaphore, #tpu.memory_space<semaphore_mem>>
      %dma_start3A_219 = tpu.memref_slice %arg19[%add3A_204] : memref<10240xf32, #tpu.memory_space<vmem_shared>> -> memref<64xf32, #tpu.memory_space<vmem_shared>>
      %dma_start3A_220 = tpu.memref_slice %arg19[%add3A_204] : memref<10240xf32, #tpu.memory_space<vmem_shared>> -> memref<64xf32, #tpu.memory_space<vmem_shared>>
      tpu.enqueue_dma source(%dma_start3A_220 : memref<64xf32, #tpu.memory_space<vmem_shared>>) target(%arg17 : memref<64xf32, #tpu.memory_space<vmem>>) target_semaphore(%run_scoped3A : memref<!tpu.dma_semaphore, #tpu.memory_space<semaphore_mem>>)
      %dma_wait3A_221 = tpu.memref_slice %arg19[%add3A_204] : memref<10240xf32, #tpu.memory_space<vmem_shared>> -> memref<64xf32, #tpu.memory_space<vmem_shared>>
      %dma_wait3A_222 = tpu.memref_slice %arg19[%add3A_204] : memref<10240xf32, #tpu.memory_space<vmem_shared>> -> memref<64xf32, #tpu.memory_space<vmem_shared>>
      tpu.wait_dma2 semaphore(%run_scoped3A : memref<!tpu.dma_semaphore, #tpu.memory_space<semaphore_mem>>) src(%dma_wait3A_222 : memref<64xf32, #tpu.memory_space<vmem_shared>>) dst(%arg17 : memref<64xf32, #tpu.memory_space<vmem>>)
      tpu.yield
    }) : () -> ()
    %add3A_205 = arith.constant 384 : i32
    %add3A_206 = arith.addi %add3A_98, %add3A_205 : i32
    "tpu.region"() ({
      %run_scoped3A = tpu.sem_alloc : memref<!tpu.dma_semaphore, #tpu.memory_space<semaphore_mem>>
      %dma_start3A_219 = tpu.memref_slice %arg9[%add3A_206] : memref<20480xf32, #tpu.memory_space<hbm>> -> memref<64xf32, #tpu.memory_space<hbm>>
      %dma_start3A_220 = tpu.memref_slice %arg9[%add3A_206] : memref<20480xf32, #tpu.memory_space<hbm>> -> memref<64xf32, #tpu.memory_space<hbm>>
      tpu.enqueue_dma source(%arg17 : memref<64xf32, #tpu.memory_space<vmem>>) target(%dma_start3A_220 : memref<64xf32, #tpu.memory_space<hbm>>) target_semaphore(%run_scoped3A : memref<!tpu.dma_semaphore, #tpu.memory_space<semaphore_mem>>)
      %dma_wait3A_221 = tpu.memref_slice %arg9[%add3A_206] : memref<20480xf32, #tpu.memory_space<hbm>> -> memref<64xf32, #tpu.memory_space<hbm>>
      %dma_wait3A_222 = tpu.memref_slice %arg9[%add3A_206] : memref<20480xf32, #tpu.memory_space<hbm>> -> memref<64xf32, #tpu.memory_space<hbm>>
      tpu.wait_dma2 semaphore(%run_scoped3A : memref<!tpu.dma_semaphore, #tpu.memory_space<semaphore_mem>>) src(%arg17 : memref<64xf32, #tpu.memory_space<vmem>>) dst(%dma_wait3A_222 : memref<64xf32, #tpu.memory_space<hbm>>)
      tpu.yield
    }) : () -> ()
    %add3A_207 = arith.constant 448 : i32
    %add3A_208 = arith.addi %mul3A_2, %add3A_207 : i32
    "tpu.region"() ({
      %run_scoped3A = tpu.sem_alloc : memref<!tpu.dma_semaphore, #tpu.memory_space<semaphore_mem>>
      %dma_start3A_219 = tpu.memref_slice %arg19[%add3A_208] : memref<10240xf32, #tpu.memory_space<vmem_shared>> -> memref<64xf32, #tpu.memory_space<vmem_shared>>
      %dma_start3A_220 = tpu.memref_slice %arg19[%add3A_208] : memref<10240xf32, #tpu.memory_space<vmem_shared>> -> memref<64xf32, #tpu.memory_space<vmem_shared>>
      tpu.enqueue_dma source(%dma_start3A_220 : memref<64xf32, #tpu.memory_space<vmem_shared>>) target(%arg17 : memref<64xf32, #tpu.memory_space<vmem>>) target_semaphore(%run_scoped3A : memref<!tpu.dma_semaphore, #tpu.memory_space<semaphore_mem>>)
      %dma_wait3A_221 = tpu.memref_slice %arg19[%add3A_208] : memref<10240xf32, #tpu.memory_space<vmem_shared>> -> memref<64xf32, #tpu.memory_space<vmem_shared>>
      %dma_wait3A_222 = tpu.memref_slice %arg19[%add3A_208] : memref<10240xf32, #tpu.memory_space<vmem_shared>> -> memref<64xf32, #tpu.memory_space<vmem_shared>>
      tpu.wait_dma2 semaphore(%run_scoped3A : memref<!tpu.dma_semaphore, #tpu.memory_space<semaphore_mem>>) src(%dma_wait3A_222 : memref<64xf32, #tpu.memory_space<vmem_shared>>) dst(%arg17 : memref<64xf32, #tpu.memory_space<vmem>>)
      tpu.yield
    }) : () -> ()
    %add3A_209 = arith.constant 448 : i32
    %add3A_210 = arith.addi %add3A_98, %add3A_209 : i32
    "tpu.region"() ({
      %run_scoped3A = tpu.sem_alloc : memref<!tpu.dma_semaphore, #tpu.memory_space<semaphore_mem>>
      %dma_start3A_219 = tpu.memref_slice %arg9[%add3A_210] : memref<20480xf32, #tpu.memory_space<hbm>> -> memref<64xf32, #tpu.memory_space<hbm>>
      %dma_start3A_220 = tpu.memref_slice %arg9[%add3A_210] : memref<20480xf32, #tpu.memory_space<hbm>> -> memref<64xf32, #tpu.memory_space<hbm>>
      tpu.enqueue_dma source(%arg17 : memref<64xf32, #tpu.memory_space<vmem>>) target(%dma_start3A_220 : memref<64xf32, #tpu.memory_space<hbm>>) target_semaphore(%run_scoped3A : memref<!tpu.dma_semaphore, #tpu.memory_space<semaphore_mem>>)
      %dma_wait3A_221 = tpu.memref_slice %arg9[%add3A_210] : memref<20480xf32, #tpu.memory_space<hbm>> -> memref<64xf32, #tpu.memory_space<hbm>>
      %dma_wait3A_222 = tpu.memref_slice %arg9[%add3A_210] : memref<20480xf32, #tpu.memory_space<hbm>> -> memref<64xf32, #tpu.memory_space<hbm>>
      tpu.wait_dma2 semaphore(%run_scoped3A : memref<!tpu.dma_semaphore, #tpu.memory_space<semaphore_mem>>) src(%arg17 : memref<64xf32, #tpu.memory_space<vmem>>) dst(%dma_wait3A_222 : memref<64xf32, #tpu.memory_space<hbm>>)
      tpu.yield
    }) : () -> ()
    %add3A_211 = arith.constant 512 : i32
    %add3A_212 = arith.addi %mul3A_2, %add3A_211 : i32
    "tpu.region"() ({
      %run_scoped3A = tpu.sem_alloc : memref<!tpu.dma_semaphore, #tpu.memory_space<semaphore_mem>>
      %dma_start3A_219 = tpu.memref_slice %arg19[%add3A_212] : memref<10240xf32, #tpu.memory_space<vmem_shared>> -> memref<64xf32, #tpu.memory_space<vmem_shared>>
      %dma_start3A_220 = tpu.memref_slice %arg19[%add3A_212] : memref<10240xf32, #tpu.memory_space<vmem_shared>> -> memref<64xf32, #tpu.memory_space<vmem_shared>>
      tpu.enqueue_dma source(%dma_start3A_220 : memref<64xf32, #tpu.memory_space<vmem_shared>>) target(%arg17 : memref<64xf32, #tpu.memory_space<vmem>>) target_semaphore(%run_scoped3A : memref<!tpu.dma_semaphore, #tpu.memory_space<semaphore_mem>>)
      %dma_wait3A_221 = tpu.memref_slice %arg19[%add3A_212] : memref<10240xf32, #tpu.memory_space<vmem_shared>> -> memref<64xf32, #tpu.memory_space<vmem_shared>>
      %dma_wait3A_222 = tpu.memref_slice %arg19[%add3A_212] : memref<10240xf32, #tpu.memory_space<vmem_shared>> -> memref<64xf32, #tpu.memory_space<vmem_shared>>
      tpu.wait_dma2 semaphore(%run_scoped3A : memref<!tpu.dma_semaphore, #tpu.memory_space<semaphore_mem>>) src(%dma_wait3A_222 : memref<64xf32, #tpu.memory_space<vmem_shared>>) dst(%arg17 : memref<64xf32, #tpu.memory_space<vmem>>)
      tpu.yield
    }) : () -> ()
    %add3A_213 = arith.constant 512 : i32
    %add3A_214 = arith.addi %add3A_98, %add3A_213 : i32
    "tpu.region"() ({
      %run_scoped3A = tpu.sem_alloc : memref<!tpu.dma_semaphore, #tpu.memory_space<semaphore_mem>>
      %dma_start3A_219 = tpu.memref_slice %arg9[%add3A_214] : memref<20480xf32, #tpu.memory_space<hbm>> -> memref<64xf32, #tpu.memory_space<hbm>>
      %dma_start3A_220 = tpu.memref_slice %arg9[%add3A_214] : memref<20480xf32, #tpu.memory_space<hbm>> -> memref<64xf32, #tpu.memory_space<hbm>>
      tpu.enqueue_dma source(%arg17 : memref<64xf32, #tpu.memory_space<vmem>>) target(%dma_start3A_220 : memref<64xf32, #tpu.memory_space<hbm>>) target_semaphore(%run_scoped3A : memref<!tpu.dma_semaphore, #tpu.memory_space<semaphore_mem>>)
      %dma_wait3A_221 = tpu.memref_slice %arg9[%add3A_214] : memref<20480xf32, #tpu.memory_space<hbm>> -> memref<64xf32, #tpu.memory_space<hbm>>
      %dma_wait3A_222 = tpu.memref_slice %arg9[%add3A_214] : memref<20480xf32, #tpu.memory_space<hbm>> -> memref<64xf32, #tpu.memory_space<hbm>>
      tpu.wait_dma2 semaphore(%run_scoped3A : memref<!tpu.dma_semaphore, #tpu.memory_space<semaphore_mem>>) src(%arg17 : memref<64xf32, #tpu.memory_space<vmem>>) dst(%dma_wait3A_222 : memref<64xf32, #tpu.memory_space<hbm>>)
      tpu.yield
    }) : () -> ()
    %add3A_215 = arith.constant 576 : i32
    %add3A_216 = arith.addi %mul3A_2, %add3A_215 : i32
    "tpu.region"() ({
      %run_scoped3A = tpu.sem_alloc : memref<!tpu.dma_semaphore, #tpu.memory_space<semaphore_mem>>
      %dma_start3A_219 = tpu.memref_slice %arg19[%add3A_216] : memref<10240xf32, #tpu.memory_space<vmem_shared>> -> memref<64xf32, #tpu.memory_space<vmem_shared>>
      %dma_start3A_220 = tpu.memref_slice %arg19[%add3A_216] : memref<10240xf32, #tpu.memory_space<vmem_shared>> -> memref<64xf32, #tpu.memory_space<vmem_shared>>
      tpu.enqueue_dma source(%dma_start3A_220 : memref<64xf32, #tpu.memory_space<vmem_shared>>) target(%arg17 : memref<64xf32, #tpu.memory_space<vmem>>) target_semaphore(%run_scoped3A : memref<!tpu.dma_semaphore, #tpu.memory_space<semaphore_mem>>)
      %dma_wait3A_221 = tpu.memref_slice %arg19[%add3A_216] : memref<10240xf32, #tpu.memory_space<vmem_shared>> -> memref<64xf32, #tpu.memory_space<vmem_shared>>
      %dma_wait3A_222 = tpu.memref_slice %arg19[%add3A_216] : memref<10240xf32, #tpu.memory_space<vmem_shared>> -> memref<64xf32, #tpu.memory_space<vmem_shared>>
      tpu.wait_dma2 semaphore(%run_scoped3A : memref<!tpu.dma_semaphore, #tpu.memory_space<semaphore_mem>>) src(%dma_wait3A_222 : memref<64xf32, #tpu.memory_space<vmem_shared>>) dst(%arg17 : memref<64xf32, #tpu.memory_space<vmem>>)
      tpu.yield
    }) : () -> ()
    %add3A_217 = arith.constant 576 : i32
    %add3A_218 = arith.addi %add3A_98, %add3A_217 : i32
    "tpu.region"() ({
      %run_scoped3A = tpu.sem_alloc : memref<!tpu.dma_semaphore, #tpu.memory_space<semaphore_mem>>
      %dma_start3A_219 = tpu.memref_slice %arg9[%add3A_218] : memref<20480xf32, #tpu.memory_space<hbm>> -> memref<64xf32, #tpu.memory_space<hbm>>
      %dma_start3A_220 = tpu.memref_slice %arg9[%add3A_218] : memref<20480xf32, #tpu.memory_space<hbm>> -> memref<64xf32, #tpu.memory_space<hbm>>
      tpu.enqueue_dma source(%arg17 : memref<64xf32, #tpu.memory_space<vmem>>) target(%dma_start3A_220 : memref<64xf32, #tpu.memory_space<hbm>>) target_semaphore(%run_scoped3A : memref<!tpu.dma_semaphore, #tpu.memory_space<semaphore_mem>>)
      %dma_wait3A_221 = tpu.memref_slice %arg9[%add3A_218] : memref<20480xf32, #tpu.memory_space<hbm>> -> memref<64xf32, #tpu.memory_space<hbm>>
      %dma_wait3A_222 = tpu.memref_slice %arg9[%add3A_218] : memref<20480xf32, #tpu.memory_space<hbm>> -> memref<64xf32, #tpu.memory_space<hbm>>
      tpu.wait_dma2 semaphore(%run_scoped3A : memref<!tpu.dma_semaphore, #tpu.memory_space<semaphore_mem>>) src(%arg17 : memref<64xf32, #tpu.memory_space<vmem>>) dst(%dma_wait3A_222 : memref<64xf32, #tpu.memory_space<hbm>>)
      tpu.yield
    }) : () -> ()
    return
  }
}

module attributes {stable_mosaic.version = 14 : i64} {
  func.func @_tc_block_body(%arg0: i32, %arg1: memref<2x1000x128xf32, #tpu.memory_space<vmem>>, %arg2: memref<2x1000x1xf32, #tpu.memory_space<vmem>>, %arg3: memref<1000x128xf32, #tpu.memory_space<vmem>>, %arg4: memref<128x128xf32, #tpu.memory_space<vmem>>, %arg5: memref<128x128xf32, #tpu.memory_space<vmem>>, %arg6: memref<1x128xf32, #tpu.memory_space<vmem>>, %arg7: memref<1x128xf32, #tpu.memory_space<vmem>>, %arg8: memref<1x128xf32, #tpu.memory_space<vmem>>, %arg9: memref<1000x128xf32, #tpu.memory_space<vmem>>) attributes {dimension_semantics = [#tpu.dimension_semantics<arbitrary>], iteration_bounds = array<i64: 10>, scalar_prefetch = 0 : i64, scratch_operands = 0 : i64, tpu.core_type = #tpu.core_type<tc>, window_params = [{transform_indices = @transform_0, window_bounds = array<i64: 2, 1000, 128>}, {transform_indices = @transform_1, window_bounds = array<i64: 2, 1000, 1>}, {transform_indices = @transform_2, window_bounds = array<i64: 1000, 128>}, {pipeline_mode = #tpu.pipeline_mode<synchronous>, transform_indices = @transform_3, window_bounds = array<i64: 128, 128>}, {pipeline_mode = #tpu.pipeline_mode<synchronous>, transform_indices = @transform_4, window_bounds = array<i64: 128, 128>}, {pipeline_mode = #tpu.pipeline_mode<synchronous>, transform_indices = @transform_5, window_bounds = array<i64: 1, 128>}, {pipeline_mode = #tpu.pipeline_mode<synchronous>, transform_indices = @transform_6, window_bounds = array<i64: 1, 128>}, {pipeline_mode = #tpu.pipeline_mode<synchronous>, transform_indices = @transform_7, window_bounds = array<i64: 1, 128>}, {transform_indices = @transform_8, window_bounds = array<i64: 1000, 128>}]} {
    %get3A = arith.constant 0 : index
    %get3A_0 = arith.constant 0 : index
    %get3A_1 = arith.constant 0 : index
    %get3A_2 = vector.load %arg1[%get3A, %get3A_0, %get3A_1] : memref<2x1000x128xf32, #tpu.memory_space<vmem>>, vector<1x1000x128xf32>
    %get3A_3 = vector.shape_cast %get3A_2 : vector<1x1000x128xf32> to vector<1000x128xf32>
    %get3A_4 = arith.constant 1 : index
    %get3A_5 = arith.constant 0 : index
    %get3A_6 = arith.constant 0 : index
    %get3A_7 = vector.load %arg1[%get3A_4, %get3A_5, %get3A_6] : memref<2x1000x128xf32, #tpu.memory_space<vmem>>, vector<1x1000x128xf32>
    %get3A_8 = vector.shape_cast %get3A_7 : vector<1x1000x128xf32> to vector<1000x128xf32>
    %add3A = arith.addf %get3A_3, %get3A_8 : vector<1000x128xf32>
    %get3A_9 = arith.constant 0 : index
    %get3A_10 = arith.constant 0 : index
    %get3A_11 = arith.constant 0 : index
    %get3A_12 = vector.load %arg2[%get3A_9, %get3A_10, %get3A_11] : memref<2x1000x1xf32, #tpu.memory_space<vmem>>, vector<1x1000x1xf32>
    %get3A_13 = vector.shape_cast %get3A_12 : vector<1x1000x1xf32> to vector<1000x1xf32>
    %get3A_14 = arith.constant 1 : index
    %get3A_15 = arith.constant 0 : index
    %get3A_16 = arith.constant 0 : index
    %get3A_17 = vector.load %arg2[%get3A_14, %get3A_15, %get3A_16] : memref<2x1000x1xf32, #tpu.memory_space<vmem>>, vector<1x1000x1xf32>
    %get3A_18 = vector.shape_cast %get3A_17 : vector<1x1000x1xf32> to vector<1000x1xf32>
    %add3A_19 = arith.addf %get3A_13, %get3A_18 : vector<1000x1xf32>
    %max3A = arith.constant 1.000000e+00 : f32
    %max3A_20 = vector.broadcast %max3A : f32 to vector<1000x1xf32>
    %max3A_21 = arith.maximumf %add3A_19, %max3A_20 : vector<1000x1xf32>
    %div3A = arith.constant 1.000000e+00 : f32
    %div3A_22 = vector.broadcast %div3A : f32 to vector<1000x1xf32>
    %div3A_23 = arith.divf %div3A_22, %max3A_21 : vector<1000x1xf32>
    %mul3A = vector.broadcast %div3A_23 : vector<1000x1xf32> to vector<1000x128xf32>
    %mul3A_24 = arith.mulf %add3A, %mul3A : vector<1000x128xf32>
    %get3A_25 = arith.constant 0 : index
    %get3A_26 = arith.constant 0 : index
    %get3A_27 = vector.load %arg3[%get3A_25, %get3A_26] : memref<1000x128xf32, #tpu.memory_space<vmem>>, vector<1000x128xf32>
    %get3A_28 = arith.constant 0 : index
    %get3A_29 = arith.constant 0 : index
    %get3A_30 = vector.load %arg4[%get3A_28, %get3A_29] : memref<128x128xf32, #tpu.memory_space<vmem>>, vector<128x128xf32>
    %dot_general3A = arith.constant dense<0.000000e+00> : vector<1000x128xf32>
    %dot_general3A_31 = tpu.matmul %mul3A_24, %get3A_30, %dot_general3A {dimension_numbers = #tpu.dot_dimension_numbers<[1], [0], [0], [1], [0, 0, 1, 1], [], []>, transpose_lhs_hint = false} : vector<1000x128xf32>, vector<128x128xf32>, vector<1000x128xf32> -> vector<1000x128xf32>
    %get3A_32 = arith.constant 0 : index
    %get3A_33 = arith.constant 0 : index
    %get3A_34 = vector.load %arg5[%get3A_32, %get3A_33] : memref<128x128xf32, #tpu.memory_space<vmem>>, vector<128x128xf32>
    %dot_general3A_35 = arith.constant dense<0.000000e+00> : vector<1000x128xf32>
    %dot_general3A_36 = tpu.matmul %get3A_27, %get3A_34, %dot_general3A_35 {dimension_numbers = #tpu.dot_dimension_numbers<[1], [0], [0], [1], [0, 0, 1, 1], [], []>, transpose_lhs_hint = false} : vector<1000x128xf32>, vector<128x128xf32>, vector<1000x128xf32> -> vector<1000x128xf32>
    %add3A_37 = arith.addf %dot_general3A_31, %dot_general3A_36 : vector<1000x128xf32>
    %get3A_38 = arith.constant 0 : index
    %get3A_39 = arith.constant 0 : index
    %get3A_40 = vector.load %arg6[%get3A_38, %get3A_39] : memref<1x128xf32, #tpu.memory_space<vmem>>, vector<1x128xf32>
    %add3A_41 = vector.broadcast %get3A_40 : vector<1x128xf32> to vector<1000x128xf32>
    %add3A_42 = arith.addf %add3A_37, %add3A_41 : vector<1000x128xf32>
    %mul3A_43 = arith.constant 5.000000e-01 : f32
    %mul3A_44 = vector.broadcast %mul3A_43 : f32 to vector<1000x128xf32>
    %mul3A_45 = arith.mulf %mul3A_44, %add3A_42 : vector<1000x128xf32>
    %mul3A_46 = arith.constant 0.707106769 : f32
    %mul3A_47 = vector.broadcast %mul3A_46 : f32 to vector<1000x128xf32>
    %mul3A_48 = arith.mulf %add3A_42, %mul3A_47 : vector<1000x128xf32>
    %erf3A = math.erf %mul3A_48 : vector<1000x128xf32>
    %add3A_49 = arith.constant 1.000000e+00 : f32
    %add3A_50 = vector.broadcast %add3A_49 : f32 to vector<1000x128xf32>
    %add3A_51 = arith.addf %add3A_50, %erf3A : vector<1000x128xf32>
    %mul3A_52 = arith.mulf %mul3A_45, %add3A_51 : vector<1000x128xf32>
    %reduce_sum3A = arith.constant dense<0.000000e+00> : vector<1000xf32>
    %reduce_sum3A_53 = vector.multi_reduction <add>, %mul3A_52, %reduce_sum3A [1] : vector<1000x128xf32> to vector<1000xf32>
    %broadcast_in_dim3A = vector.shape_cast %reduce_sum3A_53 : vector<1000xf32> to vector<1000x1xf32>
    %div3A_54 = arith.constant 1.280000e+02 : f32
    %div3A_55 = vector.broadcast %div3A_54 : f32 to vector<1000x1xf32>
    %div3A_56 = arith.divf %broadcast_in_dim3A, %div3A_55 : vector<1000x1xf32>
    %sub3A = vector.broadcast %div3A_56 : vector<1000x1xf32> to vector<1000x128xf32>
    %sub3A_57 = arith.subf %mul3A_52, %sub3A : vector<1000x128xf32>
    %mul3A_58 = arith.mulf %sub3A_57, %sub3A_57 : vector<1000x128xf32>
    %reduce_sum3A_59 = arith.constant dense<0.000000e+00> : vector<1000xf32>
    %reduce_sum3A_60 = vector.multi_reduction <add>, %mul3A_58, %reduce_sum3A_59 [1] : vector<1000x128xf32> to vector<1000xf32>
    %broadcast_in_dim3A_61 = vector.shape_cast %reduce_sum3A_60 : vector<1000xf32> to vector<1000x1xf32>
    %div3A_62 = arith.constant 1.280000e+02 : f32
    %div3A_63 = vector.broadcast %div3A_62 : f32 to vector<1000x1xf32>
    %div3A_64 = arith.divf %broadcast_in_dim3A_61, %div3A_63 : vector<1000x1xf32>
    %add3A_65 = arith.constant 9.99999974E-6 : f32
    %add3A_66 = vector.broadcast %add3A_65 : f32 to vector<1000x1xf32>
    %add3A_67 = arith.addf %div3A_64, %add3A_66 : vector<1000x1xf32>
    %rsqrt3A = math.rsqrt %add3A_67 : vector<1000x1xf32>
    %mul3A_68 = vector.broadcast %rsqrt3A : vector<1000x1xf32> to vector<1000x128xf32>
    %mul3A_69 = arith.mulf %sub3A_57, %mul3A_68 : vector<1000x128xf32>
    %get3A_70 = arith.constant 0 : index
    %get3A_71 = arith.constant 0 : index
    %get3A_72 = vector.load %arg7[%get3A_70, %get3A_71] : memref<1x128xf32, #tpu.memory_space<vmem>>, vector<1x128xf32>
    %mul3A_73 = vector.broadcast %get3A_72 : vector<1x128xf32> to vector<1000x128xf32>
    %mul3A_74 = arith.mulf %mul3A_69, %mul3A_73 : vector<1000x128xf32>
    %get3A_75 = arith.constant 0 : index
    %get3A_76 = arith.constant 0 : index
    %get3A_77 = vector.load %arg8[%get3A_75, %get3A_76] : memref<1x128xf32, #tpu.memory_space<vmem>>, vector<1x128xf32>
    %add3A_78 = vector.broadcast %get3A_77 : vector<1x128xf32> to vector<1000x128xf32>
    %add3A_79 = arith.addf %mul3A_74, %add3A_78 : vector<1000x128xf32>
    %add3A_80 = arith.addf %add3A_79, %get3A_27 : vector<1000x128xf32>
    %swap3A = arith.constant 0 : index
    %swap3A_81 = arith.constant 0 : index
    %swap3A_82 = vector.load %arg9[%swap3A, %swap3A_81] : memref<1000x128xf32, #tpu.memory_space<vmem>>, vector<1000x128xf32>
    tpu.vector_store %arg9[%swap3A, %swap3A_81], %add3A_80 {strides = array<i32>} : memref<1000x128xf32, #tpu.memory_space<vmem>>, vector<1000x128xf32>,
    return
  }
  func.func @transform_0(%arg0: i32) -> (i32, i32, i32) {
    %c0_i32 = arith.constant 0 : i32
    %c0_i32_0 = arith.constant 0 : i32
    %c0_i32_1 = arith.constant 0 : i32
    return %c0_i32, %arg0, %c0_i32_0 : i32, i32, i32
  }
  func.func @transform_1(%arg0: i32) -> (i32, i32, i32) {
    %c0_i32 = arith.constant 0 : i32
    %c0_i32_0 = arith.constant 0 : i32
    %c0_i32_1 = arith.constant 0 : i32
    return %c0_i32, %arg0, %c0_i32_0 : i32, i32, i32
  }
  func.func @transform_2(%arg0: i32) -> (i32, i32) {
    %c0_i32 = arith.constant 0 : i32
    %c0_i32_0 = arith.constant 0 : i32
    return %arg0, %c0_i32 : i32, i32
  }
  func.func @transform_3(%arg0: i32) -> (i32, i32) {
    %c0_i32 = arith.constant 0 : i32
    %c0_i32_0 = arith.constant 0 : i32
    %c0_i32_1 = arith.constant 0 : i32
    return %c0_i32, %c0_i32_0 : i32, i32
  }
  func.func @transform_4(%arg0: i32) -> (i32, i32) {
    %c0_i32 = arith.constant 0 : i32
    %c0_i32_0 = arith.constant 0 : i32
    %c0_i32_1 = arith.constant 0 : i32
    return %c0_i32, %c0_i32_0 : i32, i32
  }
  func.func @transform_5(%arg0: i32) -> (i32, i32) {
    %c0_i32 = arith.constant 0 : i32
    %c0_i32_0 = arith.constant 0 : i32
    %c0_i32_1 = arith.constant 0 : i32
    return %c0_i32, %c0_i32_0 : i32, i32
  }
  func.func @transform_6(%arg0: i32) -> (i32, i32) {
    %c0_i32 = arith.constant 0 : i32
    %c0_i32_0 = arith.constant 0 : i32
    %c0_i32_1 = arith.constant 0 : i32
    return %c0_i32, %c0_i32_0 : i32, i32
  }
  func.func @transform_7(%arg0: i32) -> (i32, i32) {
    %c0_i32 = arith.constant 0 : i32
    %c0_i32_0 = arith.constant 0 : i32
    %c0_i32_1 = arith.constant 0 : i32
    return %c0_i32, %c0_i32_0 : i32, i32
  }
  func.func @transform_8(%arg0: i32) -> (i32, i32) {
    %c0_i32 = arith.constant 0 : i32
    %c0_i32_0 = arith.constant 0 : i32
    return %arg0, %c0_i32 : i32, i32
  }
}

</mosaic_0001>

<sc_bundles>
// kernel: kernel.4.cloned.1.call-start
scs
__scs_entry_jumppad:
0x0: {  	(pc) =	sbr.rel $0x88, $3  }
0x1: {  	(tag) =	ssettag $0x0;
	lr =	simm.s32 $0x1  }
0x2: {  	[smem:$0x3F9A] =	sst lr;
	_ =	strace $0xD0000000  }
0x3: {  	_ = 	snop  }
0x4: {  	_ = 	snop  }
0x5: {  	_ = 	snop  }
0x6: {  	_ = 	snop  }
0x7: {  	_ = 	snop  }
__scs_overlays_trampoline_lowered:
0x8: {  	[smem:$0x3FA9] =	sst s0  }
0x9: {  	[smem:$0x3FAA] =	sst s1  }
0xa: {  	[smem:$0x3FAB] =	sst s2  }
0xb: {  	[smem:$0x3FAC] =	sst s3  }
0xc: {  	[smem:$0x3FAD] =	sst s4  }
0xd: {  	[smem:$0x3FAE] =	sst s5  }
0xe: {  	[smem:$0x3FAF] =	sst s6  }
0xf: {  	[smem:$0x3FB0] =	sst s7  }
0x10: {  	[smem:$0x3FB1] =	sst s8  }
0x11: {  	[smem:$0x3FB2] =	sst s9;
	s0 =	simm.s32 @!p0 $0x0  }
0x12: {  	s1 =	sld [smem:$0x3F98];
	s0 =	simm.s32 @p0 $0x1  }
0x13: {  	[smem:$0x3FB3] =	sst s0;
	s0 =	simm.s32 @!p1 $0x0  }
0x14: {  	s2 =	sld [smem:$0x3F97];
	s0 =	simm.s32 @p1 $0x1  }
0x15: {  	[smem:$0x3FB4] =	sst s0;
	s0 =	simm.s32 @!p2 $0x0  }
0x16: {  	s3 =	sld [smem:$0x3FDB];
	s0 =	simm.s32 @p2 $0x1  }
0x17: {  	s4 =	simm.s32 $0x1BF5;
	[smem:$0x3FB6] =	sst s0  }
0x18: {  	s0 =	sld [smem:$0x3F99];
	_ =	swait.ge [sflag:s4], $0x0  }
0x19: {  	s7 =	sld [smem:$0x3F9A]  }
0x1a: {  	s8 =	sadd.s32 $0xFFFFE003, lr  }
0x1b: {  	s9 =	sadd.s32 $0xFFFFFEF7, lr;
	s5 =	simm.s32 $0xFFFFFFFF;
	p2 =	slt.u32 s8, $0xFFFFF086  }
0x1c: {  	p1 =	slt.u32 s9, $0xF7A;
	s5 =	simm.s32 @!p2 $0x0  }
0x1d: {  	s5 =	simm.s32 @p1 $0x1;
	p0 =	seq.s32 s7, s2  }
0x1e: {  	s7 =	smul.u32 @!p0 $0xF7A, s2;
	p2 =	seq.s32 @!p0 s5, $0x0  }
0x1f: {  	s9 =	smul.u32 $0xF7A, s1;
	s8 =	simm.s32 @!p0 $0x1BF5;
	p2 =	por !p2, p0  }
0x20: {  	[sflag:s8] =	ssyncset.s32 @!p0 $0xFFFFF086;
	s6 =	sadd.s32 @!p0 s3, s7;
	s7 =	simm.s32 @!p0 $0x108  }
0x21: {  	s3 =	sadd.s32 s3, s9;
	s6 =	sadd.s32 @!p0 $0x88, s6;
	s7 =	simm.s32 @p2 $0x1082  }
0x22: {  	[simem:s7], [sflag:s8] =	dma.local @!p0 [hbm:s6], $0xF7A  }
0x23: {  	s9 =	sor.u32 $0xD0000000, s2;
	s6 =	simm.s32 $0x108;
	_ =	swait.ge @!p0 [sflag:s8], $0x0  }
0x24: {  	s3 =	sadd.s32 $0x88, s3;
	s6 =	simm.s32 @!p1 $0x1082;
	[sflag:s4] =	ssyncset.s32 $0xFFFFF086  }
0x25: {  	[simem:s6], [sflag:s4] =	dma.local [hbm:s3], $0xF7A  }
0x26: {  	[smem:$0x3F9A] =	sst s1;
	(tag) =	ssettag s2;
	_ =	strace s9  }
0x27: {  	s1 =	sld [smem:$0x3FAA]  }
0x28: {  	s2 =	sld [smem:$0x3FAB]  }
0x29: {  	s4 =	sld [smem:$0x3FAD]  }
0x2a: {  	p0 =	seq.s32 s5, $0x0;
	s5 =	sld [smem:$0x3FAE]  }
0x2b: {  	s6 =	sld [smem:$0x3FAF]  }
0x2c: {  	s7 =	sld [smem:$0x3FB0]  }
0x2d: {  	s3 =	simm.s32 $0x108;
	s8 =	sld [smem:$0x3FB1]  }
0x2e: {  	s3 =	simm.s32 @!p0 $0x1082;
	s9 =	sld [smem:$0x3FB2]  }
0x2f: {  	lr =	sadd.s32 s0, s3;
	s0 =	sld [smem:$0x3FA9]  }
0x30: {  	s3 =	sld [smem:$0x3FAC]  }
0x31: {  	[smem:$0x3FB5] =	sst s10  }
0x32: {  	s10 =	sld [smem:$0x3FB3];
	_ =	sdelay $0x3  }
0x33: {  	p0 =	seq.s32 s10, $0x1;
	s10 =	sld [smem:$0x3FB5];
	_ =	sdelay $0x3  }
0x34: {  	[smem:$0x3FB5] =	sst s10  }
0x35: {  	s10 =	sld [smem:$0x3FB4];
	_ =	sdelay $0x3  }
0x36: {  	p1 =	seq.s32 s10, $0x1;
	s10 =	sld [smem:$0x3FB5];
	_ =	sdelay $0x3  }
0x37: {  	[smem:$0x3FB5] =	sst s10  }
0x38: {  	s10 =	sld [smem:$0x3FB6]  }
0x39: {  	_ = 	snop;
	(pc) =	sbr.ind lr, $3  }
0x3a: {  	_ = 	snop  }
0x3b: {  	_ = 	snop  }
0x3c: {  	p2 =	seq.s32 s10, $0x1;
	s10 =	sld [smem:$0x3FB5]  }
0x3d: {  	_ =	shalt  }
0x3e: {  	_ =	shalt  }
0x3f: {  	_ =	shalt  }
0x40: {  	_ =	shalt  }
0x41: {  	_ =	shalt  }
0x42: {  	_ =	shalt  }
0x43: {  	_ =	shalt  }
0x44: {  	_ =	shalt  }
0x45: {  	_ =	shalt  }
0x46: {  	_ =	shalt  }
0x47: {  	_ =	shalt  }
0x48: {  	_ =	shalt  }
0x49: {  	_ =	shalt  }
0x4a: {  	_ =	shalt  }
0x4b: {  	_ =	shalt  }
0x4c: {  	_ =	shalt  }
0x4d: {  	_ =	shalt  }
0x4e: {  	_ =	shalt  }
0x4f: {  	_ =	shalt  }
0x50: {  	_ =	shalt  }
0x51: {  	_ =	shalt  }
0x52: {  	_ =	shalt  }
0x53: {  	_ =	shalt  }
0x54: {  	_ =	shalt  }
0x55: {  	_ =	shalt  }
0x56: {  	_ =	shalt  }
0x57: {  	_ =	shalt  }
0x58: {  	_ =	shalt  }
0x59: {  	_ =	shalt  }
0x5a: {  	_ =	shalt  }
0x5b: {  	_ =	shalt  }
0x5c: {  	_ =	shalt  }
0x5d: {  	_ =	shalt  }
0x5e: {  	_ =	shalt  }
0x5f: {  	_ =	shalt  }
0x60: {  	_ =	shalt  }
0x61: {  	_ =	shalt  }
0x62: {  	_ =	shalt  }
0x63: {  	_ =	shalt  }
0x64: {  	_ =	shalt  }
0x65: {  	_ =	shalt  }
0x66: {  	_ =	shalt  }
0x67: {  	_ =	shalt  }
0x68: {  	_ =	shalt  }
0x69: {  	_ =	shalt  }
0x6a: {  	_ =	shalt  }
0x6b: {  	_ =	shalt  }
0x6c: {  	_ =	shalt  }
0x6d: {  	_ =	shalt  }
0x6e: {  	_ =	shalt  }
0x6f: {  	_ =	shalt  }
0x70: {  	_ =	shalt  }
0x71: {  	_ =	shalt  }
0x72: {  	_ =	shalt  }
0x73: {  	_ =	shalt  }
0x74: {  	_ =	shalt  }
0x75: {  	_ =	shalt  }
0x76: {  	_ =	shalt  }
0x77: {  	_ =	shalt  }
0x78: {  	_ =	shalt  }
0x79: {  	_ =	shalt  }
0x7a: {  	_ =	shalt  }
0x7b: {  	_ =	shalt  }
0x7c: {  	_ =	shalt  }
0x7d: {  	_ =	shalt  }
0x7e: {  	_ =	shalt  }
0x7f: {  	_ =	shalt  }
0x80: {  	_ =	shalt  }
0x81: {  	_ =	shalt  }
0x82: {  	_ =	shalt  }
0x83: {  	_ =	shalt  }
0x84: {  	_ =	shalt  }
0x85: {  	_ =	shalt  }
0x86: {  	_ =	shalt  }
0x87: {  	_ =	shalt  }
.Lfunc_end0:
.L_simem_size_0:
called_computation_lowered:
.L_overlay_start_0:
0x88: {  	s2 =	sld [smem:$0x3FD9]  }
0x89: {  	s3 =	sld [smem:$0x3FFE];
	_ =	sdelay $0x1  }
0x8a: {  	s1 =	srdreg.scid  }
0x8b: {  	s0 =	sand.u32 $0x1, s1  }
0x8c: {  	s17 =	sshll.u32 s0, $0xA;
	s2 =	sadd.s32 s3, s2  }
0x8d: {  	s2 =	sadd.s32 s2, s17  }
0x8e: {  	[smem:$0x3FC1] =	sst s2  }
0x8f: {  	_ = 	snop  }
0x90: {  	s2 =	sld [smem:$0x3FC9]  }
0x91: {  	s18 =	sld [smem:$0x3FD0];
	(tm) =	ssettm $0x1  }
0x92: {  	s4 =	sld [smem:$0x3FFB];
	_ =	sdelay $0x3  }
0x93: {  	_ =	strace s4  }
0x94: {  	s4 =	sld [smem:$0x3FFC];
	_ =	sdelay $0x3  }
0x95: {  	_ =	strace s4  }
0x96: {  	s4 =	sld [smem:$0x3FFD];
	_ =	sdelay $0x3  }
0x97: {  	_ =	strace s4  }
0x98: {  	_ =	strace $0x8FFFFFFF  }
0x99: {  	s19 =	sld [smem:$0x3FDB];
	_ =	sdelay $0x1  }
0x9a: {  	s5 =	simm.s32 $_scs_section_size  }
0x9b: {  	s6 =	simm.s32 $_size__tile_overlayer_lowered;
	s7 =	simm.s32 $_tile_overlayer_lowered  }
0x9c: {  	s22 =	simm.s32 $0x1BFF;
	s21 =	sshll.u32 s7, $0x1;
	s4 =	sadd.s32 s5, s19  }
0x9d: {  	s8 =	simm.s32 $0x0;
	s20 =	sshll.u32 s6, $0x1;
	s6 =	sadd.s32 s21, s4  }
0x9e: {  	[timem:s8], [sflag:s22] =	dma.local [hbm:s6], s20  }
0x9f: {  	_ =	swait.ge [sflag:s22], s20  }
0xa0: {  	s5 =	ssub.s32 $0x0, s20;
	[sflag:s22] =	ssyncset.done $0x0  }
0xa1: {  	[sflag:s22] =	ssyncadd.s32 s5;
	_ =	sdelay $0x1  }
0xa2: {  	s23 =	simm.s32 $0x1B8B  }
0xa3: {  	_ =	swait.ge [sflag:s23], $0x1  }
0xa4: {  	[sflag:s23] =	ssyncset.done $0x0  }
0xa5: {  	s25 =	simm.s32 $0x1B8E;
	s24 =	sld [smem:$0x3FFE];
	[sflag:s23] =	ssyncadd.s32 $0xFFFFFFFF  }
0xa6: {  	s26 =	simm.s32 $execute0_lowered;
	[smem:$0x3FD2] =	sst s25  }
0xa7: {  	s6 =	sshll.u32 s26, $0x1;
	_ =	strace $0x80000046;
	[dreg:$0x1] =	wrdreg $0xFFFFFFFF  }
0xa8: {  	s28 =	simm.s32 $_size_execute0_lowered;
	s4 =	sadd.s32 s4, s6;
	[dreg:$0x0] =	wrdreg $0x0  }
0xa9: {  	s6 =	sshll.u32 s28, $0x1;
	[dreg:$0x2] =	wrdreg s4  }
0xaa: {  	[dreg:$0x3] =	wrdreg s6  }
0xab: {  	[dreg:$0x4] =	wrdreg $0xC0  }
0xac: {  	_ =	task [dreg:s8], $0x5FFFF  }
0xad: {  	[dreg:$0x1] =	wrdreg $0xFFFFFFFF  }
0xae: {  	[dreg:$0x0] =	wrdreg $0x60  }
0xaf: {  	[dreg:$0x2] =	wrdreg s2  }
0xb0: {  	[dreg:$0x3] =	wrdreg s24  }
0xb1: {  	[dreg:$0x4] =	wrdreg s18  }
0xb2: {  	[dreg:$0x5] =	wrdreg $0x50800  }
0xb3: {  	[dreg:$0x6] =	wrdreg $0x190800  }
0xb4: {  	[dreg:$0x7] =	wrdreg $0x9  }
0xb5: {  	_ =	task.clear_ibuf [dreg:s8], $0x8FFFF;
	_ =	strace $0x90000046  }
0xb6: {  	s29 =	simm.s32 $0x9;
	_ =	strace $0x80000048  }
0xb7: {  	_ =	swait.ge [sflag:s29], $0x1  }
0xb8: {  	[sflag:s29] =	ssyncadd.s32 $0xFFFFFFFF  }
0xb9: {  	_ =	strace $0x90000048  }
0xba: {  	_ =	sfence  }
0xbb: {  	s30 =	sld [smem:$0x0];
	_ =	sdelay $0x2  }
0xbc: {  	s31 =	sshll.u32 s1, $0xD;
	s1 =	sshrl.u32 s1, $0x2  }
0xbd: {  	s3 =	sand.u32 $0x4000, s31;
	s1 =	sadd.s32 s1, s30  }
0xbe: {  	s0 =	sor.u32 s3, s0;
	s1 =	sshll.u32 s1, $0x11  }
0xbf: {  	s0 =	sor.u32 s1, s0  }
0xc0: {  	s0 =	sadd.s32 $0x8F2B, s0  }
0xc1: {  	[sflag:s0] =	ssyncadd.remote.s32 $0x1  }
0xc2: {  	_ =	sfence.sel $0xFFFF  }
0xc3: {  	[dreg:$0x0] =	wrdreg $0xFFFFFFFF;
	(pc) =	sbr.abs _section_cstart, $3  }
0xc4: {  	[dreg:$0x1] =	wrdreg $0xFFFFFFFF  }
0xc5: {  	_ =	task.clear_ibuf [dreg:s8], $0x2FFFF;
	_ =	strace $0x9FFFFFFF  }
0xc6: {  	(tm) =	ssettm $0x7FFFFFFF  }
0xc7: {  	_ =	shalt  }
tec
execute0_lowered:
.L_overlay_start_1:
0x0: {  	(tag) =	ssettag $0x1  }
0x1: {  	s0 =	rddreg [dreg:$0x0]  }
0x2: {  	s6 =	rddreg [dreg:$0x1]  }
0x3: {  	s8 =	rddreg [dreg:$0x2]  }
0x4: {  	s3 =	rddreg [dreg:$0x3]  }
0x5: {  	s4 =	rddreg [dreg:$0x4];
	s5 =	simm.s32 $0x0  }
0x6: {  	s11 =	simm.s32 $0x80;
	[smem:$0x7FF] =	sst s5  }
0x7: {  	s12 =	simm.s32 $0x100;
	_ =	strace $0x80000047;
	[dreg:$0x7] =	wrdreg s11  }
0x8: {  	s13 =	simm.s32 $0x180;
	[dreg:$0x8] =	wrdreg s12  }
0x9: {  	s14 =	simm.s32 $0x200;
	[dreg:$0x9] =	wrdreg s13  }
0xa: {  	s15 =	simm.s32 $0x280;
	[dreg:$0xa] =	wrdreg s14  }
0xb: {  	s16 =	simm.s32 $0x300;
	[dreg:$0xb] =	wrdreg s15  }
0xc: {  	s1 =	srdreg.scid;
	s17 =	simm.s32 $0x380;
	[dreg:$0xc] =	wrdreg s16  }
0xd: {  	s23 =	stileid.u32;
	s18 =	simm.s32 $0x400;
	[dreg:$0xd] =	wrdreg s17  }
0xe: {  	s19 =	simm.s32 $0x500;
	s20 =	simm.s32 $0x580;
	[dreg:$0xe] =	wrdreg s18  }
0xf: {  	s21 =	simm.s32 $0x600;
	s22 =	simm.s32 $0x680;
	[dreg:$0x10] =	wrdreg s19  }
0x10: {  	s25 =	simm.s32 $0x700;
	s9 =	sand.u32 $0x1, s1;
	[dreg:$0x11] =	wrdreg s20  }
0x11: {  	s10 =	sadd.s32 $0x51A00, s6;
	s7 =	smul.u32 $0x280, s23;
	[dreg:$0x12] =	wrdreg s21  }
0x12: {  	s1 =	sshll.u32 s9, $0x4;
	s11 =	ssub.s32 $0x2, s9;
	[dreg:$0x13] =	wrdreg s22  }
0x13: {  	s13 =	smul.u32 $0x2800, s9;
	s14 =	simm.s32 $0x480;
	[dreg:$0x14] =	wrdreg s25  }
0x14: {  	s15 =	simm.s32 $0x780;
	s16 =	simm.s32 $0x1080;
	[dreg:$0xf] =	wrdreg s14  }
0x15: {  	s17 =	simm.s32 $0x1100;
	s1 =	sor.u32 s23, s1;
	[dreg:$0x15] =	wrdreg s15  }
0x16: {  	s18 =	simm.s32 $0x1180;
	[dreg:$0x16] =	wrdreg s16;
	s1 =	smul.u32 $0xA000, s1  }
0x17: {  	s19 =	simm.s32 $0x1200;
	s20 =	simm.s32 $0x1280;
	[dreg:$0x17] =	wrdreg s17  }
0x18: {  	s12 =	sshrl.u32 s11, $0x1;
	[dreg:$0x18] =	wrdreg s18;
	s2 =	sor.u32 $0x1000, s1  }
0x19: {  	[dreg:$0x6] =	wrdreg s2;
	s2 =	ssub.s32 s11, s12;
	s11 =	sadd.s32 s7, s13  }
0x1a: {  	s21 =	simm.s32 $0x1300;
	[dreg:$0x19] =	wrdreg s19;
	s13 =	sshll.u32 s11, $0x4  }
0x1b: {  	[dreg:$0x1a] =	wrdreg s20;
	s24 =	sadd.s32 s10, s13;
	s13 =	sor.u32 $0x40, s11  }
0x1c: {  	s22 =	simm.s32 $0x1380;
	[dreg:$0x1b] =	wrdreg s21;
	s26 =	sshll.u32 s13, $0x4  }
0x1d: {  	[dreg:$0x1c] =	wrdreg s22;
	s14 =	sadd.s32 s10, s26  }
0x1e: {  	s25 =	simm.s32 $0x1400;
	[smem:$0x7B4] =	sst s14;
	s14 =	sadd.s32 $0x80, s11  }
0x1f: {  	[dreg:$0x1d] =	wrdreg s25;
	s18 =	simm.s32 $0x1500;
	s15 =	sshll.u32 s14, $0x4  }
0x20: {  	[dreg:$0x1f] =	wrdreg s18;
	s15 =	sadd.s32 s10, s15  }
0x21: {  	s19 =	simm.s32 $0x1580;
	[smem:$0x7B5] =	sst s15;
	s15 =	sadd.s32 $0xC0, s11  }
0x22: {  	s20 =	simm.s32 $0x1600;
	[smem:$0x7B8] =	sst s19;
	s16 =	sshll.u32 s15, $0x4  }
0x23: {  	[smem:$0x7BA] =	sst s20;
	s12 =	sadd.s32 $0x180, s11;
	s16 =	sadd.s32 s10, s16  }
0x24: {  	s19 =	sadd.s32 $0x1C0, s11;
	[smem:$0x7B6] =	sst s16;
	s16 =	sadd.s32 $0x100, s11  }
0x25: {  	s20 =	sadd.s32 $0x200, s11;
	s2 =	smax.u32 s2, $0x1;
	s17 =	sshll.u32 s16, $0x4  }
0x26: {  	s21 =	sshll.u32 s12, $0x4;
	[smem:$0x7DF] =	sst s2;
	s17 =	sadd.s32 s10, s17  }
0x27: {  	s22 =	sshll.u32 s19, $0x4;
	[smem:$0x7B7] =	sst s17;
	s17 =	sadd.s32 $0x140, s11  }
0x28: {  	[smem:$0x7F3] =	sst s24;
	s26 =	simm.s32 $0x1480;
	s18 =	sshll.u32 s17, $0x4  }
0x29: {  	s12 =	sshrl.u32 s12, $0x3;
	[dreg:$0x1e] =	wrdreg s26;
	s18 =	sadd.s32 s10, s18  }
0x2a: {  	[smem:$0x7B9] =	sst s18;
	s18 =	sadd.s32 s10, s21;
	s21 =	sshll.u32 s20, $0x4  }
0x2b: {  	[smem:$0x7BB] =	sst s18;
	s18 =	sadd.s32 s10, s22;
	s25 =	sadd.s32 s10, s21  }
0x2c: {  	s22 =	simm.s32 $0x1680;
	s21 =	sshrl.u32 s13, $0x3;
	[smem:$0x7BC] =	sst s18  }
0x2d: {  	s13 =	sshrl.u32 s16, $0x3;
	s16 =	sadd.s32 s8, s12;
	[smem:$0x7BD] =	sst s25  }
0x2e: {  	s18 =	sadd.s32 $0x240, s11;
	s11 =	sshrl.u32 s11, $0x3;
	[smem:$0x7BF] =	sst s22  }
0x2f: {  	s22 =	sshrl.u32 s14, $0x3;
	s25 =	sshrl.u32 s15, $0x3;
	s14 =	sshrl.u32 s17, $0x3  }
0x30: {  	[smem:$0x7C6] =	sst s16;
	s17 =	sshrl.u32 s19, $0x3;
	s11 =	sadd.s32 s8, s11  }
0x31: {  	s19 =	sshrl.u32 s20, $0x3;
	s15 =	sadd.s32 s8, s14;
	[smem:$0x7C0] =	sst s11  }
0x32: {  	s20 =	sadd.s32 s8, s19;
	[smem:$0x7C5] =	sst s15  }
0x33: {  	s26 =	sshll.u32 s18, $0x4;
	s14 =	sadd.s32 $0x51600, s6;
	[smem:$0x7C8] =	sst s20  }
0x34: {  	s28 =	sadd.s32 $0x1400, s6;
	s10 =	sadd.s32 s10, s26;
	[smem:$0x7CD] =	sst s14  }
0x35: {  	s29 =	sadd.s32 $0x29400, s6;
	s26 =	sadd.s32 s8, s22;
	[smem:$0x7BE] =	sst s10  }
0x36: {  	s9 =	smul.u32 $0xA0000, s9;
	s11 =	sadd.s32 s8, s25;
	[smem:$0x7C2] =	sst s26  }
0x37: {  	s1 =	sshrl.u32 s1, $0x3;
	s10 =	sadd.s32 s8, s21;
	[smem:$0x7C3] =	sst s11  }
0x38: {  	s22 =	sshrl.u32 s18, $0x3;
	s26 =	simm.s32 $0x1700;
	[smem:$0x7C1] =	sst s10  }
0x39: {  	s25 =	smul.u32 $0xA000, s23;
	s11 =	simm.s32 $0x1780;
	[smem:$0x7CA] =	sst s26  }
0x3a: {  	s21 =	smul.u32 $0x50000, s23;
	s10 =	sadd.s32 s8, s13;
	[smem:$0x7CB] =	sst s11  }
0x3b: {  	s13 =	sadd.s32 $0x51800, s6;
	s6 =	sadd.s32 $0x51400, s6;
	[smem:$0x7C4] =	sst s10  }
0x3c: {  	s11 =	sadd.s32 $0x100, s7;
	s10 =	sadd.s32 s8, s17;
	[smem:$0x7CC] =	sst s13  }
0x3d: {  	s8 =	sadd.s32 s8, s22;
	s12 =	sshrl.u32 s21, $0x2;
	[smem:$0x7CE] =	sst s6  }
0x3e: {  	s6 =	sor.u32 $0x40, s7;
	s19 =	sshll.u32 s11, $0x7;
	[smem:$0x7C7] =	sst s10  }
0x3f: {  	s13 =	sadd.s32 $0x180, s7;
	[smem:$0x7C9] =	sst s8;
	s14 =	sadd.s32 s19, s3  }
0x40: {  	s15 =	sshll.u32 s6, $0x7;
	s6 =	sadd.s32 s6, s4;
	[smem:$0x7D0] =	sst s14  }
0x41: {  	s31 =	sadd.s32 s12, s3;
	s21 =	sshll.u32 s13, $0x7;
	[smem:$0x7D7] =	sst s6  }
0x42: {  	s8 =	sadd.s32 $0x80, s7;
	s26 =	sadd.s32 s21, s3;
	[smem:$0x7F5] =	sst s31  }
0x43: {  	s16 =	sshll.u32 s8, $0x7;
	s8 =	sadd.s32 s8, s4;
	[smem:$0x7D2] =	sst s26  }
0x44: {  	s23 =	sadd.s32 s25, s9;
	s2 =	sadd.s32 $0xD000, s31;
	[smem:$0x7D8] =	sst s8  }
0x45: {  	s12 =	sadd.s32 $0x140, s7;
	s6 =	sadd.s32 $0xF000, s31;
	[smem:$0x7E6] =	sst s2  }
0x46: {  	s25 =	sadd.s32 s15, s3;
	s20 =	sshll.u32 s12, $0x7;
	[smem:$0x7E7] =	sst s6  }
0x47: {  	s15 =	sadd.s32 $0x1C0, s7;
	s18 =	sadd.s32 s16, s3;
	[smem:$0x7F6] =	sst s25  }
0x48: {  	s22 =	sadd.s32 s20, s3;
	s19 =	sshll.u32 s15, $0x7;
	[smem:$0x7CF] =	sst s18  }
0x49: {  	s14 =	sadd.s32 s15, s4;
	s15 =	sadd.s32 s28, s1;
	[smem:$0x7D1] =	sst s22  }
0x4a: {  	s10 =	sadd.s32 $0xC0, s7;
	s1 =	sadd.s32 s29, s1;
	[smem:$0x7DD] =	sst s15  }
0x4b: {  	s17 =	sshll.u32 s10, $0x7;
	s8 =	sadd.s32 $0x11000, s31;
	[smem:$0x7DE] =	sst s1  }
0x4c: {  	s9 =	sadd.s32 s17, s3;
	[smem:$0x7E8] =	sst s8  }
0x4d: {  	s16 =	sadd.s32 $0x200, s7;
	s17 =	sadd.s32 s19, s3;
	[smem:$0x7F8] =	sst s14  }
0x4e: {  	s18 =	sadd.s32 $0x240, s7;
	s7 =	sadd.s32 s7, s4;
	[smem:$0x7D3] =	sst s17  }
0x4f: {  	s19 =	smov.u32 s9;
	s9 =	sadd.s32 s10, s4;
	[smem:$0x7D6] =	sst s7  }
0x50: {  	s10 =	sadd.s32 s11, s4;
	[smem:$0x7D9] =	sst s9  }
0x51: {  	s11 =	sadd.s32 s12, s4;
	[smem:$0x7DA] =	sst s10  }
0x52: {  	s12 =	sadd.s32 s13, s4;
	[smem:$0x7DB] =	sst s11  }
0x53: {  	s13 =	sor.u32 $0x800, s23;
	s23 =	sadd.s32 $0x9000, s31;
	[smem:$0x7DC] =	sst s12  }
0x54: {  	s15 =	sadd.s32 $0xE00, s24;
	[smem:$0x7E5] =	sst s23  }
0x55: {  	s20 =	sshll.u32 s16, $0x7;
	[smem:$0x7ED] =	sst s15  }
0x56: {  	s22 =	sadd.s32 s20, s3;
	[smem:$0x7F7] =	sst s19  }
0x57: {  	s20 =	sadd.s32 $0x3000, s31;
	[smem:$0x7D4] =	sst s22  }
0x58: {  	s10 =	sadd.s32 $0x13000, s31;
	[smem:$0x7E2] =	sst s20  }
0x59: {  	s11 =	sadd.s32 $0x200, s24;
	[smem:$0x7E9] =	sst s10  }
0x5a: {  	s12 =	sadd.s32 $0x600, s24;
	[smem:$0x7EA] =	sst s11  }
0x5b: {  	s30 =	simm.s32 $0x4;
	s23 =	sadd.s32 $0x2200, s24;
	[smem:$0x7EB] =	sst s12  }
0x5c: {  	s21 =	sshll.u32 s18, $0x7;
	s18 =	sadd.s32 s18, s4;
	[smem:$0x7F2] =	sst s23  }
0x5d: {  	s6 =	simm.s32 $0x7;
	s9 =	sadd.s32 $0x1000, s31;
	[smem:$0x7FA] =	sst s18  }
0x5e: {  	s2 =	simm.s32 $0x0;
	s7 =	smov.u32 s28;
	[smem:$0x7FB] =	sst s9  }
0x5f: {  	s8 =	simm.s32 $0x5;
	s26 =	sadd.s32 s21, s3;
	[smem:$0x7FD] =	sst s7  }
0x60: {  	s15 =	simm.s32 $0x5000;
	s21 =	sadd.s32 $0x5000, s31;
	[smem:$0x7D5] =	sst s26  }
0x61: {  	s22 =	sadd.s32 $0x7000, s31;
	s20 =	sadd.s32 $0x1600, s24;
	[smem:$0x7E3] =	sst s21  }
0x62: {  	s12 =	simm.s32 $0x800;
	s26 =	sadd.s32 s16, s4;
	[smem:$0x7E4] =	sst s22  }
0x63: {  	s16 =	sshrl.u32 s13, $0x3;
	s13 =	sadd.s32 $0xA00, s24;
	[smem:$0x7EF] =	sst s20  }
0x64: {  	s23 =	simm.s32 $0x4000;
	s21 =	sadd.s32 $0x1A00, s24;
	[smem:$0x7EC] =	sst s13  }
0x65: {  	s10 =	simm.s32 $0x6;
	s22 =	sadd.s32 $0x1E00, s24;
	[smem:$0x7F0] =	sst s21  }
0x66: {  	s11 =	simm.s32 $0x9;
	s20 =	simm.s32 $0x20;
	[smem:$0x7F1] =	sst s22  }
0x67: {  	s17 =	sadd.s32 s16, s29;
	s1 =	sadd.s32 s16, s28;
	[smem:$0x7F9] =	sst s26  }
0x68: {  	s16 =	sadd.s32 $0xB000, s31;
	s13 =	simm.s32 $0x2000;
	[smem:$0x7E0] =	sst s17  }
0x69: {  	s28 =	simm.s32 $0xA;
	s21 =	simm.s32 $0x3000;
	[smem:$0x7E1] =	sst s1  }
0x6a: {  	s22 =	simm.s32 $0x1;
	s17 =	sadd.s32 $0x1200, s24;
	[smem:$0x7FC] =	sst s16  }
0x6b: {  	s24 =	sadd.s32 $0x2600, s24;
	s1 =	simm.s32 $0x3;
	[smem:$0x7EE] =	sst s17  }
0x6c: {  	[smem:$0x7F4] =	sst s24;
	s17 =	simm.s32 $0x8;
	s24 =	simm.s32 $0x2  }
.LBB2_1:
0x6d: {  	s7 =	sld [smem:$0x7CC];
	_ =	sdelay $0x1  }
0x6e: {  	[smem:$0x7B3] =	sst s2  }
0x6f: {  	[tilespmem:s13], [sflag:$0xA] =	stream.linear.gather [hbm4b:s7+s5], $0x1000, $0x38;
	[tilespmem:$0x19300] =	vst v63  }
0x70: {  	_ =	swait.ge [sflag:s28], $0x1000  }
0x71: {  	s2 =	sld [smem:$0x7CD]  }
0x72: {  	[sflag:s28] =	ssyncset.done $0x0  }
0x73: {  	[sflag:s28] =	ssyncadd.s32 $0xFFFFF000  }
0x74: {  	[tilespmem:s15], [sflag:$0xA] =	stream.linear.gather [hbm4b:s2+s5], $0x80, $0x38;
	[tilespmem:$0x19300] =	vst v63  }
0x75: {  	_ =	swait.ge [sflag:s28], $0x80  }
0x76: {  	[sflag:s28] =	ssyncset.done $0x0  }
0x77: {  	[sflag:s28] =	ssyncadd.s32 $0xFFFFFF80  }
0x78: {  	[spmem:s31] =	stream.linear.scatter [tilespmem:s13], [sflag:$0xA], $0x1000, $0x38;
	[tilespmem:$0x19300] =	vst v63  }
0x79: {  	_ =	swait.ge [sflag:s28], $0x1000  }
0x7a: {  	[sflag:s28] =	ssyncset.done $0x0  }
0x7b: {  	[sflag:s28] =	ssyncadd.s32 $0xFFFFF000  }
0x7c: {  	[spmem:s9] =	stream.linear.scatter [tilespmem:s13], [sflag:$0xA], $0x1000, $0x38;
	[tilespmem:$0x19300] =	vst v63  }
0x7d: {  	_ =	swait.ge [sflag:s28], $0x1000  }
0x7e: {  	[sflag:s28] =	ssyncset.done $0x0  }
0x7f: {  	[sflag:s28] =	ssyncadd.s32 $0xFFFFF000  }
0x80: {  	[spmem:s25] =	stream.linear.scatter [tilespmem:s13], [sflag:$0xA], $0x1000, $0x38;
	[tilespmem:$0x19300] =	vst v63  }
0x81: {  	_ =	swait.ge [sflag:s28], $0x1000  }
0x82: {  	s7 =	sld [smem:$0x7E2]  }
0x83: {  	[sflag:s28] =	ssyncset.done $0x0  }
0x84: {  	[sflag:s28] =	ssyncadd.s32 $0xFFFFF000  }
0x85: {  	[spmem:s7] =	stream.linear.scatter [tilespmem:s13], [sflag:$0xA], $0x1000, $0x38;
	[tilespmem:$0x19300] =	vst v63  }
0x86: {  	_ =	swait.ge [sflag:s28], $0x1000  }
0x87: {  	s9 =	sld [smem:$0x7CF]  }
0x88: {  	[sflag:s28] =	ssyncset.done $0x0  }
0x89: {  	[sflag:s28] =	ssyncadd.s32 $0xFFFFF000  }
0x8a: {  	[spmem:s9] =	stream.linear.scatter [tilespmem:s13], [sflag:$0xA], $0x1000, $0x38;
	[tilespmem:$0x19300] =	vst v63  }
0x8b: {  	_ =	swait.ge [sflag:s28], $0x1000  }
0x8c: {  	s25 =	sld [smem:$0x7E3]  }
0x8d: {  	[sflag:s28] =	ssyncset.done $0x0  }
0x8e: {  	[sflag:s28] =	ssyncadd.s32 $0xFFFFF000  }
0x8f: {  	[spmem:s25] =	stream.linear.scatter [tilespmem:s13], [sflag:$0xA], $0x1000, $0x38;
	[tilespmem:$0x19300] =	vst v63  }
0x90: {  	_ =	swait.ge [sflag:s28], $0x1000  }
0x91: {  	[sflag:s28] =	ssyncset.done $0x0  }
0x92: {  	[sflag:s28] =	ssyncadd.s32 $0xFFFFF000  }
0x93: {  	[spmem:s19] =	stream.linear.scatter [tilespmem:s13], [sflag:$0xA], $0x1000, $0x38;
	[tilespmem:$0x19300] =	vst v63  }
0x94: {  	_ =	swait.ge [sflag:s28], $0x1000  }
0x95: {  	s7 =	sld [smem:$0x7E4]  }
0x96: {  	[sflag:s28] =	ssyncset.done $0x0  }
0x97: {  	[sflag:s28] =	ssyncadd.s32 $0xFFFFF000  }
0x98: {  	[spmem:s7] =	stream.linear.scatter [tilespmem:s13], [sflag:$0xA], $0x1000, $0x38;
	[tilespmem:$0x19300] =	vst v63  }
0x99: {  	_ =	swait.ge [sflag:s28], $0x1000  }
0x9a: {  	s9 =	sld [smem:$0x7D0]  }
0x9b: {  	[sflag:s28] =	ssyncset.done $0x0  }
0x9c: {  	[sflag:s28] =	ssyncadd.s32 $0xFFFFF000  }
0x9d: {  	[spmem:s9] =	stream.linear.scatter [tilespmem:s13], [sflag:$0xA], $0x1000, $0x38;
	[tilespmem:$0x19300] =	vst v63  }
0x9e: {  	_ =	swait.ge [sflag:s28], $0x1000  }
0x9f: {  	s19 =	sld [smem:$0x7E5]  }
0xa0: {  	[sflag:s28] =	ssyncset.done $0x0  }
0xa1: {  	[sflag:s28] =	ssyncadd.s32 $0xFFFFF000  }
0xa2: {  	[spmem:s19] =	stream.linear.scatter [tilespmem:s13], [sflag:$0xA], $0x1000, $0x38;
	[tilespmem:$0x19300] =	vst v63  }
0xa3: {  	_ =	swait.ge [sflag:s28], $0x1000  }
0xa4: {  	s25 =	sld [smem:$0x7D1]  }
0xa5: {  	[sflag:s28] =	ssyncset.done $0x0  }
0xa6: {  	[sflag:s28] =	ssyncadd.s32 $0xFFFFF000  }
0xa7: {  	[spmem:s25] =	stream.linear.scatter [tilespmem:s13], [sflag:$0xA], $0x1000, $0x38;
	[tilespmem:$0x19300] =	vst v63  }
0xa8: {  	_ =	swait.ge [sflag:s28], $0x1000  }
0xa9: {  	[sflag:s28] =	ssyncset.done $0x0  }
0xaa: {  	[sflag:s28] =	ssyncadd.s32 $0xFFFFF000  }
0xab: {  	[spmem:s16] =	stream.linear.scatter [tilespmem:s13], [sflag:$0xA], $0x1000, $0x38;
	[tilespmem:$0x19300] =	vst v63  }
0xac: {  	_ =	swait.ge [sflag:s28], $0x1000  }
0xad: {  	s7 =	sld [smem:$0x7D2]  }
0xae: {  	[sflag:s28] =	ssyncset.done $0x0  }
0xaf: {  	[sflag:s28] =	ssyncadd.s32 $0xFFFFF000  }
0xb0: {  	[spmem:s7] =	stream.linear.scatter [tilespmem:s13], [sflag:$0xA], $0x1000, $0x38;
	[tilespmem:$0x19300] =	vst v63  }
0xb1: {  	_ =	swait.ge [sflag:s28], $0x1000  }
0xb2: {  	s9 =	sld [smem:$0x7E6]  }
0xb3: {  	[sflag:s28] =	ssyncset.done $0x0  }
0xb4: {  	[sflag:s28] =	ssyncadd.s32 $0xFFFFF000  }
0xb5: {  	[spmem:s9] =	stream.linear.scatter [tilespmem:s13], [sflag:$0xA], $0x1000, $0x38;
	[tilespmem:$0x19300] =	vst v63  }
0xb6: {  	_ =	swait.ge [sflag:s28], $0x1000  }
0xb7: {  	s16 =	sld [smem:$0x7D3]  }
0xb8: {  	[sflag:s28] =	ssyncset.done $0x0  }
0xb9: {  	[sflag:s28] =	ssyncadd.s32 $0xFFFFF000  }
0xba: {  	[spmem:s16] =	stream.linear.scatter [tilespmem:s13], [sflag:$0xA], $0x1000, $0x38;
	[tilespmem:$0x19300] =	vst v63  }
0xbb: {  	_ =	swait.ge [sflag:s28], $0x1000  }
0xbc: {  	s19 =	sld [smem:$0x7E7]  }
0xbd: {  	[sflag:s28] =	ssyncset.done $0x0  }
0xbe: {  	[sflag:s28] =	ssyncadd.s32 $0xFFFFF000  }
0xbf: {  	[spmem:s19] =	stream.linear.scatter [tilespmem:s13], [sflag:$0xA], $0x1000, $0x38;
	[tilespmem:$0x19300] =	vst v63  }
0xc0: {  	_ =	swait.ge [sflag:s28], $0x1000  }
0xc1: {  	s25 =	sld [smem:$0x7D4]  }
0xc2: {  	[sflag:s28] =	ssyncset.done $0x0  }
0xc3: {  	[sflag:s28] =	ssyncadd.s32 $0xFFFFF000  }
0xc4: {  	[spmem:s25] =	stream.linear.scatter [tilespmem:s13], [sflag:$0xA], $0x1000, $0x38;
	[tilespmem:$0x19300] =	vst v63  }
0xc5: {  	_ =	swait.ge [sflag:s28], $0x1000  }
0xc6: {  	s7 =	sld [smem:$0x7E8]  }
0xc7: {  	[sflag:s28] =	ssyncset.done $0x0  }
0xc8: {  	[sflag:s28] =	ssyncadd.s32 $0xFFFFF000  }
0xc9: {  	[spmem:s7] =	stream.linear.scatter [tilespmem:s13], [sflag:$0xA], $0x1000, $0x38;
	[tilespmem:$0x19300] =	vst v63  }
0xca: {  	_ =	swait.ge [sflag:s28], $0x1000  }
0xcb: {  	s9 =	sld [smem:$0x7D5]  }
0xcc: {  	[sflag:s28] =	ssyncset.done $0x0  }
0xcd: {  	[sflag:s28] =	ssyncadd.s32 $0xFFFFF000  }
0xce: {  	[spmem:s9] =	stream.linear.scatter [tilespmem:s13], [sflag:$0xA], $0x1000, $0x38;
	[tilespmem:$0x19300] =	vst v63  }
0xcf: {  	_ =	swait.ge [sflag:s28], $0x1000  }
0xd0: {  	s16 =	sld [smem:$0x7E9]  }
0xd1: {  	[sflag:s28] =	ssyncset.done $0x0  }
0xd2: {  	[sflag:s28] =	ssyncadd.s32 $0xFFFFF000  }
0xd3: {  	[spmem:s16] =	stream.linear.scatter [tilespmem:s13], [sflag:$0xA], $0x1000, $0x38;
	[tilespmem:$0x19300] =	vst v63  }
0xd4: {  	_ =	swait.ge [sflag:s28], $0x1000  }
0xd5: {  	s19 =	sld [smem:$0x7D6]  }
0xd6: {  	[sflag:s28] =	ssyncset.done $0x0  }
0xd7: {  	[sflag:s28] =	ssyncadd.s32 $0xFFFFF000  }
0xd8: {  	[spmem:s19] =	stream.linear.scatter [tilespmem:s15], [sflag:$0xA], $0x40, $0x38;
	[tilespmem:$0x19300] =	vst v63  }
0xd9: {  	_ =	swait.ge [sflag:s28], $0x40  }
0xda: {  	s25 =	sld [smem:$0x7D7]  }
0xdb: {  	[sflag:s28] =	ssyncset.done $0x0  }
0xdc: {  	[sflag:s28] =	ssyncadd.s32 $0xFFFFFFC0  }
0xdd: {  	[spmem:s25] =	stream.linear.scatter [tilespmem:s15], [sflag:$0xA], $0x40, $0x38;
	[tilespmem:$0x19300] =	vst v63  }
0xde: {  	_ =	swait.ge [sflag:s28], $0x40  }
0xdf: {  	s7 =	sld [smem:$0x7D8]  }
0xe0: {  	[sflag:s28] =	ssyncset.done $0x0  }
0xe1: {  	[sflag:s28] =	ssyncadd.s32 $0xFFFFFFC0  }
0xe2: {  	[spmem:s7] =	stream.linear.scatter [tilespmem:s15], [sflag:$0xA], $0x40, $0x38;
	[tilespmem:$0x19300] =	vst v63  }
0xe3: {  	_ =	swait.ge [sflag:s28], $0x40  }
0xe4: {  	s9 =	sld [smem:$0x7D9]  }
0xe5: {  	[sflag:s28] =	ssyncset.done $0x0  }
0xe6: {  	[sflag:s28] =	ssyncadd.s32 $0xFFFFFFC0  }
0xe7: {  	[spmem:s9] =	stream.linear.scatter [tilespmem:s15], [sflag:$0xA], $0x40, $0x38;
	[tilespmem:$0x19300] =	vst v63  }
0xe8: {  	_ =	swait.ge [sflag:s28], $0x40  }
0xe9: {  	s16 =	sld [smem:$0x7DA]  }
0xea: {  	[sflag:s28] =	ssyncset.done $0x0  }
0xeb: {  	[sflag:s28] =	ssyncadd.s32 $0xFFFFFFC0  }
0xec: {  	[spmem:s16] =	stream.linear.scatter [tilespmem:s15], [sflag:$0xA], $0x40, $0x38;
	[tilespmem:$0x19300] =	vst v63  }
0xed: {  	_ =	swait.ge [sflag:s28], $0x40  }
0xee: {  	s19 =	sld [smem:$0x7DB]  }
0xef: {  	[sflag:s28] =	ssyncset.done $0x0  }
0xf0: {  	[sflag:s28] =	ssyncadd.s32 $0xFFFFFFC0  }
0xf1: {  	[spmem:s19] =	stream.linear.scatter [tilespmem:s15], [sflag:$0xA], $0x40, $0x38;
	[tilespmem:$0x19300] =	vst v63  }
0xf2: {  	_ =	swait.ge [sflag:s28], $0x40  }
0xf3: {  	s25 =	sld [smem:$0x7DC]  }
0xf4: {  	[sflag:s28] =	ssyncset.done $0x0  }
0xf5: {  	[sflag:s28] =	ssyncadd.s32 $0xFFFFFFC0  }
0xf6: {  	[spmem:s25] =	stream.linear.scatter [tilespmem:s15], [sflag:$0xA], $0x40, $0x38;
	[tilespmem:$0x19300] =	vst v63  }
0xf7: {  	_ =	swait.ge [sflag:s28], $0x40  }
0xf8: {  	[sflag:s28] =	ssyncset.done $0x0  }
0xf9: {  	[sflag:s28] =	ssyncadd.s32 $0xFFFFFFC0  }
0xfa: {  	[spmem:s14] =	stream.linear.scatter [tilespmem:s15], [sflag:$0xA], $0x40, $0x38;
	[tilespmem:$0x19300] =	vst v63  }
0xfb: {  	_ =	swait.ge [sflag:s28], $0x40  }
0xfc: {  	[sflag:s28] =	ssyncset.done $0x0  }
0xfd: {  	[sflag:s28] =	ssyncadd.s32 $0xFFFFFFC0  }
0xfe: {  	[spmem:s26] =	stream.linear.scatter [tilespmem:s15], [sflag:$0xA], $0x40, $0x38;
	[tilespmem:$0x19300] =	vst v63  }
0xff: {  	_ =	swait.ge [sflag:s28], $0x40  }
0x100: {  	[sflag:s28] =	ssyncset.done $0x0  }
0x101: {  	[sflag:s28] =	ssyncadd.s32 $0xFFFFFFC0  }
0x102: {  	[spmem:s18] =	stream.linear.scatter [tilespmem:s15], [sflag:$0xA], $0x40, $0x38;
	[tilespmem:$0x19300] =	vst v63  }
0x103: {  	_ =	swait.ge [sflag:s28], $0x40  }
0x104: {  	s2 =	sld [smem:$0x7CE]  }
0x105: {  	[sflag:s28] =	ssyncset.done $0x0  }
0x106: {  	[sflag:s28] =	ssyncadd.s32 $0xFFFFFFC0  }
0x107: {  	[tilespmem:s15], [sflag:$0xA] =	stream.linear.gather [hbm4b:s2+s5], $0x80, $0x38;
	[tilespmem:$0x19300] =	vst v63  }
0x108: {  	_ =	swait.ge [sflag:s28], $0x80  }
0x109: {  	[sflag:s28] =	ssyncset.done $0x0  }
0x10a: {  	[sflag:s28] =	ssyncadd.s32 $0xFFFFFF80  }
0x10b: {  	[bflag:$0x0] =	sbarrier.arrive $0xFFFF  }
0x10c: {  	s9 =	sld [smem:$0x7DD];
	_ =	sdelay $0x1  }
0x10d: {  	s14 =	sld [smem:$0x7DE]  }
0x10e: {  	[tilespmem:s5], [sflag:$0x8] =	stream.linear.gather [hbm4b:s9+s5], $0x800, $0x38;
	[tilespmem:$0x19300] =	vst v63  }
0x10f: {  	_ = 	snop  }
0x110: {  	[tilespmem:s12], [sflag:$0x8] =	stream.linear.gather [hbm4b:s14+s5], $0x800, $0x38;
	[tilespmem:$0x19300] =	vst v63  }
0x111: {  	_ =	swait.ge [sflag:s17], $0x800  }
0x112: {  	[sflag:s17] =	ssyncset.done $0x0  }
0x113: {  	[sflag:s17] =	ssyncadd.s32 $0xFFFFF800  }
0x114: {  	_ =	swait.ge [sflag:s17], $0x800  }
0x115: {  	s28 =	sld [smem:$0x7E1]  }
0x116: {  	[sflag:s17] =	ssyncset.done $0x0  }
0x117: {  	s2 =	simm.s32 $0x1000;
	s26 =	sld [smem:$0x7E0];
	[sflag:s17] =	ssyncadd.s32 $0xFFFFF800  }
0x118: {  	[tilespmem:s2], [sflag:$0x9] =	stream.linear.gather [hbm4b:s28+s5], $0x800, $0x38;
	[tilespmem:$0x19300] =	vst v63  }
0x119: {  	s9 =	simm.s32 $0x1800  }
0x11a: {  	[tilespmem:s9], [sflag:$0x9] =	stream.linear.gather [hbm4b:s26+s5], $0x800, $0x38;
	[tilespmem:$0x19300] =	vst v63  }
0x11b: {  	_ = 	snop  }
0x11c: {  	[tilespmem:s13], [sflag:$0x1] =	stream.indirect.gather [hbm4b:s0+s20], $0x80, s5, s20, $0xb8;
	[tilespmem:$0x19300] =	vst v63  }
0x11d: {  	s16 =	rddreg [dreg:$0x7]  }
0x11e: {  	[tilespmem:s21], [sflag:$0x2] =	stream.indirect.gather [hbm4b:s0+s20], $0x80, s16, s20, $0xb8;
	[tilespmem:$0x19300] =	vst v63  }
0x11f: {  	_ =	swait.ge [sflag:s22], $0x1000  }
0x120: {  	[sflag:s22] =	ssyncset.done $0x0  }
0x121: {  	[sflag:s22] =	ssyncadd.s32 $0xFFFFF000  }
0x122: {  	[spmem:s3] =	stream.indirect.scatter.add.f32 [tilespmem:s13], [sflag:$0x4], $0x80, s12, s20, $0xb8;
	[tilespmem:$0x19300] =	vst v63  }
0x123: {  	s18 =	rddreg [dreg:$0x8]  }
0x124: {  	[tilespmem:s23], [sflag:$0x3] =	stream.indirect.gather [hbm4b:s0+s20], $0x80, s18, s20, $0xb8;
	[tilespmem:$0x19300] =	vst v63  }
0x125: {  	_ = 	snop  }
0x126: {  	[spmem:s4] =	stream.indirect.scatter.add.f32 [tilespmem:s15], [sflag:$0x7], $0x1, s12, s20, $0xb8;
	[tilespmem:$0x19300] =	vst v63  }
0x127: {  	_ =	swait.ge [sflag:s24], $0x1000  }
0x128: {  	[sflag:s24] =	ssyncset.done $0x0  }
0x129: {  	s19 =	simm.s32 $0x880;
	[sflag:s24] =	ssyncadd.s32 $0xFFFFF000  }
0x12a: {  	[spmem:s3] =	stream.indirect.scatter.add.f32 [tilespmem:s21], [sflag:$0x5], $0x80, s19, s20, $0xb8;
	[tilespmem:$0x19300] =	vst v63  }
0x12b: {  	_ =	swait.ge [sflag:s30], $0x1000  }
0x12c: {  	[sflag:s30] =	ssyncset.done $0x0  }
0x12d: {  	s25 =	rddreg [dreg:$0x9];
	[sflag:s30] =	ssyncadd.s32 $0xFFFFF000  }
0x12e: {  	[tilespmem:s13], [sflag:$0x1] =	stream.indirect.gather [hbm4b:s0+s20], $0x80, s25, s20, $0xb8;
	[tilespmem:$0x19300] =	vst v63  }
0x12f: {  	_ = 	snop  }
0x130: {  	[spmem:s4] =	stream.indirect.scatter.add.f32 [tilespmem:s15], [sflag:$0x7], $0x1, s19, s20, $0xb8;
	[tilespmem:$0x19300] =	vst v63  }
0x131: {  	_ =	swait.ge [sflag:s6], $0x20  }
0x132: {  	[sflag:s6] =	ssyncset.done $0x0  }
0x133: {  	[sflag:s6] =	ssyncadd.s32 $0xFFFFFFE0  }
0x134: {  	_ =	swait.ge [sflag:s1], $0x1000  }
0x135: {  	[sflag:s1] =	ssyncset.done $0x0  }
0x136: {  	s16 =	simm.s32 $0x900;
	[sflag:s1] =	ssyncadd.s32 $0xFFFFF000  }
0x137: {  	[spmem:s3] =	stream.indirect.scatter.add.f32 [tilespmem:s23], [sflag:$0x6], $0x80, s16, s20, $0xb8;
	[tilespmem:$0x19300] =	vst v63  }
0x138: {  	_ =	swait.ge [sflag:s8], $0x1000  }
0x139: {  	[sflag:s8] =	ssyncset.done $0x0  }
0x13a: {  	s18 =	rddreg [dreg:$0xa];
	[sflag:s8] =	ssyncadd.s32 $0xFFFFF000  }
0x13b: {  	[tilespmem:s21], [sflag:$0x2] =	stream.indirect.gather [hbm4b:s0+s20], $0x80, s18, s20, $0xb8;
	[tilespmem:$0x19300] =	vst v63  }
0x13c: {  	_ = 	snop  }
0x13d: {  	[spmem:s4] =	stream.indirect.scatter.add.f32 [tilespmem:s15], [sflag:$0x7], $0x1, s16, s20, $0xb8;
	[tilespmem:$0x19300] =	vst v63  }
0x13e: {  	_ =	swait.ge [sflag:s6], $0x20  }
0x13f: {  	[sflag:s6] =	ssyncset.done $0x0  }
0x140: {  	[sflag:s6] =	ssyncadd.s32 $0xFFFFFFE0  }
0x141: {  	_ =	swait.ge [sflag:s22], $0x1000  }
0x142: {  	[sflag:s22] =	ssyncset.done $0x0  }
0x143: {  	s19 =	simm.s32 $0x980;
	[sflag:s22] =	ssyncadd.s32 $0xFFFFF000  }
0x144: {  	[spmem:s3] =	stream.indirect.scatter.add.f32 [tilespmem:s13], [sflag:$0x4], $0x80, s19, s20, $0xb8;
	[tilespmem:$0x19300] =	vst v63  }
0x145: {  	_ =	swait.ge [sflag:s10], $0x1000  }
0x146: {  	[sflag:s10] =	ssyncset.done $0x0  }
0x147: {  	s25 =	rddreg [dreg:$0xb];
	[sflag:s10] =	ssyncadd.s32 $0xFFFFF000  }
0x148: {  	[tilespmem:s23], [sflag:$0x3] =	stream.indirect.gather [hbm4b:s0+s20], $0x80, s25, s20, $0xb8;
	[tilespmem:$0x19300] =	vst v63  }
0x149: {  	_ = 	snop  }
0x14a: {  	[spmem:s4] =	stream.indirect.scatter.add.f32 [tilespmem:s15], [sflag:$0x7], $0x1, s19, s20, $0xb8;
	[tilespmem:$0x19300] =	vst v63  }
0x14b: {  	_ =	swait.ge [sflag:s6], $0x20  }
0x14c: {  	[sflag:s6] =	ssyncset.done $0x0  }
0x14d: {  	[sflag:s6] =	ssyncadd.s32 $0xFFFFFFE0  }
0x14e: {  	_ =	swait.ge [sflag:s24], $0x1000  }
0x14f: {  	[sflag:s24] =	ssyncset.done $0x0  }
0x150: {  	s16 =	simm.s32 $0xA00;
	[sflag:s24] =	ssyncadd.s32 $0xFFFFF000  }
0x151: {  	[spmem:s3] =	stream.indirect.scatter.add.f32 [tilespmem:s21], [sflag:$0x5], $0x80, s16, s20, $0xb8;
	[tilespmem:$0x19300] =	vst v63  }
0x152: {  	_ =	swait.ge [sflag:s30], $0x1000  }
0x153: {  	[sflag:s30] =	ssyncset.done $0x0  }
0x154: {  	s18 =	rddreg [dreg:$0xc];
	[sflag:s30] =	ssyncadd.s32 $0xFFFFF000  }
0x155: {  	[tilespmem:s13], [sflag:$0x1] =	stream.indirect.gather [hbm4b:s0+s20], $0x80, s18, s20, $0xb8;
	[tilespmem:$0x19300] =	vst v63  }
0x156: {  	_ = 	snop  }
0x157: {  	[spmem:s4] =	stream.indirect.scatter.add.f32 [tilespmem:s15], [sflag:$0x7], $0x1, s16, s20, $0xb8;
	[tilespmem:$0x19300] =	vst v63  }
0x158: {  	_ =	swait.ge [sflag:s6], $0x20  }
0x159: {  	[sflag:s6] =	ssyncset.done $0x0  }
0x15a: {  	[sflag:s6] =	ssyncadd.s32 $0xFFFFFFE0  }
0x15b: {  	_ =	swait.ge [sflag:s1], $0x1000  }
0x15c: {  	[sflag:s1] =	ssyncset.done $0x0  }
0x15d: {  	s19 =	simm.s32 $0xA80;
	[sflag:s1] =	ssyncadd.s32 $0xFFFFF000  }
0x15e: {  	[spmem:s3] =	stream.indirect.scatter.add.f32 [tilespmem:s23], [sflag:$0x6], $0x80, s19, s20, $0xb8;
	[tilespmem:$0x19300] =	vst v63  }
0x15f: {  	_ =	swait.ge [sflag:s8], $0x1000  }
0x160: {  	[sflag:s8] =	ssyncset.done $0x0  }
0x161: {  	s25 =	rddreg [dreg:$0xd];
	[sflag:s8] =	ssyncadd.s32 $0xFFFFF000  }
0x162: {  	[tilespmem:s21], [sflag:$0x2] =	stream.indirect.gather [hbm4b:s0+s20], $0x80, s25, s20, $0xb8;
	[tilespmem:$0x19300] =	vst v63  }
0x163: {  	_ = 	snop  }
0x164: {  	[spmem:s4] =	stream.indirect.scatter.add.f32 [tilespmem:s15], [sflag:$0x7], $0x1, s19, s20, $0xb8;
	[tilespmem:$0x19300] =	vst v63  }
0x165: {  	_ =	swait.ge [sflag:s6], $0x20  }
0x166: {  	[sflag:s6] =	ssyncset.done $0x0  }
0x167: {  	[sflag:s6] =	ssyncadd.s32 $0xFFFFFFE0  }
0x168: {  	_ =	swait.ge [sflag:s22], $0x1000  }
0x169: {  	[sflag:s22] =	ssyncset.done $0x0  }
0x16a: {  	s16 =	simm.s32 $0xB00;
	[sflag:s22] =	ssyncadd.s32 $0xFFFFF000  }
0x16b: {  	[spmem:s3] =	stream.indirect.scatter.add.f32 [tilespmem:s13], [sflag:$0x4], $0x80, s16, s20, $0xb8;
	[tilespmem:$0x19300] =	vst v63  }
0x16c: {  	_ =	swait.ge [sflag:s10], $0x1000  }
0x16d: {  	[sflag:s10] =	ssyncset.done $0x0  }
0x16e: {  	s18 =	rddreg [dreg:$0xe];
	[sflag:s10] =	ssyncadd.s32 $0xFFFFF000  }
0x16f: {  	[tilespmem:s23], [sflag:$0x3] =	stream.indirect.gather [hbm4b:s0+s20], $0x80, s18, s20, $0xb8;
	[tilespmem:$0x19300] =	vst v63  }
0x170: {  	_ = 	snop  }
0x171: {  	[spmem:s4] =	stream.indirect.scatter.add.f32 [tilespmem:s15], [sflag:$0x7], $0x1, s16, s20, $0xb8;
	[tilespmem:$0x19300] =	vst v63  }
0x172: {  	_ =	swait.ge [sflag:s6], $0x20  }
0x173: {  	[sflag:s6] =	ssyncset.done $0x0  }
0x174: {  	[sflag:s6] =	ssyncadd.s32 $0xFFFFFFE0  }
0x175: {  	_ =	swait.ge [sflag:s24], $0x1000  }
0x176: {  	[sflag:s24] =	ssyncset.done $0x0  }
0x177: {  	s19 =	simm.s32 $0xB80;
	[sflag:s24] =	ssyncadd.s32 $0xFFFFF000  }
0x178: {  	[spmem:s3] =	stream.indirect.scatter.add.f32 [tilespmem:s21], [sflag:$0x5], $0x80, s19, s20, $0xb8;
	[tilespmem:$0x19300] =	vst v63  }
0x179: {  	_ =	swait.ge [sflag:s30], $0x1000  }
0x17a: {  	[sflag:s30] =	ssyncset.done $0x0  }
0x17b: {  	s25 =	rddreg [dreg:$0xf];
	[sflag:s30] =	ssyncadd.s32 $0xFFFFF000  }
0x17c: {  	[tilespmem:s13], [sflag:$0x1] =	stream.indirect.gather [hbm4b:s0+s20], $0x80, s25, s20, $0xb8;
	[tilespmem:$0x19300] =	vst v63  }
0x17d: {  	_ = 	snop  }
0x17e: {  	[spmem:s4] =	stream.indirect.scatter.add.f32 [tilespmem:s15], [sflag:$0x7], $0x1, s19, s20, $0xb8;
	[tilespmem:$0x19300] =	vst v63  }
0x17f: {  	_ =	swait.ge [sflag:s6], $0x20  }
0x180: {  	[sflag:s6] =	ssyncset.done $0x0  }
0x181: {  	[sflag:s6] =	ssyncadd.s32 $0xFFFFFFE0  }
0x182: {  	_ =	swait.ge [sflag:s1], $0x1000  }
0x183: {  	[sflag:s1] =	ssyncset.done $0x0  }
0x184: {  	s16 =	simm.s32 $0xC00;
	[sflag:s1] =	ssyncadd.s32 $0xFFFFF000  }
0x185: {  	[spmem:s3] =	stream.indirect.scatter.add.f32 [tilespmem:s23], [sflag:$0x6], $0x80, s16, s20, $0xb8;
	[tilespmem:$0x19300] =	vst v63  }
0x186: {  	_ =	swait.ge [sflag:s8], $0x1000  }
0x187: {  	[sflag:s8] =	ssyncset.done $0x0  }
0x188: {  	s18 =	rddreg [dreg:$0x10];
	[sflag:s8] =	ssyncadd.s32 $0xFFFFF000  }
0x189: {  	[tilespmem:s21], [sflag:$0x2] =	stream.indirect.gather [hbm4b:s0+s20], $0x80, s18, s20, $0xb8;
	[tilespmem:$0x19300] =	vst v63  }
0x18a: {  	_ = 	snop  }
0x18b: {  	[spmem:s4] =	stream.indirect.scatter.add.f32 [tilespmem:s15], [sflag:$0x7], $0x1, s16, s20, $0xb8;
	[tilespmem:$0x19300] =	vst v63  }
0x18c: {  	_ =	swait.ge [sflag:s6], $0x20  }
0x18d: {  	[sflag:s6] =	ssyncset.done $0x0  }
0x18e: {  	[sflag:s6] =	ssyncadd.s32 $0xFFFFFFE0  }
0x18f: {  	_ =	swait.ge [sflag:s22], $0x1000  }
0x190: {  	[sflag:s22] =	ssyncset.done $0x0  }
0x191: {  	s19 =	simm.s32 $0xC80;
	[sflag:s22] =	ssyncadd.s32 $0xFFFFF000  }
0x192: {  	[spmem:s3] =	stream.indirect.scatter.add.f32 [tilespmem:s13], [sflag:$0x4], $0x80, s19, s20, $0xb8;
	[tilespmem:$0x19300] =	vst v63  }
0x193: {  	_ =	swait.ge [sflag:s10], $0x1000  }
0x194: {  	[sflag:s10] =	ssyncset.done $0x0  }
0x195: {  	s25 =	rddreg [dreg:$0x11];
	[sflag:s10] =	ssyncadd.s32 $0xFFFFF000  }
0x196: {  	[tilespmem:s23], [sflag:$0x3] =	stream.indirect.gather [hbm4b:s0+s20], $0x80, s25, s20, $0xb8;
	[tilespmem:$0x19300] =	vst v63  }
0x197: {  	_ = 	snop  }
0x198: {  	[spmem:s4] =	stream.indirect.scatter.add.f32 [tilespmem:s15], [sflag:$0x7], $0x1, s19, s20, $0xb8;
	[tilespmem:$0x19300] =	vst v63  }
0x199: {  	_ =	swait.ge [sflag:s6], $0x20  }
0x19a: {  	[sflag:s6] =	ssyncset.done $0x0  }
0x19b: {  	[sflag:s6] =	ssyncadd.s32 $0xFFFFFFE0  }
0x19c: {  	_ =	swait.ge [sflag:s24], $0x1000  }
0x19d: {  	[sflag:s24] =	ssyncset.done $0x0  }
0x19e: {  	s16 =	simm.s32 $0xD00;
	[sflag:s24] =	ssyncadd.s32 $0xFFFFF000  }
0x19f: {  	[spmem:s3] =	stream.indirect.scatter.add.f32 [tilespmem:s21], [sflag:$0x5], $0x80, s16, s20, $0xb8;
	[tilespmem:$0x19300] =	vst v63  }
0x1a0: {  	_ =	swait.ge [sflag:s30], $0x1000  }
0x1a1: {  	[sflag:s30] =	ssyncset.done $0x0  }
0x1a2: {  	s18 =	rddreg [dreg:$0x12];
	[sflag:s30] =	ssyncadd.s32 $0xFFFFF000  }
0x1a3: {  	[tilespmem:s13], [sflag:$0x1] =	stream.indirect.gather [hbm4b:s0+s20], $0x80, s18, s20, $0xb8;
	[tilespmem:$0x19300] =	vst v63  }
0x1a4: {  	_ = 	snop  }
0x1a5: {  	[spmem:s4] =	stream.indirect.scatter.add.f32 [tilespmem:s15], [sflag:$0x7], $0x1, s16, s20, $0xb8;
	[tilespmem:$0x19300] =	vst v63  }
0x1a6: {  	_ =	swait.ge [sflag:s6], $0x20  }
0x1a7: {  	[sflag:s6] =	ssyncset.done $0x0  }
0x1a8: {  	[sflag:s6] =	ssyncadd.s32 $0xFFFFFFE0  }
0x1a9: {  	_ =	swait.ge [sflag:s1], $0x1000  }
0x1aa: {  	[sflag:s1] =	ssyncset.done $0x0  }
0x1ab: {  	s19 =	simm.s32 $0xD80;
	[sflag:s1] =	ssyncadd.s32 $0xFFFFF000  }
0x1ac: {  	[spmem:s3] =	stream.indirect.scatter.add.f32 [tilespmem:s23], [sflag:$0x6], $0x80, s19, s20, $0xb8;
	[tilespmem:$0x19300] =	vst v63  }
0x1ad: {  	_ =	swait.ge [sflag:s8], $0x1000  }
0x1ae: {  	[sflag:s8] =	ssyncset.done $0x0  }
0x1af: {  	s25 =	rddreg [dreg:$0x13];
	[sflag:s8] =	ssyncadd.s32 $0xFFFFF000  }
0x1b0: {  	[tilespmem:s21], [sflag:$0x2] =	stream.indirect.gather [hbm4b:s0+s20], $0x80, s25, s20, $0xb8;
	[tilespmem:$0x19300] =	vst v63  }
0x1b1: {  	_ = 	snop  }
0x1b2: {  	[spmem:s4] =	stream.indirect.scatter.add.f32 [tilespmem:s15], [sflag:$0x7], $0x1, s19, s20, $0xb8;
	[tilespmem:$0x19300] =	vst v63  }
0x1b3: {  	_ =	swait.ge [sflag:s6], $0x20  }
0x1b4: {  	[sflag:s6] =	ssyncset.done $0x0  }
0x1b5: {  	[sflag:s6] =	ssyncadd.s32 $0xFFFFFFE0  }
0x1b6: {  	_ =	swait.ge [sflag:s22], $0x1000  }
0x1b7: {  	[sflag:s22] =	ssyncset.done $0x0  }
0x1b8: {  	s16 =	simm.s32 $0xE00;
	[sflag:s22] =	ssyncadd.s32 $0xFFFFF000  }
0x1b9: {  	[spmem:s3] =	stream.indirect.scatter.add.f32 [tilespmem:s13], [sflag:$0x4], $0x80, s16, s20, $0xb8;
	[tilespmem:$0x19300] =	vst v63  }
0x1ba: {  	_ =	swait.ge [sflag:s10], $0x1000  }
0x1bb: {  	[sflag:s10] =	ssyncset.done $0x0  }
0x1bc: {  	s18 =	rddreg [dreg:$0x14];
	[sflag:s10] =	ssyncadd.s32 $0xFFFFF000  }
0x1bd: {  	[tilespmem:s23], [sflag:$0x3] =	stream.indirect.gather [hbm4b:s0+s20], $0x80, s18, s20, $0xb8;
	[tilespmem:$0x19300] =	vst v63  }
0x1be: {  	_ = 	snop  }
0x1bf: {  	[spmem:s4] =	stream.indirect.scatter.add.f32 [tilespmem:s15], [sflag:$0x7], $0x1, s16, s20, $0xb8;
	[tilespmem:$0x19300] =	vst v63  }
0x1c0: {  	_ =	swait.ge [sflag:s6], $0x20  }
0x1c1: {  	[sflag:s6] =	ssyncset.done $0x0  }
0x1c2: {  	[sflag:s6] =	ssyncadd.s32 $0xFFFFFFE0  }
0x1c3: {  	_ =	swait.ge [sflag:s24], $0x1000  }
0x1c4: {  	[sflag:s24] =	ssyncset.done $0x0  }
0x1c5: {  	s19 =	simm.s32 $0xE80;
	[sflag:s24] =	ssyncadd.s32 $0xFFFFF000  }
0x1c6: {  	[spmem:s3] =	stream.indirect.scatter.add.f32 [tilespmem:s21], [sflag:$0x5], $0x80, s19, s20, $0xb8;
	[tilespmem:$0x19300] =	vst v63  }
0x1c7: {  	_ =	swait.ge [sflag:s30], $0x1000  }
0x1c8: {  	[sflag:s30] =	ssyncset.done $0x0  }
0x1c9: {  	s25 =	rddreg [dreg:$0x15];
	[sflag:s30] =	ssyncadd.s32 $0xFFFFF000  }
0x1ca: {  	[tilespmem:s13], [sflag:$0x1] =	stream.indirect.gather [hbm4b:s0+s20], $0x80, s25, s20, $0xb8;
	[tilespmem:$0x19300] =	vst v63  }
0x1cb: {  	_ = 	snop  }
0x1cc: {  	[spmem:s4] =	stream.indirect.scatter.add.f32 [tilespmem:s15], [sflag:$0x7], $0x1, s19, s20, $0xb8;
	[tilespmem:$0x19300] =	vst v63  }
0x1cd: {  	_ =	swait.ge [sflag:s6], $0x20  }
0x1ce: {  	[sflag:s6] =	ssyncset.done $0x0  }
0x1cf: {  	[sflag:s6] =	ssyncadd.s32 $0xFFFFFFE0  }
0x1d0: {  	_ =	swait.ge [sflag:s1], $0x1000  }
0x1d1: {  	[sflag:s1] =	ssyncset.done $0x0  }
0x1d2: {  	s14 =	simm.s32 $0xF00;
	[sflag:s1] =	ssyncadd.s32 $0xFFFFF000  }
0x1d3: {  	[spmem:s3] =	stream.indirect.scatter.add.f32 [tilespmem:s23], [sflag:$0x6], $0x80, s14, s20, $0xb8;
	[tilespmem:$0x19300] =	vst v63  }
0x1d4: {  	_ =	swait.ge [sflag:s8], $0x1000  }
0x1d5: {  	[sflag:s8] =	ssyncset.done $0x0  }
0x1d6: {  	[sflag:s8] =	ssyncadd.s32 $0xFFFFF000  }
0x1d7: {  	[tilespmem:s21], [sflag:$0x2] =	stream.indirect.gather [hbm4b:s0+s20], $0x80, s2, s20, $0xb8;
	[tilespmem:$0x19300] =	vst v63  }
0x1d8: {  	_ = 	snop  }
0x1d9: {  	[spmem:s4] =	stream.indirect.scatter.add.f32 [tilespmem:s15], [sflag:$0x7], $0x1, s14, s20, $0xb8;
	[tilespmem:$0x19300] =	vst v63  }
0x1da: {  	_ =	swait.ge [sflag:s6], $0x20  }
0x1db: {  	[sflag:s6] =	ssyncset.done $0x0  }
0x1dc: {  	[sflag:s6] =	ssyncadd.s32 $0xFFFFFFE0  }
0x1dd: {  	_ =	swait.ge [sflag:s22], $0x1000  }
0x1de: {  	[sflag:s22] =	ssyncset.done $0x0  }
0x1df: {  	s2 =	simm.s32 $0xF80;
	[sflag:s22] =	ssyncadd.s32 $0xFFFFF000  }
0x1e0: {  	[spmem:s3] =	stream.indirect.scatter.add.f32 [tilespmem:s13], [sflag:$0x4], $0x80, s2, s20, $0xb8;
	[tilespmem:$0x19300] =	vst v63  }
0x1e1: {  	_ =	swait.ge [sflag:s11], $0x800  }
0x1e2: {  	[sflag:s11] =	ssyncset.done $0x0  }
0x1e3: {  	[sflag:s11] =	ssyncadd.s32 $0xFFFFF800  }
0x1e4: {  	_ =	swait.ge [sflag:s11], $0x800  }
0x1e5: {  	s19 =	smin.u32 s5, $0x11;
	s16 =	rddreg [dreg:$0x6]  }
0x1e6: {  	s18 =	sshll.u32 s19, $0xB;
	s25 =	sld [smem:$0x7FD]  }
0x1e7: {  	s14 =	sadd.s32 s18, s16  }
0x1e8: {  	[sflag:s11] =	ssyncset.done $0x0;
	s14 =	sshrl.u32 s14, $0x3  }
0x1e9: {  	[sflag:s11] =	ssyncadd.s32 $0xFFFFF800;
	s7 =	sadd.s32 s25, s14  }
0x1ea: {  	[tilespmem:s5], [sflag:$0x8] =	stream.linear.gather [hbm4b:s7+s5], $0x800, $0x38;
	[tilespmem:$0x19300] =	vst v63  }
0x1eb: {  	s14 =	sadd.s32 s29, s14  }
0x1ec: {  	[tilespmem:s12], [sflag:$0x8] =	stream.linear.gather [hbm4b:s14+s5], $0x800, $0x38;
	[tilespmem:$0x19300] =	vst v63  }
0x1ed: {  	_ =	swait.ge [sflag:s10], $0x1000  }
0x1ee: {  	[sflag:s10] =	ssyncset.done $0x0  }
0x1ef: {  	s12 =	rddreg [dreg:$0x16];
	[sflag:s10] =	ssyncadd.s32 $0xFFFFF000  }
0x1f0: {  	[tilespmem:s23], [sflag:$0x3] =	stream.indirect.gather [hbm4b:s0+s20], $0x80, s12, s20, $0xb8;
	[tilespmem:$0x19300] =	vst v63  }
0x1f1: {  	_ = 	snop  }
0x1f2: {  	[spmem:s4] =	stream.indirect.scatter.add.f32 [tilespmem:s15], [sflag:$0x7], $0x1, s2, s20, $0xb8;
	[tilespmem:$0x19300] =	vst v63  }
0x1f3: {  	_ =	swait.ge [sflag:s6], $0x20  }
0x1f4: {  	[sflag:s6] =	ssyncset.done $0x0  }
0x1f5: {  	[sflag:s6] =	ssyncadd.s32 $0xFFFFFFE0  }
0x1f6: {  	_ =	swait.ge [sflag:s24], $0x1000  }
0x1f7: {  	[sflag:s24] =	ssyncset.done $0x0  }
0x1f8: {  	[sflag:s24] =	ssyncadd.s32 $0xFFFFF000  }
0x1f9: {  	[spmem:s3] =	stream.indirect.scatter.add.f32 [tilespmem:s21], [sflag:$0x5], $0x80, s9, s20, $0xb8;
	[tilespmem:$0x19300] =	vst v63  }
0x1fa: {  	_ =	swait.ge [sflag:s30], $0x1000  }
0x1fb: {  	[sflag:s30] =	ssyncset.done $0x0  }
0x1fc: {  	s16 =	rddreg [dreg:$0x17];
	[sflag:s30] =	ssyncadd.s32 $0xFFFFF000  }
0x1fd: {  	[tilespmem:s13], [sflag:$0x1] =	stream.indirect.gather [hbm4b:s0+s20], $0x80, s16, s20, $0xb8;
	[tilespmem:$0x19300] =	vst v63  }
0x1fe: {  	_ = 	snop  }
0x1ff: {  	[spmem:s4] =	stream.indirect.scatter.add.f32 [tilespmem:s15], [sflag:$0x7], $0x1, s9, s20, $0xb8;
	[tilespmem:$0x19300] =	vst v63  }
0x200: {  	_ =	swait.ge [sflag:s6], $0x20  }
0x201: {  	[sflag:s6] =	ssyncset.done $0x0  }
0x202: {  	[sflag:s6] =	ssyncadd.s32 $0xFFFFFFE0  }
0x203: {  	_ =	swait.ge [sflag:s1], $0x1000  }
0x204: {  	[sflag:s1] =	ssyncset.done $0x0  }
0x205: {  	s18 =	simm.s32 $0x1880;
	[sflag:s1] =	ssyncadd.s32 $0xFFFFF000  }
0x206: {  	[spmem:s3] =	stream.indirect.scatter.add.f32 [tilespmem:s23], [sflag:$0x6], $0x80, s18, s20, $0xb8;
	[tilespmem:$0x19300] =	vst v63  }
0x207: {  	_ =	swait.ge [sflag:s8], $0x1000  }
0x208: {  	[sflag:s8] =	ssyncset.done $0x0  }
0x209: {  	s25 =	rddreg [dreg:$0x18];
	[sflag:s8] =	ssyncadd.s32 $0xFFFFF000  }
0x20a: {  	[tilespmem:s21], [sflag:$0x2] =	stream.indirect.gather [hbm4b:s0+s20], $0x80, s25, s20, $0xb8;
	[tilespmem:$0x19300] =	vst v63  }
0x20b: {  	_ = 	snop  }
0x20c: {  	[spmem:s4] =	stream.indirect.scatter.add.f32 [tilespmem:s15], [sflag:$0x7], $0x1, s18, s20, $0xb8;
	[tilespmem:$0x19300] =	vst v63  }
0x20d: {  	_ =	swait.ge [sflag:s6], $0x20  }
0x20e: {  	[sflag:s6] =	ssyncset.done $0x0  }
0x20f: {  	[sflag:s6] =	ssyncadd.s32 $0xFFFFFFE0  }
0x210: {  	_ =	swait.ge [sflag:s22], $0x1000  }
0x211: {  	[sflag:s22] =	ssyncset.done $0x0  }
0x212: {  	s7 =	simm.s32 $0x1900;
	[sflag:s22] =	ssyncadd.s32 $0xFFFFF000  }
0x213: {  	[spmem:s3] =	stream.indirect.scatter.add.f32 [tilespmem:s13], [sflag:$0x4], $0x80, s7, s20, $0xb8;
	[tilespmem:$0x19300] =	vst v63  }
0x214: {  	_ =	swait.ge [sflag:s10], $0x1000  }
0x215: {  	[sflag:s10] =	ssyncset.done $0x0  }
0x216: {  	s9 =	rddreg [dreg:$0x19];
	[sflag:s10] =	ssyncadd.s32 $0xFFFFF000  }
0x217: {  	[tilespmem:s23], [sflag:$0x3] =	stream.indirect.gather [hbm4b:s0+s20], $0x80, s9, s20, $0xb8;
	[tilespmem:$0x19300] =	vst v63  }
0x218: {  	_ = 	snop  }
0x219: {  	[spmem:s4] =	stream.indirect.scatter.add.f32 [tilespmem:s15], [sflag:$0x7], $0x1, s7, s20, $0xb8;
	[tilespmem:$0x19300] =	vst v63  }
0x21a: {  	_ =	swait.ge [sflag:s6], $0x20  }
0x21b: {  	[sflag:s6] =	ssyncset.done $0x0  }
0x21c: {  	[sflag:s6] =	ssyncadd.s32 $0xFFFFFFE0  }
0x21d: {  	_ =	swait.ge [sflag:s24], $0x1000  }
0x21e: {  	[sflag:s24] =	ssyncset.done $0x0  }
0x21f: {  	s12 =	simm.s32 $0x1980;
	[sflag:s24] =	ssyncadd.s32 $0xFFFFF000  }
0x220: {  	[spmem:s3] =	stream.indirect.scatter.add.f32 [tilespmem:s21], [sflag:$0x5], $0x80, s12, s20, $0xb8;
	[tilespmem:$0x19300] =	vst v63  }
0x221: {  	_ =	swait.ge [sflag:s30], $0x1000  }
0x222: {  	[sflag:s30] =	ssyncset.done $0x0  }
0x223: {  	s16 =	rddreg [dreg:$0x1a];
	[sflag:s30] =	ssyncadd.s32 $0xFFFFF000  }
0x224: {  	[tilespmem:s13], [sflag:$0x1] =	stream.indirect.gather [hbm4b:s0+s20], $0x80, s16, s20, $0xb8;
	[tilespmem:$0x19300] =	vst v63  }
0x225: {  	_ = 	snop  }
0x226: {  	[spmem:s4] =	stream.indirect.scatter.add.f32 [tilespmem:s15], [sflag:$0x7], $0x1, s12, s20, $0xb8;
	[tilespmem:$0x19300] =	vst v63  }
0x227: {  	_ =	swait.ge [sflag:s6], $0x20  }
0x228: {  	[sflag:s6] =	ssyncset.done $0x0  }
0x229: {  	[sflag:s6] =	ssyncadd.s32 $0xFFFFFFE0  }
0x22a: {  	_ =	swait.ge [sflag:s1], $0x1000  }
0x22b: {  	[sflag:s1] =	ssyncset.done $0x0  }
0x22c: {  	s18 =	simm.s32 $0x1A00;
	[sflag:s1] =	ssyncadd.s32 $0xFFFFF000  }
0x22d: {  	[spmem:s3] =	stream.indirect.scatter.add.f32 [tilespmem:s23], [sflag:$0x6], $0x80, s18, s20, $0xb8;
	[tilespmem:$0x19300] =	vst v63  }
0x22e: {  	_ =	swait.ge [sflag:s8], $0x1000  }
0x22f: {  	[sflag:s8] =	ssyncset.done $0x0  }
0x230: {  	s25 =	rddreg [dreg:$0x1b];
	[sflag:s8] =	ssyncadd.s32 $0xFFFFF000  }
0x231: {  	[tilespmem:s21], [sflag:$0x2] =	stream.indirect.gather [hbm4b:s0+s20], $0x80, s25, s20, $0xb8;
	[tilespmem:$0x19300] =	vst v63  }
0x232: {  	_ = 	snop  }
0x233: {  	[spmem:s4] =	stream.indirect.scatter.add.f32 [tilespmem:s15], [sflag:$0x7], $0x1, s18, s20, $0xb8;
	[tilespmem:$0x19300] =	vst v63  }
0x234: {  	_ =	swait.ge [sflag:s6], $0x20  }
0x235: {  	[sflag:s6] =	ssyncset.done $0x0  }
0x236: {  	[sflag:s6] =	ssyncadd.s32 $0xFFFFFFE0  }
0x237: {  	_ =	swait.ge [sflag:s22], $0x1000  }
0x238: {  	[sflag:s22] =	ssyncset.done $0x0  }
0x239: {  	s7 =	simm.s32 $0x1A80;
	[sflag:s22] =	ssyncadd.s32 $0xFFFFF000  }
0x23a: {  	[spmem:s3] =	stream.indirect.scatter.add.f32 [tilespmem:s13], [sflag:$0x4], $0x80, s7, s20, $0xb8;
	[tilespmem:$0x19300] =	vst v63  }
0x23b: {  	_ =	swait.ge [sflag:s10], $0x1000  }
0x23c: {  	[sflag:s10] =	ssyncset.done $0x0  }
0x23d: {  	s9 =	rddreg [dreg:$0x1c];
	[sflag:s10] =	ssyncadd.s32 $0xFFFFF000  }
0x23e: {  	[tilespmem:s23], [sflag:$0x3] =	stream.indirect.gather [hbm4b:s0+s20], $0x80, s9, s20, $0xb8;
	[tilespmem:$0x19300] =	vst v63  }
0x23f: {  	_ = 	snop  }
0x240: {  	[spmem:s4] =	stream.indirect.scatter.add.f32 [tilespmem:s15], [sflag:$0x7], $0x1, s7, s20, $0xb8;
	[tilespmem:$0x19300] =	vst v63  }
0x241: {  	_ =	swait.ge [sflag:s6], $0x20  }
0x242: {  	[sflag:s6] =	ssyncset.done $0x0  }
0x243: {  	[sflag:s6] =	ssyncadd.s32 $0xFFFFFFE0  }
0x244: {  	_ =	swait.ge [sflag:s24], $0x1000  }
0x245: {  	[sflag:s24] =	ssyncset.done $0x0  }
0x246: {  	s12 =	simm.s32 $0x1B00;
	[sflag:s24] =	ssyncadd.s32 $0xFFFFF000  }
0x247: {  	[spmem:s3] =	stream.indirect.scatter.add.f32 [tilespmem:s21], [sflag:$0x5], $0x80, s12, s20, $0xb8;
	[tilespmem:$0x19300] =	vst v63  }
0x248: {  	_ =	swait.ge [sflag:s30], $0x1000  }
0x249: {  	[sflag:s30] =	ssyncset.done $0x0  }
0x24a: {  	s16 =	rddreg [dreg:$0x1d];
	[sflag:s30] =	ssyncadd.s32 $0xFFFFF000  }
0x24b: {  	[tilespmem:s13], [sflag:$0x1] =	stream.indirect.gather [hbm4b:s0+s20], $0x80, s16, s20, $0xb8;
	[tilespmem:$0x19300] =	vst v63  }
0x24c: {  	_ = 	snop  }
0x24d: {  	[spmem:s4] =	stream.indirect.scatter.add.f32 [tilespmem:s15], [sflag:$0x7], $0x1, s12, s20, $0xb8;
	[tilespmem:$0x19300] =	vst v63  }
0x24e: {  	_ =	swait.ge [sflag:s6], $0x20  }
0x24f: {  	[sflag:s6] =	ssyncset.done $0x0  }
0x250: {  	[sflag:s6] =	ssyncadd.s32 $0xFFFFFFE0  }
0x251: {  	_ =	swait.ge [sflag:s1], $0x1000  }
0x252: {  	[sflag:s1] =	ssyncset.done $0x0  }
0x253: {  	s18 =	simm.s32 $0x1B80;
	[sflag:s1] =	ssyncadd.s32 $0xFFFFF000  }
0x254: {  	[spmem:s3] =	stream.indirect.scatter.add.f32 [tilespmem:s23], [sflag:$0x6], $0x80, s18, s20, $0xb8;
	[tilespmem:$0x19300] =	vst v63  }
0x255: {  	_ =	swait.ge [sflag:s8], $0x1000  }
0x256: {  	[sflag:s8] =	ssyncset.done $0x0  }
0x257: {  	s25 =	rddreg [dreg:$0x1e];
	[sflag:s8] =	ssyncadd.s32 $0xFFFFF000  }
0x258: {  	[tilespmem:s21], [sflag:$0x2] =	stream.indirect.gather [hbm4b:s0+s20], $0x80, s25, s20, $0xb8;
	[tilespmem:$0x19300] =	vst v63  }
0x259: {  	_ = 	snop  }
0x25a: {  	[spmem:s4] =	stream.indirect.scatter.add.f32 [tilespmem:s15], [sflag:$0x7], $0x1, s18, s20, $0xb8;
	[tilespmem:$0x19300] =	vst v63  }
0x25b: {  	_ =	swait.ge [sflag:s6], $0x20  }
0x25c: {  	[sflag:s6] =	ssyncset.done $0x0  }
0x25d: {  	[sflag:s6] =	ssyncadd.s32 $0xFFFFFFE0  }
0x25e: {  	_ =	swait.ge [sflag:s22], $0x1000  }
0x25f: {  	[sflag:s22] =	ssyncset.done $0x0  }
0x260: {  	s7 =	simm.s32 $0x1C00;
	[sflag:s22] =	ssyncadd.s32 $0xFFFFF000  }
0x261: {  	[spmem:s3] =	stream.indirect.scatter.add.f32 [tilespmem:s13], [sflag:$0x4], $0x80, s7, s20, $0xb8;
	[tilespmem:$0x19300] =	vst v63  }
0x262: {  	_ =	swait.ge [sflag:s10], $0x1000  }
0x263: {  	[sflag:s10] =	ssyncset.done $0x0  }
0x264: {  	s9 =	rddreg [dreg:$0x1f];
	[sflag:s10] =	ssyncadd.s32 $0xFFFFF000  }
0x265: {  	[tilespmem:s23], [sflag:$0x3] =	stream.indirect.gather [hbm4b:s0+s20], $0x80, s9, s20, $0xb8;
	[tilespmem:$0x19300] =	vst v63  }
0x266: {  	_ = 	snop  }
0x267: {  	[spmem:s4] =	stream.indirect.scatter.add.f32 [tilespmem:s15], [sflag:$0x7], $0x1, s7, s20, $0xb8;
	[tilespmem:$0x19300] =	vst v63  }
0x268: {  	_ =	swait.ge [sflag:s6], $0x20  }
0x269: {  	[sflag:s6] =	ssyncset.done $0x0  }
0x26a: {  	[sflag:s6] =	ssyncadd.s32 $0xFFFFFFE0  }
0x26b: {  	_ =	swait.ge [sflag:s24], $0x1000  }
0x26c: {  	[sflag:s24] =	ssyncset.done $0x0  }
0x26d: {  	s12 =	simm.s32 $0x1C80;
	[sflag:s24] =	ssyncadd.s32 $0xFFFFF000  }
0x26e: {  	[spmem:s3] =	stream.indirect.scatter.add.f32 [tilespmem:s21], [sflag:$0x5], $0x80, s12, s20, $0xb8;
	[tilespmem:$0x19300] =	vst v63  }
0x26f: {  	_ =	swait.ge [sflag:s30], $0x1000  }
0x270: {  	s16 =	sld [smem:$0x7B8]  }
0x271: {  	[sflag:s30] =	ssyncset.done $0x0  }
0x272: {  	[sflag:s30] =	ssyncadd.s32 $0xFFFFF000  }
0x273: {  	[tilespmem:s13], [sflag:$0x1] =	stream.indirect.gather [hbm4b:s0+s20], $0x80, s16, s20, $0xb8;
	[tilespmem:$0x19300] =	vst v63  }
0x274: {  	_ = 	snop  }
0x275: {  	[spmem:s4] =	stream.indirect.scatter.add.f32 [tilespmem:s15], [sflag:$0x7], $0x1, s12, s20, $0xb8;
	[tilespmem:$0x19300] =	vst v63  }
0x276: {  	_ =	swait.ge [sflag:s6], $0x20  }
0x277: {  	[sflag:s6] =	ssyncset.done $0x0  }
0x278: {  	[sflag:s6] =	ssyncadd.s32 $0xFFFFFFE0  }
0x279: {  	_ =	swait.ge [sflag:s1], $0x1000  }
0x27a: {  	[sflag:s1] =	ssyncset.done $0x0  }
0x27b: {  	s18 =	simm.s32 $0x1D00;
	[sflag:s1] =	ssyncadd.s32 $0xFFFFF000  }
0x27c: {  	[spmem:s3] =	stream.indirect.scatter.add.f32 [tilespmem:s23], [sflag:$0x6], $0x80, s18, s20, $0xb8;
	[tilespmem:$0x19300] =	vst v63  }
0x27d: {  	_ =	swait.ge [sflag:s8], $0x1000  }
0x27e: {  	s25 =	sld [smem:$0x7BA]  }
0x27f: {  	[sflag:s8] =	ssyncset.done $0x0  }
0x280: {  	[sflag:s8] =	ssyncadd.s32 $0xFFFFF000  }
0x281: {  	[tilespmem:s21], [sflag:$0x2] =	stream.indirect.gather [hbm4b:s0+s20], $0x80, s25, s20, $0xb8;
	[tilespmem:$0x19300] =	vst v63  }
0x282: {  	_ = 	snop  }
0x283: {  	[spmem:s4] =	stream.indirect.scatter.add.f32 [tilespmem:s15], [sflag:$0x7], $0x1, s18, s20, $0xb8;
	[tilespmem:$0x19300] =	vst v63  }
0x284: {  	_ =	swait.ge [sflag:s6], $0x20  }
0x285: {  	[sflag:s6] =	ssyncset.done $0x0  }
0x286: {  	[sflag:s6] =	ssyncadd.s32 $0xFFFFFFE0  }
0x287: {  	_ =	swait.ge [sflag:s22], $0x1000  }
0x288: {  	[sflag:s22] =	ssyncset.done $0x0  }
0x289: {  	s7 =	simm.s32 $0x1D80;
	[sflag:s22] =	ssyncadd.s32 $0xFFFFF000  }
0x28a: {  	[spmem:s3] =	stream.indirect.scatter.add.f32 [tilespmem:s13], [sflag:$0x4], $0x80, s7, s20, $0xb8;
	[tilespmem:$0x19300] =	vst v63  }
0x28b: {  	_ =	swait.ge [sflag:s10], $0x1000  }
0x28c: {  	s9 =	sld [smem:$0x7BF]  }
0x28d: {  	[sflag:s10] =	ssyncset.done $0x0  }
0x28e: {  	[sflag:s10] =	ssyncadd.s32 $0xFFFFF000  }
0x28f: {  	[tilespmem:s23], [sflag:$0x3] =	stream.indirect.gather [hbm4b:s0+s20], $0x80, s9, s20, $0xb8;
	[tilespmem:$0x19300] =	vst v63  }
0x290: {  	_ = 	snop  }
0x291: {  	[spmem:s4] =	stream.indirect.scatter.add.f32 [tilespmem:s15], [sflag:$0x7], $0x1, s7, s20, $0xb8;
	[tilespmem:$0x19300] =	vst v63  }
0x292: {  	_ =	swait.ge [sflag:s6], $0x20  }
0x293: {  	[sflag:s6] =	ssyncset.done $0x0  }
0x294: {  	[sflag:s6] =	ssyncadd.s32 $0xFFFFFFE0  }
0x295: {  	_ =	swait.ge [sflag:s24], $0x1000  }
0x296: {  	[sflag:s24] =	ssyncset.done $0x0  }
0x297: {  	s12 =	simm.s32 $0x1E00;
	[sflag:s24] =	ssyncadd.s32 $0xFFFFF000  }
0x298: {  	[spmem:s3] =	stream.indirect.scatter.add.f32 [tilespmem:s21], [sflag:$0x5], $0x80, s12, s20, $0xb8;
	[tilespmem:$0x19300] =	vst v63  }
0x299: {  	_ =	swait.ge [sflag:s30], $0x1000  }
0x29a: {  	s16 =	sld [smem:$0x7CA]  }
0x29b: {  	[sflag:s30] =	ssyncset.done $0x0  }
0x29c: {  	[sflag:s30] =	ssyncadd.s32 $0xFFFFF000  }
0x29d: {  	[tilespmem:s13], [sflag:$0x1] =	stream.indirect.gather [hbm4b:s0+s20], $0x80, s16, s20, $0xb8;
	[tilespmem:$0x19300] =	vst v63  }
0x29e: {  	_ = 	snop  }
0x29f: {  	[spmem:s4] =	stream.indirect.scatter.add.f32 [tilespmem:s15], [sflag:$0x7], $0x1, s12, s20, $0xb8;
	[tilespmem:$0x19300] =	vst v63  }
0x2a0: {  	_ =	swait.ge [sflag:s6], $0x20  }
0x2a1: {  	[sflag:s6] =	ssyncset.done $0x0  }
0x2a2: {  	[sflag:s6] =	ssyncadd.s32 $0xFFFFFFE0  }
0x2a3: {  	_ =	swait.ge [sflag:s1], $0x1000  }
0x2a4: {  	[sflag:s1] =	ssyncset.done $0x0  }
0x2a5: {  	s25 =	simm.s32 $0x1E80;
	[sflag:s1] =	ssyncadd.s32 $0xFFFFF000  }
0x2a6: {  	[spmem:s3] =	stream.indirect.scatter.add.f32 [tilespmem:s23], [sflag:$0x6], $0x80, s25, s20, $0xb8;
	[tilespmem:$0x19300] =	vst v63  }
0x2a7: {  	_ =	swait.ge [sflag:s8], $0x1000  }
0x2a8: {  	s18 =	sld [smem:$0x7CB]  }
0x2a9: {  	[sflag:s8] =	ssyncset.done $0x0  }
0x2aa: {  	[sflag:s8] =	ssyncadd.s32 $0xFFFFF000  }
0x2ab: {  	[tilespmem:s21], [sflag:$0x2] =	stream.indirect.gather [hbm4b:s0+s20], $0x80, s18, s20, $0xb8;
	[tilespmem:$0x19300] =	vst v63  }
0x2ac: {  	_ = 	snop  }
0x2ad: {  	[spmem:s4] =	stream.indirect.scatter.add.f32 [tilespmem:s15], [sflag:$0x7], $0x1, s25, s20, $0xb8;
	[tilespmem:$0x19300] =	vst v63  }
0x2ae: {  	_ =	swait.ge [sflag:s6], $0x20  }
0x2af: {  	[sflag:s6] =	ssyncset.done $0x0  }
0x2b0: {  	[sflag:s6] =	ssyncadd.s32 $0xFFFFFFE0  }
0x2b1: {  	_ =	swait.ge [sflag:s22], $0x1000  }
0x2b2: {  	[sflag:s22] =	ssyncset.done $0x0  }
0x2b3: {  	s7 =	simm.s32 $0x1F00;
	[sflag:s22] =	ssyncadd.s32 $0xFFFFF000  }
0x2b4: {  	[spmem:s3] =	stream.indirect.scatter.add.f32 [tilespmem:s13], [sflag:$0x4], $0x80, s7, s20, $0xb8;
	[tilespmem:$0x19300] =	vst v63  }
0x2b5: {  	_ = 	snop  }
0x2b6: {  	[spmem:s4] =	stream.indirect.scatter.add.f32 [tilespmem:s15], [sflag:$0x7], $0x1, s7, s20, $0xb8;
	[tilespmem:$0x19300] =	vst v63  }
0x2b7: {  	_ =	swait.ge [sflag:s6], $0x20  }
0x2b8: {  	[sflag:s6] =	ssyncset.done $0x0  }
0x2b9: {  	[sflag:s6] =	ssyncadd.s32 $0xFFFFFFE0  }
0x2ba: {  	_ =	swait.ge [sflag:s24], $0x1000  }
0x2bb: {  	[sflag:s24] =	ssyncset.done $0x0  }
0x2bc: {  	s2 =	simm.s32 $0x1F80;
	[sflag:s24] =	ssyncadd.s32 $0xFFFFF000  }
0x2bd: {  	[spmem:s3] =	stream.indirect.scatter.add.f32 [tilespmem:s21], [sflag:$0x5], $0x80, s2, s20, $0xb8;
	[tilespmem:$0x19300] =	vst v63  }
0x2be: {  	_ = 	snop  }
0x2bf: {  	[spmem:s4] =	stream.indirect.scatter.add.f32 [tilespmem:s15], [sflag:$0x7], $0x1, s2, s20, $0xb8;
	[tilespmem:$0x19300] =	vst v63  }
0x2c0: {  	_ =	swait.ge [sflag:s6], $0x20  }
0x2c1: {  	[sflag:s6] =	ssyncset.done $0x0  }
0x2c2: {  	[sflag:s6] =	ssyncadd.s32 $0xFFFFFFE0  }
0x2c3: {  	_ =	swait.ge [sflag:s30], $0x1000  }
0x2c4: {  	[sflag:s30] =	ssyncset.done $0x0  }
0x2c5: {  	[sflag:s30] =	ssyncadd.s32 $0xFFFFF000  }
0x2c6: {  	_ =	swait.ge [sflag:s8], $0x1000  }
0x2c7: {  	[sflag:s8] =	ssyncset.done $0x0  }
0x2c8: {  	[sflag:s8] =	ssyncadd.s32 $0xFFFFF000  }
0x2c9: {  	_ =	swait.ge [sflag:s10], $0x1000  }
0x2ca: {  	[sflag:s10] =	ssyncset.done $0x0  }
0x2cb: {  	[sflag:s10] =	ssyncadd.s32 $0xFFFFF000  }
0x2cc: {  	s31 =	simm.s32 $0x1800;
	_ =	swait.ge [sflag:s6], $0x20  }
0x2cd: {  	s19 =	simm.s32 $0x800;
	s14 =	simm.s32 $0x2;
	[sflag:s6] =	ssyncset.done $0x0  }
.LBB2_2:
0x2ce: {  	[sflag:s6] =	ssyncadd.s32 $0xFFFFFFE0  }
0x2cf: {  	_ =	swait.ge [sflag:s17], $0x800  }
0x2d0: {  	[sflag:s17] =	ssyncset.done $0x0  }
0x2d1: {  	[sflag:s17] =	ssyncadd.s32 $0xFFFFF800  }
0x2d2: {  	_ =	swait.ge [sflag:s17], $0x800  }
0x2d3: {  	[sflag:s17] =	ssyncset.done $0x0  }
0x2d4: {  	s28 =	sadd.s32 $0x200, s28;
	s12 =	simm.s32 $0x1000;
	[sflag:s17] =	ssyncadd.s32 $0xFFFFF800  }
0x2d5: {  	[tilespmem:s12], [sflag:$0x9] =	stream.linear.gather [hbm4b:s28+s5], $0x800, $0x38;
	[tilespmem:$0x19300] =	vst v63  }
0x2d6: {  	s26 =	sadd.s32 $0x200, s26  }
0x2d7: {  	[tilespmem:s31], [sflag:$0x9] =	stream.linear.gather [hbm4b:s26+s5], $0x800, $0x38;
	[tilespmem:$0x19300] =	vst v63  }
0x2d8: {  	_ = 	snop  }
0x2d9: {  	[tilespmem:s13], [sflag:$0x1] =	stream.indirect.gather [hbm4b:s0+s20], $0x80, s5, s20, $0xb8;
	[tilespmem:$0x19300] =	vst v63  }
0x2da: {  	s9 =	smov.u32 s29;
	s29 =	rddreg [dreg:$0x7]  }
0x2db: {  	[tilespmem:s21], [sflag:$0x2] =	stream.indirect.gather [hbm4b:s0+s20], $0x80, s29, s20, $0xb8;
	[tilespmem:$0x19300] =	vst v63  }
0x2dc: {  	_ =	swait.ge [sflag:s22], $0x1000  }
0x2dd: {  	[sflag:s22] =	ssyncset.done $0x0  }
0x2de: {  	[sflag:s22] =	ssyncadd.s32 $0xFFFFF000  }
0x2df: {  	[spmem:s3] =	stream.indirect.scatter.add.f32 [tilespmem:s13], [sflag:$0x4], $0x80, s19, s20, $0xb8;
	[tilespmem:$0x19300] =	vst v63  }
0x2e0: {  	s29 =	rddreg [dreg:$0x8]  }
0x2e1: {  	[tilespmem:s23], [sflag:$0x3] =	stream.indirect.gather [hbm4b:s0+s20], $0x80, s29, s20, $0xb8;
	[tilespmem:$0x19300] =	vst v63  }
0x2e2: {  	_ = 	snop  }
0x2e3: {  	[spmem:s4] =	stream.indirect.scatter.add.f32 [tilespmem:s15], [sflag:$0x7], $0x1, s19, s20, $0xb8;
	[tilespmem:$0x19300] =	vst v63  }
0x2e4: {  	_ =	swait.ge [sflag:s24], $0x1000  }
0x2e5: {  	[sflag:s24] =	ssyncset.done $0x0  }
0x2e6: {  	s16 =	simm.s32 $0x880;
	[sflag:s24] =	ssyncadd.s32 $0xFFFFF000  }
0x2e7: {  	[spmem:s3] =	stream.indirect.scatter.add.f32 [tilespmem:s21], [sflag:$0x5], $0x80, s16, s20, $0xb8;
	[tilespmem:$0x19300] =	vst v63  }
0x2e8: {  	_ =	swait.ge [sflag:s30], $0x1000  }
0x2e9: {  	[sflag:s30] =	ssyncset.done $0x0  }
0x2ea: {  	s29 =	rddreg [dreg:$0x9];
	[sflag:s30] =	ssyncadd.s32 $0xFFFFF000  }
0x2eb: {  	[tilespmem:s13], [sflag:$0x1] =	stream.indirect.gather [hbm4b:s0+s20], $0x80, s29, s20, $0xb8;
	[tilespmem:$0x19300] =	vst v63  }
0x2ec: {  	_ = 	snop  }
0x2ed: {  	[spmem:s4] =	stream.indirect.scatter.add.f32 [tilespmem:s15], [sflag:$0x7], $0x1, s16, s20, $0xb8;
	[tilespmem:$0x19300] =	vst v63  }
0x2ee: {  	_ =	swait.ge [sflag:s6], $0x20  }
0x2ef: {  	[sflag:s6] =	ssyncset.done $0x0  }
0x2f0: {  	[sflag:s6] =	ssyncadd.s32 $0xFFFFFFE0  }
0x2f1: {  	_ =	swait.ge [sflag:s1], $0x1000  }
0x2f2: {  	[sflag:s1] =	ssyncset.done $0x0  }
0x2f3: {  	s16 =	simm.s32 $0x900;
	[sflag:s1] =	ssyncadd.s32 $0xFFFFF000  }
0x2f4: {  	[spmem:s3] =	stream.indirect.scatter.add.f32 [tilespmem:s23], [sflag:$0x6], $0x80, s16, s20, $0xb8;
	[tilespmem:$0x19300] =	vst v63  }
0x2f5: {  	_ =	swait.ge [sflag:s8], $0x1000  }
0x2f6: {  	[sflag:s8] =	ssyncset.done $0x0  }
0x2f7: {  	s29 =	rddreg [dreg:$0xa];
	[sflag:s8] =	ssyncadd.s32 $0xFFFFF000  }
0x2f8: {  	[tilespmem:s21], [sflag:$0x2] =	stream.indirect.gather [hbm4b:s0+s20], $0x80, s29, s20, $0xb8;
	[tilespmem:$0x19300] =	vst v63  }
0x2f9: {  	_ = 	snop  }
0x2fa: {  	[spmem:s4] =	stream.indirect.scatter.add.f32 [tilespmem:s15], [sflag:$0x7], $0x1, s16, s20, $0xb8;
	[tilespmem:$0x19300] =	vst v63  }
0x2fb: {  	_ =	swait.ge [sflag:s6], $0x20  }
0x2fc: {  	[sflag:s6] =	ssyncset.done $0x0  }
0x2fd: {  	[sflag:s6] =	ssyncadd.s32 $0xFFFFFFE0  }
0x2fe: {  	_ =	swait.ge [sflag:s22], $0x1000  }
0x2ff: {  	[sflag:s22] =	ssyncset.done $0x0  }
0x300: {  	s16 =	simm.s32 $0x980;
	[sflag:s22] =	ssyncadd.s32 $0xFFFFF000  }
0x301: {  	[spmem:s3] =	stream.indirect.scatter.add.f32 [tilespmem:s13], [sflag:$0x4], $0x80, s16, s20, $0xb8;
	[tilespmem:$0x19300] =	vst v63  }
0x302: {  	_ =	swait.ge [sflag:s10], $0x1000  }
0x303: {  	[sflag:s10] =	ssyncset.done $0x0  }
0x304: {  	s29 =	rddreg [dreg:$0xb];
	[sflag:s10] =	ssyncadd.s32 $0xFFFFF000  }
0x305: {  	[tilespmem:s23], [sflag:$0x3] =	stream.indirect.gather [hbm4b:s0+s20], $0x80, s29, s20, $0xb8;
	[tilespmem:$0x19300] =	vst v63  }
0x306: {  	_ = 	snop  }
0x307: {  	[spmem:s4] =	stream.indirect.scatter.add.f32 [tilespmem:s15], [sflag:$0x7], $0x1, s16, s20, $0xb8;
	[tilespmem:$0x19300] =	vst v63  }
0x308: {  	_ =	swait.ge [sflag:s6], $0x20  }
0x309: {  	[sflag:s6] =	ssyncset.done $0x0  }
0x30a: {  	[sflag:s6] =	ssyncadd.s32 $0xFFFFFFE0  }
0x30b: {  	_ =	swait.ge [sflag:s24], $0x1000  }
0x30c: {  	[sflag:s24] =	ssyncset.done $0x0  }
0x30d: {  	s16 =	simm.s32 $0xA00;
	[sflag:s24] =	ssyncadd.s32 $0xFFFFF000  }
0x30e: {  	[spmem:s3] =	stream.indirect.scatter.add.f32 [tilespmem:s21], [sflag:$0x5], $0x80, s16, s20, $0xb8;
	[tilespmem:$0x19300] =	vst v63  }
0x30f: {  	_ =	swait.ge [sflag:s30], $0x1000  }
0x310: {  	[sflag:s30] =	ssyncset.done $0x0  }
0x311: {  	s29 =	rddreg [dreg:$0xc];
	[sflag:s30] =	ssyncadd.s32 $0xFFFFF000  }
0x312: {  	[tilespmem:s13], [sflag:$0x1] =	stream.indirect.gather [hbm4b:s0+s20], $0x80, s29, s20, $0xb8;
	[tilespmem:$0x19300] =	vst v63  }
0x313: {  	_ = 	snop  }
0x314: {  	[spmem:s4] =	stream.indirect.scatter.add.f32 [tilespmem:s15], [sflag:$0x7], $0x1, s16, s20, $0xb8;
	[tilespmem:$0x19300] =	vst v63  }
0x315: {  	_ =	swait.ge [sflag:s6], $0x20  }
0x316: {  	[sflag:s6] =	ssyncset.done $0x0  }
0x317: {  	[sflag:s6] =	ssyncadd.s32 $0xFFFFFFE0  }
0x318: {  	_ =	swait.ge [sflag:s1], $0x1000  }
0x319: {  	[sflag:s1] =	ssyncset.done $0x0  }
0x31a: {  	s16 =	simm.s32 $0xA80;
	[sflag:s1] =	ssyncadd.s32 $0xFFFFF000  }
0x31b: {  	[spmem:s3] =	stream.indirect.scatter.add.f32 [tilespmem:s23], [sflag:$0x6], $0x80, s16, s20, $0xb8;
	[tilespmem:$0x19300] =	vst v63  }
0x31c: {  	_ =	swait.ge [sflag:s8], $0x1000  }
0x31d: {  	[sflag:s8] =	ssyncset.done $0x0  }
0x31e: {  	s29 =	rddreg [dreg:$0xd];
	[sflag:s8] =	ssyncadd.s32 $0xFFFFF000  }
0x31f: {  	[tilespmem:s21], [sflag:$0x2] =	stream.indirect.gather [hbm4b:s0+s20], $0x80, s29, s20, $0xb8;
	[tilespmem:$0x19300] =	vst v63  }
0x320: {  	_ = 	snop  }
0x321: {  	[spmem:s4] =	stream.indirect.scatter.add.f32 [tilespmem:s15], [sflag:$0x7], $0x1, s16, s20, $0xb8;
	[tilespmem:$0x19300] =	vst v63  }
0x322: {  	_ =	swait.ge [sflag:s6], $0x20  }
0x323: {  	[sflag:s6] =	ssyncset.done $0x0  }
0x324: {  	[sflag:s6] =	ssyncadd.s32 $0xFFFFFFE0  }
0x325: {  	_ =	swait.ge [sflag:s22], $0x1000  }
0x326: {  	[sflag:s22] =	ssyncset.done $0x0  }
0x327: {  	s16 =	simm.s32 $0xB00;
	[sflag:s22] =	ssyncadd.s32 $0xFFFFF000  }
0x328: {  	[spmem:s3] =	stream.indirect.scatter.add.f32 [tilespmem:s13], [sflag:$0x4], $0x80, s16, s20, $0xb8;
	[tilespmem:$0x19300] =	vst v63  }
0x329: {  	_ =	swait.ge [sflag:s10], $0x1000  }
0x32a: {  	[sflag:s10] =	ssyncset.done $0x0  }
0x32b: {  	s29 =	rddreg [dreg:$0xe];
	[sflag:s10] =	ssyncadd.s32 $0xFFFFF000  }
0x32c: {  	[tilespmem:s23], [sflag:$0x3] =	stream.indirect.gather [hbm4b:s0+s20], $0x80, s29, s20, $0xb8;
	[tilespmem:$0x19300] =	vst v63  }
0x32d: {  	_ = 	snop  }
0x32e: {  	[spmem:s4] =	stream.indirect.scatter.add.f32 [tilespmem:s15], [sflag:$0x7], $0x1, s16, s20, $0xb8;
	[tilespmem:$0x19300] =	vst v63  }
0x32f: {  	_ =	swait.ge [sflag:s6], $0x20  }
0x330: {  	[sflag:s6] =	ssyncset.done $0x0  }
0x331: {  	[sflag:s6] =	ssyncadd.s32 $0xFFFFFFE0  }
0x332: {  	_ =	swait.ge [sflag:s24], $0x1000  }
0x333: {  	[sflag:s24] =	ssyncset.done $0x0  }
0x334: {  	s16 =	simm.s32 $0xB80;
	[sflag:s24] =	ssyncadd.s32 $0xFFFFF000  }
0x335: {  	[spmem:s3] =	stream.indirect.scatter.add.f32 [tilespmem:s21], [sflag:$0x5], $0x80, s16, s20, $0xb8;
	[tilespmem:$0x19300] =	vst v63  }
0x336: {  	_ =	swait.ge [sflag:s30], $0x1000  }
0x337: {  	[sflag:s30] =	ssyncset.done $0x0  }
0x338: {  	s29 =	rddreg [dreg:$0xf];
	[sflag:s30] =	ssyncadd.s32 $0xFFFFF000  }
0x339: {  	[tilespmem:s13], [sflag:$0x1] =	stream.indirect.gather [hbm4b:s0+s20], $0x80, s29, s20, $0xb8;
	[tilespmem:$0x19300] =	vst v63  }
0x33a: {  	_ = 	snop  }
0x33b: {  	[spmem:s4] =	stream.indirect.scatter.add.f32 [tilespmem:s15], [sflag:$0x7], $0x1, s16, s20, $0xb8;
	[tilespmem:$0x19300] =	vst v63  }
0x33c: {  	_ =	swait.ge [sflag:s6], $0x20  }
0x33d: {  	[sflag:s6] =	ssyncset.done $0x0  }
0x33e: {  	[sflag:s6] =	ssyncadd.s32 $0xFFFFFFE0  }
0x33f: {  	_ =	swait.ge [sflag:s1], $0x1000  }
0x340: {  	[sflag:s1] =	ssyncset.done $0x0  }
0x341: {  	s16 =	simm.s32 $0xC00;
	[sflag:s1] =	ssyncadd.s32 $0xFFFFF000  }
0x342: {  	[spmem:s3] =	stream.indirect.scatter.add.f32 [tilespmem:s23], [sflag:$0x6], $0x80, s16, s20, $0xb8;
	[tilespmem:$0x19300] =	vst v63  }
0x343: {  	_ =	swait.ge [sflag:s8], $0x1000  }
0x344: {  	[sflag:s8] =	ssyncset.done $0x0  }
0x345: {  	s29 =	rddreg [dreg:$0x10];
	[sflag:s8] =	ssyncadd.s32 $0xFFFFF000  }
0x346: {  	[tilespmem:s21], [sflag:$0x2] =	stream.indirect.gather [hbm4b:s0+s20], $0x80, s29, s20, $0xb8;
	[tilespmem:$0x19300] =	vst v63  }
0x347: {  	_ = 	snop  }
0x348: {  	[spmem:s4] =	stream.indirect.scatter.add.f32 [tilespmem:s15], [sflag:$0x7], $0x1, s16, s20, $0xb8;
	[tilespmem:$0x19300] =	vst v63  }
0x349: {  	_ =	swait.ge [sflag:s6], $0x20  }
0x34a: {  	[sflag:s6] =	ssyncset.done $0x0  }
0x34b: {  	[sflag:s6] =	ssyncadd.s32 $0xFFFFFFE0  }
0x34c: {  	_ =	swait.ge [sflag:s22], $0x1000  }
0x34d: {  	[sflag:s22] =	ssyncset.done $0x0  }
0x34e: {  	s16 =	simm.s32 $0xC80;
	[sflag:s22] =	ssyncadd.s32 $0xFFFFF000  }
0x34f: {  	[spmem:s3] =	stream.indirect.scatter.add.f32 [tilespmem:s13], [sflag:$0x4], $0x80, s16, s20, $0xb8;
	[tilespmem:$0x19300] =	vst v63  }
0x350: {  	_ =	swait.ge [sflag:s10], $0x1000  }
0x351: {  	[sflag:s10] =	ssyncset.done $0x0  }
0x352: {  	s29 =	rddreg [dreg:$0x11];
	[sflag:s10] =	ssyncadd.s32 $0xFFFFF000  }
0x353: {  	[tilespmem:s23], [sflag:$0x3] =	stream.indirect.gather [hbm4b:s0+s20], $0x80, s29, s20, $0xb8;
	[tilespmem:$0x19300] =	vst v63  }
0x354: {  	_ = 	snop  }
0x355: {  	[spmem:s4] =	stream.indirect.scatter.add.f32 [tilespmem:s15], [sflag:$0x7], $0x1, s16, s20, $0xb8;
	[tilespmem:$0x19300] =	vst v63  }
0x356: {  	_ =	swait.ge [sflag:s6], $0x20  }
0x357: {  	[sflag:s6] =	ssyncset.done $0x0  }
0x358: {  	[sflag:s6] =	ssyncadd.s32 $0xFFFFFFE0  }
0x359: {  	_ =	swait.ge [sflag:s24], $0x1000  }
0x35a: {  	[sflag:s24] =	ssyncset.done $0x0  }
0x35b: {  	s16 =	simm.s32 $0xD00;
	[sflag:s24] =	ssyncadd.s32 $0xFFFFF000  }
0x35c: {  	[spmem:s3] =	stream.indirect.scatter.add.f32 [tilespmem:s21], [sflag:$0x5], $0x80, s16, s20, $0xb8;
	[tilespmem:$0x19300] =	vst v63  }
0x35d: {  	_ =	swait.ge [sflag:s30], $0x1000  }
0x35e: {  	[sflag:s30] =	ssyncset.done $0x0  }
0x35f: {  	s29 =	rddreg [dreg:$0x12];
	[sflag:s30] =	ssyncadd.s32 $0xFFFFF000  }
0x360: {  	[tilespmem:s13], [sflag:$0x1] =	stream.indirect.gather [hbm4b:s0+s20], $0x80, s29, s20, $0xb8;
	[tilespmem:$0x19300] =	vst v63  }
0x361: {  	_ = 	snop  }
0x362: {  	[spmem:s4] =	stream.indirect.scatter.add.f32 [tilespmem:s15], [sflag:$0x7], $0x1, s16, s20, $0xb8;
	[tilespmem:$0x19300] =	vst v63  }
0x363: {  	_ =	swait.ge [sflag:s6], $0x20  }
0x364: {  	[sflag:s6] =	ssyncset.done $0x0  }
0x365: {  	[sflag:s6] =	ssyncadd.s32 $0xFFFFFFE0  }
0x366: {  	_ =	swait.ge [sflag:s1], $0x1000  }
0x367: {  	[sflag:s1] =	ssyncset.done $0x0  }
0x368: {  	s16 =	simm.s32 $0xD80;
	[sflag:s1] =	ssyncadd.s32 $0xFFFFF000  }
0x369: {  	[spmem:s3] =	stream.indirect.scatter.add.f32 [tilespmem:s23], [sflag:$0x6], $0x80, s16, s20, $0xb8;
	[tilespmem:$0x19300] =	vst v63  }
0x36a: {  	_ =	swait.ge [sflag:s8], $0x1000  }
0x36b: {  	[sflag:s8] =	ssyncset.done $0x0  }
0x36c: {  	s29 =	rddreg [dreg:$0x13];
	[sflag:s8] =	ssyncadd.s32 $0xFFFFF000  }
0x36d: {  	[tilespmem:s21], [sflag:$0x2] =	stream.indirect.gather [hbm4b:s0+s20], $0x80, s29, s20, $0xb8;
	[tilespmem:$0x19300] =	vst v63  }
0x36e: {  	_ = 	snop  }
0x36f: {  	[spmem:s4] =	stream.indirect.scatter.add.f32 [tilespmem:s15], [sflag:$0x7], $0x1, s16, s20, $0xb8;
	[tilespmem:$0x19300] =	vst v63  }
0x370: {  	_ =	swait.ge [sflag:s6], $0x20  }
0x371: {  	[sflag:s6] =	ssyncset.done $0x0  }
0x372: {  	[sflag:s6] =	ssyncadd.s32 $0xFFFFFFE0  }
0x373: {  	_ =	swait.ge [sflag:s22], $0x1000  }
0x374: {  	[sflag:s22] =	ssyncset.done $0x0  }
0x375: {  	s16 =	simm.s32 $0xE00;
	[sflag:s22] =	ssyncadd.s32 $0xFFFFF000  }
0x376: {  	[spmem:s3] =	stream.indirect.scatter.add.f32 [tilespmem:s13], [sflag:$0x4], $0x80, s16, s20, $0xb8;
	[tilespmem:$0x19300] =	vst v63  }
0x377: {  	_ =	swait.ge [sflag:s10], $0x1000  }
0x378: {  	[sflag:s10] =	ssyncset.done $0x0  }
0x379: {  	s29 =	rddreg [dreg:$0x14];
	[sflag:s10] =	ssyncadd.s32 $0xFFFFF000  }
0x37a: {  	[tilespmem:s23], [sflag:$0x3] =	stream.indirect.gather [hbm4b:s0+s20], $0x80, s29, s20, $0xb8;
	[tilespmem:$0x19300] =	vst v63  }
0x37b: {  	_ = 	snop  }
0x37c: {  	[spmem:s4] =	stream.indirect.scatter.add.f32 [tilespmem:s15], [sflag:$0x7], $0x1, s16, s20, $0xb8;
	[tilespmem:$0x19300] =	vst v63  }
0x37d: {  	_ =	swait.ge [sflag:s6], $0x20  }
0x37e: {  	[sflag:s6] =	ssyncset.done $0x0  }
0x37f: {  	[sflag:s6] =	ssyncadd.s32 $0xFFFFFFE0  }
0x380: {  	_ =	swait.ge [sflag:s24], $0x1000  }
0x381: {  	[sflag:s24] =	ssyncset.done $0x0  }
0x382: {  	s16 =	simm.s32 $0xE80;
	[sflag:s24] =	ssyncadd.s32 $0xFFFFF000  }
0x383: {  	[spmem:s3] =	stream.indirect.scatter.add.f32 [tilespmem:s21], [sflag:$0x5], $0x80, s16, s20, $0xb8;
	[tilespmem:$0x19300] =	vst v63  }
0x384: {  	_ =	swait.ge [sflag:s30], $0x1000  }
0x385: {  	[sflag:s30] =	ssyncset.done $0x0  }
0x386: {  	s29 =	rddreg [dreg:$0x15];
	[sflag:s30] =	ssyncadd.s32 $0xFFFFF000  }
0x387: {  	[tilespmem:s13], [sflag:$0x1] =	stream.indirect.gather [hbm4b:s0+s20], $0x80, s29, s20, $0xb8;
	[tilespmem:$0x19300] =	vst v63  }
0x388: {  	_ = 	snop  }
0x389: {  	[spmem:s4] =	stream.indirect.scatter.add.f32 [tilespmem:s15], [sflag:$0x7], $0x1, s16, s20, $0xb8;
	[tilespmem:$0x19300] =	vst v63  }
0x38a: {  	_ =	swait.ge [sflag:s6], $0x20  }
0x38b: {  	[sflag:s6] =	ssyncset.done $0x0  }
0x38c: {  	[sflag:s6] =	ssyncadd.s32 $0xFFFFFFE0  }
0x38d: {  	_ =	swait.ge [sflag:s1], $0x1000  }
0x38e: {  	[sflag:s1] =	ssyncset.done $0x0  }
0x38f: {  	s16 =	simm.s32 $0xF00;
	[sflag:s1] =	ssyncadd.s32 $0xFFFFF000  }
0x390: {  	[spmem:s3] =	stream.indirect.scatter.add.f32 [tilespmem:s23], [sflag:$0x6], $0x80, s16, s20, $0xb8;
	[tilespmem:$0x19300] =	vst v63  }
0x391: {  	_ =	swait.ge [sflag:s8], $0x1000  }
0x392: {  	[sflag:s8] =	ssyncset.done $0x0  }
0x393: {  	[sflag:s8] =	ssyncadd.s32 $0xFFFFF000  }
0x394: {  	[tilespmem:s21], [sflag:$0x2] =	stream.indirect.gather [hbm4b:s0+s20], $0x80, s12, s20, $0xb8;
	[tilespmem:$0x19300] =	vst v63  }
0x395: {  	_ = 	snop  }
0x396: {  	[spmem:s4] =	stream.indirect.scatter.add.f32 [tilespmem:s15], [sflag:$0x7], $0x1, s16, s20, $0xb8;
	[tilespmem:$0x19300] =	vst v63  }
0x397: {  	_ =	swait.ge [sflag:s6], $0x20  }
0x398: {  	[sflag:s6] =	ssyncset.done $0x0  }
0x399: {  	[sflag:s6] =	ssyncadd.s32 $0xFFFFFFE0  }
0x39a: {  	_ =	swait.ge [sflag:s22], $0x1000  }
0x39b: {  	[sflag:s22] =	ssyncset.done $0x0  }
0x39c: {  	s16 =	simm.s32 $0xF80;
	[sflag:s22] =	ssyncadd.s32 $0xFFFFF000  }
0x39d: {  	[spmem:s3] =	stream.indirect.scatter.add.f32 [tilespmem:s13], [sflag:$0x4], $0x80, s16, s20, $0xb8;
	[tilespmem:$0x19300] =	vst v63  }
0x39e: {  	_ =	swait.ge [sflag:s11], $0x800  }
0x39f: {  	[sflag:s11] =	ssyncset.done $0x0  }
0x3a0: {  	[sflag:s11] =	ssyncadd.s32 $0xFFFFF800  }
0x3a1: {  	s18 =	smov.u32 s14;
	_ =	swait.ge [sflag:s11], $0x800  }
0x3a2: {  	s18 =	smin.u32 s18, $0x11;
	s29 =	rddreg [dreg:$0x6]  }
0x3a3: {  	s18 =	sshll.u32 s18, $0xB;
	s12 =	sld [smem:$0x7FD]  }
0x3a4: {  	s18 =	sadd.s32 s18, s29  }
0x3a5: {  	[sflag:s11] =	ssyncset.done $0x0;
	s18 =	sshrl.u32 s18, $0x3  }
0x3a6: {  	[sflag:s11] =	ssyncadd.s32 $0xFFFFF800;
	s29 =	sadd.s32 s12, s18  }
0x3a7: {  	[tilespmem:s5], [sflag:$0x8] =	stream.linear.gather [hbm4b:s29+s5], $0x800, $0x38;
	[tilespmem:$0x19300] =	vst v63  }
0x3a8: {  	s18 =	sadd.s32 s9, s18  }
0x3a9: {  	[tilespmem:s19], [sflag:$0x8] =	stream.linear.gather [hbm4b:s18+s5], $0x800, $0x38;
	[tilespmem:$0x19300] =	vst v63  }
0x3aa: {  	_ =	swait.ge [sflag:s10], $0x1000  }
0x3ab: {  	[sflag:s10] =	ssyncset.done $0x0  }
0x3ac: {  	s29 =	smov.u32 s9;
	s9 =	rddreg [dreg:$0x16];
	[sflag:s10] =	ssyncadd.s32 $0xFFFFF000  }
0x3ad: {  	[tilespmem:s23], [sflag:$0x3] =	stream.indirect.gather [hbm4b:s0+s20], $0x80, s9, s20, $0xb8;
	[tilespmem:$0x19300] =	vst v63  }
0x3ae: {  	_ = 	snop  }
0x3af: {  	[spmem:s4] =	stream.indirect.scatter.add.f32 [tilespmem:s15], [sflag:$0x7], $0x1, s16, s20, $0xb8;
	[tilespmem:$0x19300] =	vst v63  }
0x3b0: {  	_ =	swait.ge [sflag:s6], $0x20  }
0x3b1: {  	[sflag:s6] =	ssyncset.done $0x0  }
0x3b2: {  	[sflag:s6] =	ssyncadd.s32 $0xFFFFFFE0  }
0x3b3: {  	_ =	swait.ge [sflag:s24], $0x1000  }
0x3b4: {  	[sflag:s24] =	ssyncset.done $0x0  }
0x3b5: {  	[sflag:s24] =	ssyncadd.s32 $0xFFFFF000  }
0x3b6: {  	[spmem:s3] =	stream.indirect.scatter.add.f32 [tilespmem:s21], [sflag:$0x5], $0x80, s31, s20, $0xb8;
	[tilespmem:$0x19300] =	vst v63  }
0x3b7: {  	_ =	swait.ge [sflag:s30], $0x1000  }
0x3b8: {  	[sflag:s30] =	ssyncset.done $0x0  }
0x3b9: {  	s12 =	rddreg [dreg:$0x17];
	[sflag:s30] =	ssyncadd.s32 $0xFFFFF000  }
0x3ba: {  	[tilespmem:s13], [sflag:$0x1] =	stream.indirect.gather [hbm4b:s0+s20], $0x80, s12, s20, $0xb8;
	[tilespmem:$0x19300] =	vst v63  }
0x3bb: {  	_ = 	snop  }
0x3bc: {  	[spmem:s4] =	stream.indirect.scatter.add.f32 [tilespmem:s15], [sflag:$0x7], $0x1, s31, s20, $0xb8;
	[tilespmem:$0x19300] =	vst v63  }
0x3bd: {  	_ =	swait.ge [sflag:s6], $0x20  }
0x3be: {  	[sflag:s6] =	ssyncset.done $0x0  }
0x3bf: {  	[sflag:s6] =	ssyncadd.s32 $0xFFFFFFE0  }
0x3c0: {  	_ =	swait.ge [sflag:s1], $0x1000  }
0x3c1: {  	[sflag:s1] =	ssyncset.done $0x0  }
0x3c2: {  	s16 =	simm.s32 $0x1880;
	[sflag:s1] =	ssyncadd.s32 $0xFFFFF000  }
0x3c3: {  	[spmem:s3] =	stream.indirect.scatter.add.f32 [tilespmem:s23], [sflag:$0x6], $0x80, s16, s20, $0xb8;
	[tilespmem:$0x19300] =	vst v63  }
0x3c4: {  	_ =	swait.ge [sflag:s8], $0x1000  }
0x3c5: {  	[sflag:s8] =	ssyncset.done $0x0  }
0x3c6: {  	s12 =	rddreg [dreg:$0x18];
	[sflag:s8] =	ssyncadd.s32 $0xFFFFF000  }
0x3c7: {  	[tilespmem:s21], [sflag:$0x2] =	stream.indirect.gather [hbm4b:s0+s20], $0x80, s12, s20, $0xb8;
	[tilespmem:$0x19300] =	vst v63  }
0x3c8: {  	_ = 	snop  }
0x3c9: {  	[spmem:s4] =	stream.indirect.scatter.add.f32 [tilespmem:s15], [sflag:$0x7], $0x1, s16, s20, $0xb8;
	[tilespmem:$0x19300] =	vst v63  }
0x3ca: {  	_ =	swait.ge [sflag:s6], $0x20  }
0x3cb: {  	[sflag:s6] =	ssyncset.done $0x0  }
0x3cc: {  	[sflag:s6] =	ssyncadd.s32 $0xFFFFFFE0  }
0x3cd: {  	_ =	swait.ge [sflag:s22], $0x1000  }
0x3ce: {  	[sflag:s22] =	ssyncset.done $0x0  }
0x3cf: {  	s16 =	simm.s32 $0x1900;
	[sflag:s22] =	ssyncadd.s32 $0xFFFFF000  }
0x3d0: {  	[spmem:s3] =	stream.indirect.scatter.add.f32 [tilespmem:s13], [sflag:$0x4], $0x80, s16, s20, $0xb8;
	[tilespmem:$0x19300] =	vst v63  }
0x3d1: {  	_ =	swait.ge [sflag:s10], $0x1000  }
0x3d2: {  	[sflag:s10] =	ssyncset.done $0x0  }
0x3d3: {  	s12 =	rddreg [dreg:$0x19];
	[sflag:s10] =	ssyncadd.s32 $0xFFFFF000  }
0x3d4: {  	[tilespmem:s23], [sflag:$0x3] =	stream.indirect.gather [hbm4b:s0+s20], $0x80, s12, s20, $0xb8;
	[tilespmem:$0x19300] =	vst v63  }
0x3d5: {  	_ = 	snop  }
0x3d6: {  	[spmem:s4] =	stream.indirect.scatter.add.f32 [tilespmem:s15], [sflag:$0x7], $0x1, s16, s20, $0xb8;
	[tilespmem:$0x19300] =	vst v63  }
0x3d7: {  	_ =	swait.ge [sflag:s6], $0x20  }
0x3d8: {  	[sflag:s6] =	ssyncset.done $0x0  }
0x3d9: {  	[sflag:s6] =	ssyncadd.s32 $0xFFFFFFE0  }
0x3da: {  	_ =	swait.ge [sflag:s24], $0x1000  }
0x3db: {  	[sflag:s24] =	ssyncset.done $0x0  }
0x3dc: {  	s16 =	simm.s32 $0x1980;
	[sflag:s24] =	ssyncadd.s32 $0xFFFFF000  }
0x3dd: {  	[spmem:s3] =	stream.indirect.scatter.add.f32 [tilespmem:s21], [sflag:$0x5], $0x80, s16, s20, $0xb8;
	[tilespmem:$0x19300] =	vst v63  }
0x3de: {  	_ =	swait.ge [sflag:s30], $0x1000  }
0x3df: {  	[sflag:s30] =	ssyncset.done $0x0  }
0x3e0: {  	s12 =	rddreg [dreg:$0x1a];
	[sflag:s30] =	ssyncadd.s32 $0xFFFFF000  }
0x3e1: {  	[tilespmem:s13], [sflag:$0x1] =	stream.indirect.gather [hbm4b:s0+s20], $0x80, s12, s20, $0xb8;
	[tilespmem:$0x19300] =	vst v63  }
0x3e2: {  	_ = 	snop  }
0x3e3: {  	[spmem:s4] =	stream.indirect.scatter.add.f32 [tilespmem:s15], [sflag:$0x7], $0x1, s16, s20, $0xb8;
	[tilespmem:$0x19300] =	vst v63  }
0x3e4: {  	_ =	swait.ge [sflag:s6], $0x20  }
0x3e5: {  	[sflag:s6] =	ssyncset.done $0x0  }
0x3e6: {  	[sflag:s6] =	ssyncadd.s32 $0xFFFFFFE0  }
0x3e7: {  	_ =	swait.ge [sflag:s1], $0x1000  }
0x3e8: {  	[sflag:s1] =	ssyncset.done $0x0  }
0x3e9: {  	s16 =	simm.s32 $0x1A00;
	[sflag:s1] =	ssyncadd.s32 $0xFFFFF000  }
0x3ea: {  	[spmem:s3] =	stream.indirect.scatter.add.f32 [tilespmem:s23], [sflag:$0x6], $0x80, s16, s20, $0xb8;
	[tilespmem:$0x19300] =	vst v63  }
0x3eb: {  	_ =	swait.ge [sflag:s8], $0x1000  }
0x3ec: {  	[sflag:s8] =	ssyncset.done $0x0  }
0x3ed: {  	s12 =	rddreg [dreg:$0x1b];
	[sflag:s8] =	ssyncadd.s32 $0xFFFFF000  }
0x3ee: {  	[tilespmem:s21], [sflag:$0x2] =	stream.indirect.gather [hbm4b:s0+s20], $0x80, s12, s20, $0xb8;
	[tilespmem:$0x19300] =	vst v63  }
0x3ef: {  	_ = 	snop  }
0x3f0: {  	[spmem:s4] =	stream.indirect.scatter.add.f32 [tilespmem:s15], [sflag:$0x7], $0x1, s16, s20, $0xb8;
	[tilespmem:$0x19300] =	vst v63  }
0x3f1: {  	_ =	swait.ge [sflag:s6], $0x20  }
0x3f2: {  	[sflag:s6] =	ssyncset.done $0x0  }
0x3f3: {  	[sflag:s6] =	ssyncadd.s32 $0xFFFFFFE0  }
0x3f4: {  	_ =	swait.ge [sflag:s22], $0x1000  }
0x3f5: {  	[sflag:s22] =	ssyncset.done $0x0  }
0x3f6: {  	s16 =	simm.s32 $0x1A80;
	[sflag:s22] =	ssyncadd.s32 $0xFFFFF000  }
0x3f7: {  	[spmem:s3] =	stream.indirect.scatter.add.f32 [tilespmem:s13], [sflag:$0x4], $0x80, s16, s20, $0xb8;
	[tilespmem:$0x19300] =	vst v63  }
0x3f8: {  	_ =	swait.ge [sflag:s10], $0x1000  }
0x3f9: {  	[sflag:s10] =	ssyncset.done $0x0  }
0x3fa: {  	s12 =	rddreg [dreg:$0x1c];
	[sflag:s10] =	ssyncadd.s32 $0xFFFFF000  }
0x3fb: {  	[tilespmem:s23], [sflag:$0x3] =	stream.indirect.gather [hbm4b:s0+s20], $0x80, s12, s20, $0xb8;
	[tilespmem:$0x19300] =	vst v63  }
0x3fc: {  	_ = 	snop  }
0x3fd: {  	[spmem:s4] =	stream.indirect.scatter.add.f32 [tilespmem:s15], [sflag:$0x7], $0x1, s16, s20, $0xb8;
	[tilespmem:$0x19300] =	vst v63  }
0x3fe: {  	_ =	swait.ge [sflag:s6], $0x20  }
0x3ff: {  	[sflag:s6] =	ssyncset.done $0x0  }
0x400: {  	[sflag:s6] =	ssyncadd.s32 $0xFFFFFFE0  }
0x401: {  	_ =	swait.ge [sflag:s24], $0x1000  }
0x402: {  	[sflag:s24] =	ssyncset.done $0x0  }
0x403: {  	s16 =	simm.s32 $0x1B00;
	[sflag:s24] =	ssyncadd.s32 $0xFFFFF000  }
0x404: {  	[spmem:s3] =	stream.indirect.scatter.add.f32 [tilespmem:s21], [sflag:$0x5], $0x80, s16, s20, $0xb8;
	[tilespmem:$0x19300] =	vst v63  }
0x405: {  	_ =	swait.ge [sflag:s30], $0x1000  }
0x406: {  	[sflag:s30] =	ssyncset.done $0x0  }
0x407: {  	s12 =	rddreg [dreg:$0x1d];
	[sflag:s30] =	ssyncadd.s32 $0xFFFFF000  }
0x408: {  	[tilespmem:s13], [sflag:$0x1] =	stream.indirect.gather [hbm4b:s0+s20], $0x80, s12, s20, $0xb8;
	[tilespmem:$0x19300] =	vst v63  }
0x409: {  	_ = 	snop  }
0x40a: {  	[spmem:s4] =	stream.indirect.scatter.add.f32 [tilespmem:s15], [sflag:$0x7], $0x1, s16, s20, $0xb8;
	[tilespmem:$0x19300] =	vst v63  }
0x40b: {  	_ =	swait.ge [sflag:s6], $0x20  }
0x40c: {  	[sflag:s6] =	ssyncset.done $0x0  }
0x40d: {  	[sflag:s6] =	ssyncadd.s32 $0xFFFFFFE0  }
0x40e: {  	_ =	swait.ge [sflag:s1], $0x1000  }
0x40f: {  	[sflag:s1] =	ssyncset.done $0x0  }
0x410: {  	s16 =	simm.s32 $0x1B80;
	[sflag:s1] =	ssyncadd.s32 $0xFFFFF000  }
0x411: {  	[spmem:s3] =	stream.indirect.scatter.add.f32 [tilespmem:s23], [sflag:$0x6], $0x80, s16, s20, $0xb8;
	[tilespmem:$0x19300] =	vst v63  }
0x412: {  	_ =	swait.ge [sflag:s8], $0x1000  }
0x413: {  	[sflag:s8] =	ssyncset.done $0x0  }
0x414: {  	s12 =	rddreg [dreg:$0x1e];
	[sflag:s8] =	ssyncadd.s32 $0xFFFFF000  }
0x415: {  	[tilespmem:s21], [sflag:$0x2] =	stream.indirect.gather [hbm4b:s0+s20], $0x80, s12, s20, $0xb8;
	[tilespmem:$0x19300] =	vst v63  }
0x416: {  	_ = 	snop  }
0x417: {  	[spmem:s4] =	stream.indirect.scatter.add.f32 [tilespmem:s15], [sflag:$0x7], $0x1, s16, s20, $0xb8;
	[tilespmem:$0x19300] =	vst v63  }
0x418: {  	_ =	swait.ge [sflag:s6], $0x20  }
0x419: {  	[sflag:s6] =	ssyncset.done $0x0  }
0x41a: {  	[sflag:s6] =	ssyncadd.s32 $0xFFFFFFE0  }
0x41b: {  	_ =	swait.ge [sflag:s22], $0x1000  }
0x41c: {  	[sflag:s22] =	ssyncset.done $0x0  }
0x41d: {  	s16 =	simm.s32 $0x1C00;
	[sflag:s22] =	ssyncadd.s32 $0xFFFFF000  }
0x41e: {  	[spmem:s3] =	stream.indirect.scatter.add.f32 [tilespmem:s13], [sflag:$0x4], $0x80, s16, s20, $0xb8;
	[tilespmem:$0x19300] =	vst v63  }
0x41f: {  	_ =	swait.ge [sflag:s10], $0x1000  }
0x420: {  	[sflag:s10] =	ssyncset.done $0x0  }
0x421: {  	s12 =	rddreg [dreg:$0x1f];
	[sflag:s10] =	ssyncadd.s32 $0xFFFFF000  }
0x422: {  	[tilespmem:s23], [sflag:$0x3] =	stream.indirect.gather [hbm4b:s0+s20], $0x80, s12, s20, $0xb8;
	[tilespmem:$0x19300] =	vst v63  }
0x423: {  	_ = 	snop  }
0x424: {  	[spmem:s4] =	stream.indirect.scatter.add.f32 [tilespmem:s15], [sflag:$0x7], $0x1, s16, s20, $0xb8;
	[tilespmem:$0x19300] =	vst v63  }
0x425: {  	_ =	swait.ge [sflag:s6], $0x20  }
0x426: {  	[sflag:s6] =	ssyncset.done $0x0  }
0x427: {  	[sflag:s6] =	ssyncadd.s32 $0xFFFFFFE0  }
0x428: {  	_ =	swait.ge [sflag:s24], $0x1000  }
0x429: {  	[sflag:s24] =	ssyncset.done $0x0  }
0x42a: {  	s16 =	simm.s32 $0x1C80;
	[sflag:s24] =	ssyncadd.s32 $0xFFFFF000  }
0x42b: {  	[spmem:s3] =	stream.indirect.scatter.add.f32 [tilespmem:s21], [sflag:$0x5], $0x80, s16, s20, $0xb8;
	[tilespmem:$0x19300] =	vst v63  }
0x42c: {  	_ =	swait.ge [sflag:s30], $0x1000  }
0x42d: {  	s12 =	sld [smem:$0x7B8]  }
0x42e: {  	[sflag:s30] =	ssyncset.done $0x0  }
0x42f: {  	[sflag:s30] =	ssyncadd.s32 $0xFFFFF000  }
0x430: {  	[tilespmem:s13], [sflag:$0x1] =	stream.indirect.gather [hbm4b:s0+s20], $0x80, s12, s20, $0xb8;
	[tilespmem:$0x19300] =	vst v63  }
0x431: {  	_ = 	snop  }
0x432: {  	[spmem:s4] =	stream.indirect.scatter.add.f32 [tilespmem:s15], [sflag:$0x7], $0x1, s16, s20, $0xb8;
	[tilespmem:$0x19300] =	vst v63  }
0x433: {  	_ =	swait.ge [sflag:s6], $0x20  }
0x434: {  	[sflag:s6] =	ssyncset.done $0x0  }
0x435: {  	[sflag:s6] =	ssyncadd.s32 $0xFFFFFFE0  }
0x436: {  	_ =	swait.ge [sflag:s1], $0x1000  }
0x437: {  	[sflag:s1] =	ssyncset.done $0x0  }
0x438: {  	s16 =	simm.s32 $0x1D00;
	[sflag:s1] =	ssyncadd.s32 $0xFFFFF000  }
0x439: {  	[spmem:s3] =	stream.indirect.scatter.add.f32 [tilespmem:s23], [sflag:$0x6], $0x80, s16, s20, $0xb8;
	[tilespmem:$0x19300] =	vst v63  }
0x43a: {  	_ =	swait.ge [sflag:s8], $0x1000  }
0x43b: {  	s12 =	sld [smem:$0x7BA]  }
0x43c: {  	[sflag:s8] =	ssyncset.done $0x0  }
0x43d: {  	[sflag:s8] =	ssyncadd.s32 $0xFFFFF000  }
0x43e: {  	[tilespmem:s21], [sflag:$0x2] =	stream.indirect.gather [hbm4b:s0+s20], $0x80, s12, s20, $0xb8;
	[tilespmem:$0x19300] =	vst v63  }
0x43f: {  	_ = 	snop  }
0x440: {  	[spmem:s4] =	stream.indirect.scatter.add.f32 [tilespmem:s15], [sflag:$0x7], $0x1, s16, s20, $0xb8;
	[tilespmem:$0x19300] =	vst v63  }
0x441: {  	_ =	swait.ge [sflag:s6], $0x20  }
0x442: {  	[sflag:s6] =	ssyncset.done $0x0  }
0x443: {  	[sflag:s6] =	ssyncadd.s32 $0xFFFFFFE0  }
0x444: {  	_ =	swait.ge [sflag:s22], $0x1000  }
0x445: {  	[sflag:s22] =	ssyncset.done $0x0  }
0x446: {  	s16 =	simm.s32 $0x1D80;
	[sflag:s22] =	ssyncadd.s32 $0xFFFFF000  }
0x447: {  	[spmem:s3] =	stream.indirect.scatter.add.f32 [tilespmem:s13], [sflag:$0x4], $0x80, s16, s20, $0xb8;
	[tilespmem:$0x19300] =	vst v63  }
0x448: {  	_ =	swait.ge [sflag:s10], $0x1000  }
0x449: {  	s12 =	sld [smem:$0x7BF]  }
0x44a: {  	[sflag:s10] =	ssyncset.done $0x0  }
0x44b: {  	[sflag:s10] =	ssyncadd.s32 $0xFFFFF000  }
0x44c: {  	[tilespmem:s23], [sflag:$0x3] =	stream.indirect.gather [hbm4b:s0+s20], $0x80, s12, s20, $0xb8;
	[tilespmem:$0x19300] =	vst v63  }
0x44d: {  	_ = 	snop  }
0x44e: {  	[spmem:s4] =	stream.indirect.scatter.add.f32 [tilespmem:s15], [sflag:$0x7], $0x1, s16, s20, $0xb8;
	[tilespmem:$0x19300] =	vst v63  }
0x44f: {  	_ =	swait.ge [sflag:s6], $0x20  }
0x450: {  	[sflag:s6] =	ssyncset.done $0x0  }
0x451: {  	[sflag:s6] =	ssyncadd.s32 $0xFFFFFFE0  }
0x452: {  	_ =	swait.ge [sflag:s24], $0x1000  }
0x453: {  	[sflag:s24] =	ssyncset.done $0x0  }
0x454: {  	s16 =	simm.s32 $0x1E00;
	[sflag:s24] =	ssyncadd.s32 $0xFFFFF000  }
0x455: {  	[spmem:s3] =	stream.indirect.scatter.add.f32 [tilespmem:s21], [sflag:$0x5], $0x80, s16, s20, $0xb8;
	[tilespmem:$0x19300] =	vst v63  }
0x456: {  	_ =	swait.ge [sflag:s30], $0x1000  }
0x457: {  	s12 =	sld [smem:$0x7CA]  }
0x458: {  	[sflag:s30] =	ssyncset.done $0x0  }
0x459: {  	[sflag:s30] =	ssyncadd.s32 $0xFFFFF000  }
0x45a: {  	[tilespmem:s13], [sflag:$0x1] =	stream.indirect.gather [hbm4b:s0+s20], $0x80, s12, s20, $0xb8;
	[tilespmem:$0x19300] =	vst v63  }
0x45b: {  	_ = 	snop  }
0x45c: {  	[spmem:s4] =	stream.indirect.scatter.add.f32 [tilespmem:s15], [sflag:$0x7], $0x1, s16, s20, $0xb8;
	[tilespmem:$0x19300] =	vst v63  }
0x45d: {  	_ =	swait.ge [sflag:s6], $0x20  }
0x45e: {  	[sflag:s6] =	ssyncset.done $0x0  }
0x45f: {  	[sflag:s6] =	ssyncadd.s32 $0xFFFFFFE0  }
0x460: {  	_ =	swait.ge [sflag:s1], $0x1000  }
0x461: {  	[sflag:s1] =	ssyncset.done $0x0  }
0x462: {  	[sflag:s1] =	ssyncadd.s32 $0xFFFFF000  }
0x463: {  	[spmem:s3] =	stream.indirect.scatter.add.f32 [tilespmem:s23], [sflag:$0x6], $0x80, s25, s20, $0xb8;
	[tilespmem:$0x19300] =	vst v63  }
0x464: {  	_ =	swait.ge [sflag:s8], $0x1000  }
0x465: {  	s16 =	sld [smem:$0x7CB]  }
0x466: {  	[sflag:s8] =	ssyncset.done $0x0  }
0x467: {  	[sflag:s8] =	ssyncadd.s32 $0xFFFFF000  }
0x468: {  	[tilespmem:s21], [sflag:$0x2] =	stream.indirect.gather [hbm4b:s0+s20], $0x80, s16, s20, $0xb8;
	[tilespmem:$0x19300] =	vst v63  }
0x469: {  	_ = 	snop  }
0x46a: {  	[spmem:s4] =	stream.indirect.scatter.add.f32 [tilespmem:s15], [sflag:$0x7], $0x1, s25, s20, $0xb8;
	[tilespmem:$0x19300] =	vst v63  }
0x46b: {  	_ =	swait.ge [sflag:s6], $0x20  }
0x46c: {  	[sflag:s6] =	ssyncset.done $0x0  }
0x46d: {  	[sflag:s6] =	ssyncadd.s32 $0xFFFFFFE0  }
0x46e: {  	_ =	swait.ge [sflag:s22], $0x1000  }
0x46f: {  	[sflag:s22] =	ssyncset.done $0x0  }
0x470: {  	[sflag:s22] =	ssyncadd.s32 $0xFFFFF000  }
0x471: {  	[spmem:s3] =	stream.indirect.scatter.add.f32 [tilespmem:s13], [sflag:$0x4], $0x80, s7, s20, $0xb8;
	[tilespmem:$0x19300] =	vst v63  }
0x472: {  	_ = 	snop  }
0x473: {  	[spmem:s4] =	stream.indirect.scatter.add.f32 [tilespmem:s15], [sflag:$0x7], $0x1, s7, s20, $0xb8;
	[tilespmem:$0x19300] =	vst v63  }
0x474: {  	_ =	swait.ge [sflag:s6], $0x20  }
0x475: {  	[sflag:s6] =	ssyncset.done $0x0  }
0x476: {  	[sflag:s6] =	ssyncadd.s32 $0xFFFFFFE0  }
0x477: {  	_ =	swait.ge [sflag:s24], $0x1000  }
0x478: {  	[sflag:s24] =	ssyncset.done $0x0  }
0x479: {  	[sflag:s24] =	ssyncadd.s32 $0xFFFFF000  }
0x47a: {  	[spmem:s3] =	stream.indirect.scatter.add.f32 [tilespmem:s21], [sflag:$0x5], $0x80, s2, s20, $0xb8;
	[tilespmem:$0x19300] =	vst v63  }
0x47b: {  	_ = 	snop  }
0x47c: {  	[spmem:s4] =	stream.indirect.scatter.add.f32 [tilespmem:s15], [sflag:$0x7], $0x1, s2, s20, $0xb8;
	[tilespmem:$0x19300] =	vst v63  }
0x47d: {  	_ =	swait.ge [sflag:s6], $0x20  }
0x47e: {  	[sflag:s6] =	ssyncset.done $0x0  }
0x47f: {  	[sflag:s6] =	ssyncadd.s32 $0xFFFFFFE0  }
0x480: {  	_ =	swait.ge [sflag:s30], $0x1000  }
0x481: {  	[sflag:s30] =	ssyncset.done $0x0  }
0x482: {  	[sflag:s30] =	ssyncadd.s32 $0xFFFFF000  }
0x483: {  	_ =	swait.ge [sflag:s8], $0x1000  }
0x484: {  	[sflag:s8] =	ssyncset.done $0x0  }
0x485: {  	p0 =	sne.s32 s14, $0x12;
	[sflag:s8] =	ssyncadd.s32 $0xFFFFF000  }
.Ltmp0:
0x486: {  	_ =	swait.ge [sflag:s10], $0x1000;
	(pc) =	sbr.rel @p0 .LBB2_2-.Ltmp0, $4  }
0x487: {  	[sflag:s10] =	ssyncset.done $0x0  }
0x488: {  	[sflag:s10] =	ssyncadd.s32 $0xFFFFF000  }
0x489: {  	_ =	swait.ge [sflag:s6], $0x20  }
0x48a: {  	s14 =	sadd.s32 $0x2, s14;
	[sflag:s6] =	ssyncset.done $0x0  }
0x48b: {  	[sflag:s6] =	ssyncadd.s32 $0xFFFFFFE0  }
0x48c: {  	_ =	swait.ge [sflag:s17], $0x800  }
0x48d: {  	[sflag:s17] =	ssyncset.done $0x0  }
0x48e: {  	[sflag:s17] =	ssyncadd.s32 $0xFFFFF800  }
0x48f: {  	_ =	swait.ge [sflag:s17], $0x800  }
0x490: {  	[sflag:s17] =	ssyncset.done $0x0  }
0x491: {  	[sflag:s17] =	ssyncadd.s32 $0xFFFFF800  }
0x492: {  	[bflag:$0x0] =	sbarrier.arrive $0xFFFF  }
0x493: {  	s31 =	sld [smem:$0x7F5];
	_ =	sdelay $0x1  }
0x494: {  	s28 =	simm.s32 $0xA  }
0x495: {  	[tilespmem:s13], [sflag:$0xA] =	stream.linear.gather [spmem:s31], $0x1000, $0x38;
	[tilespmem:$0x19300] =	vst v63  }
0x496: {  	_ =	swait.ge [sflag:s28], $0x1000  }
0x497: {  	s14 =	sld [smem:$0x7F3]  }
0x498: {  	[sflag:s28] =	ssyncset.done $0x0  }
0x499: {  	[sflag:s28] =	ssyncadd.s32 $0xFFFFF000  }
0x49a: {  	[hbm4b:s14+s5] =	stream.linear.scatter [tilespmem:s13], [sflag:$0xA], $0x1000, $0x38;
	[tilespmem:$0x19300] =	vst v63  }
0x49b: {  	_ =	swait.ge [sflag:s28], $0x1000  }
0x49c: {  	s7 =	sld [smem:$0x7FB]  }
0x49d: {  	[sflag:s28] =	ssyncset.done $0x0  }
0x49e: {  	[sflag:s28] =	ssyncadd.s32 $0xFFFFF000  }
0x49f: {  	[tilespmem:s13], [sflag:$0xA] =	stream.linear.gather [spmem:s7], $0x1000, $0x38;
	[tilespmem:$0x19300] =	vst v63  }
0x4a0: {  	_ =	swait.ge [sflag:s28], $0x1000  }
0x4a1: {  	s9 =	sld [smem:$0x7EA]  }
0x4a2: {  	[sflag:s28] =	ssyncset.done $0x0  }
0x4a3: {  	[sflag:s28] =	ssyncadd.s32 $0xFFFFF000  }
0x4a4: {  	[hbm4b:s9+s5] =	stream.linear.scatter [tilespmem:s13], [sflag:$0xA], $0x1000, $0x38;
	[tilespmem:$0x19300] =	vst v63  }
0x4a5: {  	_ =	swait.ge [sflag:s28], $0x1000  }
0x4a6: {  	s2 =	sld [smem:$0x7F6]  }
0x4a7: {  	[sflag:s28] =	ssyncset.done $0x0  }
0x4a8: {  	[sflag:s28] =	ssyncadd.s32 $0xFFFFF000  }
0x4a9: {  	[tilespmem:s13], [sflag:$0xA] =	stream.linear.gather [spmem:s2], $0x1000, $0x38;
	[tilespmem:$0x19300] =	vst v63  }
0x4aa: {  	_ =	swait.ge [sflag:s28], $0x1000  }
0x4ab: {  	s12 =	sld [smem:$0x7B4]  }
0x4ac: {  	[sflag:s28] =	ssyncset.done $0x0  }
0x4ad: {  	[sflag:s28] =	ssyncadd.s32 $0xFFFFF000  }
0x4ae: {  	[hbm4b:s12+s5] =	stream.linear.scatter [tilespmem:s13], [sflag:$0xA], $0x1000, $0x38;
	[tilespmem:$0x19300] =	vst v63  }
0x4af: {  	_ =	swait.ge [sflag:s28], $0x1000  }
0x4b0: {  	s14 =	sld [smem:$0x7E2]  }
0x4b1: {  	[sflag:s28] =	ssyncset.done $0x0  }
0x4b2: {  	[sflag:s28] =	ssyncadd.s32 $0xFFFFF000  }
0x4b3: {  	[tilespmem:s13], [sflag:$0xA] =	stream.linear.gather [spmem:s14], $0x1000, $0x38;
	[tilespmem:$0x19300] =	vst v63  }
0x4b4: {  	_ =	swait.ge [sflag:s28], $0x1000  }
0x4b5: {  	s16 =	sld [smem:$0x7EB]  }
0x4b6: {  	[sflag:s28] =	ssyncset.done $0x0  }
0x4b7: {  	[sflag:s28] =	ssyncadd.s32 $0xFFFFF000  }
0x4b8: {  	[hbm4b:s16+s5] =	stream.linear.scatter [tilespmem:s13], [sflag:$0xA], $0x1000, $0x38;
	[tilespmem:$0x19300] =	vst v63  }
0x4b9: {  	_ =	swait.ge [sflag:s28], $0x1000  }
0x4ba: {  	s18 =	sld [smem:$0x7CF]  }
0x4bb: {  	[sflag:s28] =	ssyncset.done $0x0  }
0x4bc: {  	[sflag:s28] =	ssyncadd.s32 $0xFFFFF000  }
0x4bd: {  	[tilespmem:s13], [sflag:$0xA] =	stream.linear.gather [spmem:s18], $0x1000, $0x38;
	[tilespmem:$0x19300] =	vst v63  }
0x4be: {  	_ =	swait.ge [sflag:s28], $0x1000  }
0x4bf: {  	s19 =	sld [smem:$0x7B5]  }
0x4c0: {  	[sflag:s28] =	ssyncset.done $0x0  }
0x4c1: {  	[sflag:s28] =	ssyncadd.s32 $0xFFFFF000  }
0x4c2: {  	[hbm4b:s19+s5] =	stream.linear.scatter [tilespmem:s13], [sflag:$0xA], $0x1000, $0x38;
	[tilespmem:$0x19300] =	vst v63  }
0x4c3: {  	_ =	swait.ge [sflag:s28], $0x1000  }
0x4c4: {  	s26 =	sld [smem:$0x7E3]  }
0x4c5: {  	[sflag:s28] =	ssyncset.done $0x0  }
0x4c6: {  	[sflag:s28] =	ssyncadd.s32 $0xFFFFF000  }
0x4c7: {  	[tilespmem:s13], [sflag:$0xA] =	stream.linear.gather [spmem:s26], $0x1000, $0x38;
	[tilespmem:$0x19300] =	vst v63  }
0x4c8: {  	_ =	swait.ge [sflag:s28], $0x1000  }
0x4c9: {  	s25 =	smov.u32 s2;
	s2 =	sld [smem:$0x7EC]  }
0x4ca: {  	[sflag:s28] =	ssyncset.done $0x0  }
0x4cb: {  	[sflag:s28] =	ssyncadd.s32 $0xFFFFF000  }
0x4cc: {  	[hbm4b:s2+s5] =	stream.linear.scatter [tilespmem:s13], [sflag:$0xA], $0x1000, $0x38;
	[tilespmem:$0x19300] =	vst v63  }
0x4cd: {  	_ =	swait.ge [sflag:s28], $0x1000  }
0x4ce: {  	s19 =	sld [smem:$0x7F7]  }
0x4cf: {  	[sflag:s28] =	ssyncset.done $0x0  }
0x4d0: {  	[sflag:s28] =	ssyncadd.s32 $0xFFFFF000  }
0x4d1: {  	[tilespmem:s13], [sflag:$0xA] =	stream.linear.gather [spmem:s19], $0x1000, $0x38;
	[tilespmem:$0x19300] =	vst v63  }
0x4d2: {  	_ =	swait.ge [sflag:s28], $0x1000  }
0x4d3: {  	s12 =	sld [smem:$0x7B6]  }
0x4d4: {  	[sflag:s28] =	ssyncset.done $0x0  }
0x4d5: {  	[sflag:s28] =	ssyncadd.s32 $0xFFFFF000  }
0x4d6: {  	[hbm4b:s12+s5] =	stream.linear.scatter [tilespmem:s13], [sflag:$0xA], $0x1000, $0x38;
	[tilespmem:$0x19300] =	vst v63  }
0x4d7: {  	_ =	swait.ge [sflag:s28], $0x1000  }
0x4d8: {  	s16 =	sld [smem:$0x7E4]  }
0x4d9: {  	[sflag:s28] =	ssyncset.done $0x0  }
0x4da: {  	[sflag:s28] =	ssyncadd.s32 $0xFFFFF000  }
0x4db: {  	[tilespmem:s13], [sflag:$0xA] =	stream.linear.gather [spmem:s16], $0x1000, $0x38;
	[tilespmem:$0x19300] =	vst v63  }
0x4dc: {  	_ =	swait.ge [sflag:s28], $0x1000  }
0x4dd: {  	s18 =	sld [smem:$0x7ED]  }
0x4de: {  	[sflag:s28] =	ssyncset.done $0x0  }
0x4df: {  	[sflag:s28] =	ssyncadd.s32 $0xFFFFF000  }
0x4e0: {  	[hbm4b:s18+s5] =	stream.linear.scatter [tilespmem:s13], [sflag:$0xA], $0x1000, $0x38;
	[tilespmem:$0x19300] =	vst v63  }
0x4e1: {  	_ =	swait.ge [sflag:s28], $0x1000  }
0x4e2: {  	s26 =	sld [smem:$0x7D0]  }
0x4e3: {  	[sflag:s28] =	ssyncset.done $0x0  }
0x4e4: {  	[sflag:s28] =	ssyncadd.s32 $0xFFFFF000  }
0x4e5: {  	[tilespmem:s13], [sflag:$0xA] =	stream.linear.gather [spmem:s26], $0x1000, $0x38;
	[tilespmem:$0x19300] =	vst v63  }
0x4e6: {  	_ =	swait.ge [sflag:s28], $0x1000  }
0x4e7: {  	s9 =	sld [smem:$0x7B7]  }
0x4e8: {  	[sflag:s28] =	ssyncset.done $0x0  }
0x4e9: {  	[sflag:s28] =	ssyncadd.s32 $0xFFFFF000  }
0x4ea: {  	[hbm4b:s9+s5] =	stream.linear.scatter [tilespmem:s13], [sflag:$0xA], $0x1000, $0x38;
	[tilespmem:$0x19300] =	vst v63  }
0x4eb: {  	_ =	swait.ge [sflag:s28], $0x1000  }
0x4ec: {  	s12 =	sld [smem:$0x7E5]  }
0x4ed: {  	[sflag:s28] =	ssyncset.done $0x0  }
0x4ee: {  	[sflag:s28] =	ssyncadd.s32 $0xFFFFF000  }
0x4ef: {  	[tilespmem:s13], [sflag:$0xA] =	stream.linear.gather [spmem:s12], $0x1000, $0x38;
	[tilespmem:$0x19300] =	vst v63  }
0x4f0: {  	_ =	swait.ge [sflag:s28], $0x1000  }
0x4f1: {  	s14 =	sld [smem:$0x7EE]  }
0x4f2: {  	[sflag:s28] =	ssyncset.done $0x0  }
0x4f3: {  	[sflag:s28] =	ssyncadd.s32 $0xFFFFF000  }
0x4f4: {  	[hbm4b:s14+s5] =	stream.linear.scatter [tilespmem:s13], [sflag:$0xA], $0x1000, $0x38;
	[tilespmem:$0x19300] =	vst v63  }
0x4f5: {  	_ =	swait.ge [sflag:s28], $0x1000  }
0x4f6: {  	s16 =	sld [smem:$0x7D1]  }
0x4f7: {  	[sflag:s28] =	ssyncset.done $0x0  }
0x4f8: {  	[sflag:s28] =	ssyncadd.s32 $0xFFFFF000  }
0x4f9: {  	[tilespmem:s13], [sflag:$0xA] =	stream.linear.gather [spmem:s16], $0x1000, $0x38;
	[tilespmem:$0x19300] =	vst v63  }
0x4fa: {  	_ =	swait.ge [sflag:s28], $0x1000  }
0x4fb: {  	s18 =	sld [smem:$0x7B9]  }
0x4fc: {  	[sflag:s28] =	ssyncset.done $0x0  }
0x4fd: {  	[sflag:s28] =	ssyncadd.s32 $0xFFFFF000  }
0x4fe: {  	[hbm4b:s18+s5] =	stream.linear.scatter [tilespmem:s13], [sflag:$0xA], $0x1000, $0x38;
	[tilespmem:$0x19300] =	vst v63  }
0x4ff: {  	_ =	swait.ge [sflag:s28], $0x1000  }
0x500: {  	s26 =	sld [smem:$0x7FC]  }
0x501: {  	[sflag:s28] =	ssyncset.done $0x0  }
0x502: {  	[sflag:s28] =	ssyncadd.s32 $0xFFFFF000  }
0x503: {  	[tilespmem:s13], [sflag:$0xA] =	stream.linear.gather [spmem:s26], $0x1000, $0x38;
	[tilespmem:$0x19300] =	vst v63  }
0x504: {  	_ =	swait.ge [sflag:s28], $0x1000  }
0x505: {  	s2 =	sld [smem:$0x7EF]  }
0x506: {  	[sflag:s28] =	ssyncset.done $0x0  }
0x507: {  	[sflag:s28] =	ssyncadd.s32 $0xFFFFF000  }
0x508: {  	[hbm4b:s2+s5] =	stream.linear.scatter [tilespmem:s13], [sflag:$0xA], $0x1000, $0x38;
	[tilespmem:$0x19300] =	vst v63  }
0x509: {  	_ =	swait.ge [sflag:s28], $0x1000  }
0x50a: {  	s9 =	sld [smem:$0x7D2]  }
0x50b: {  	[sflag:s28] =	ssyncset.done $0x0  }
0x50c: {  	[sflag:s28] =	ssyncadd.s32 $0xFFFFF000  }
0x50d: {  	[tilespmem:s13], [sflag:$0xA] =	stream.linear.gather [spmem:s9], $0x1000, $0x38;
	[tilespmem:$0x19300] =	vst v63  }
0x50e: {  	_ =	swait.ge [sflag:s28], $0x1000  }
0x50f: {  	s12 =	sld [smem:$0x7BB]  }
0x510: {  	[sflag:s28] =	ssyncset.done $0x0  }
0x511: {  	[sflag:s28] =	ssyncadd.s32 $0xFFFFF000  }
0x512: {  	[hbm4b:s12+s5] =	stream.linear.scatter [tilespmem:s13], [sflag:$0xA], $0x1000, $0x38;
	[tilespmem:$0x19300] =	vst v63  }
0x513: {  	_ =	swait.ge [sflag:s28], $0x1000  }
0x514: {  	s14 =	sld [smem:$0x7E6]  }
0x515: {  	[sflag:s28] =	ssyncset.done $0x0  }
0x516: {  	[sflag:s28] =	ssyncadd.s32 $0xFFFFF000  }
0x517: {  	[tilespmem:s13], [sflag:$0xA] =	stream.linear.gather [spmem:s14], $0x1000, $0x38;
	[tilespmem:$0x19300] =	vst v63  }
0x518: {  	_ =	swait.ge [sflag:s28], $0x1000  }
0x519: {  	s18 =	sld [smem:$0x7F0]  }
0x51a: {  	[sflag:s28] =	ssyncset.done $0x0  }
0x51b: {  	[sflag:s28] =	ssyncadd.s32 $0xFFFFF000  }
0x51c: {  	[hbm4b:s18+s5] =	stream.linear.scatter [tilespmem:s13], [sflag:$0xA], $0x1000, $0x38;
	[tilespmem:$0x19300] =	vst v63  }
0x51d: {  	_ =	swait.ge [sflag:s28], $0x1000  }
0x51e: {  	s16 =	smov.u32 s26;
	s26 =	sld [smem:$0x7D3]  }
0x51f: {  	[sflag:s28] =	ssyncset.done $0x0  }
0x520: {  	[sflag:s28] =	ssyncadd.s32 $0xFFFFF000  }
0x521: {  	[tilespmem:s13], [sflag:$0xA] =	stream.linear.gather [spmem:s26], $0x1000, $0x38;
	[tilespmem:$0x19300] =	vst v63  }
0x522: {  	_ =	swait.ge [sflag:s28], $0x1000  }
0x523: {  	s2 =	sld [smem:$0x7BC]  }
0x524: {  	[sflag:s28] =	ssyncset.done $0x0  }
0x525: {  	[sflag:s28] =	ssyncadd.s32 $0xFFFFF000  }
0x526: {  	[hbm4b:s2+s5] =	stream.linear.scatter [tilespmem:s13], [sflag:$0xA], $0x1000, $0x38;
	[tilespmem:$0x19300] =	vst v63  }
0x527: {  	_ =	swait.ge [sflag:s28], $0x1000  }
0x528: {  	s9 =	sld [smem:$0x7E7]  }
0x529: {  	[sflag:s28] =	ssyncset.done $0x0  }
0x52a: {  	[sflag:s28] =	ssyncadd.s32 $0xFFFFF000  }
0x52b: {  	[tilespmem:s13], [sflag:$0xA] =	stream.linear.gather [spmem:s9], $0x1000, $0x38;
	[tilespmem:$0x19300] =	vst v63  }
0x52c: {  	_ =	swait.ge [sflag:s28], $0x1000  }
0x52d: {  	s12 =	sld [smem:$0x7F1]  }
0x52e: {  	[sflag:s28] =	ssyncset.done $0x0  }
0x52f: {  	[sflag:s28] =	ssyncadd.s32 $0xFFFFF000  }
0x530: {  	[hbm4b:s12+s5] =	stream.linear.scatter [tilespmem:s13], [sflag:$0xA], $0x1000, $0x38;
	[tilespmem:$0x19300] =	vst v63  }
0x531: {  	_ =	swait.ge [sflag:s28], $0x1000  }
0x532: {  	s14 =	sld [smem:$0x7D4]  }
0x533: {  	[sflag:s28] =	ssyncset.done $0x0  }
0x534: {  	[sflag:s28] =	ssyncadd.s32 $0xFFFFF000  }
0x535: {  	[tilespmem:s13], [sflag:$0xA] =	stream.linear.gather [spmem:s14], $0x1000, $0x38;
	[tilespmem:$0x19300] =	vst v63  }
0x536: {  	_ =	swait.ge [sflag:s28], $0x1000  }
0x537: {  	s18 =	sld [smem:$0x7BD]  }
0x538: {  	[sflag:s28] =	ssyncset.done $0x0  }
0x539: {  	[sflag:s28] =	ssyncadd.s32 $0xFFFFF000  }
0x53a: {  	[hbm4b:s18+s5] =	stream.linear.scatter [tilespmem:s13], [sflag:$0xA], $0x1000, $0x38;
	[tilespmem:$0x19300] =	vst v63  }
0x53b: {  	_ =	swait.ge [sflag:s28], $0x1000  }
0x53c: {  	s26 =	sld [smem:$0x7E8]  }
0x53d: {  	[sflag:s28] =	ssyncset.done $0x0  }
0x53e: {  	[sflag:s28] =	ssyncadd.s32 $0xFFFFF000  }
0x53f: {  	[tilespmem:s13], [sflag:$0xA] =	stream.linear.gather [spmem:s26], $0x1000, $0x38;
	[tilespmem:$0x19300] =	vst v63  }
0x540: {  	_ =	swait.ge [sflag:s28], $0x1000  }
0x541: {  	s2 =	sld [smem:$0x7F2]  }
0x542: {  	[sflag:s28] =	ssyncset.done $0x0  }
0x543: {  	[sflag:s28] =	ssyncadd.s32 $0xFFFFF000  }
0x544: {  	[hbm4b:s2+s5] =	stream.linear.scatter [tilespmem:s13], [sflag:$0xA], $0x1000, $0x38;
	[tilespmem:$0x19300] =	vst v63  }
0x545: {  	_ =	swait.ge [sflag:s28], $0x1000  }
0x546: {  	s9 =	sld [smem:$0x7D5]  }
0x547: {  	[sflag:s28] =	ssyncset.done $0x0  }
0x548: {  	[sflag:s28] =	ssyncadd.s32 $0xFFFFF000  }
0x549: {  	[tilespmem:s13], [sflag:$0xA] =	stream.linear.gather [spmem:s9], $0x1000, $0x38;
	[tilespmem:$0x19300] =	vst v63  }
0x54a: {  	_ =	swait.ge [sflag:s28], $0x1000  }
0x54b: {  	s12 =	sld [smem:$0x7BE]  }
0x54c: {  	[sflag:s28] =	ssyncset.done $0x0  }
0x54d: {  	[sflag:s28] =	ssyncadd.s32 $0xFFFFF000  }
0x54e: {  	[hbm4b:s12+s5] =	stream.linear.scatter [tilespmem:s13], [sflag:$0xA], $0x1000, $0x38;
	[tilespmem:$0x19300] =	vst v63  }
0x54f: {  	_ =	swait.ge [sflag:s28], $0x1000  }
0x550: {  	s14 =	sld [smem:$0x7E9]  }
0x551: {  	[sflag:s28] =	ssyncset.done $0x0  }
0x552: {  	[sflag:s28] =	ssyncadd.s32 $0xFFFFF000  }
0x553: {  	[tilespmem:s13], [sflag:$0xA] =	stream.linear.gather [spmem:s14], $0x1000, $0x38;
	[tilespmem:$0x19300] =	vst v63  }
0x554: {  	_ =	swait.ge [sflag:s28], $0x1000  }
0x555: {  	s18 =	sld [smem:$0x7F4]  }
0x556: {  	[sflag:s28] =	ssyncset.done $0x0  }
0x557: {  	[sflag:s28] =	ssyncadd.s32 $0xFFFFF000  }
0x558: {  	[hbm4b:s18+s5] =	stream.linear.scatter [tilespmem:s13], [sflag:$0xA], $0x1000, $0x38;
	[tilespmem:$0x19300] =	vst v63  }
0x559: {  	_ =	swait.ge [sflag:s28], $0x1000  }
0x55a: {  	s26 =	sld [smem:$0x7D6]  }
0x55b: {  	[sflag:s28] =	ssyncset.done $0x0  }
0x55c: {  	[sflag:s28] =	ssyncadd.s32 $0xFFFFF000  }
0x55d: {  	[tilespmem:s15], [sflag:$0xA] =	stream.linear.gather [spmem:s26], $0x40, $0x38;
	[tilespmem:$0x19300] =	vst v63  }
0x55e: {  	_ =	swait.ge [sflag:s28], $0x40  }
0x55f: {  	s2 =	sld [smem:$0x7C0]  }
0x560: {  	[sflag:s28] =	ssyncset.done $0x0  }
0x561: {  	[sflag:s28] =	ssyncadd.s32 $0xFFFFFFC0  }
0x562: {  	[hbm4b:s2+s5] =	stream.linear.scatter [tilespmem:s15], [sflag:$0xA], $0x40, $0x38;
	[tilespmem:$0x19300] =	vst v63  }
0x563: {  	_ =	swait.ge [sflag:s28], $0x40  }
0x564: {  	s9 =	sld [smem:$0x7D7]  }
0x565: {  	[sflag:s28] =	ssyncset.done $0x0  }
0x566: {  	[sflag:s28] =	ssyncadd.s32 $0xFFFFFFC0  }
0x567: {  	[tilespmem:s15], [sflag:$0xA] =	stream.linear.gather [spmem:s9], $0x40, $0x38;
	[tilespmem:$0x19300] =	vst v63  }
0x568: {  	_ =	swait.ge [sflag:s28], $0x40  }
0x569: {  	s12 =	sld [smem:$0x7C1]  }
0x56a: {  	[sflag:s28] =	ssyncset.done $0x0  }
0x56b: {  	[sflag:s28] =	ssyncadd.s32 $0xFFFFFFC0  }
0x56c: {  	[hbm4b:s12+s5] =	stream.linear.scatter [tilespmem:s15], [sflag:$0xA], $0x40, $0x38;
	[tilespmem:$0x19300] =	vst v63  }
0x56d: {  	_ =	swait.ge [sflag:s28], $0x40  }
0x56e: {  	s14 =	sld [smem:$0x7D8]  }
0x56f: {  	[sflag:s28] =	ssyncset.done $0x0  }
0x570: {  	[sflag:s28] =	ssyncadd.s32 $0xFFFFFFC0  }
0x571: {  	[tilespmem:s15], [sflag:$0xA] =	stream.linear.gather [spmem:s14], $0x40, $0x38;
	[tilespmem:$0x19300] =	vst v63  }
0x572: {  	_ =	swait.ge [sflag:s28], $0x40  }
0x573: {  	s18 =	sld [smem:$0x7C2]  }
0x574: {  	[sflag:s28] =	ssyncset.done $0x0  }
0x575: {  	[sflag:s28] =	ssyncadd.s32 $0xFFFFFFC0  }
0x576: {  	[hbm4b:s18+s5] =	stream.linear.scatter [tilespmem:s15], [sflag:$0xA], $0x40, $0x38;
	[tilespmem:$0x19300] =	vst v63  }
0x577: {  	_ =	swait.ge [sflag:s28], $0x40  }
0x578: {  	s26 =	sld [smem:$0x7D9]  }
0x579: {  	[sflag:s28] =	ssyncset.done $0x0  }
0x57a: {  	[sflag:s28] =	ssyncadd.s32 $0xFFFFFFC0  }
0x57b: {  	[tilespmem:s15], [sflag:$0xA] =	stream.linear.gather [spmem:s26], $0x40, $0x38;
	[tilespmem:$0x19300] =	vst v63  }
0x57c: {  	_ =	swait.ge [sflag:s28], $0x40  }
0x57d: {  	s2 =	sld [smem:$0x7C3]  }
0x57e: {  	[sflag:s28] =	ssyncset.done $0x0  }
0x57f: {  	[sflag:s28] =	ssyncadd.s32 $0xFFFFFFC0  }
0x580: {  	[hbm4b:s2+s5] =	stream.linear.scatter [tilespmem:s15], [sflag:$0xA], $0x40, $0x38;
	[tilespmem:$0x19300] =	vst v63  }
0x581: {  	_ =	swait.ge [sflag:s28], $0x40  }
0x582: {  	s9 =	sld [smem:$0x7DA]  }
0x583: {  	[sflag:s28] =	ssyncset.done $0x0  }
0x584: {  	[sflag:s28] =	ssyncadd.s32 $0xFFFFFFC0  }
0x585: {  	[tilespmem:s15], [sflag:$0xA] =	stream.linear.gather [spmem:s9], $0x40, $0x38;
	[tilespmem:$0x19300] =	vst v63  }
0x586: {  	_ =	swait.ge [sflag:s28], $0x40  }
0x587: {  	s12 =	sld [smem:$0x7C4]  }
0x588: {  	[sflag:s28] =	ssyncset.done $0x0  }
0x589: {  	[sflag:s28] =	ssyncadd.s32 $0xFFFFFFC0  }
0x58a: {  	[hbm4b:s12+s5] =	stream.linear.scatter [tilespmem:s15], [sflag:$0xA], $0x40, $0x38;
	[tilespmem:$0x19300] =	vst v63  }
0x58b: {  	_ =	swait.ge [sflag:s28], $0x40  }
0x58c: {  	s14 =	sld [smem:$0x7DB]  }
0x58d: {  	[sflag:s28] =	ssyncset.done $0x0  }
0x58e: {  	[sflag:s28] =	ssyncadd.s32 $0xFFFFFFC0  }
0x58f: {  	[tilespmem:s15], [sflag:$0xA] =	stream.linear.gather [spmem:s14], $0x40, $0x38;
	[tilespmem:$0x19300] =	vst v63  }
0x590: {  	_ =	swait.ge [sflag:s28], $0x40  }
0x591: {  	s18 =	sld [smem:$0x7C5]  }
0x592: {  	[sflag:s28] =	ssyncset.done $0x0  }
0x593: {  	[sflag:s28] =	ssyncadd.s32 $0xFFFFFFC0  }
0x594: {  	[hbm4b:s18+s5] =	stream.linear.scatter [tilespmem:s15], [sflag:$0xA], $0x40, $0x38;
	[tilespmem:$0x19300] =	vst v63  }
0x595: {  	_ =	swait.ge [sflag:s28], $0x40  }
0x596: {  	s26 =	sld [smem:$0x7DC]  }
0x597: {  	[sflag:s28] =	ssyncset.done $0x0  }
0x598: {  	[sflag:s28] =	ssyncadd.s32 $0xFFFFFFC0  }
0x599: {  	[tilespmem:s15], [sflag:$0xA] =	stream.linear.gather [spmem:s26], $0x40, $0x38;
	[tilespmem:$0x19300] =	vst v63  }
0x59a: {  	_ =	swait.ge [sflag:s28], $0x40  }
0x59b: {  	s9 =	sld [smem:$0x7C6]  }
0x59c: {  	[sflag:s28] =	ssyncset.done $0x0  }
0x59d: {  	[sflag:s28] =	ssyncadd.s32 $0xFFFFFFC0  }
0x59e: {  	[hbm4b:s9+s5] =	stream.linear.scatter [tilespmem:s15], [sflag:$0xA], $0x40, $0x38;
	[tilespmem:$0x19300] =	vst v63  }
0x59f: {  	_ =	swait.ge [sflag:s28], $0x40  }
0x5a0: {  	s9 =	sld [smem:$0x7F8]  }
0x5a1: {  	[sflag:s28] =	ssyncset.done $0x0  }
0x5a2: {  	[sflag:s28] =	ssyncadd.s32 $0xFFFFFFC0  }
0x5a3: {  	[tilespmem:s15], [sflag:$0xA] =	stream.linear.gather [spmem:s9], $0x40, $0x38;
	[tilespmem:$0x19300] =	vst v63  }
0x5a4: {  	_ =	swait.ge [sflag:s28], $0x40  }
0x5a5: {  	s12 =	sld [smem:$0x7C7]  }
0x5a6: {  	[sflag:s28] =	ssyncset.done $0x0  }
0x5a7: {  	[sflag:s28] =	ssyncadd.s32 $0xFFFFFFC0  }
0x5a8: {  	[hbm4b:s12+s5] =	stream.linear.scatter [tilespmem:s15], [sflag:$0xA], $0x40, $0x38;
	[tilespmem:$0x19300] =	vst v63  }
0x5a9: {  	_ =	swait.ge [sflag:s28], $0x40  }
0x5aa: {  	s26 =	sld [smem:$0x7F9]  }
0x5ab: {  	[sflag:s28] =	ssyncset.done $0x0  }
0x5ac: {  	[sflag:s28] =	ssyncadd.s32 $0xFFFFFFC0  }
0x5ad: {  	[tilespmem:s15], [sflag:$0xA] =	stream.linear.gather [spmem:s26], $0x40, $0x38;
	[tilespmem:$0x19300] =	vst v63  }
0x5ae: {  	_ =	swait.ge [sflag:s28], $0x40  }
0x5af: {  	s18 =	sld [smem:$0x7C8]  }
0x5b0: {  	[sflag:s28] =	ssyncset.done $0x0  }
0x5b1: {  	[sflag:s28] =	ssyncadd.s32 $0xFFFFFFC0  }
0x5b2: {  	[hbm4b:s18+s5] =	stream.linear.scatter [tilespmem:s15], [sflag:$0xA], $0x40, $0x38;
	[tilespmem:$0x19300] =	vst v63  }
0x5b3: {  	_ =	swait.ge [sflag:s28], $0x40  }
0x5b4: {  	s18 =	sld [smem:$0x7FA]  }
0x5b5: {  	[sflag:s28] =	ssyncset.done $0x0  }
0x5b6: {  	[sflag:s28] =	ssyncadd.s32 $0xFFFFFFC0  }
0x5b7: {  	[tilespmem:s15], [sflag:$0xA] =	stream.linear.gather [spmem:s18], $0x40, $0x38;
	[tilespmem:$0x19300] =	vst v63  }
0x5b8: {  	_ =	swait.ge [sflag:s28], $0x40  }
0x5b9: {  	s2 =	sld [smem:$0x7C9]  }
0x5ba: {  	[sflag:s28] =	ssyncset.done $0x0  }
0x5bb: {  	[sflag:s28] =	ssyncadd.s32 $0xFFFFFFC0  }
0x5bc: {  	[hbm4b:s2+s5] =	stream.linear.scatter [tilespmem:s15], [sflag:$0xA], $0x40, $0x38;
	[tilespmem:$0x19300] =	vst v63  }
0x5bd: {  	_ =	swait.ge [sflag:s28], $0x40  }
0x5be: {  	s14 =	smov.u32 s9;
	s9 =	sld [smem:$0x7B3]  }
0x5bf: {  	s12 =	sld [smem:$0x7DF];
	_ =	sdelay $0x1  }
0x5c0: {  	s2 =	sadd.s32 $0x1, s9  }
0x5c1: {  	p0 =	sne.s32 s2, s12  }
.Ltmp1:
0x5c2: {  	_ = 	snop;
	(pc) =	sbr.rel @p0 .LBB2_1-.Ltmp1, $3  }
0x5c3: {  	_ =	sdelay $0x1  }
0x5c4: {  	[sflag:s28] =	ssyncset.done $0x0  }
0x5c5: {  	[sflag:s28] =	ssyncadd.s32 $0xFFFFFFC0;
	s9 =	smov.u32 s7;
	s12 =	simm.s32 $0x800  }
0x5c6: {  	_ =	sfence.sel $0x180000  }
0x5c7: {  	[bflag:$0x0] =	sbarrier.arrive $0xFFFF  }
0x5c8: {  	_ =	strace $0x90000047  }
0x5c9: {  	s0 =	stileid.u32;
	[bflag:$0x2] =	sbarrier.arrive $0xFFFF  }
0x5ca: {  	p0 =	sne.s32 s0, $0x0;
	s0 =	rddreg [dreg:$0x5]  }
0x5cb: {  	s0 =	sadd.s32 @!p0 $0x100000, s0  }
0x5cc: {  	[sflag:s0] =	ssyncadd.tile.s32 @!p0 $0x1;
	_ =	shalt  }
.Lfunc_end2:
_tile_overlayer_lowered:
.L_overlay_start_2:
0x5cd: {  	(tag) =	ssettag $0x2  }
0x5ce: {  	s0 =	rddreg [dreg:$0x0];
	s2 =	stileid.u32  }
0x5cf: {  	s1 =	rddreg [dreg:$0x1];
	p0 =	sne.s32 s2, $0x0  }
0x5d0: {  	s3 =	rddreg [dreg:$0x2];
	[bflag:$0x3] =	sbarrier.arrive $0xFFFF;
	s2 =	simm.s32 @!p0 $0x1C0A  }
0x5d1: {  	[timem:s3], [sflag:s2] =	dma.local @!p0 [hbm:s0], s1  }
0x5d2: {  	s0 =	simm.s32 @!p0 $0xA  }
0x5d3: {  	_ =	swait.ge @!p0 [sflag:s0], s1  }
0x5d4: {  	s1 =	ssub.s32 @!p0 $0x0, s1;
	[sflag:s0] =	ssyncset.done @!p0 $0x0  }
0x5d5: {  	[sflag:s0] =	ssyncadd.s32 @!p0 s1  }
0x5d6: {  	[bflag:$0x3] =	sbarrier.arrive $0xFFFF  }
0x5d7: {  	_ =	shalt  }

</sc_bundles>
